<compile_context>
chip_gen: v7x
topology: tpu7x:2x2x1
jax: 0.10.2.dev20260603
libtpu: 0.0.44.dev20260713+nightly
codegen_flags: <defaults>
</compile_context>

<pallas_src>
import jax
import jax.numpy as jnp
from jax import lax
from jax.experimental import pallas as pl
from jax.experimental.pallas import tpu as pltpu
from jax.experimental.pallas import tpu_sc as plsc

N = 10000
D = 128
E = 320000

N_WORKERS = 32
CHUNK = 128
CHUNKS_PER_W = 80
E_PAD = N_WORKERS * CHUNKS_PER_W * CHUNK
ROWS = E_PAD // CHUNK

ACC_ROWS = 10240


def _sc_agg_body(m_ref, comb_ref, out_ref,
                 acc, combb, b0, b1, si0, si1, di0, di1,
                 gsem0, gsem1, ssem0, ssem1):
    c = lax.axis_index("c")
    s = lax.axis_index("s")
    wid = s * 2 + c

    bufs = (b0, b1)
    sidx = (si0, si1)
    didx = (di0, di1)
    gsems = (gsem0, gsem1)
    ssems = (ssem0, ssem1)

    def zrow(i, carry):
        for k in range(8):
            b0[i, pl.ds(k * 16, 16)] = jnp.zeros((16,), jnp.float32)
        return carry

    lax.fori_loop(0, 128, zrow, 0)
    for k in range(5):
        pltpu.sync_copy(b0, acc.at[pl.ds(s * 640 + k * 128, 128)])
    plsc.subcore_barrier()

    pltpu.sync_copy(comb_ref.at[pl.ds(wid * CHUNKS_PER_W, CHUNKS_PER_W)], combb)

    def convert(j, p):
        for k in range(8):
            w = combb[j, pl.ds(k * 16, 16)]
            sidx[p][pl.ds(k * 16, 16)] = lax.bitwise_and(w, 0xFFFF)
            didx[p][pl.ds(k * 16, 16)] = lax.shift_right_logical(w, 16)

    NSUB = 2
    SUB = CHUNK // NSUB

    def start_gather(p):
        for q in range(NSUB):
            pltpu.async_copy(
                m_ref.at[sidx[p].at[pl.ds(q * SUB, SUB)]],
                bufs[p].at[pl.ds(q * SUB, SUB)],
                gsems[p],
            )

    def wait_gather(p):
        for q in range(NSUB):
            pltpu.make_async_copy(
                m_ref.at[sidx[p].at[pl.ds(q * SUB, SUB)]],
                bufs[p].at[pl.ds(q * SUB, SUB)],
                gsems[p],
            ).wait()

    def start_scatter(p):
        return pltpu.async_copy(bufs[p], acc.at[didx[p]], ssems[p], add=True)

    def wait_scatter(p):
        pltpu.make_async_copy(bufs[p], acc.at[didx[p]], ssems[p]).wait()

    convert(0, 0)
    start_gather(0)
    convert(1, 1)
    start_gather(1)
    wait_gather(0)
    start_scatter(0)

    def step(t, carry):
        j = 2 * t + 1
        wait_gather(1)
        start_scatter(1)
        wait_scatter(0)
        convert(j + 1, 0)
        start_gather(0)
        wait_gather(0)
        start_scatter(0)
        wait_scatter(1)
        convert(j + 2, 1)
        start_gather(1)
        return carry

    lax.fori_loop(0, (CHUNKS_PER_W - 2) // 2, step, 0)
    wait_gather(1)
    start_scatter(1)
    wait_scatter(0)
    wait_scatter(1)
    plsc.subcore_barrier()

    wb = s * 624
    pltpu.sync_copy(acc.at[pl.ds(wb, 624)], out_ref.at[c, pl.ds(wb, 624)])

    @pl.when(s == 0)
    def _tail():
        pltpu.sync_copy(acc.at[pl.ds(9984, 16)], out_ref.at[c, pl.ds(9984, 16)])


_sc_agg = pl.kernel(
    _sc_agg_body,
    out_type=jax.ShapeDtypeStruct((2, N, D), jnp.float32),
    mesh=plsc.VectorSubcoreMesh(core_axis_name="c", subcore_axis_name="s"),
    scratch_types=[
        pltpu.VMEM_SHARED((ACC_ROWS, D), jnp.float32),
        pltpu.VMEM((CHUNKS_PER_W, CHUNK), jnp.int32),
        pltpu.VMEM((CHUNK, D), jnp.float32),
        pltpu.VMEM((CHUNK, D), jnp.float32),
        pltpu.VMEM((CHUNK,), jnp.int32),
        pltpu.VMEM((CHUNK,), jnp.int32),
        pltpu.VMEM((CHUNK,), jnp.int32),
        pltpu.VMEM((CHUNK,), jnp.int32),
        pltpu.SemaphoreType.DMA,
        pltpu.SemaphoreType.DMA,
        pltpu.SemaphoreType.DMA,
        pltpu.SemaphoreType.DMA,
    ],
)


ROW_BLK = 2000


def _mm_bias_body(x_ref, w_ref, b_ref, o_ref):
    o_ref[...] = (
        jnp.dot(x_ref[...], w_ref[...], preferred_element_type=jnp.float32)
        + b_ref[...]
    )


def _mm_bias(x, w, b):
    return pl.pallas_call(
        _mm_bias_body,
        grid=(N // ROW_BLK,),
        in_specs=[
            pl.BlockSpec((ROW_BLK, D), lambda i: (i, 0)),
            pl.BlockSpec((D, D), lambda i: (0, 0)),
            pl.BlockSpec((1, D), lambda i: (0, 0)),
        ],
        out_specs=pl.BlockSpec((ROW_BLK, D), lambda i: (i, 0)),
        out_shape=jax.ShapeDtypeStruct((N, D), jnp.float32),
    )(x, w, b)


def _relu2_mm_bias_body(a_ref, w_ref, b_ref, o_ref):
    h = jnp.maximum(a_ref[0] + a_ref[1], 0.0)
    o_ref[...] = (
        jnp.dot(h, w_ref[...], preferred_element_type=jnp.float32)
        + b_ref[...]
    )


def _relu2_mm_bias(agg, w, b):
    return pl.pallas_call(
        _relu2_mm_bias_body,
        grid=(N // ROW_BLK,),
        in_specs=[
            pl.BlockSpec((2, ROW_BLK, D), lambda i: (0, i, 0)),
            pl.BlockSpec((D, D), lambda i: (0, 0)),
            pl.BlockSpec((1, D), lambda i: (0, 0)),
        ],
        out_specs=pl.BlockSpec((ROW_BLK, D), lambda i: (i, 0)),
        out_shape=jax.ShapeDtypeStruct((N, D), jnp.float32),
    )(agg, w, b)


def _head_body(a_ref, wf_ref, bf_ref, o_ref):
    h = jnp.maximum(a_ref[0] + a_ref[1], 0.0)
    g = jnp.sum(h, axis=0, keepdims=True) * (1.0 / N)
    z = jnp.dot(g, wf_ref[...], preferred_element_type=jnp.float32) + bf_ref[...]
    zmax = jnp.max(z, axis=1, keepdims=True)
    zs = z - zmax
    o_ref[...] = zs - jnp.log(jnp.sum(jnp.exp(zs), axis=1, keepdims=True))


def _head(agg, wf, bf):
    return pl.pallas_call(
        _head_body,
        out_shape=jax.ShapeDtypeStruct((1, wf.shape[1]), jnp.float32),
    )(agg, wf, bf)


def kernel(x, edge_index, W0, b0, W1, b1, W2, b2, Wf, bf):
    src = edge_index[0].astype(jnp.int32)
    dst = edge_index[1].astype(jnp.int32)
    pad = E_PAD - E
    comb = jnp.bitwise_or(src, jnp.left_shift(dst, 16))
    it = jnp.arange(pad, dtype=jnp.int32)
    pad_words = jnp.bitwise_or(it % N, jnp.left_shift(N + (it % 240), 16))
    comb = jnp.concatenate([comb, pad_words]).reshape(ROWS, CHUNK)

    m = _mm_bias(x, W0, b0.reshape(1, D))
    agg = _sc_agg(m, comb)
    m = _relu2_mm_bias(agg, W1, b1.reshape(1, D))
    agg = _sc_agg(m, comb)
    m = _relu2_mm_bias(agg, W2, b2.reshape(1, D))
    agg = _sc_agg(m, comb)
    return _head(agg, Wf, bf.reshape(1, Wf.shape[1]))

# --- scband reference (transcript-rebuilt; emitter-appended) ---
"""Pipeline reference for scband-gnn-53412213293433 (READ-ONLY COPY).

The authoritative reference and input builder live on the scoring server;
editing this copy changes nothing except your own understanding.
"""

import jax, jax.numpy as jnp
import numpy as np

N_NODES = 10000
N_EDGES = 320000
D_IN = 128
D_HID = 128
N_CLASSES = 10


def setup_inputs(seed: int = 0) -> dict:
    key = jax.random.key(seed)
    ks = jax.random.split(key, 12)
    x = jax.random.normal(ks[0], (N_NODES, D_IN), dtype=jnp.float32)
    edge_index = jax.random.randint(ks[1], (2, N_EDGES), 0, N_NODES, dtype=jnp.int64)
    s0 = 1.0 / np.sqrt(D_IN)
    s1 = 1.0 / np.sqrt(D_HID)
    W0 = jax.random.uniform(ks[2], (D_IN, D_HID), jnp.float32, -s0, s0)
    b0 = jax.random.uniform(ks[3], (D_HID,), jnp.float32, -s0, s0)
    W1 = jax.random.uniform(ks[4], (D_HID, D_HID), jnp.float32, -s1, s1)
    b1 = jax.random.uniform(ks[5], (D_HID,), jnp.float32, -s1, s1)
    W2 = jax.random.uniform(ks[6], (D_HID, D_HID), jnp.float32, -s1, s1)
    b2 = jax.random.uniform(ks[7], (D_HID,), jnp.float32, -s1, s1)
    Wf = jax.random.uniform(ks[8], (D_HID, N_CLASSES), jnp.float32, -s1, s1)
    bf = jax.random.uniform(ks[9], (N_CLASSES,), jnp.float32, -s1, s1)
    return {"x": x, "edge_index": edge_index, "W0": W0, "b0": b0,
            "W1": W1, "b1": b1, "W2": W2, "b2": b2, "Wf": Wf, "bf": bf}


def _schnet_conv(x, src, dst, W, b, num_nodes):
    # continuous-filter style conv: per-node linear, gather on src, scatter-sum to dst
    m = x @ W + b
    msg = jnp.take(m, src, axis=0)
    return jax.ops.segment_sum(msg, dst, num_segments=num_nodes)


def reference(x, edge_index, W0, b0, W1, b1, W2, b2, Wf, bf):
    src = edge_index[0]
    dst = edge_index[1]
    n = x.shape[0]
    h = jax.nn.relu(_schnet_conv(x, src, dst, W0, b0, n))
    h = jax.nn.relu(_schnet_conv(h, src, dst, W1, b1, n))
    h = jax.nn.relu(_schnet_conv(h, src, dst, W2, b2, n))
    # dgl.mean_nodes on a single (unbatched) graph -> [1, d]
    g = jnp.mean(h, axis=0, keepdims=True)
    logits = g @ Wf + bf
    return jax.nn.log_softmax(logits, axis=1)

if __name__ == "__main__":
    import jax
    _d = setup_inputs()
    print(jax.jit(kernel)(*tuple(_d.values())))

</pallas_src>

<mosaic_0001>
#map = affine_map<(d0, d1) -> (0, 0)>
#map1 = affine_map<(d0, d1) -> (0, 0, 0)>
module attributes {stable_mosaic.version = 14 : i64} {
  func.func @_sc_agg_body(%arg0: i32, %arg1: i32, %arg2: memref<10000x128xf32, #tpu.memory_space<hbm>>, %arg3: memref<2560x128xi32, #tpu.memory_space<hbm>>, %arg4: memref<2x10000x128xf32, #tpu.memory_space<hbm>>, %arg5: memref<10240x128xf32, #tpu.memory_space<vmem_shared>>, %arg6: memref<80x128xi32, #tpu.memory_space<vmem>>, %arg7: memref<128x128xf32, #tpu.memory_space<vmem>>, %arg8: memref<128x128xf32, #tpu.memory_space<vmem>>, %arg9: memref<128xi32, #tpu.memory_space<vmem>>, %arg10: memref<128xi32, #tpu.memory_space<vmem>>, %arg11: memref<128xi32, #tpu.memory_space<vmem>>, %arg12: memref<128xi32, #tpu.memory_space<vmem>>, %arg13: memref<!tpu.dma_semaphore, #tpu.memory_space<semaphore_mem>>, %arg14: memref<!tpu.dma_semaphore, #tpu.memory_space<semaphore_mem>>, %arg15: memref<!tpu.dma_semaphore, #tpu.memory_space<semaphore_mem>>, %arg16: memref<!tpu.dma_semaphore, #tpu.memory_space<semaphore_mem>>) attributes {dimension_semantics = [#tpu.dimension_semantics<core_parallel>, #tpu.dimension_semantics<subcore_parallel>], iteration_bounds = array<i64: 2, 16>, scalar_prefetch = 0 : i64, scratch_operands = 12 : i64, tpu.core_type = #tpu.core_type<sc_vector_subcore>, window_params = [{transform_indices = #map}, {transform_indices = #map}, {transform_indices = #map1}]} {
    %mul3A = arith.constant 2 : i32
    %mul3A_0 = arith.muli %arg1, %mul3A : i32
    %add3A = arith.addi %mul3A_0, %arg0 : i32
    %scan3A = arith.constant 0 : i32
    %scan3A_1 = arith.constant 0 : i32
    %scan3A_2 = arith.constant 128 : i32
    %scan3A_3 = arith.addi %scan3A_1, %scan3A_2 : i32
    %scan3A_4 = arith.constant 1 : i32
    scf.for %scan3A_413 = %scan3A_1 to %scan3A_3 step %scan3A_4  : i32 {
      %broadcast_in_dim3A = arith.constant 0.000000e+00 : f32
      %broadcast_in_dim3A_414 = vector.broadcast %broadcast_in_dim3A : f32 to vector<16xf32>
      %swap3A_415 = arith.index_cast %scan3A_413 : i32 to index
      %swap3A_416 = arith.constant 0 : index
      %swap3A_417 = tpu.vector_load %arg7[%swap3A_415, %swap3A_416] {strides = array<i32>} : memref<128x128xf32, #tpu.memory_space<vmem>>, vector<1x16xf32>,
      %swap3A_418 = vector.shape_cast %swap3A_417 : vector<1x16xf32> to vector<16xf32>
      %swap3A_419 = vector.shape_cast %broadcast_in_dim3A_414 : vector<16xf32> to vector<1x16xf32>
      tpu.vector_store %arg7[%swap3A_415, %swap3A_416], %swap3A_419 {strides = array<i32>} : memref<128x128xf32, #tpu.memory_space<vmem>>, vector<1x16xf32>,
      %broadcast_in_dim3A_420 = arith.constant 0.000000e+00 : f32
      %broadcast_in_dim3A_421 = vector.broadcast %broadcast_in_dim3A_420 : f32 to vector<16xf32>
      %swap3A_422 = arith.index_cast %scan3A_413 : i32 to index
      %swap3A_423 = arith.constant 16 : index
      %swap3A_424 = tpu.vector_load %arg7[%swap3A_422, %swap3A_423] {strides = array<i32>} : memref<128x128xf32, #tpu.memory_space<vmem>>, vector<1x16xf32>,
      %swap3A_425 = vector.shape_cast %swap3A_424 : vector<1x16xf32> to vector<16xf32>
      %swap3A_426 = vector.shape_cast %broadcast_in_dim3A_421 : vector<16xf32> to vector<1x16xf32>
      tpu.vector_store %arg7[%swap3A_422, %swap3A_423], %swap3A_426 {strides = array<i32>} : memref<128x128xf32, #tpu.memory_space<vmem>>, vector<1x16xf32>,
      %broadcast_in_dim3A_427 = arith.constant 0.000000e+00 : f32
      %broadcast_in_dim3A_428 = vector.broadcast %broadcast_in_dim3A_427 : f32 to vector<16xf32>
      %swap3A_429 = arith.index_cast %scan3A_413 : i32 to index
      %swap3A_430 = arith.constant 32 : index
      %swap3A_431 = tpu.vector_load %arg7[%swap3A_429, %swap3A_430] {strides = array<i32>} : memref<128x128xf32, #tpu.memory_space<vmem>>, vector<1x16xf32>,
      %swap3A_432 = vector.shape_cast %swap3A_431 : vector<1x16xf32> to vector<16xf32>
      %swap3A_433 = vector.shape_cast %broadcast_in_dim3A_428 : vector<16xf32> to vector<1x16xf32>
      tpu.vector_store %arg7[%swap3A_429, %swap3A_430], %swap3A_433 {strides = array<i32>} : memref<128x128xf32, #tpu.memory_space<vmem>>, vector<1x16xf32>,
      %broadcast_in_dim3A_434 = arith.constant 0.000000e+00 : f32
      %broadcast_in_dim3A_435 = vector.broadcast %broadcast_in_dim3A_434 : f32 to vector<16xf32>
      %swap3A_436 = arith.index_cast %scan3A_413 : i32 to index
      %swap3A_437 = arith.constant 48 : index
      %swap3A_438 = tpu.vector_load %arg7[%swap3A_436, %swap3A_437] {strides = array<i32>} : memref<128x128xf32, #tpu.memory_space<vmem>>, vector<1x16xf32>,
      %swap3A_439 = vector.shape_cast %swap3A_438 : vector<1x16xf32> to vector<16xf32>
      %swap3A_440 = vector.shape_cast %broadcast_in_dim3A_435 : vector<16xf32> to vector<1x16xf32>
      tpu.vector_store %arg7[%swap3A_436, %swap3A_437], %swap3A_440 {strides = array<i32>} : memref<128x128xf32, #tpu.memory_space<vmem>>, vector<1x16xf32>,
      %broadcast_in_dim3A_441 = arith.constant 0.000000e+00 : f32
      %broadcast_in_dim3A_442 = vector.broadcast %broadcast_in_dim3A_441 : f32 to vector<16xf32>
      %swap3A_443 = arith.index_cast %scan3A_413 : i32 to index
      %swap3A_444 = arith.constant 64 : index
      %swap3A_445 = tpu.vector_load %arg7[%swap3A_443, %swap3A_444] {strides = array<i32>} : memref<128x128xf32, #tpu.memory_space<vmem>>, vector<1x16xf32>,
      %swap3A_446 = vector.shape_cast %swap3A_445 : vector<1x16xf32> to vector<16xf32>
      %swap3A_447 = vector.shape_cast %broadcast_in_dim3A_442 : vector<16xf32> to vector<1x16xf32>
      tpu.vector_store %arg7[%swap3A_443, %swap3A_444], %swap3A_447 {strides = array<i32>} : memref<128x128xf32, #tpu.memory_space<vmem>>, vector<1x16xf32>,
      %broadcast_in_dim3A_448 = arith.constant 0.000000e+00 : f32
      %broadcast_in_dim3A_449 = vector.broadcast %broadcast_in_dim3A_448 : f32 to vector<16xf32>
      %swap3A_450 = arith.index_cast %scan3A_413 : i32 to index
      %swap3A_451 = arith.constant 80 : index
      %swap3A_452 = tpu.vector_load %arg7[%swap3A_450, %swap3A_451] {strides = array<i32>} : memref<128x128xf32, #tpu.memory_space<vmem>>, vector<1x16xf32>,
      %swap3A_453 = vector.shape_cast %swap3A_452 : vector<1x16xf32> to vector<16xf32>
      %swap3A_454 = vector.shape_cast %broadcast_in_dim3A_449 : vector<16xf32> to vector<1x16xf32>
      tpu.vector_store %arg7[%swap3A_450, %swap3A_451], %swap3A_454 {strides = array<i32>} : memref<128x128xf32, #tpu.memory_space<vmem>>, vector<1x16xf32>,
      %broadcast_in_dim3A_455 = arith.constant 0.000000e+00 : f32
      %broadcast_in_dim3A_456 = vector.broadcast %broadcast_in_dim3A_455 : f32 to vector<16xf32>
      %swap3A_457 = arith.index_cast %scan3A_413 : i32 to index
      %swap3A_458 = arith.constant 96 : index
      %swap3A_459 = tpu.vector_load %arg7[%swap3A_457, %swap3A_458] {strides = array<i32>} : memref<128x128xf32, #tpu.memory_space<vmem>>, vector<1x16xf32>,
      %swap3A_460 = vector.shape_cast %swap3A_459 : vector<1x16xf32> to vector<16xf32>
      %swap3A_461 = vector.shape_cast %broadcast_in_dim3A_456 : vector<16xf32> to vector<1x16xf32>
      tpu.vector_store %arg7[%swap3A_457, %swap3A_458], %swap3A_461 {strides = array<i32>} : memref<128x128xf32, #tpu.memory_space<vmem>>, vector<1x16xf32>,
      %broadcast_in_dim3A_462 = arith.constant 0.000000e+00 : f32
      %broadcast_in_dim3A_463 = vector.broadcast %broadcast_in_dim3A_462 : f32 to vector<16xf32>
      %swap3A_464 = arith.index_cast %scan3A_413 : i32 to index
      %swap3A_465 = arith.constant 112 : index
      %swap3A_466 = tpu.vector_load %arg7[%swap3A_464, %swap3A_465] {strides = array<i32>} : memref<128x128xf32, #tpu.memory_space<vmem>>, vector<1x16xf32>,
      %swap3A_467 = vector.shape_cast %swap3A_466 : vector<1x16xf32> to vector<16xf32>
      %swap3A_468 = vector.shape_cast %broadcast_in_dim3A_463 : vector<16xf32> to vector<1x16xf32>
      tpu.vector_store %arg7[%swap3A_464, %swap3A_465], %swap3A_468 {strides = array<i32>} : memref<128x128xf32, #tpu.memory_space<vmem>>, vector<1x16xf32>,
    }
    %scan3A_5 = arith.constant 128 : i32
    %mul3A_6 = arith.constant 640 : i32
    %mul3A_7 = arith.muli %arg1, %mul3A_6 : i32
    %add3A_8 = arith.constant 0 : i32
    %add3A_9 = arith.addi %mul3A_7, %add3A_8 : i32
    "tpu.region"() ({
      %run_scoped3A = tpu.sem_alloc : memref<!tpu.dma_semaphore, #tpu.memory_space<semaphore_mem>>
      %dma_start3A_413 = arith.constant 0 : i32
      %dma_start3A_414 = tpu.memref_slice %arg5[%add3A_9, %dma_start3A_413] : memref<10240x128xf32, #tpu.memory_space<vmem_shared>> -> memref<128x128xf32, #tpu.memory_space<vmem_shared>>
      %dma_start3A_415 = arith.constant 0 : i32
      %dma_start3A_416 = tpu.memref_slice %arg5[%add3A_9, %dma_start3A_415] : memref<10240x128xf32, #tpu.memory_space<vmem_shared>> -> memref<128x128xf32, #tpu.memory_space<vmem_shared>>
      tpu.enqueue_dma source(%arg7 : memref<128x128xf32, #tpu.memory_space<vmem>>) target(%dma_start3A_416 : memref<128x128xf32, #tpu.memory_space<vmem_shared>>) target_semaphore(%run_scoped3A : memref<!tpu.dma_semaphore, #tpu.memory_space<semaphore_mem>>)
      %dma_wait3A_417 = arith.constant 0 : i32
      %dma_wait3A_418 = tpu.memref_slice %arg5[%add3A_9, %dma_wait3A_417] : memref<10240x128xf32, #tpu.memory_space<vmem_shared>> -> memref<128x128xf32, #tpu.memory_space<vmem_shared>>
      %dma_wait3A_419 = arith.constant 0 : i32
      %dma_wait3A_420 = tpu.memref_slice %arg5[%add3A_9, %dma_wait3A_419] : memref<10240x128xf32, #tpu.memory_space<vmem_shared>> -> memref<128x128xf32, #tpu.memory_space<vmem_shared>>
      tpu.wait_dma2 semaphore(%run_scoped3A : memref<!tpu.dma_semaphore, #tpu.memory_space<semaphore_mem>>) src(%arg7 : memref<128x128xf32, #tpu.memory_space<vmem>>) dst(%dma_wait3A_420 : memref<128x128xf32, #tpu.memory_space<vmem_shared>>)
      tpu.yield
    }) : () -> ()
    %mul3A_10 = arith.constant 640 : i32
    %mul3A_11 = arith.muli %arg1, %mul3A_10 : i32
    %add3A_12 = arith.constant 128 : i32
    %add3A_13 = arith.addi %mul3A_11, %add3A_12 : i32
    "tpu.region"() ({
      %run_scoped3A = tpu.sem_alloc : memref<!tpu.dma_semaphore, #tpu.memory_space<semaphore_mem>>
      %dma_start3A_413 = arith.constant 0 : i32
      %dma_start3A_414 = tpu.memref_slice %arg5[%add3A_13, %dma_start3A_413] : memref<10240x128xf32, #tpu.memory_space<vmem_shared>> -> memref<128x128xf32, #tpu.memory_space<vmem_shared>>
      %dma_start3A_415 = arith.constant 0 : i32
      %dma_start3A_416 = tpu.memref_slice %arg5[%add3A_13, %dma_start3A_415] : memref<10240x128xf32, #tpu.memory_space<vmem_shared>> -> memref<128x128xf32, #tpu.memory_space<vmem_shared>>
      tpu.enqueue_dma source(%arg7 : memref<128x128xf32, #tpu.memory_space<vmem>>) target(%dma_start3A_416 : memref<128x128xf32, #tpu.memory_space<vmem_shared>>) target_semaphore(%run_scoped3A : memref<!tpu.dma_semaphore, #tpu.memory_space<semaphore_mem>>)
      %dma_wait3A_417 = arith.constant 0 : i32
      %dma_wait3A_418 = tpu.memref_slice %arg5[%add3A_13, %dma_wait3A_417] : memref<10240x128xf32, #tpu.memory_space<vmem_shared>> -> memref<128x128xf32, #tpu.memory_space<vmem_shared>>
      %dma_wait3A_419 = arith.constant 0 : i32
      %dma_wait3A_420 = tpu.memref_slice %arg5[%add3A_13, %dma_wait3A_419] : memref<10240x128xf32, #tpu.memory_space<vmem_shared>> -> memref<128x128xf32, #tpu.memory_space<vmem_shared>>
      tpu.wait_dma2 semaphore(%run_scoped3A : memref<!tpu.dma_semaphore, #tpu.memory_space<semaphore_mem>>) src(%arg7 : memref<128x128xf32, #tpu.memory_space<vmem>>) dst(%dma_wait3A_420 : memref<128x128xf32, #tpu.memory_space<vmem_shared>>)
      tpu.yield
    }) : () -> ()
    %mul3A_14 = arith.constant 640 : i32
    %mul3A_15 = arith.muli %arg1, %mul3A_14 : i32
    %add3A_16 = arith.constant 256 : i32
    %add3A_17 = arith.addi %mul3A_15, %add3A_16 : i32
    "tpu.region"() ({
      %run_scoped3A = tpu.sem_alloc : memref<!tpu.dma_semaphore, #tpu.memory_space<semaphore_mem>>
      %dma_start3A_413 = arith.constant 0 : i32
      %dma_start3A_414 = tpu.memref_slice %arg5[%add3A_17, %dma_start3A_413] : memref<10240x128xf32, #tpu.memory_space<vmem_shared>> -> memref<128x128xf32, #tpu.memory_space<vmem_shared>>
      %dma_start3A_415 = arith.constant 0 : i32
      %dma_start3A_416 = tpu.memref_slice %arg5[%add3A_17, %dma_start3A_415] : memref<10240x128xf32, #tpu.memory_space<vmem_shared>> -> memref<128x128xf32, #tpu.memory_space<vmem_shared>>
      tpu.enqueue_dma source(%arg7 : memref<128x128xf32, #tpu.memory_space<vmem>>) target(%dma_start3A_416 : memref<128x128xf32, #tpu.memory_space<vmem_shared>>) target_semaphore(%run_scoped3A : memref<!tpu.dma_semaphore, #tpu.memory_space<semaphore_mem>>)
      %dma_wait3A_417 = arith.constant 0 : i32
      %dma_wait3A_418 = tpu.memref_slice %arg5[%add3A_17, %dma_wait3A_417] : memref<10240x128xf32, #tpu.memory_space<vmem_shared>> -> memref<128x128xf32, #tpu.memory_space<vmem_shared>>
      %dma_wait3A_419 = arith.constant 0 : i32
      %dma_wait3A_420 = tpu.memref_slice %arg5[%add3A_17, %dma_wait3A_419] : memref<10240x128xf32, #tpu.memory_space<vmem_shared>> -> memref<128x128xf32, #tpu.memory_space<vmem_shared>>
      tpu.wait_dma2 semaphore(%run_scoped3A : memref<!tpu.dma_semaphore, #tpu.memory_space<semaphore_mem>>) src(%arg7 : memref<128x128xf32, #tpu.memory_space<vmem>>) dst(%dma_wait3A_420 : memref<128x128xf32, #tpu.memory_space<vmem_shared>>)
      tpu.yield
    }) : () -> ()
    %mul3A_18 = arith.constant 640 : i32
    %mul3A_19 = arith.muli %arg1, %mul3A_18 : i32
    %add3A_20 = arith.constant 384 : i32
    %add3A_21 = arith.addi %mul3A_19, %add3A_20 : i32
    "tpu.region"() ({
      %run_scoped3A = tpu.sem_alloc : memref<!tpu.dma_semaphore, #tpu.memory_space<semaphore_mem>>
      %dma_start3A_413 = arith.constant 0 : i32
      %dma_start3A_414 = tpu.memref_slice %arg5[%add3A_21, %dma_start3A_413] : memref<10240x128xf32, #tpu.memory_space<vmem_shared>> -> memref<128x128xf32, #tpu.memory_space<vmem_shared>>
      %dma_start3A_415 = arith.constant 0 : i32
      %dma_start3A_416 = tpu.memref_slice %arg5[%add3A_21, %dma_start3A_415] : memref<10240x128xf32, #tpu.memory_space<vmem_shared>> -> memref<128x128xf32, #tpu.memory_space<vmem_shared>>
      tpu.enqueue_dma source(%arg7 : memref<128x128xf32, #tpu.memory_space<vmem>>) target(%dma_start3A_416 : memref<128x128xf32, #tpu.memory_space<vmem_shared>>) target_semaphore(%run_scoped3A : memref<!tpu.dma_semaphore, #tpu.memory_space<semaphore_mem>>)
      %dma_wait3A_417 = arith.constant 0 : i32
      %dma_wait3A_418 = tpu.memref_slice %arg5[%add3A_21, %dma_wait3A_417] : memref<10240x128xf32, #tpu.memory_space<vmem_shared>> -> memref<128x128xf32, #tpu.memory_space<vmem_shared>>
      %dma_wait3A_419 = arith.constant 0 : i32
      %dma_wait3A_420 = tpu.memref_slice %arg5[%add3A_21, %dma_wait3A_419] : memref<10240x128xf32, #tpu.memory_space<vmem_shared>> -> memref<128x128xf32, #tpu.memory_space<vmem_shared>>
      tpu.wait_dma2 semaphore(%run_scoped3A : memref<!tpu.dma_semaphore, #tpu.memory_space<semaphore_mem>>) src(%arg7 : memref<128x128xf32, #tpu.memory_space<vmem>>) dst(%dma_wait3A_420 : memref<128x128xf32, #tpu.memory_space<vmem_shared>>)
      tpu.yield
    }) : () -> ()
    %mul3A_22 = arith.constant 640 : i32
    %mul3A_23 = arith.muli %arg1, %mul3A_22 : i32
    %add3A_24 = arith.constant 512 : i32
    %add3A_25 = arith.addi %mul3A_23, %add3A_24 : i32
    "tpu.region"() ({
      %run_scoped3A = tpu.sem_alloc : memref<!tpu.dma_semaphore, #tpu.memory_space<semaphore_mem>>
      %dma_start3A_413 = arith.constant 0 : i32
      %dma_start3A_414 = tpu.memref_slice %arg5[%add3A_25, %dma_start3A_413] : memref<10240x128xf32, #tpu.memory_space<vmem_shared>> -> memref<128x128xf32, #tpu.memory_space<vmem_shared>>
      %dma_start3A_415 = arith.constant 0 : i32
      %dma_start3A_416 = tpu.memref_slice %arg5[%add3A_25, %dma_start3A_415] : memref<10240x128xf32, #tpu.memory_space<vmem_shared>> -> memref<128x128xf32, #tpu.memory_space<vmem_shared>>
      tpu.enqueue_dma source(%arg7 : memref<128x128xf32, #tpu.memory_space<vmem>>) target(%dma_start3A_416 : memref<128x128xf32, #tpu.memory_space<vmem_shared>>) target_semaphore(%run_scoped3A : memref<!tpu.dma_semaphore, #tpu.memory_space<semaphore_mem>>)
      %dma_wait3A_417 = arith.constant 0 : i32
      %dma_wait3A_418 = tpu.memref_slice %arg5[%add3A_25, %dma_wait3A_417] : memref<10240x128xf32, #tpu.memory_space<vmem_shared>> -> memref<128x128xf32, #tpu.memory_space<vmem_shared>>
      %dma_wait3A_419 = arith.constant 0 : i32
      %dma_wait3A_420 = tpu.memref_slice %arg5[%add3A_25, %dma_wait3A_419] : memref<10240x128xf32, #tpu.memory_space<vmem_shared>> -> memref<128x128xf32, #tpu.memory_space<vmem_shared>>
      tpu.wait_dma2 semaphore(%run_scoped3A : memref<!tpu.dma_semaphore, #tpu.memory_space<semaphore_mem>>) src(%arg7 : memref<128x128xf32, #tpu.memory_space<vmem>>) dst(%dma_wait3A_420 : memref<128x128xf32, #tpu.memory_space<vmem_shared>>)
      tpu.yield
    }) : () -> ()
    %barrier3A = arith.constant 0 : index
    tpu.barrier barrier_id(%barrier3A)
    %mul3A_26 = arith.constant 80 : i32
    %mul3A_27 = arith.muli %add3A, %mul3A_26 : i32
    "tpu.region"() ({
      %run_scoped3A = tpu.sem_alloc : memref<!tpu.dma_semaphore, #tpu.memory_space<semaphore_mem>>
      %dma_start3A_413 = arith.constant 0 : i32
      %dma_start3A_414 = tpu.memref_slice %arg3[%mul3A_27, %dma_start3A_413] : memref<2560x128xi32, #tpu.memory_space<hbm>> -> memref<80x128xi32, #tpu.memory_space<hbm>>
      %dma_start3A_415 = arith.constant 0 : i32
      %dma_start3A_416 = tpu.memref_slice %arg3[%mul3A_27, %dma_start3A_415] : memref<2560x128xi32, #tpu.memory_space<hbm>> -> memref<80x128xi32, #tpu.memory_space<hbm>>
      tpu.enqueue_dma source(%dma_start3A_416 : memref<80x128xi32, #tpu.memory_space<hbm>>) target(%arg6 : memref<80x128xi32, #tpu.memory_space<vmem>>) target_semaphore(%run_scoped3A : memref<!tpu.dma_semaphore, #tpu.memory_space<semaphore_mem>>)
      %dma_wait3A_417 = arith.constant 0 : i32
      %dma_wait3A_418 = tpu.memref_slice %arg3[%mul3A_27, %dma_wait3A_417] : memref<2560x128xi32, #tpu.memory_space<hbm>> -> memref<80x128xi32, #tpu.memory_space<hbm>>
      %dma_wait3A_419 = arith.constant 0 : i32
      %dma_wait3A_420 = tpu.memref_slice %arg3[%mul3A_27, %dma_wait3A_419] : memref<2560x128xi32, #tpu.memory_space<hbm>> -> memref<80x128xi32, #tpu.memory_space<hbm>>
      tpu.wait_dma2 semaphore(%run_scoped3A : memref<!tpu.dma_semaphore, #tpu.memory_space<semaphore_mem>>) src(%dma_wait3A_420 : memref<80x128xi32, #tpu.memory_space<hbm>>) dst(%arg6 : memref<80x128xi32, #tpu.memory_space<vmem>>)
      tpu.yield
    }) : () -> ()
    %get3A = arith.constant 0 : i32
    %get3A_28 = arith.index_cast %get3A : i32 to index
    %get3A_29 = arith.constant 0 : index
    %get3A_30 = tpu.vector_load %arg6[%get3A_28, %get3A_29] {strides = array<i32>} : memref<80x128xi32, #tpu.memory_space<vmem>>, vector<1x16xi32>,
    %get3A_31 = vector.shape_cast %get3A_30 : vector<1x16xi32> to vector<16xi32>
    %and3A = arith.constant 65535 : i32
    %and3A_32 = vector.broadcast %and3A : i32 to vector<16xi32>
    %and3A_33 = arith.andi %get3A_31, %and3A_32 : vector<16xi32>
    %swap3A = arith.constant 0 : index
    %swap3A_34 = tpu.vector_load %arg9[%swap3A] {strides = array<i32>} : memref<128xi32, #tpu.memory_space<vmem>>, vector<16xi32>,
    %swap3A_35 = vector.shape_cast %swap3A_34 : vector<16xi32> to vector<16xi32>
    %swap3A_36 = vector.shape_cast %and3A_33 : vector<16xi32> to vector<16xi32>
    tpu.vector_store %arg9[%swap3A], %swap3A_36 {strides = array<i32>} : memref<128xi32, #tpu.memory_space<vmem>>, vector<16xi32>,
    %shift_right_logical3A = arith.constant 16 : i32
    %shift_right_logical3A_37 = vector.broadcast %shift_right_logical3A : i32 to vector<16xi32>
    %shift_right_logical3A_38 = arith.shrui %get3A_31, %shift_right_logical3A_37 : vector<16xi32>
    %swap3A_39 = arith.constant 0 : index
    %swap3A_40 = tpu.vector_load %arg11[%swap3A_39] {strides = array<i32>} : memref<128xi32, #tpu.memory_space<vmem>>, vector<16xi32>,
    %swap3A_41 = vector.shape_cast %swap3A_40 : vector<16xi32> to vector<16xi32>
    %swap3A_42 = vector.shape_cast %shift_right_logical3A_38 : vector<16xi32> to vector<16xi32>
    tpu.vector_store %arg11[%swap3A_39], %swap3A_42 {strides = array<i32>} : memref<128xi32, #tpu.memory_space<vmem>>, vector<16xi32>,
    %get3A_43 = arith.constant 0 : i32
    %get3A_44 = arith.index_cast %get3A_43 : i32 to index
    %get3A_45 = arith.constant 16 : index
    %get3A_46 = tpu.vector_load %arg6[%get3A_44, %get3A_45] {strides = array<i32>} : memref<80x128xi32, #tpu.memory_space<vmem>>, vector<1x16xi32>,
    %get3A_47 = vector.shape_cast %get3A_46 : vector<1x16xi32> to vector<16xi32>
    %and3A_48 = arith.constant 65535 : i32
    %and3A_49 = vector.broadcast %and3A_48 : i32 to vector<16xi32>
    %and3A_50 = arith.andi %get3A_47, %and3A_49 : vector<16xi32>
    %swap3A_51 = arith.constant 16 : index
    %swap3A_52 = tpu.vector_load %arg9[%swap3A_51] {strides = array<i32>} : memref<128xi32, #tpu.memory_space<vmem>>, vector<16xi32>,
    %swap3A_53 = vector.shape_cast %swap3A_52 : vector<16xi32> to vector<16xi32>
    %swap3A_54 = vector.shape_cast %and3A_50 : vector<16xi32> to vector<16xi32>
    tpu.vector_store %arg9[%swap3A_51], %swap3A_54 {strides = array<i32>} : memref<128xi32, #tpu.memory_space<vmem>>, vector<16xi32>,
    %shift_right_logical3A_55 = arith.constant 16 : i32
    %shift_right_logical3A_56 = vector.broadcast %shift_right_logical3A_55 : i32 to vector<16xi32>
    %shift_right_logical3A_57 = arith.shrui %get3A_47, %shift_right_logical3A_56 : vector<16xi32>
    %swap3A_58 = arith.constant 16 : index
    %swap3A_59 = tpu.vector_load %arg11[%swap3A_58] {strides = array<i32>} : memref<128xi32, #tpu.memory_space<vmem>>, vector<16xi32>,
    %swap3A_60 = vector.shape_cast %swap3A_59 : vector<16xi32> to vector<16xi32>
    %swap3A_61 = vector.shape_cast %shift_right_logical3A_57 : vector<16xi32> to vector<16xi32>
    tpu.vector_store %arg11[%swap3A_58], %swap3A_61 {strides = array<i32>} : memref<128xi32, #tpu.memory_space<vmem>>, vector<16xi32>,
    %get3A_62 = arith.constant 0 : i32
    %get3A_63 = arith.index_cast %get3A_62 : i32 to index
    %get3A_64 = arith.constant 32 : index
    %get3A_65 = tpu.vector_load %arg6[%get3A_63, %get3A_64] {strides = array<i32>} : memref<80x128xi32, #tpu.memory_space<vmem>>, vector<1x16xi32>,
    %get3A_66 = vector.shape_cast %get3A_65 : vector<1x16xi32> to vector<16xi32>
    %and3A_67 = arith.constant 65535 : i32
    %and3A_68 = vector.broadcast %and3A_67 : i32 to vector<16xi32>
    %and3A_69 = arith.andi %get3A_66, %and3A_68 : vector<16xi32>
    %swap3A_70 = arith.constant 32 : index
    %swap3A_71 = tpu.vector_load %arg9[%swap3A_70] {strides = array<i32>} : memref<128xi32, #tpu.memory_space<vmem>>, vector<16xi32>,
    %swap3A_72 = vector.shape_cast %swap3A_71 : vector<16xi32> to vector<16xi32>
    %swap3A_73 = vector.shape_cast %and3A_69 : vector<16xi32> to vector<16xi32>
    tpu.vector_store %arg9[%swap3A_70], %swap3A_73 {strides = array<i32>} : memref<128xi32, #tpu.memory_space<vmem>>, vector<16xi32>,
    %shift_right_logical3A_74 = arith.constant 16 : i32
    %shift_right_logical3A_75 = vector.broadcast %shift_right_logical3A_74 : i32 to vector<16xi32>
    %shift_right_logical3A_76 = arith.shrui %get3A_66, %shift_right_logical3A_75 : vector<16xi32>
    %swap3A_77 = arith.constant 32 : index
    %swap3A_78 = tpu.vector_load %arg11[%swap3A_77] {strides = array<i32>} : memref<128xi32, #tpu.memory_space<vmem>>, vector<16xi32>,
    %swap3A_79 = vector.shape_cast %swap3A_78 : vector<16xi32> to vector<16xi32>
    %swap3A_80 = vector.shape_cast %shift_right_logical3A_76 : vector<16xi32> to vector<16xi32>
    tpu.vector_store %arg11[%swap3A_77], %swap3A_80 {strides = array<i32>} : memref<128xi32, #tpu.memory_space<vmem>>, vector<16xi32>,
    %get3A_81 = arith.constant 0 : i32
    %get3A_82 = arith.index_cast %get3A_81 : i32 to index
    %get3A_83 = arith.constant 48 : index
    %get3A_84 = tpu.vector_load %arg6[%get3A_82, %get3A_83] {strides = array<i32>} : memref<80x128xi32, #tpu.memory_space<vmem>>, vector<1x16xi32>,
    %get3A_85 = vector.shape_cast %get3A_84 : vector<1x16xi32> to vector<16xi32>
    %and3A_86 = arith.constant 65535 : i32
    %and3A_87 = vector.broadcast %and3A_86 : i32 to vector<16xi32>
    %and3A_88 = arith.andi %get3A_85, %and3A_87 : vector<16xi32>
    %swap3A_89 = arith.constant 48 : index
    %swap3A_90 = tpu.vector_load %arg9[%swap3A_89] {strides = array<i32>} : memref<128xi32, #tpu.memory_space<vmem>>, vector<16xi32>,
    %swap3A_91 = vector.shape_cast %swap3A_90 : vector<16xi32> to vector<16xi32>
    %swap3A_92 = vector.shape_cast %and3A_88 : vector<16xi32> to vector<16xi32>
    tpu.vector_store %arg9[%swap3A_89], %swap3A_92 {strides = array<i32>} : memref<128xi32, #tpu.memory_space<vmem>>, vector<16xi32>,
    %shift_right_logical3A_93 = arith.constant 16 : i32
    %shift_right_logical3A_94 = vector.broadcast %shift_right_logical3A_93 : i32 to vector<16xi32>
    %shift_right_logical3A_95 = arith.shrui %get3A_85, %shift_right_logical3A_94 : vector<16xi32>
    %swap3A_96 = arith.constant 48 : index
    %swap3A_97 = tpu.vector_load %arg11[%swap3A_96] {strides = array<i32>} : memref<128xi32, #tpu.memory_space<vmem>>, vector<16xi32>,
    %swap3A_98 = vector.shape_cast %swap3A_97 : vector<16xi32> to vector<16xi32>
    %swap3A_99 = vector.shape_cast %shift_right_logical3A_95 : vector<16xi32> to vector<16xi32>
    tpu.vector_store %arg11[%swap3A_96], %swap3A_99 {strides = array<i32>} : memref<128xi32, #tpu.memory_space<vmem>>, vector<16xi32>,
    %get3A_100 = arith.constant 0 : i32
    %get3A_101 = arith.index_cast %get3A_100 : i32 to index
    %get3A_102 = arith.constant 64 : index
    %get3A_103 = tpu.vector_load %arg6[%get3A_101, %get3A_102] {strides = array<i32>} : memref<80x128xi32, #tpu.memory_space<vmem>>, vector<1x16xi32>,
    %get3A_104 = vector.shape_cast %get3A_103 : vector<1x16xi32> to vector<16xi32>
    %and3A_105 = arith.constant 65535 : i32
    %and3A_106 = vector.broadcast %and3A_105 : i32 to vector<16xi32>
    %and3A_107 = arith.andi %get3A_104, %and3A_106 : vector<16xi32>
    %swap3A_108 = arith.constant 64 : index
    %swap3A_109 = tpu.vector_load %arg9[%swap3A_108] {strides = array<i32>} : memref<128xi32, #tpu.memory_space<vmem>>, vector<16xi32>,
    %swap3A_110 = vector.shape_cast %swap3A_109 : vector<16xi32> to vector<16xi32>
    %swap3A_111 = vector.shape_cast %and3A_107 : vector<16xi32> to vector<16xi32>
    tpu.vector_store %arg9[%swap3A_108], %swap3A_111 {strides = array<i32>} : memref<128xi32, #tpu.memory_space<vmem>>, vector<16xi32>,
    %shift_right_logical3A_112 = arith.constant 16 : i32
    %shift_right_logical3A_113 = vector.broadcast %shift_right_logical3A_112 : i32 to vector<16xi32>
    %shift_right_logical3A_114 = arith.shrui %get3A_104, %shift_right_logical3A_113 : vector<16xi32>
    %swap3A_115 = arith.constant 64 : index
    %swap3A_116 = tpu.vector_load %arg11[%swap3A_115] {strides = array<i32>} : memref<128xi32, #tpu.memory_space<vmem>>, vector<16xi32>,
    %swap3A_117 = vector.shape_cast %swap3A_116 : vector<16xi32> to vector<16xi32>
    %swap3A_118 = vector.shape_cast %shift_right_logical3A_114 : vector<16xi32> to vector<16xi32>
    tpu.vector_store %arg11[%swap3A_115], %swap3A_118 {strides = array<i32>} : memref<128xi32, #tpu.memory_space<vmem>>, vector<16xi32>,
    %get3A_119 = arith.constant 0 : i32
    %get3A_120 = arith.index_cast %get3A_119 : i32 to index
    %get3A_121 = arith.constant 80 : index
    %get3A_122 = tpu.vector_load %arg6[%get3A_120, %get3A_121] {strides = array<i32>} : memref<80x128xi32, #tpu.memory_space<vmem>>, vector<1x16xi32>,
    %get3A_123 = vector.shape_cast %get3A_122 : vector<1x16xi32> to vector<16xi32>
    %and3A_124 = arith.constant 65535 : i32
    %and3A_125 = vector.broadcast %and3A_124 : i32 to vector<16xi32>
    %and3A_126 = arith.andi %get3A_123, %and3A_125 : vector<16xi32>
    %swap3A_127 = arith.constant 80 : index
    %swap3A_128 = tpu.vector_load %arg9[%swap3A_127] {strides = array<i32>} : memref<128xi32, #tpu.memory_space<vmem>>, vector<16xi32>,
    %swap3A_129 = vector.shape_cast %swap3A_128 : vector<16xi32> to vector<16xi32>
    %swap3A_130 = vector.shape_cast %and3A_126 : vector<16xi32> to vector<16xi32>
    tpu.vector_store %arg9[%swap3A_127], %swap3A_130 {strides = array<i32>} : memref<128xi32, #tpu.memory_space<vmem>>, vector<16xi32>,
    %shift_right_logical3A_131 = arith.constant 16 : i32
    %shift_right_logical3A_132 = vector.broadcast %shift_right_logical3A_131 : i32 to vector<16xi32>
    %shift_right_logical3A_133 = arith.shrui %get3A_123, %shift_right_logical3A_132 : vector<16xi32>
    %swap3A_134 = arith.constant 80 : index
    %swap3A_135 = tpu.vector_load %arg11[%swap3A_134] {strides = array<i32>} : memref<128xi32, #tpu.memory_space<vmem>>, vector<16xi32>,
    %swap3A_136 = vector.shape_cast %swap3A_135 : vector<16xi32> to vector<16xi32>
    %swap3A_137 = vector.shape_cast %shift_right_logical3A_133 : vector<16xi32> to vector<16xi32>
    tpu.vector_store %arg11[%swap3A_134], %swap3A_137 {strides = array<i32>} : memref<128xi32, #tpu.memory_space<vmem>>, vector<16xi32>,
    %get3A_138 = arith.constant 0 : i32
    %get3A_139 = arith.index_cast %get3A_138 : i32 to index
    %get3A_140 = arith.constant 96 : index
    %get3A_141 = tpu.vector_load %arg6[%get3A_139, %get3A_140] {strides = array<i32>} : memref<80x128xi32, #tpu.memory_space<vmem>>, vector<1x16xi32>,
    %get3A_142 = vector.shape_cast %get3A_141 : vector<1x16xi32> to vector<16xi32>
    %and3A_143 = arith.constant 65535 : i32
    %and3A_144 = vector.broadcast %and3A_143 : i32 to vector<16xi32>
    %and3A_145 = arith.andi %get3A_142, %and3A_144 : vector<16xi32>
    %swap3A_146 = arith.constant 96 : index
    %swap3A_147 = tpu.vector_load %arg9[%swap3A_146] {strides = array<i32>} : memref<128xi32, #tpu.memory_space<vmem>>, vector<16xi32>,
    %swap3A_148 = vector.shape_cast %swap3A_147 : vector<16xi32> to vector<16xi32>
    %swap3A_149 = vector.shape_cast %and3A_145 : vector<16xi32> to vector<16xi32>
    tpu.vector_store %arg9[%swap3A_146], %swap3A_149 {strides = array<i32>} : memref<128xi32, #tpu.memory_space<vmem>>, vector<16xi32>,
    %shift_right_logical3A_150 = arith.constant 16 : i32
    %shift_right_logical3A_151 = vector.broadcast %shift_right_logical3A_150 : i32 to vector<16xi32>
    %shift_right_logical3A_152 = arith.shrui %get3A_142, %shift_right_logical3A_151 : vector<16xi32>
    %swap3A_153 = arith.constant 96 : index
    %swap3A_154 = tpu.vector_load %arg11[%swap3A_153] {strides = array<i32>} : memref<128xi32, #tpu.memory_space<vmem>>, vector<16xi32>,
    %swap3A_155 = vector.shape_cast %swap3A_154 : vector<16xi32> to vector<16xi32>
    %swap3A_156 = vector.shape_cast %shift_right_logical3A_152 : vector<16xi32> to vector<16xi32>
    tpu.vector_store %arg11[%swap3A_153], %swap3A_156 {strides = array<i32>} : memref<128xi32, #tpu.memory_space<vmem>>, vector<16xi32>,
    %get3A_157 = arith.constant 0 : i32
    %get3A_158 = arith.index_cast %get3A_157 : i32 to index
    %get3A_159 = arith.constant 112 : index
    %get3A_160 = tpu.vector_load %arg6[%get3A_158, %get3A_159] {strides = array<i32>} : memref<80x128xi32, #tpu.memory_space<vmem>>, vector<1x16xi32>,
    %get3A_161 = vector.shape_cast %get3A_160 : vector<1x16xi32> to vector<16xi32>
    %and3A_162 = arith.constant 65535 : i32
    %and3A_163 = vector.broadcast %and3A_162 : i32 to vector<16xi32>
    %and3A_164 = arith.andi %get3A_161, %and3A_163 : vector<16xi32>
    %swap3A_165 = arith.constant 112 : index
    %swap3A_166 = tpu.vector_load %arg9[%swap3A_165] {strides = array<i32>} : memref<128xi32, #tpu.memory_space<vmem>>, vector<16xi32>,
    %swap3A_167 = vector.shape_cast %swap3A_166 : vector<16xi32> to vector<16xi32>
    %swap3A_168 = vector.shape_cast %and3A_164 : vector<16xi32> to vector<16xi32>
    tpu.vector_store %arg9[%swap3A_165], %swap3A_168 {strides = array<i32>} : memref<128xi32, #tpu.memory_space<vmem>>, vector<16xi32>,
    %shift_right_logical3A_169 = arith.constant 16 : i32
    %shift_right_logical3A_170 = vector.broadcast %shift_right_logical3A_169 : i32 to vector<16xi32>
    %shift_right_logical3A_171 = arith.shrui %get3A_161, %shift_right_logical3A_170 : vector<16xi32>
    %swap3A_172 = arith.constant 112 : index
    %swap3A_173 = tpu.vector_load %arg11[%swap3A_172] {strides = array<i32>} : memref<128xi32, #tpu.memory_space<vmem>>, vector<16xi32>,
    %swap3A_174 = vector.shape_cast %swap3A_173 : vector<16xi32> to vector<16xi32>
    %swap3A_175 = vector.shape_cast %shift_right_logical3A_171 : vector<16xi32> to vector<16xi32>
    tpu.vector_store %arg11[%swap3A_172], %swap3A_175 {strides = array<i32>} : memref<128xi32, #tpu.memory_space<vmem>>, vector<16xi32>,
    %dma_start3A = arith.constant 0 : i32
    %dma_start3A_176 = arith.constant 0 : i32
    %dma_start3A_177 = tpu.memref_slice %arg7[%dma_start3A, %dma_start3A_176] : memref<128x128xf32, #tpu.memory_space<vmem>> -> memref<64x128xf32, #tpu.memory_space<vmem>>
    %dma_start3A_178 = arith.constant 0 : i32
    %dma_start3A_179 = tpu.memref_slice %arg9[%dma_start3A_178] : memref<128xi32, #tpu.memory_space<vmem>> -> memref<64xi32, #tpu.memory_space<vmem>>
    %dma_start3A_180 = arith.constant 0 : i32
    %dma_start3A_181 = arith.constant 0 : i32
    %dma_start3A_182 = tpu.memref_slice %arg2[%dma_start3A_180, %dma_start3A_181] : memref<10000x128xf32, #tpu.memory_space<hbm>> -> memref<10000x128xf32, #tpu.memory_space<hbm>>
    tpu.enqueue_indirect_dma source(%dma_start3A_182 : memref<10000x128xf32, #tpu.memory_space<hbm>>) target(%dma_start3A_177 : memref<64x128xf32, #tpu.memory_space<vmem>>) offsets(%dma_start3A_179 : memref<64xi32, #tpu.memory_space<vmem>>) semaphore(%arg13 : memref<!tpu.dma_semaphore, #tpu.memory_space<semaphore_mem>>)
    %dma_start3A_183 = arith.constant 64 : i32
    %dma_start3A_184 = arith.constant 0 : i32
    %dma_start3A_185 = tpu.memref_slice %arg7[%dma_start3A_183, %dma_start3A_184] : memref<128x128xf32, #tpu.memory_space<vmem>> -> memref<64x128xf32, #tpu.memory_space<vmem>>
    %dma_start3A_186 = arith.constant 64 : i32
    %dma_start3A_187 = tpu.memref_slice %arg9[%dma_start3A_186] : memref<128xi32, #tpu.memory_space<vmem>> -> memref<64xi32, #tpu.memory_space<vmem>>
    %dma_start3A_188 = arith.constant 0 : i32
    %dma_start3A_189 = arith.constant 0 : i32
    %dma_start3A_190 = tpu.memref_slice %arg2[%dma_start3A_188, %dma_start3A_189] : memref<10000x128xf32, #tpu.memory_space<hbm>> -> memref<10000x128xf32, #tpu.memory_space<hbm>>
    tpu.enqueue_indirect_dma source(%dma_start3A_190 : memref<10000x128xf32, #tpu.memory_space<hbm>>) target(%dma_start3A_185 : memref<64x128xf32, #tpu.memory_space<vmem>>) offsets(%dma_start3A_187 : memref<64xi32, #tpu.memory_space<vmem>>) semaphore(%arg13 : memref<!tpu.dma_semaphore, #tpu.memory_space<semaphore_mem>>)
    %get3A_191 = arith.constant 1 : i32
    %get3A_192 = arith.index_cast %get3A_191 : i32 to index
    %get3A_193 = arith.constant 0 : index
    %get3A_194 = tpu.vector_load %arg6[%get3A_192, %get3A_193] {strides = array<i32>} : memref<80x128xi32, #tpu.memory_space<vmem>>, vector<1x16xi32>,
    %get3A_195 = vector.shape_cast %get3A_194 : vector<1x16xi32> to vector<16xi32>
    %and3A_196 = arith.constant 65535 : i32
    %and3A_197 = vector.broadcast %and3A_196 : i32 to vector<16xi32>
    %and3A_198 = arith.andi %get3A_195, %and3A_197 : vector<16xi32>
    %swap3A_199 = arith.constant 0 : index
    %swap3A_200 = tpu.vector_load %arg10[%swap3A_199] {strides = array<i32>} : memref<128xi32, #tpu.memory_space<vmem>>, vector<16xi32>,
    %swap3A_201 = vector.shape_cast %swap3A_200 : vector<16xi32> to vector<16xi32>
    %swap3A_202 = vector.shape_cast %and3A_198 : vector<16xi32> to vector<16xi32>
    tpu.vector_store %arg10[%swap3A_199], %swap3A_202 {strides = array<i32>} : memref<128xi32, #tpu.memory_space<vmem>>, vector<16xi32>,
    %shift_right_logical3A_203 = arith.constant 16 : i32
    %shift_right_logical3A_204 = vector.broadcast %shift_right_logical3A_203 : i32 to vector<16xi32>
    %shift_right_logical3A_205 = arith.shrui %get3A_195, %shift_right_logical3A_204 : vector<16xi32>
    %swap3A_206 = arith.constant 0 : index
    %swap3A_207 = tpu.vector_load %arg12[%swap3A_206] {strides = array<i32>} : memref<128xi32, #tpu.memory_space<vmem>>, vector<16xi32>,
    %swap3A_208 = vector.shape_cast %swap3A_207 : vector<16xi32> to vector<16xi32>
    %swap3A_209 = vector.shape_cast %shift_right_logical3A_205 : vector<16xi32> to vector<16xi32>
    tpu.vector_store %arg12[%swap3A_206], %swap3A_209 {strides = array<i32>} : memref<128xi32, #tpu.memory_space<vmem>>, vector<16xi32>,
    %get3A_210 = arith.constant 1 : i32
    %get3A_211 = arith.index_cast %get3A_210 : i32 to index
    %get3A_212 = arith.constant 16 : index
    %get3A_213 = tpu.vector_load %arg6[%get3A_211, %get3A_212] {strides = array<i32>} : memref<80x128xi32, #tpu.memory_space<vmem>>, vector<1x16xi32>,
    %get3A_214 = vector.shape_cast %get3A_213 : vector<1x16xi32> to vector<16xi32>
    %and3A_215 = arith.constant 65535 : i32
    %and3A_216 = vector.broadcast %and3A_215 : i32 to vector<16xi32>
    %and3A_217 = arith.andi %get3A_214, %and3A_216 : vector<16xi32>
    %swap3A_218 = arith.constant 16 : index
    %swap3A_219 = tpu.vector_load %arg10[%swap3A_218] {strides = array<i32>} : memref<128xi32, #tpu.memory_space<vmem>>, vector<16xi32>,
    %swap3A_220 = vector.shape_cast %swap3A_219 : vector<16xi32> to vector<16xi32>
    %swap3A_221 = vector.shape_cast %and3A_217 : vector<16xi32> to vector<16xi32>
    tpu.vector_store %arg10[%swap3A_218], %swap3A_221 {strides = array<i32>} : memref<128xi32, #tpu.memory_space<vmem>>, vector<16xi32>,
    %shift_right_logical3A_222 = arith.constant 16 : i32
    %shift_right_logical3A_223 = vector.broadcast %shift_right_logical3A_222 : i32 to vector<16xi32>
    %shift_right_logical3A_224 = arith.shrui %get3A_214, %shift_right_logical3A_223 : vector<16xi32>
    %swap3A_225 = arith.constant 16 : index
    %swap3A_226 = tpu.vector_load %arg12[%swap3A_225] {strides = array<i32>} : memref<128xi32, #tpu.memory_space<vmem>>, vector<16xi32>,
    %swap3A_227 = vector.shape_cast %swap3A_226 : vector<16xi32> to vector<16xi32>
    %swap3A_228 = vector.shape_cast %shift_right_logical3A_224 : vector<16xi32> to vector<16xi32>
    tpu.vector_store %arg12[%swap3A_225], %swap3A_228 {strides = array<i32>} : memref<128xi32, #tpu.memory_space<vmem>>, vector<16xi32>,
    %get3A_229 = arith.constant 1 : i32
    %get3A_230 = arith.index_cast %get3A_229 : i32 to index
    %get3A_231 = arith.constant 32 : index
    %get3A_232 = tpu.vector_load %arg6[%get3A_230, %get3A_231] {strides = array<i32>} : memref<80x128xi32, #tpu.memory_space<vmem>>, vector<1x16xi32>,
    %get3A_233 = vector.shape_cast %get3A_232 : vector<1x16xi32> to vector<16xi32>
    %and3A_234 = arith.constant 65535 : i32
    %and3A_235 = vector.broadcast %and3A_234 : i32 to vector<16xi32>
    %and3A_236 = arith.andi %get3A_233, %and3A_235 : vector<16xi32>
    %swap3A_237 = arith.constant 32 : index
    %swap3A_238 = tpu.vector_load %arg10[%swap3A_237] {strides = array<i32>} : memref<128xi32, #tpu.memory_space<vmem>>, vector<16xi32>,
    %swap3A_239 = vector.shape_cast %swap3A_238 : vector<16xi32> to vector<16xi32>
    %swap3A_240 = vector.shape_cast %and3A_236 : vector<16xi32> to vector<16xi32>
    tpu.vector_store %arg10[%swap3A_237], %swap3A_240 {strides = array<i32>} : memref<128xi32, #tpu.memory_space<vmem>>, vector<16xi32>,
    %shift_right_logical3A_241 = arith.constant 16 : i32
    %shift_right_logical3A_242 = vector.broadcast %shift_right_logical3A_241 : i32 to vector<16xi32>
    %shift_right_logical3A_243 = arith.shrui %get3A_233, %shift_right_logical3A_242 : vector<16xi32>
    %swap3A_244 = arith.constant 32 : index
    %swap3A_245 = tpu.vector_load %arg12[%swap3A_244] {strides = array<i32>} : memref<128xi32, #tpu.memory_space<vmem>>, vector<16xi32>,
    %swap3A_246 = vector.shape_cast %swap3A_245 : vector<16xi32> to vector<16xi32>
    %swap3A_247 = vector.shape_cast %shift_right_logical3A_243 : vector<16xi32> to vector<16xi32>
    tpu.vector_store %arg12[%swap3A_244], %swap3A_247 {strides = array<i32>} : memref<128xi32, #tpu.memory_space<vmem>>, vector<16xi32>,
    %get3A_248 = arith.constant 1 : i32
    %get3A_249 = arith.index_cast %get3A_248 : i32 to index
    %get3A_250 = arith.constant 48 : index
    %get3A_251 = tpu.vector_load %arg6[%get3A_249, %get3A_250] {strides = array<i32>} : memref<80x128xi32, #tpu.memory_space<vmem>>, vector<1x16xi32>,
    %get3A_252 = vector.shape_cast %get3A_251 : vector<1x16xi32> to vector<16xi32>
    %and3A_253 = arith.constant 65535 : i32
    %and3A_254 = vector.broadcast %and3A_253 : i32 to vector<16xi32>
    %and3A_255 = arith.andi %get3A_252, %and3A_254 : vector<16xi32>
    %swap3A_256 = arith.constant 48 : index
    %swap3A_257 = tpu.vector_load %arg10[%swap3A_256] {strides = array<i32>} : memref<128xi32, #tpu.memory_space<vmem>>, vector<16xi32>,
    %swap3A_258 = vector.shape_cast %swap3A_257 : vector<16xi32> to vector<16xi32>
    %swap3A_259 = vector.shape_cast %and3A_255 : vector<16xi32> to vector<16xi32>
    tpu.vector_store %arg10[%swap3A_256], %swap3A_259 {strides = array<i32>} : memref<128xi32, #tpu.memory_space<vmem>>, vector<16xi32>,
    %shift_right_logical3A_260 = arith.constant 16 : i32
    %shift_right_logical3A_261 = vector.broadcast %shift_right_logical3A_260 : i32 to vector<16xi32>
    %shift_right_logical3A_262 = arith.shrui %get3A_252, %shift_right_logical3A_261 : vector<16xi32>
    %swap3A_263 = arith.constant 48 : index
    %swap3A_264 = tpu.vector_load %arg12[%swap3A_263] {strides = array<i32>} : memref<128xi32, #tpu.memory_space<vmem>>, vector<16xi32>,
    %swap3A_265 = vector.shape_cast %swap3A_264 : vector<16xi32> to vector<16xi32>
    %swap3A_266 = vector.shape_cast %shift_right_logical3A_262 : vector<16xi32> to vector<16xi32>
    tpu.vector_store %arg12[%swap3A_263], %swap3A_266 {strides = array<i32>} : memref<128xi32, #tpu.memory_space<vmem>>, vector<16xi32>,
    %get3A_267 = arith.constant 1 : i32
    %get3A_268 = arith.index_cast %get3A_267 : i32 to index
    %get3A_269 = arith.constant 64 : index
    %get3A_270 = tpu.vector_load %arg6[%get3A_268, %get3A_269] {strides = array<i32>} : memref<80x128xi32, #tpu.memory_space<vmem>>, vector<1x16xi32>,
    %get3A_271 = vector.shape_cast %get3A_270 : vector<1x16xi32> to vector<16xi32>
    %and3A_272 = arith.constant 65535 : i32
    %and3A_273 = vector.broadcast %and3A_272 : i32 to vector<16xi32>
    %and3A_274 = arith.andi %get3A_271, %and3A_273 : vector<16xi32>
    %swap3A_275 = arith.constant 64 : index
    %swap3A_276 = tpu.vector_load %arg10[%swap3A_275] {strides = array<i32>} : memref<128xi32, #tpu.memory_space<vmem>>, vector<16xi32>,
    %swap3A_277 = vector.shape_cast %swap3A_276 : vector<16xi32> to vector<16xi32>
    %swap3A_278 = vector.shape_cast %and3A_274 : vector<16xi32> to vector<16xi32>
    tpu.vector_store %arg10[%swap3A_275], %swap3A_278 {strides = array<i32>} : memref<128xi32, #tpu.memory_space<vmem>>, vector<16xi32>,
    %shift_right_logical3A_279 = arith.constant 16 : i32
    %shift_right_logical3A_280 = vector.broadcast %shift_right_logical3A_279 : i32 to vector<16xi32>
    %shift_right_logical3A_281 = arith.shrui %get3A_271, %shift_right_logical3A_280 : vector<16xi32>
    %swap3A_282 = arith.constant 64 : index
    %swap3A_283 = tpu.vector_load %arg12[%swap3A_282] {strides = array<i32>} : memref<128xi32, #tpu.memory_space<vmem>>, vector<16xi32>,
    %swap3A_284 = vector.shape_cast %swap3A_283 : vector<16xi32> to vector<16xi32>
    %swap3A_285 = vector.shape_cast %shift_right_logical3A_281 : vector<16xi32> to vector<16xi32>
    tpu.vector_store %arg12[%swap3A_282], %swap3A_285 {strides = array<i32>} : memref<128xi32, #tpu.memory_space<vmem>>, vector<16xi32>,
    %get3A_286 = arith.constant 1 : i32
    %get3A_287 = arith.index_cast %get3A_286 : i32 to index
    %get3A_288 = arith.constant 80 : index
    %get3A_289 = tpu.vector_load %arg6[%get3A_287, %get3A_288] {strides = array<i32>} : memref<80x128xi32, #tpu.memory_space<vmem>>, vector<1x16xi32>,
    %get3A_290 = vector.shape_cast %get3A_289 : vector<1x16xi32> to vector<16xi32>
    %and3A_291 = arith.constant 65535 : i32
    %and3A_292 = vector.broadcast %and3A_291 : i32 to vector<16xi32>
    %and3A_293 = arith.andi %get3A_290, %and3A_292 : vector<16xi32>
    %swap3A_294 = arith.constant 80 : index
    %swap3A_295 = tpu.vector_load %arg10[%swap3A_294] {strides = array<i32>} : memref<128xi32, #tpu.memory_space<vmem>>, vector<16xi32>,
    %swap3A_296 = vector.shape_cast %swap3A_295 : vector<16xi32> to vector<16xi32>
    %swap3A_297 = vector.shape_cast %and3A_293 : vector<16xi32> to vector<16xi32>
    tpu.vector_store %arg10[%swap3A_294], %swap3A_297 {strides = array<i32>} : memref<128xi32, #tpu.memory_space<vmem>>, vector<16xi32>,
    %shift_right_logical3A_298 = arith.constant 16 : i32
    %shift_right_logical3A_299 = vector.broadcast %shift_right_logical3A_298 : i32 to vector<16xi32>
    %shift_right_logical3A_300 = arith.shrui %get3A_290, %shift_right_logical3A_299 : vector<16xi32>
    %swap3A_301 = arith.constant 80 : index
    %swap3A_302 = tpu.vector_load %arg12[%swap3A_301] {strides = array<i32>} : memref<128xi32, #tpu.memory_space<vmem>>, vector<16xi32>,
    %swap3A_303 = vector.shape_cast %swap3A_302 : vector<16xi32> to vector<16xi32>
    %swap3A_304 = vector.shape_cast %shift_right_logical3A_300 : vector<16xi32> to vector<16xi32>
    tpu.vector_store %arg12[%swap3A_301], %swap3A_304 {strides = array<i32>} : memref<128xi32, #tpu.memory_space<vmem>>, vector<16xi32>,
    %get3A_305 = arith.constant 1 : i32
    %get3A_306 = arith.index_cast %get3A_305 : i32 to index
    %get3A_307 = arith.constant 96 : index
    %get3A_308 = tpu.vector_load %arg6[%get3A_306, %get3A_307] {strides = array<i32>} : memref<80x128xi32, #tpu.memory_space<vmem>>, vector<1x16xi32>,
    %get3A_309 = vector.shape_cast %get3A_308 : vector<1x16xi32> to vector<16xi32>
    %and3A_310 = arith.constant 65535 : i32
    %and3A_311 = vector.broadcast %and3A_310 : i32 to vector<16xi32>
    %and3A_312 = arith.andi %get3A_309, %and3A_311 : vector<16xi32>
    %swap3A_313 = arith.constant 96 : index
    %swap3A_314 = tpu.vector_load %arg10[%swap3A_313] {strides = array<i32>} : memref<128xi32, #tpu.memory_space<vmem>>, vector<16xi32>,
    %swap3A_315 = vector.shape_cast %swap3A_314 : vector<16xi32> to vector<16xi32>
    %swap3A_316 = vector.shape_cast %and3A_312 : vector<16xi32> to vector<16xi32>
    tpu.vector_store %arg10[%swap3A_313], %swap3A_316 {strides = array<i32>} : memref<128xi32, #tpu.memory_space<vmem>>, vector<16xi32>,
    %shift_right_logical3A_317 = arith.constant 16 : i32
    %shift_right_logical3A_318 = vector.broadcast %shift_right_logical3A_317 : i32 to vector<16xi32>
    %shift_right_logical3A_319 = arith.shrui %get3A_309, %shift_right_logical3A_318 : vector<16xi32>
    %swap3A_320 = arith.constant 96 : index
    %swap3A_321 = tpu.vector_load %arg12[%swap3A_320] {strides = array<i32>} : memref<128xi32, #tpu.memory_space<vmem>>, vector<16xi32>,
    %swap3A_322 = vector.shape_cast %swap3A_321 : vector<16xi32> to vector<16xi32>
    %swap3A_323 = vector.shape_cast %shift_right_logical3A_319 : vector<16xi32> to vector<16xi32>
    tpu.vector_store %arg12[%swap3A_320], %swap3A_323 {strides = array<i32>} : memref<128xi32, #tpu.memory_space<vmem>>, vector<16xi32>,
    %get3A_324 = arith.constant 1 : i32
    %get3A_325 = arith.index_cast %get3A_324 : i32 to index
    %get3A_326 = arith.constant 112 : index
    %get3A_327 = tpu.vector_load %arg6[%get3A_325, %get3A_326] {strides = array<i32>} : memref<80x128xi32, #tpu.memory_space<vmem>>, vector<1x16xi32>,
    %get3A_328 = vector.shape_cast %get3A_327 : vector<1x16xi32> to vector<16xi32>
    %and3A_329 = arith.constant 65535 : i32
    %and3A_330 = vector.broadcast %and3A_329 : i32 to vector<16xi32>
    %and3A_331 = arith.andi %get3A_328, %and3A_330 : vector<16xi32>
    %swap3A_332 = arith.constant 112 : index
    %swap3A_333 = tpu.vector_load %arg10[%swap3A_332] {strides = array<i32>} : memref<128xi32, #tpu.memory_space<vmem>>, vector<16xi32>,
    %swap3A_334 = vector.shape_cast %swap3A_333 : vector<16xi32> to vector<16xi32>
    %swap3A_335 = vector.shape_cast %and3A_331 : vector<16xi32> to vector<16xi32>
    tpu.vector_store %arg10[%swap3A_332], %swap3A_335 {strides = array<i32>} : memref<128xi32, #tpu.memory_space<vmem>>, vector<16xi32>,
    %shift_right_logical3A_336 = arith.constant 16 : i32
    %shift_right_logical3A_337 = vector.broadcast %shift_right_logical3A_336 : i32 to vector<16xi32>
    %shift_right_logical3A_338 = arith.shrui %get3A_328, %shift_right_logical3A_337 : vector<16xi32>
    %swap3A_339 = arith.constant 112 : index
    %swap3A_340 = tpu.vector_load %arg12[%swap3A_339] {strides = array<i32>} : memref<128xi32, #tpu.memory_space<vmem>>, vector<16xi32>,
    %swap3A_341 = vector.shape_cast %swap3A_340 : vector<16xi32> to vector<16xi32>
    %swap3A_342 = vector.shape_cast %shift_right_logical3A_338 : vector<16xi32> to vector<16xi32>
    tpu.vector_store %arg12[%swap3A_339], %swap3A_342 {strides = array<i32>} : memref<128xi32, #tpu.memory_space<vmem>>, vector<16xi32>,
    %dma_start3A_343 = arith.constant 0 : i32
    %dma_start3A_344 = arith.constant 0 : i32
    %dma_start3A_345 = tpu.memref_slice %arg8[%dma_start3A_343, %dma_start3A_344] : memref<128x128xf32, #tpu.memory_space<vmem>> -> memref<64x128xf32, #tpu.memory_space<vmem>>
    %dma_start3A_346 = arith.constant 0 : i32
    %dma_start3A_347 = tpu.memref_slice %arg10[%dma_start3A_346] : memref<128xi32, #tpu.memory_space<vmem>> -> memref<64xi32, #tpu.memory_space<vmem>>
    %dma_start3A_348 = arith.constant 0 : i32
    %dma_start3A_349 = arith.constant 0 : i32
    %dma_start3A_350 = tpu.memref_slice %arg2[%dma_start3A_348, %dma_start3A_349] : memref<10000x128xf32, #tpu.memory_space<hbm>> -> memref<10000x128xf32, #tpu.memory_space<hbm>>
    tpu.enqueue_indirect_dma source(%dma_start3A_350 : memref<10000x128xf32, #tpu.memory_space<hbm>>) target(%dma_start3A_345 : memref<64x128xf32, #tpu.memory_space<vmem>>) offsets(%dma_start3A_347 : memref<64xi32, #tpu.memory_space<vmem>>) semaphore(%arg14 : memref<!tpu.dma_semaphore, #tpu.memory_space<semaphore_mem>>)
    %dma_start3A_351 = arith.constant 64 : i32
    %dma_start3A_352 = arith.constant 0 : i32
    %dma_start3A_353 = tpu.memref_slice %arg8[%dma_start3A_351, %dma_start3A_352] : memref<128x128xf32, #tpu.memory_space<vmem>> -> memref<64x128xf32, #tpu.memory_space<vmem>>
    %dma_start3A_354 = arith.constant 64 : i32
    %dma_start3A_355 = tpu.memref_slice %arg10[%dma_start3A_354] : memref<128xi32, #tpu.memory_space<vmem>> -> memref<64xi32, #tpu.memory_space<vmem>>
    %dma_start3A_356 = arith.constant 0 : i32
    %dma_start3A_357 = arith.constant 0 : i32
    %dma_start3A_358 = tpu.memref_slice %arg2[%dma_start3A_356, %dma_start3A_357] : memref<10000x128xf32, #tpu.memory_space<hbm>> -> memref<10000x128xf32, #tpu.memory_space<hbm>>
    tpu.enqueue_indirect_dma source(%dma_start3A_358 : memref<10000x128xf32, #tpu.memory_space<hbm>>) target(%dma_start3A_353 : memref<64x128xf32, #tpu.memory_space<vmem>>) offsets(%dma_start3A_355 : memref<64xi32, #tpu.memory_space<vmem>>) semaphore(%arg14 : memref<!tpu.dma_semaphore, #tpu.memory_space<semaphore_mem>>)
    %dma_wait3A = arith.constant 0 : i32
    %dma_wait3A_359 = arith.constant 0 : i32
    %dma_wait3A_360 = tpu.memref_slice %arg7[%dma_wait3A, %dma_wait3A_359] : memref<128x128xf32, #tpu.memory_space<vmem>> -> memref<64x128xf32, #tpu.memory_space<vmem>>
    %dma_wait3A_361 = arith.constant 0 : i32
    %dma_wait3A_362 = tpu.memref_slice %arg9[%dma_wait3A_361] : memref<128xi32, #tpu.memory_space<vmem>> -> memref<64xi32, #tpu.memory_space<vmem>>
    %dma_wait3A_363 = arith.constant 0 : i32
    %dma_wait3A_364 = arith.constant 0 : i32
    %dma_wait3A_365 = tpu.memref_slice %arg2[%dma_wait3A_363, %dma_wait3A_364] : memref<10000x128xf32, #tpu.memory_space<hbm>> -> memref<10000x128xf32, #tpu.memory_space<hbm>>
    tpu.wait_indirect_dma semaphore(%arg13 : memref<!tpu.dma_semaphore, #tpu.memory_space<semaphore_mem>>) src(%dma_wait3A_365 : memref<10000x128xf32, #tpu.memory_space<hbm>>) dst(%dma_wait3A_360 : memref<64x128xf32, #tpu.memory_space<vmem>>)
    %dma_wait3A_366 = arith.constant 64 : i32
    %dma_wait3A_367 = arith.constant 0 : i32
    %dma_wait3A_368 = tpu.memref_slice %arg7[%dma_wait3A_366, %dma_wait3A_367] : memref<128x128xf32, #tpu.memory_space<vmem>> -> memref<64x128xf32, #tpu.memory_space<vmem>>
    %dma_wait3A_369 = arith.constant 64 : i32
    %dma_wait3A_370 = tpu.memref_slice %arg9[%dma_wait3A_369] : memref<128xi32, #tpu.memory_space<vmem>> -> memref<64xi32, #tpu.memory_space<vmem>>
    %dma_wait3A_371 = arith.constant 0 : i32
    %dma_wait3A_372 = arith.constant 0 : i32
    %dma_wait3A_373 = tpu.memref_slice %arg2[%dma_wait3A_371, %dma_wait3A_372] : memref<10000x128xf32, #tpu.memory_space<hbm>> -> memref<10000x128xf32, #tpu.memory_space<hbm>>
    tpu.wait_indirect_dma semaphore(%arg13 : memref<!tpu.dma_semaphore, #tpu.memory_space<semaphore_mem>>) src(%dma_wait3A_373 : memref<10000x128xf32, #tpu.memory_space<hbm>>) dst(%dma_wait3A_368 : memref<64x128xf32, #tpu.memory_space<vmem>>)
    %dma_start3A_374 = arith.constant 0 : i32
    %dma_start3A_375 = arith.constant 0 : i32
    %dma_start3A_376 = tpu.memref_slice %arg5[%dma_start3A_374, %dma_start3A_375] : memref<10240x128xf32, #tpu.memory_space<vmem_shared>> -> memref<10240x128xf32, #tpu.memory_space<vmem_shared>>
    tpu.enqueue_indirect_dma source(%arg7 : memref<128x128xf32, #tpu.memory_space<vmem>>) target(%dma_start3A_376 : memref<10240x128xf32, #tpu.memory_space<vmem_shared>>) offsets(%arg11 : memref<128xi32, #tpu.memory_space<vmem>>) semaphore(%arg15 : memref<!tpu.dma_semaphore, #tpu.memory_space<semaphore_mem>>) {add = true}
    %scan3A_377 = arith.constant 0 : i32
    %scan3A_378 = arith.constant 0 : i32
    %scan3A_379 = arith.constant 39 : i32
    %scan3A_380 = arith.addi %scan3A_378, %scan3A_379 : i32
    %scan3A_381 = arith.constant 1 : i32
    scf.for %scan3A_413 = %scan3A_378 to %scan3A_380 step %scan3A_381  : i32 {
      %mul3A_414 = arith.constant 2 : i32
      %mul3A_415 = arith.muli %mul3A_414, %scan3A_413 : i32
      %add3A_416 = arith.constant 1 : i32
      %add3A_417 = arith.addi %mul3A_415, %add3A_416 : i32
      %dma_wait3A_418 = arith.constant 0 : i32
      %dma_wait3A_419 = arith.constant 0 : i32
      %dma_wait3A_420 = tpu.memref_slice %arg8[%dma_wait3A_418, %dma_wait3A_419] : memref<128x128xf32, #tpu.memory_space<vmem>> -> memref<64x128xf32, #tpu.memory_space<vmem>>
      %dma_wait3A_421 = arith.constant 0 : i32
      %dma_wait3A_422 = tpu.memref_slice %arg10[%dma_wait3A_421] : memref<128xi32, #tpu.memory_space<vmem>> -> memref<64xi32, #tpu.memory_space<vmem>>
      %dma_wait3A_423 = arith.constant 0 : i32
      %dma_wait3A_424 = arith.constant 0 : i32
      %dma_wait3A_425 = tpu.memref_slice %arg2[%dma_wait3A_423, %dma_wait3A_424] : memref<10000x128xf32, #tpu.memory_space<hbm>> -> memref<10000x128xf32, #tpu.memory_space<hbm>>
      tpu.wait_indirect_dma semaphore(%arg14 : memref<!tpu.dma_semaphore, #tpu.memory_space<semaphore_mem>>) src(%dma_wait3A_425 : memref<10000x128xf32, #tpu.memory_space<hbm>>) dst(%dma_wait3A_420 : memref<64x128xf32, #tpu.memory_space<vmem>>)
      %dma_wait3A_426 = arith.constant 64 : i32
      %dma_wait3A_427 = arith.constant 0 : i32
      %dma_wait3A_428 = tpu.memref_slice %arg8[%dma_wait3A_426, %dma_wait3A_427] : memref<128x128xf32, #tpu.memory_space<vmem>> -> memref<64x128xf32, #tpu.memory_space<vmem>>
      %dma_wait3A_429 = arith.constant 64 : i32
      %dma_wait3A_430 = tpu.memref_slice %arg10[%dma_wait3A_429] : memref<128xi32, #tpu.memory_space<vmem>> -> memref<64xi32, #tpu.memory_space<vmem>>
      %dma_wait3A_431 = arith.constant 0 : i32
      %dma_wait3A_432 = arith.constant 0 : i32
      %dma_wait3A_433 = tpu.memref_slice %arg2[%dma_wait3A_431, %dma_wait3A_432] : memref<10000x128xf32, #tpu.memory_space<hbm>> -> memref<10000x128xf32, #tpu.memory_space<hbm>>
      tpu.wait_indirect_dma semaphore(%arg14 : memref<!tpu.dma_semaphore, #tpu.memory_space<semaphore_mem>>) src(%dma_wait3A_433 : memref<10000x128xf32, #tpu.memory_space<hbm>>) dst(%dma_wait3A_428 : memref<64x128xf32, #tpu.memory_space<vmem>>)
      %dma_start3A_434 = arith.constant 0 : i32
      %dma_start3A_435 = arith.constant 0 : i32
      %dma_start3A_436 = tpu.memref_slice %arg5[%dma_start3A_434, %dma_start3A_435] : memref<10240x128xf32, #tpu.memory_space<vmem_shared>> -> memref<10240x128xf32, #tpu.memory_space<vmem_shared>>
      tpu.enqueue_indirect_dma source(%arg8 : memref<128x128xf32, #tpu.memory_space<vmem>>) target(%dma_start3A_436 : memref<10240x128xf32, #tpu.memory_space<vmem_shared>>) offsets(%arg12 : memref<128xi32, #tpu.memory_space<vmem>>) semaphore(%arg16 : memref<!tpu.dma_semaphore, #tpu.memory_space<semaphore_mem>>) {add = true}
      %dma_wait3A_437 = arith.constant 0 : i32
      %dma_wait3A_438 = arith.constant 0 : i32
      %dma_wait3A_439 = tpu.memref_slice %arg5[%dma_wait3A_437, %dma_wait3A_438] : memref<10240x128xf32, #tpu.memory_space<vmem_shared>> -> memref<10240x128xf32, #tpu.memory_space<vmem_shared>>
      tpu.wait_indirect_dma semaphore(%arg15 : memref<!tpu.dma_semaphore, #tpu.memory_space<semaphore_mem>>) src(%arg7 : memref<128x128xf32, #tpu.memory_space<vmem>>) dst(%dma_wait3A_439 : memref<10240x128xf32, #tpu.memory_space<vmem_shared>>)
      %add3A_440 = arith.constant 1 : i32
      %add3A_441 = arith.addi %add3A_417, %add3A_440 : i32
      %get3A_442 = arith.index_cast %add3A_441 : i32 to index
      %get3A_443 = arith.constant 0 : index
      %get3A_444 = tpu.vector_load %arg6[%get3A_442, %get3A_443] {strides = array<i32>} : memref<80x128xi32, #tpu.memory_space<vmem>>, vector<1x16xi32>,
      %get3A_445 = vector.shape_cast %get3A_444 : vector<1x16xi32> to vector<16xi32>
      %and3A_446 = arith.constant 65535 : i32
      %and3A_447 = vector.broadcast %and3A_446 : i32 to vector<16xi32>
      %and3A_448 = arith.andi %get3A_445, %and3A_447 : vector<16xi32>
      %swap3A_449 = arith.constant 0 : index
      %swap3A_450 = tpu.vector_load %arg9[%swap3A_449] {strides = array<i32>} : memref<128xi32, #tpu.memory_space<vmem>>, vector<16xi32>,
      %swap3A_451 = vector.shape_cast %swap3A_450 : vector<16xi32> to vector<16xi32>
      %swap3A_452 = vector.shape_cast %and3A_448 : vector<16xi32> to vector<16xi32>
      tpu.vector_store %arg9[%swap3A_449], %swap3A_452 {strides = array<i32>} : memref<128xi32, #tpu.memory_space<vmem>>, vector<16xi32>,
      %shift_right_logical3A_453 = arith.constant 16 : i32
      %shift_right_logical3A_454 = vector.broadcast %shift_right_logical3A_453 : i32 to vector<16xi32>
      %shift_right_logical3A_455 = arith.shrui %get3A_445, %shift_right_logical3A_454 : vector<16xi32>
      %swap3A_456 = arith.constant 0 : index
      %swap3A_457 = tpu.vector_load %arg11[%swap3A_456] {strides = array<i32>} : memref<128xi32, #tpu.memory_space<vmem>>, vector<16xi32>,
      %swap3A_458 = vector.shape_cast %swap3A_457 : vector<16xi32> to vector<16xi32>
      %swap3A_459 = vector.shape_cast %shift_right_logical3A_455 : vector<16xi32> to vector<16xi32>
      tpu.vector_store %arg11[%swap3A_456], %swap3A_459 {strides = array<i32>} : memref<128xi32, #tpu.memory_space<vmem>>, vector<16xi32>,
      %get3A_460 = arith.index_cast %add3A_441 : i32 to index
      %get3A_461 = arith.constant 16 : index
      %get3A_462 = tpu.vector_load %arg6[%get3A_460, %get3A_461] {strides = array<i32>} : memref<80x128xi32, #tpu.memory_space<vmem>>, vector<1x16xi32>,
      %get3A_463 = vector.shape_cast %get3A_462 : vector<1x16xi32> to vector<16xi32>
      %and3A_464 = arith.constant 65535 : i32
      %and3A_465 = vector.broadcast %and3A_464 : i32 to vector<16xi32>
      %and3A_466 = arith.andi %get3A_463, %and3A_465 : vector<16xi32>
      %swap3A_467 = arith.constant 16 : index
      %swap3A_468 = tpu.vector_load %arg9[%swap3A_467] {strides = array<i32>} : memref<128xi32, #tpu.memory_space<vmem>>, vector<16xi32>,
      %swap3A_469 = vector.shape_cast %swap3A_468 : vector<16xi32> to vector<16xi32>
      %swap3A_470 = vector.shape_cast %and3A_466 : vector<16xi32> to vector<16xi32>
      tpu.vector_store %arg9[%swap3A_467], %swap3A_470 {strides = array<i32>} : memref<128xi32, #tpu.memory_space<vmem>>, vector<16xi32>,
      %shift_right_logical3A_471 = arith.constant 16 : i32
      %shift_right_logical3A_472 = vector.broadcast %shift_right_logical3A_471 : i32 to vector<16xi32>
      %shift_right_logical3A_473 = arith.shrui %get3A_463, %shift_right_logical3A_472 : vector<16xi32>
      %swap3A_474 = arith.constant 16 : index
      %swap3A_475 = tpu.vector_load %arg11[%swap3A_474] {strides = array<i32>} : memref<128xi32, #tpu.memory_space<vmem>>, vector<16xi32>,
      %swap3A_476 = vector.shape_cast %swap3A_475 : vector<16xi32> to vector<16xi32>
      %swap3A_477 = vector.shape_cast %shift_right_logical3A_473 : vector<16xi32> to vector<16xi32>
      tpu.vector_store %arg11[%swap3A_474], %swap3A_477 {strides = array<i32>} : memref<128xi32, #tpu.memory_space<vmem>>, vector<16xi32>,
      %get3A_478 = arith.index_cast %add3A_441 : i32 to index
      %get3A_479 = arith.constant 32 : index
      %get3A_480 = tpu.vector_load %arg6[%get3A_478, %get3A_479] {strides = array<i32>} : memref<80x128xi32, #tpu.memory_space<vmem>>, vector<1x16xi32>,
      %get3A_481 = vector.shape_cast %get3A_480 : vector<1x16xi32> to vector<16xi32>
      %and3A_482 = arith.constant 65535 : i32
      %and3A_483 = vector.broadcast %and3A_482 : i32 to vector<16xi32>
      %and3A_484 = arith.andi %get3A_481, %and3A_483 : vector<16xi32>
      %swap3A_485 = arith.constant 32 : index
      %swap3A_486 = tpu.vector_load %arg9[%swap3A_485] {strides = array<i32>} : memref<128xi32, #tpu.memory_space<vmem>>, vector<16xi32>,
      %swap3A_487 = vector.shape_cast %swap3A_486 : vector<16xi32> to vector<16xi32>
      %swap3A_488 = vector.shape_cast %and3A_484 : vector<16xi32> to vector<16xi32>
      tpu.vector_store %arg9[%swap3A_485], %swap3A_488 {strides = array<i32>} : memref<128xi32, #tpu.memory_space<vmem>>, vector<16xi32>,
      %shift_right_logical3A_489 = arith.constant 16 : i32
      %shift_right_logical3A_490 = vector.broadcast %shift_right_logical3A_489 : i32 to vector<16xi32>
      %shift_right_logical3A_491 = arith.shrui %get3A_481, %shift_right_logical3A_490 : vector<16xi32>
      %swap3A_492 = arith.constant 32 : index
      %swap3A_493 = tpu.vector_load %arg11[%swap3A_492] {strides = array<i32>} : memref<128xi32, #tpu.memory_space<vmem>>, vector<16xi32>,
      %swap3A_494 = vector.shape_cast %swap3A_493 : vector<16xi32> to vector<16xi32>
      %swap3A_495 = vector.shape_cast %shift_right_logical3A_491 : vector<16xi32> to vector<16xi32>
      tpu.vector_store %arg11[%swap3A_492], %swap3A_495 {strides = array<i32>} : memref<128xi32, #tpu.memory_space<vmem>>, vector<16xi32>,
      %get3A_496 = arith.index_cast %add3A_441 : i32 to index
      %get3A_497 = arith.constant 48 : index
      %get3A_498 = tpu.vector_load %arg6[%get3A_496, %get3A_497] {strides = array<i32>} : memref<80x128xi32, #tpu.memory_space<vmem>>, vector<1x16xi32>,
      %get3A_499 = vector.shape_cast %get3A_498 : vector<1x16xi32> to vector<16xi32>
      %and3A_500 = arith.constant 65535 : i32
      %and3A_501 = vector.broadcast %and3A_500 : i32 to vector<16xi32>
      %and3A_502 = arith.andi %get3A_499, %and3A_501 : vector<16xi32>
      %swap3A_503 = arith.constant 48 : index
      %swap3A_504 = tpu.vector_load %arg9[%swap3A_503] {strides = array<i32>} : memref<128xi32, #tpu.memory_space<vmem>>, vector<16xi32>,
      %swap3A_505 = vector.shape_cast %swap3A_504 : vector<16xi32> to vector<16xi32>
      %swap3A_506 = vector.shape_cast %and3A_502 : vector<16xi32> to vector<16xi32>
      tpu.vector_store %arg9[%swap3A_503], %swap3A_506 {strides = array<i32>} : memref<128xi32, #tpu.memory_space<vmem>>, vector<16xi32>,
      %shift_right_logical3A_507 = arith.constant 16 : i32
      %shift_right_logical3A_508 = vector.broadcast %shift_right_logical3A_507 : i32 to vector<16xi32>
      %shift_right_logical3A_509 = arith.shrui %get3A_499, %shift_right_logical3A_508 : vector<16xi32>
      %swap3A_510 = arith.constant 48 : index
      %swap3A_511 = tpu.vector_load %arg11[%swap3A_510] {strides = array<i32>} : memref<128xi32, #tpu.memory_space<vmem>>, vector<16xi32>,
      %swap3A_512 = vector.shape_cast %swap3A_511 : vector<16xi32> to vector<16xi32>
      %swap3A_513 = vector.shape_cast %shift_right_logical3A_509 : vector<16xi32> to vector<16xi32>
      tpu.vector_store %arg11[%swap3A_510], %swap3A_513 {strides = array<i32>} : memref<128xi32, #tpu.memory_space<vmem>>, vector<16xi32>,
      %get3A_514 = arith.index_cast %add3A_441 : i32 to index
      %get3A_515 = arith.constant 64 : index
      %get3A_516 = tpu.vector_load %arg6[%get3A_514, %get3A_515] {strides = array<i32>} : memref<80x128xi32, #tpu.memory_space<vmem>>, vector<1x16xi32>,
      %get3A_517 = vector.shape_cast %get3A_516 : vector<1x16xi32> to vector<16xi32>
      %and3A_518 = arith.constant 65535 : i32
      %and3A_519 = vector.broadcast %and3A_518 : i32 to vector<16xi32>
      %and3A_520 = arith.andi %get3A_517, %and3A_519 : vector<16xi32>
      %swap3A_521 = arith.constant 64 : index
      %swap3A_522 = tpu.vector_load %arg9[%swap3A_521] {strides = array<i32>} : memref<128xi32, #tpu.memory_space<vmem>>, vector<16xi32>,
      %swap3A_523 = vector.shape_cast %swap3A_522 : vector<16xi32> to vector<16xi32>
      %swap3A_524 = vector.shape_cast %and3A_520 : vector<16xi32> to vector<16xi32>
      tpu.vector_store %arg9[%swap3A_521], %swap3A_524 {strides = array<i32>} : memref<128xi32, #tpu.memory_space<vmem>>, vector<16xi32>,
      %shift_right_logical3A_525 = arith.constant 16 : i32
      %shift_right_logical3A_526 = vector.broadcast %shift_right_logical3A_525 : i32 to vector<16xi32>
      %shift_right_logical3A_527 = arith.shrui %get3A_517, %shift_right_logical3A_526 : vector<16xi32>
      %swap3A_528 = arith.constant 64 : index
      %swap3A_529 = tpu.vector_load %arg11[%swap3A_528] {strides = array<i32>} : memref<128xi32, #tpu.memory_space<vmem>>, vector<16xi32>,
      %swap3A_530 = vector.shape_cast %swap3A_529 : vector<16xi32> to vector<16xi32>
      %swap3A_531 = vector.shape_cast %shift_right_logical3A_527 : vector<16xi32> to vector<16xi32>
      tpu.vector_store %arg11[%swap3A_528], %swap3A_531 {strides = array<i32>} : memref<128xi32, #tpu.memory_space<vmem>>, vector<16xi32>,
      %get3A_532 = arith.index_cast %add3A_441 : i32 to index
      %get3A_533 = arith.constant 80 : index
      %get3A_534 = tpu.vector_load %arg6[%get3A_532, %get3A_533] {strides = array<i32>} : memref<80x128xi32, #tpu.memory_space<vmem>>, vector<1x16xi32>,
      %get3A_535 = vector.shape_cast %get3A_534 : vector<1x16xi32> to vector<16xi32>
      %and3A_536 = arith.constant 65535 : i32
      %and3A_537 = vector.broadcast %and3A_536 : i32 to vector<16xi32>
      %and3A_538 = arith.andi %get3A_535, %and3A_537 : vector<16xi32>
      %swap3A_539 = arith.constant 80 : index
      %swap3A_540 = tpu.vector_load %arg9[%swap3A_539] {strides = array<i32>} : memref<128xi32, #tpu.memory_space<vmem>>, vector<16xi32>,
      %swap3A_541 = vector.shape_cast %swap3A_540 : vector<16xi32> to vector<16xi32>
      %swap3A_542 = vector.shape_cast %and3A_538 : vector<16xi32> to vector<16xi32>
      tpu.vector_store %arg9[%swap3A_539], %swap3A_542 {strides = array<i32>} : memref<128xi32, #tpu.memory_space<vmem>>, vector<16xi32>,
      %shift_right_logical3A_543 = arith.constant 16 : i32
      %shift_right_logical3A_544 = vector.broadcast %shift_right_logical3A_543 : i32 to vector<16xi32>
      %shift_right_logical3A_545 = arith.shrui %get3A_535, %shift_right_logical3A_544 : vector<16xi32>
      %swap3A_546 = arith.constant 80 : index
      %swap3A_547 = tpu.vector_load %arg11[%swap3A_546] {strides = array<i32>} : memref<128xi32, #tpu.memory_space<vmem>>, vector<16xi32>,
      %swap3A_548 = vector.shape_cast %swap3A_547 : vector<16xi32> to vector<16xi32>
      %swap3A_549 = vector.shape_cast %shift_right_logical3A_545 : vector<16xi32> to vector<16xi32>
      tpu.vector_store %arg11[%swap3A_546], %swap3A_549 {strides = array<i32>} : memref<128xi32, #tpu.memory_space<vmem>>, vector<16xi32>,
      %get3A_550 = arith.index_cast %add3A_441 : i32 to index
      %get3A_551 = arith.constant 96 : index
      %get3A_552 = tpu.vector_load %arg6[%get3A_550, %get3A_551] {strides = array<i32>} : memref<80x128xi32, #tpu.memory_space<vmem>>, vector<1x16xi32>,
      %get3A_553 = vector.shape_cast %get3A_552 : vector<1x16xi32> to vector<16xi32>
      %and3A_554 = arith.constant 65535 : i32
      %and3A_555 = vector.broadcast %and3A_554 : i32 to vector<16xi32>
      %and3A_556 = arith.andi %get3A_553, %and3A_555 : vector<16xi32>
      %swap3A_557 = arith.constant 96 : index
      %swap3A_558 = tpu.vector_load %arg9[%swap3A_557] {strides = array<i32>} : memref<128xi32, #tpu.memory_space<vmem>>, vector<16xi32>,
      %swap3A_559 = vector.shape_cast %swap3A_558 : vector<16xi32> to vector<16xi32>
      %swap3A_560 = vector.shape_cast %and3A_556 : vector<16xi32> to vector<16xi32>
      tpu.vector_store %arg9[%swap3A_557], %swap3A_560 {strides = array<i32>} : memref<128xi32, #tpu.memory_space<vmem>>, vector<16xi32>,
      %shift_right_logical3A_561 = arith.constant 16 : i32
      %shift_right_logical3A_562 = vector.broadcast %shift_right_logical3A_561 : i32 to vector<16xi32>
      %shift_right_logical3A_563 = arith.shrui %get3A_553, %shift_right_logical3A_562 : vector<16xi32>
      %swap3A_564 = arith.constant 96 : index
      %swap3A_565 = tpu.vector_load %arg11[%swap3A_564] {strides = array<i32>} : memref<128xi32, #tpu.memory_space<vmem>>, vector<16xi32>,
      %swap3A_566 = vector.shape_cast %swap3A_565 : vector<16xi32> to vector<16xi32>
      %swap3A_567 = vector.shape_cast %shift_right_logical3A_563 : vector<16xi32> to vector<16xi32>
      tpu.vector_store %arg11[%swap3A_564], %swap3A_567 {strides = array<i32>} : memref<128xi32, #tpu.memory_space<vmem>>, vector<16xi32>,
      %get3A_568 = arith.index_cast %add3A_441 : i32 to index
      %get3A_569 = arith.constant 112 : index
      %get3A_570 = tpu.vector_load %arg6[%get3A_568, %get3A_569] {strides = array<i32>} : memref<80x128xi32, #tpu.memory_space<vmem>>, vector<1x16xi32>,
      %get3A_571 = vector.shape_cast %get3A_570 : vector<1x16xi32> to vector<16xi32>
      %and3A_572 = arith.constant 65535 : i32
      %and3A_573 = vector.broadcast %and3A_572 : i32 to vector<16xi32>
      %and3A_574 = arith.andi %get3A_571, %and3A_573 : vector<16xi32>
      %swap3A_575 = arith.constant 112 : index
      %swap3A_576 = tpu.vector_load %arg9[%swap3A_575] {strides = array<i32>} : memref<128xi32, #tpu.memory_space<vmem>>, vector<16xi32>,
      %swap3A_577 = vector.shape_cast %swap3A_576 : vector<16xi32> to vector<16xi32>
      %swap3A_578 = vector.shape_cast %and3A_574 : vector<16xi32> to vector<16xi32>
      tpu.vector_store %arg9[%swap3A_575], %swap3A_578 {strides = array<i32>} : memref<128xi32, #tpu.memory_space<vmem>>, vector<16xi32>,
      %shift_right_logical3A_579 = arith.constant 16 : i32
      %shift_right_logical3A_580 = vector.broadcast %shift_right_logical3A_579 : i32 to vector<16xi32>
      %shift_right_logical3A_581 = arith.shrui %get3A_571, %shift_right_logical3A_580 : vector<16xi32>
      %swap3A_582 = arith.constant 112 : index
      %swap3A_583 = tpu.vector_load %arg11[%swap3A_582] {strides = array<i32>} : memref<128xi32, #tpu.memory_space<vmem>>, vector<16xi32>,
      %swap3A_584 = vector.shape_cast %swap3A_583 : vector<16xi32> to vector<16xi32>
      %swap3A_585 = vector.shape_cast %shift_right_logical3A_581 : vector<16xi32> to vector<16xi32>
      tpu.vector_store %arg11[%swap3A_582], %swap3A_585 {strides = array<i32>} : memref<128xi32, #tpu.memory_space<vmem>>, vector<16xi32>,
      %dma_start3A_586 = arith.constant 0 : i32
      %dma_start3A_587 = arith.constant 0 : i32
      %dma_start3A_588 = tpu.memref_slice %arg7[%dma_start3A_586, %dma_start3A_587] : memref<128x128xf32, #tpu.memory_space<vmem>> -> memref<64x128xf32, #tpu.memory_space<vmem>>
      %dma_start3A_589 = arith.constant 0 : i32
      %dma_start3A_590 = tpu.memref_slice %arg9[%dma_start3A_589] : memref<128xi32, #tpu.memory_space<vmem>> -> memref<64xi32, #tpu.memory_space<vmem>>
      %dma_start3A_591 = arith.constant 0 : i32
      %dma_start3A_592 = arith.constant 0 : i32
      %dma_start3A_593 = tpu.memref_slice %arg2[%dma_start3A_591, %dma_start3A_592] : memref<10000x128xf32, #tpu.memory_space<hbm>> -> memref<10000x128xf32, #tpu.memory_space<hbm>>
      tpu.enqueue_indirect_dma source(%dma_start3A_593 : memref<10000x128xf32, #tpu.memory_space<hbm>>) target(%dma_start3A_588 : memref<64x128xf32, #tpu.memory_space<vmem>>) offsets(%dma_start3A_590 : memref<64xi32, #tpu.memory_space<vmem>>) semaphore(%arg13 : memref<!tpu.dma_semaphore, #tpu.memory_space<semaphore_mem>>)
      %dma_start3A_594 = arith.constant 64 : i32
      %dma_start3A_595 = arith.constant 0 : i32
      %dma_start3A_596 = tpu.memref_slice %arg7[%dma_start3A_594, %dma_start3A_595] : memref<128x128xf32, #tpu.memory_space<vmem>> -> memref<64x128xf32, #tpu.memory_space<vmem>>
      %dma_start3A_597 = arith.constant 64 : i32
      %dma_start3A_598 = tpu.memref_slice %arg9[%dma_start3A_597] : memref<128xi32, #tpu.memory_space<vmem>> -> memref<64xi32, #tpu.memory_space<vmem>>
      %dma_start3A_599 = arith.constant 0 : i32
      %dma_start3A_600 = arith.constant 0 : i32
      %dma_start3A_601 = tpu.memref_slice %arg2[%dma_start3A_599, %dma_start3A_600] : memref<10000x128xf32, #tpu.memory_space<hbm>> -> memref<10000x128xf32, #tpu.memory_space<hbm>>
      tpu.enqueue_indirect_dma source(%dma_start3A_601 : memref<10000x128xf32, #tpu.memory_space<hbm>>) target(%dma_start3A_596 : memref<64x128xf32, #tpu.memory_space<vmem>>) offsets(%dma_start3A_598 : memref<64xi32, #tpu.memory_space<vmem>>) semaphore(%arg13 : memref<!tpu.dma_semaphore, #tpu.memory_space<semaphore_mem>>)
      %dma_wait3A_602 = arith.constant 0 : i32
      %dma_wait3A_603 = arith.constant 0 : i32
      %dma_wait3A_604 = tpu.memref_slice %arg7[%dma_wait3A_602, %dma_wait3A_603] : memref<128x128xf32, #tpu.memory_space<vmem>> -> memref<64x128xf32, #tpu.memory_space<vmem>>
      %dma_wait3A_605 = arith.constant 0 : i32
      %dma_wait3A_606 = tpu.memref_slice %arg9[%dma_wait3A_605] : memref<128xi32, #tpu.memory_space<vmem>> -> memref<64xi32, #tpu.memory_space<vmem>>
      %dma_wait3A_607 = arith.constant 0 : i32
      %dma_wait3A_608 = arith.constant 0 : i32
      %dma_wait3A_609 = tpu.memref_slice %arg2[%dma_wait3A_607, %dma_wait3A_608] : memref<10000x128xf32, #tpu.memory_space<hbm>> -> memref<10000x128xf32, #tpu.memory_space<hbm>>
      tpu.wait_indirect_dma semaphore(%arg13 : memref<!tpu.dma_semaphore, #tpu.memory_space<semaphore_mem>>) src(%dma_wait3A_609 : memref<10000x128xf32, #tpu.memory_space<hbm>>) dst(%dma_wait3A_604 : memref<64x128xf32, #tpu.memory_space<vmem>>)
      %dma_wait3A_610 = arith.constant 64 : i32
      %dma_wait3A_611 = arith.constant 0 : i32
      %dma_wait3A_612 = tpu.memref_slice %arg7[%dma_wait3A_610, %dma_wait3A_611] : memref<128x128xf32, #tpu.memory_space<vmem>> -> memref<64x128xf32, #tpu.memory_space<vmem>>
      %dma_wait3A_613 = arith.constant 64 : i32
      %dma_wait3A_614 = tpu.memref_slice %arg9[%dma_wait3A_613] : memref<128xi32, #tpu.memory_space<vmem>> -> memref<64xi32, #tpu.memory_space<vmem>>
      %dma_wait3A_615 = arith.constant 0 : i32
      %dma_wait3A_616 = arith.constant 0 : i32
      %dma_wait3A_617 = tpu.memref_slice %arg2[%dma_wait3A_615, %dma_wait3A_616] : memref<10000x128xf32, #tpu.memory_space<hbm>> -> memref<10000x128xf32, #tpu.memory_space<hbm>>
      tpu.wait_indirect_dma semaphore(%arg13 : memref<!tpu.dma_semaphore, #tpu.memory_space<semaphore_mem>>) src(%dma_wait3A_617 : memref<10000x128xf32, #tpu.memory_space<hbm>>) dst(%dma_wait3A_612 : memref<64x128xf32, #tpu.memory_space<vmem>>)
      %dma_start3A_618 = arith.constant 0 : i32
      %dma_start3A_619 = arith.constant 0 : i32
      %dma_start3A_620 = tpu.memref_slice %arg5[%dma_start3A_618, %dma_start3A_619] : memref<10240x128xf32, #tpu.memory_space<vmem_shared>> -> memref<10240x128xf32, #tpu.memory_space<vmem_shared>>
      tpu.enqueue_indirect_dma source(%arg7 : memref<128x128xf32, #tpu.memory_space<vmem>>) target(%dma_start3A_620 : memref<10240x128xf32, #tpu.memory_space<vmem_shared>>) offsets(%arg11 : memref<128xi32, #tpu.memory_space<vmem>>) semaphore(%arg15 : memref<!tpu.dma_semaphore, #tpu.memory_space<semaphore_mem>>) {add = true}
      %dma_wait3A_621 = arith.constant 0 : i32
      %dma_wait3A_622 = arith.constant 0 : i32
      %dma_wait3A_623 = tpu.memref_slice %arg5[%dma_wait3A_621, %dma_wait3A_622] : memref<10240x128xf32, #tpu.memory_space<vmem_shared>> -> memref<10240x128xf32, #tpu.memory_space<vmem_shared>>
      tpu.wait_indirect_dma semaphore(%arg16 : memref<!tpu.dma_semaphore, #tpu.memory_space<semaphore_mem>>) src(%arg8 : memref<128x128xf32, #tpu.memory_space<vmem>>) dst(%dma_wait3A_623 : memref<10240x128xf32, #tpu.memory_space<vmem_shared>>)
      %add3A_624 = arith.constant 2 : i32
      %add3A_625 = arith.addi %add3A_417, %add3A_624 : i32
      %get3A_626 = arith.index_cast %add3A_625 : i32 to index
      %get3A_627 = arith.constant 0 : index
      %get3A_628 = tpu.vector_load %arg6[%get3A_626, %get3A_627] {strides = array<i32>} : memref<80x128xi32, #tpu.memory_space<vmem>>, vector<1x16xi32>,
      %get3A_629 = vector.shape_cast %get3A_628 : vector<1x16xi32> to vector<16xi32>
      %and3A_630 = arith.constant 65535 : i32
      %and3A_631 = vector.broadcast %and3A_630 : i32 to vector<16xi32>
      %and3A_632 = arith.andi %get3A_629, %and3A_631 : vector<16xi32>
      %swap3A_633 = arith.constant 0 : index
      %swap3A_634 = tpu.vector_load %arg10[%swap3A_633] {strides = array<i32>} : memref<128xi32, #tpu.memory_space<vmem>>, vector<16xi32>,
      %swap3A_635 = vector.shape_cast %swap3A_634 : vector<16xi32> to vector<16xi32>
      %swap3A_636 = vector.shape_cast %and3A_632 : vector<16xi32> to vector<16xi32>
      tpu.vector_store %arg10[%swap3A_633], %swap3A_636 {strides = array<i32>} : memref<128xi32, #tpu.memory_space<vmem>>, vector<16xi32>,
      %shift_right_logical3A_637 = arith.constant 16 : i32
      %shift_right_logical3A_638 = vector.broadcast %shift_right_logical3A_637 : i32 to vector<16xi32>
      %shift_right_logical3A_639 = arith.shrui %get3A_629, %shift_right_logical3A_638 : vector<16xi32>
      %swap3A_640 = arith.constant 0 : index
      %swap3A_641 = tpu.vector_load %arg12[%swap3A_640] {strides = array<i32>} : memref<128xi32, #tpu.memory_space<vmem>>, vector<16xi32>,
      %swap3A_642 = vector.shape_cast %swap3A_641 : vector<16xi32> to vector<16xi32>
      %swap3A_643 = vector.shape_cast %shift_right_logical3A_639 : vector<16xi32> to vector<16xi32>
      tpu.vector_store %arg12[%swap3A_640], %swap3A_643 {strides = array<i32>} : memref<128xi32, #tpu.memory_space<vmem>>, vector<16xi32>,
      %get3A_644 = arith.index_cast %add3A_625 : i32 to index
      %get3A_645 = arith.constant 16 : index
      %get3A_646 = tpu.vector_load %arg6[%get3A_644, %get3A_645] {strides = array<i32>} : memref<80x128xi32, #tpu.memory_space<vmem>>, vector<1x16xi32>,
      %get3A_647 = vector.shape_cast %get3A_646 : vector<1x16xi32> to vector<16xi32>
      %and3A_648 = arith.constant 65535 : i32
      %and3A_649 = vector.broadcast %and3A_648 : i32 to vector<16xi32>
      %and3A_650 = arith.andi %get3A_647, %and3A_649 : vector<16xi32>
      %swap3A_651 = arith.constant 16 : index
      %swap3A_652 = tpu.vector_load %arg10[%swap3A_651] {strides = array<i32>} : memref<128xi32, #tpu.memory_space<vmem>>, vector<16xi32>,
      %swap3A_653 = vector.shape_cast %swap3A_652 : vector<16xi32> to vector<16xi32>
      %swap3A_654 = vector.shape_cast %and3A_650 : vector<16xi32> to vector<16xi32>
      tpu.vector_store %arg10[%swap3A_651], %swap3A_654 {strides = array<i32>} : memref<128xi32, #tpu.memory_space<vmem>>, vector<16xi32>,
      %shift_right_logical3A_655 = arith.constant 16 : i32
      %shift_right_logical3A_656 = vector.broadcast %shift_right_logical3A_655 : i32 to vector<16xi32>
      %shift_right_logical3A_657 = arith.shrui %get3A_647, %shift_right_logical3A_656 : vector<16xi32>
      %swap3A_658 = arith.constant 16 : index
      %swap3A_659 = tpu.vector_load %arg12[%swap3A_658] {strides = array<i32>} : memref<128xi32, #tpu.memory_space<vmem>>, vector<16xi32>,
      %swap3A_660 = vector.shape_cast %swap3A_659 : vector<16xi32> to vector<16xi32>
      %swap3A_661 = vector.shape_cast %shift_right_logical3A_657 : vector<16xi32> to vector<16xi32>
      tpu.vector_store %arg12[%swap3A_658], %swap3A_661 {strides = array<i32>} : memref<128xi32, #tpu.memory_space<vmem>>, vector<16xi32>,
      %get3A_662 = arith.index_cast %add3A_625 : i32 to index
      %get3A_663 = arith.constant 32 : index
      %get3A_664 = tpu.vector_load %arg6[%get3A_662, %get3A_663] {strides = array<i32>} : memref<80x128xi32, #tpu.memory_space<vmem>>, vector<1x16xi32>,
      %get3A_665 = vector.shape_cast %get3A_664 : vector<1x16xi32> to vector<16xi32>
      %and3A_666 = arith.constant 65535 : i32
      %and3A_667 = vector.broadcast %and3A_666 : i32 to vector<16xi32>
      %and3A_668 = arith.andi %get3A_665, %and3A_667 : vector<16xi32>
      %swap3A_669 = arith.constant 32 : index
      %swap3A_670 = tpu.vector_load %arg10[%swap3A_669] {strides = array<i32>} : memref<128xi32, #tpu.memory_space<vmem>>, vector<16xi32>,
      %swap3A_671 = vector.shape_cast %swap3A_670 : vector<16xi32> to vector<16xi32>
      %swap3A_672 = vector.shape_cast %and3A_668 : vector<16xi32> to vector<16xi32>
      tpu.vector_store %arg10[%swap3A_669], %swap3A_672 {strides = array<i32>} : memref<128xi32, #tpu.memory_space<vmem>>, vector<16xi32>,
      %shift_right_logical3A_673 = arith.constant 16 : i32
      %shift_right_logical3A_674 = vector.broadcast %shift_right_logical3A_673 : i32 to vector<16xi32>
      %shift_right_logical3A_675 = arith.shrui %get3A_665, %shift_right_logical3A_674 : vector<16xi32>
      %swap3A_676 = arith.constant 32 : index
      %swap3A_677 = tpu.vector_load %arg12[%swap3A_676] {strides = array<i32>} : memref<128xi32, #tpu.memory_space<vmem>>, vector<16xi32>,
      %swap3A_678 = vector.shape_cast %swap3A_677 : vector<16xi32> to vector<16xi32>
      %swap3A_679 = vector.shape_cast %shift_right_logical3A_675 : vector<16xi32> to vector<16xi32>
      tpu.vector_store %arg12[%swap3A_676], %swap3A_679 {strides = array<i32>} : memref<128xi32, #tpu.memory_space<vmem>>, vector<16xi32>,
      %get3A_680 = arith.index_cast %add3A_625 : i32 to index
      %get3A_681 = arith.constant 48 : index
      %get3A_682 = tpu.vector_load %arg6[%get3A_680, %get3A_681] {strides = array<i32>} : memref<80x128xi32, #tpu.memory_space<vmem>>, vector<1x16xi32>,
      %get3A_683 = vector.shape_cast %get3A_682 : vector<1x16xi32> to vector<16xi32>
      %and3A_684 = arith.constant 65535 : i32
      %and3A_685 = vector.broadcast %and3A_684 : i32 to vector<16xi32>
      %and3A_686 = arith.andi %get3A_683, %and3A_685 : vector<16xi32>
      %swap3A_687 = arith.constant 48 : index
      %swap3A_688 = tpu.vector_load %arg10[%swap3A_687] {strides = array<i32>} : memref<128xi32, #tpu.memory_space<vmem>>, vector<16xi32>,
      %swap3A_689 = vector.shape_cast %swap3A_688 : vector<16xi32> to vector<16xi32>
      %swap3A_690 = vector.shape_cast %and3A_686 : vector<16xi32> to vector<16xi32>
      tpu.vector_store %arg10[%swap3A_687], %swap3A_690 {strides = array<i32>} : memref<128xi32, #tpu.memory_space<vmem>>, vector<16xi32>,
      %shift_right_logical3A_691 = arith.constant 16 : i32
      %shift_right_logical3A_692 = vector.broadcast %shift_right_logical3A_691 : i32 to vector<16xi32>
      %shift_right_logical3A_693 = arith.shrui %get3A_683, %shift_right_logical3A_692 : vector<16xi32>
      %swap3A_694 = arith.constant 48 : index
      %swap3A_695 = tpu.vector_load %arg12[%swap3A_694] {strides = array<i32>} : memref<128xi32, #tpu.memory_space<vmem>>, vector<16xi32>,
      %swap3A_696 = vector.shape_cast %swap3A_695 : vector<16xi32> to vector<16xi32>
      %swap3A_697 = vector.shape_cast %shift_right_logical3A_693 : vector<16xi32> to vector<16xi32>
      tpu.vector_store %arg12[%swap3A_694], %swap3A_697 {strides = array<i32>} : memref<128xi32, #tpu.memory_space<vmem>>, vector<16xi32>,
      %get3A_698 = arith.index_cast %add3A_625 : i32 to index
      %get3A_699 = arith.constant 64 : index
      %get3A_700 = tpu.vector_load %arg6[%get3A_698, %get3A_699] {strides = array<i32>} : memref<80x128xi32, #tpu.memory_space<vmem>>, vector<1x16xi32>,
      %get3A_701 = vector.shape_cast %get3A_700 : vector<1x16xi32> to vector<16xi32>
      %and3A_702 = arith.constant 65535 : i32
      %and3A_703 = vector.broadcast %and3A_702 : i32 to vector<16xi32>
      %and3A_704 = arith.andi %get3A_701, %and3A_703 : vector<16xi32>
      %swap3A_705 = arith.constant 64 : index
      %swap3A_706 = tpu.vector_load %arg10[%swap3A_705] {strides = array<i32>} : memref<128xi32, #tpu.memory_space<vmem>>, vector<16xi32>,
      %swap3A_707 = vector.shape_cast %swap3A_706 : vector<16xi32> to vector<16xi32>
      %swap3A_708 = vector.shape_cast %and3A_704 : vector<16xi32> to vector<16xi32>
      tpu.vector_store %arg10[%swap3A_705], %swap3A_708 {strides = array<i32>} : memref<128xi32, #tpu.memory_space<vmem>>, vector<16xi32>,
      %shift_right_logical3A_709 = arith.constant 16 : i32
      %shift_right_logical3A_710 = vector.broadcast %shift_right_logical3A_709 : i32 to vector<16xi32>
      %shift_right_logical3A_711 = arith.shrui %get3A_701, %shift_right_logical3A_710 : vector<16xi32>
      %swap3A_712 = arith.constant 64 : index
      %swap3A_713 = tpu.vector_load %arg12[%swap3A_712] {strides = array<i32>} : memref<128xi32, #tpu.memory_space<vmem>>, vector<16xi32>,
      %swap3A_714 = vector.shape_cast %swap3A_713 : vector<16xi32> to vector<16xi32>
      %swap3A_715 = vector.shape_cast %shift_right_logical3A_711 : vector<16xi32> to vector<16xi32>
      tpu.vector_store %arg12[%swap3A_712], %swap3A_715 {strides = array<i32>} : memref<128xi32, #tpu.memory_space<vmem>>, vector<16xi32>,
      %get3A_716 = arith.index_cast %add3A_625 : i32 to index
      %get3A_717 = arith.constant 80 : index
      %get3A_718 = tpu.vector_load %arg6[%get3A_716, %get3A_717] {strides = array<i32>} : memref<80x128xi32, #tpu.memory_space<vmem>>, vector<1x16xi32>,
      %get3A_719 = vector.shape_cast %get3A_718 : vector<1x16xi32> to vector<16xi32>
      %and3A_720 = arith.constant 65535 : i32
      %and3A_721 = vector.broadcast %and3A_720 : i32 to vector<16xi32>
      %and3A_722 = arith.andi %get3A_719, %and3A_721 : vector<16xi32>
      %swap3A_723 = arith.constant 80 : index
      %swap3A_724 = tpu.vector_load %arg10[%swap3A_723] {strides = array<i32>} : memref<128xi32, #tpu.memory_space<vmem>>, vector<16xi32>,
      %swap3A_725 = vector.shape_cast %swap3A_724 : vector<16xi32> to vector<16xi32>
      %swap3A_726 = vector.shape_cast %and3A_722 : vector<16xi32> to vector<16xi32>
      tpu.vector_store %arg10[%swap3A_723], %swap3A_726 {strides = array<i32>} : memref<128xi32, #tpu.memory_space<vmem>>, vector<16xi32>,
      %shift_right_logical3A_727 = arith.constant 16 : i32
      %shift_right_logical3A_728 = vector.broadcast %shift_right_logical3A_727 : i32 to vector<16xi32>
      %shift_right_logical3A_729 = arith.shrui %get3A_719, %shift_right_logical3A_728 : vector<16xi32>
      %swap3A_730 = arith.constant 80 : index
      %swap3A_731 = tpu.vector_load %arg12[%swap3A_730] {strides = array<i32>} : memref<128xi32, #tpu.memory_space<vmem>>, vector<16xi32>,
      %swap3A_732 = vector.shape_cast %swap3A_731 : vector<16xi32> to vector<16xi32>
      %swap3A_733 = vector.shape_cast %shift_right_logical3A_729 : vector<16xi32> to vector<16xi32>
      tpu.vector_store %arg12[%swap3A_730], %swap3A_733 {strides = array<i32>} : memref<128xi32, #tpu.memory_space<vmem>>, vector<16xi32>,
      %get3A_734 = arith.index_cast %add3A_625 : i32 to index
      %get3A_735 = arith.constant 96 : index
      %get3A_736 = tpu.vector_load %arg6[%get3A_734, %get3A_735] {strides = array<i32>} : memref<80x128xi32, #tpu.memory_space<vmem>>, vector<1x16xi32>,
      %get3A_737 = vector.shape_cast %get3A_736 : vector<1x16xi32> to vector<16xi32>
      %and3A_738 = arith.constant 65535 : i32
      %and3A_739 = vector.broadcast %and3A_738 : i32 to vector<16xi32>
      %and3A_740 = arith.andi %get3A_737, %and3A_739 : vector<16xi32>
      %swap3A_741 = arith.constant 96 : index
      %swap3A_742 = tpu.vector_load %arg10[%swap3A_741] {strides = array<i32>} : memref<128xi32, #tpu.memory_space<vmem>>, vector<16xi32>,
      %swap3A_743 = vector.shape_cast %swap3A_742 : vector<16xi32> to vector<16xi32>
      %swap3A_744 = vector.shape_cast %and3A_740 : vector<16xi32> to vector<16xi32>
      tpu.vector_store %arg10[%swap3A_741], %swap3A_744 {strides = array<i32>} : memref<128xi32, #tpu.memory_space<vmem>>, vector<16xi32>,
      %shift_right_logical3A_745 = arith.constant 16 : i32
      %shift_right_logical3A_746 = vector.broadcast %shift_right_logical3A_745 : i32 to vector<16xi32>
      %shift_right_logical3A_747 = arith.shrui %get3A_737, %shift_right_logical3A_746 : vector<16xi32>
      %swap3A_748 = arith.constant 96 : index
      %swap3A_749 = tpu.vector_load %arg12[%swap3A_748] {strides = array<i32>} : memref<128xi32, #tpu.memory_space<vmem>>, vector<16xi32>,
      %swap3A_750 = vector.shape_cast %swap3A_749 : vector<16xi32> to vector<16xi32>
      %swap3A_751 = vector.shape_cast %shift_right_logical3A_747 : vector<16xi32> to vector<16xi32>
      tpu.vector_store %arg12[%swap3A_748], %swap3A_751 {strides = array<i32>} : memref<128xi32, #tpu.memory_space<vmem>>, vector<16xi32>,
      %get3A_752 = arith.index_cast %add3A_625 : i32 to index
      %get3A_753 = arith.constant 112 : index
      %get3A_754 = tpu.vector_load %arg6[%get3A_752, %get3A_753] {strides = array<i32>} : memref<80x128xi32, #tpu.memory_space<vmem>>, vector<1x16xi32>,
      %get3A_755 = vector.shape_cast %get3A_754 : vector<1x16xi32> to vector<16xi32>
      %and3A_756 = arith.constant 65535 : i32
      %and3A_757 = vector.broadcast %and3A_756 : i32 to vector<16xi32>
      %and3A_758 = arith.andi %get3A_755, %and3A_757 : vector<16xi32>
      %swap3A_759 = arith.constant 112 : index
      %swap3A_760 = tpu.vector_load %arg10[%swap3A_759] {strides = array<i32>} : memref<128xi32, #tpu.memory_space<vmem>>, vector<16xi32>,
      %swap3A_761 = vector.shape_cast %swap3A_760 : vector<16xi32> to vector<16xi32>
      %swap3A_762 = vector.shape_cast %and3A_758 : vector<16xi32> to vector<16xi32>
      tpu.vector_store %arg10[%swap3A_759], %swap3A_762 {strides = array<i32>} : memref<128xi32, #tpu.memory_space<vmem>>, vector<16xi32>,
      %shift_right_logical3A_763 = arith.constant 16 : i32
      %shift_right_logical3A_764 = vector.broadcast %shift_right_logical3A_763 : i32 to vector<16xi32>
      %shift_right_logical3A_765 = arith.shrui %get3A_755, %shift_right_logical3A_764 : vector<16xi32>
      %swap3A_766 = arith.constant 112 : index
      %swap3A_767 = tpu.vector_load %arg12[%swap3A_766] {strides = array<i32>} : memref<128xi32, #tpu.memory_space<vmem>>, vector<16xi32>,
      %swap3A_768 = vector.shape_cast %swap3A_767 : vector<16xi32> to vector<16xi32>
      %swap3A_769 = vector.shape_cast %shift_right_logical3A_765 : vector<16xi32> to vector<16xi32>
      tpu.vector_store %arg12[%swap3A_766], %swap3A_769 {strides = array<i32>} : memref<128xi32, #tpu.memory_space<vmem>>, vector<16xi32>,
      %dma_start3A_770 = arith.constant 0 : i32
      %dma_start3A_771 = arith.constant 0 : i32
      %dma_start3A_772 = tpu.memref_slice %arg8[%dma_start3A_770, %dma_start3A_771] : memref<128x128xf32, #tpu.memory_space<vmem>> -> memref<64x128xf32, #tpu.memory_space<vmem>>
      %dma_start3A_773 = arith.constant 0 : i32
      %dma_start3A_774 = tpu.memref_slice %arg10[%dma_start3A_773] : memref<128xi32, #tpu.memory_space<vmem>> -> memref<64xi32, #tpu.memory_space<vmem>>
      %dma_start3A_775 = arith.constant 0 : i32
      %dma_start3A_776 = arith.constant 0 : i32
      %dma_start3A_777 = tpu.memref_slice %arg2[%dma_start3A_775, %dma_start3A_776] : memref<10000x128xf32, #tpu.memory_space<hbm>> -> memref<10000x128xf32, #tpu.memory_space<hbm>>
      tpu.enqueue_indirect_dma source(%dma_start3A_777 : memref<10000x128xf32, #tpu.memory_space<hbm>>) target(%dma_start3A_772 : memref<64x128xf32, #tpu.memory_space<vmem>>) offsets(%dma_start3A_774 : memref<64xi32, #tpu.memory_space<vmem>>) semaphore(%arg14 : memref<!tpu.dma_semaphore, #tpu.memory_space<semaphore_mem>>)
      %dma_start3A_778 = arith.constant 64 : i32
      %dma_start3A_779 = arith.constant 0 : i32
      %dma_start3A_780 = tpu.memref_slice %arg8[%dma_start3A_778, %dma_start3A_779] : memref<128x128xf32, #tpu.memory_space<vmem>> -> memref<64x128xf32, #tpu.memory_space<vmem>>
      %dma_start3A_781 = arith.constant 64 : i32
      %dma_start3A_782 = tpu.memref_slice %arg10[%dma_start3A_781] : memref<128xi32, #tpu.memory_space<vmem>> -> memref<64xi32, #tpu.memory_space<vmem>>
      %dma_start3A_783 = arith.constant 0 : i32
      %dma_start3A_784 = arith.constant 0 : i32
      %dma_start3A_785 = tpu.memref_slice %arg2[%dma_start3A_783, %dma_start3A_784] : memref<10000x128xf32, #tpu.memory_space<hbm>> -> memref<10000x128xf32, #tpu.memory_space<hbm>>
      tpu.enqueue_indirect_dma source(%dma_start3A_785 : memref<10000x128xf32, #tpu.memory_space<hbm>>) target(%dma_start3A_780 : memref<64x128xf32, #tpu.memory_space<vmem>>) offsets(%dma_start3A_782 : memref<64xi32, #tpu.memory_space<vmem>>) semaphore(%arg14 : memref<!tpu.dma_semaphore, #tpu.memory_space<semaphore_mem>>)
    }
    %scan3A_382 = arith.constant 39 : i32
    %dma_wait3A_383 = arith.constant 0 : i32
    %dma_wait3A_384 = arith.constant 0 : i32
    %dma_wait3A_385 = tpu.memref_slice %arg8[%dma_wait3A_383, %dma_wait3A_384] : memref<128x128xf32, #tpu.memory_space<vmem>> -> memref<64x128xf32, #tpu.memory_space<vmem>>
    %dma_wait3A_386 = arith.constant 0 : i32
    %dma_wait3A_387 = tpu.memref_slice %arg10[%dma_wait3A_386] : memref<128xi32, #tpu.memory_space<vmem>> -> memref<64xi32, #tpu.memory_space<vmem>>
    %dma_wait3A_388 = arith.constant 0 : i32
    %dma_wait3A_389 = arith.constant 0 : i32
    %dma_wait3A_390 = tpu.memref_slice %arg2[%dma_wait3A_388, %dma_wait3A_389] : memref<10000x128xf32, #tpu.memory_space<hbm>> -> memref<10000x128xf32, #tpu.memory_space<hbm>>
    tpu.wait_indirect_dma semaphore(%arg14 : memref<!tpu.dma_semaphore, #tpu.memory_space<semaphore_mem>>) src(%dma_wait3A_390 : memref<10000x128xf32, #tpu.memory_space<hbm>>) dst(%dma_wait3A_385 : memref<64x128xf32, #tpu.memory_space<vmem>>)
    %dma_wait3A_391 = arith.constant 64 : i32
    %dma_wait3A_392 = arith.constant 0 : i32
    %dma_wait3A_393 = tpu.memref_slice %arg8[%dma_wait3A_391, %dma_wait3A_392] : memref<128x128xf32, #tpu.memory_space<vmem>> -> memref<64x128xf32, #tpu.memory_space<vmem>>
    %dma_wait3A_394 = arith.constant 64 : i32
    %dma_wait3A_395 = tpu.memref_slice %arg10[%dma_wait3A_394] : memref<128xi32, #tpu.memory_space<vmem>> -> memref<64xi32, #tpu.memory_space<vmem>>
    %dma_wait3A_396 = arith.constant 0 : i32
    %dma_wait3A_397 = arith.constant 0 : i32
    %dma_wait3A_398 = tpu.memref_slice %arg2[%dma_wait3A_396, %dma_wait3A_397] : memref<10000x128xf32, #tpu.memory_space<hbm>> -> memref<10000x128xf32, #tpu.memory_space<hbm>>
    tpu.wait_indirect_dma semaphore(%arg14 : memref<!tpu.dma_semaphore, #tpu.memory_space<semaphore_mem>>) src(%dma_wait3A_398 : memref<10000x128xf32, #tpu.memory_space<hbm>>) dst(%dma_wait3A_393 : memref<64x128xf32, #tpu.memory_space<vmem>>)
    %dma_start3A_399 = arith.constant 0 : i32
    %dma_start3A_400 = arith.constant 0 : i32
    %dma_start3A_401 = tpu.memref_slice %arg5[%dma_start3A_399, %dma_start3A_400] : memref<10240x128xf32, #tpu.memory_space<vmem_shared>> -> memref<10240x128xf32, #tpu.memory_space<vmem_shared>>
    tpu.enqueue_indirect_dma source(%arg8 : memref<128x128xf32, #tpu.memory_space<vmem>>) target(%dma_start3A_401 : memref<10240x128xf32, #tpu.memory_space<vmem_shared>>) offsets(%arg12 : memref<128xi32, #tpu.memory_space<vmem>>) semaphore(%arg16 : memref<!tpu.dma_semaphore, #tpu.memory_space<semaphore_mem>>) {add = true}
    %dma_wait3A_402 = arith.constant 0 : i32
    %dma_wait3A_403 = arith.constant 0 : i32
    %dma_wait3A_404 = tpu.memref_slice %arg5[%dma_wait3A_402, %dma_wait3A_403] : memref<10240x128xf32, #tpu.memory_space<vmem_shared>> -> memref<10240x128xf32, #tpu.memory_space<vmem_shared>>
    tpu.wait_indirect_dma semaphore(%arg15 : memref<!tpu.dma_semaphore, #tpu.memory_space<semaphore_mem>>) src(%arg7 : memref<128x128xf32, #tpu.memory_space<vmem>>) dst(%dma_wait3A_404 : memref<10240x128xf32, #tpu.memory_space<vmem_shared>>)
    %dma_wait3A_405 = arith.constant 0 : i32
    %dma_wait3A_406 = arith.constant 0 : i32
    %dma_wait3A_407 = tpu.memref_slice %arg5[%dma_wait3A_405, %dma_wait3A_406] : memref<10240x128xf32, #tpu.memory_space<vmem_shared>> -> memref<10240x128xf32, #tpu.memory_space<vmem_shared>>
    tpu.wait_indirect_dma semaphore(%arg16 : memref<!tpu.dma_semaphore, #tpu.memory_space<semaphore_mem>>) src(%arg8 : memref<128x128xf32, #tpu.memory_space<vmem>>) dst(%dma_wait3A_407 : memref<10240x128xf32, #tpu.memory_space<vmem_shared>>)
    %barrier3A_408 = arith.constant 0 : index
    tpu.barrier barrier_id(%barrier3A_408)
    %mul3A_409 = arith.constant 624 : i32
    %mul3A_410 = arith.muli %arg1, %mul3A_409 : i32
    "tpu.region"() ({
      %run_scoped3A = tpu.sem_alloc : memref<!tpu.dma_semaphore, #tpu.memory_space<semaphore_mem>>
      %dma_start3A_413 = arith.constant 0 : i32
      %dma_start3A_414 = tpu.memref_slice %arg4[%arg0, %mul3A_410, %dma_start3A_413] : memref<2x10000x128xf32, #tpu.memory_space<hbm>> -> memref<1x624x128xf32, #tpu.memory_space<hbm>>
      %dma_start3A_415 = tpu.memref_squeeze %dma_start3A_414 : memref<1x624x128xf32, #tpu.memory_space<hbm>> -> memref<624x128xf32, #tpu.memory_space<hbm>>
      %dma_start3A_416 = arith.constant 0 : i32
      %dma_start3A_417 = tpu.memref_slice %arg5[%mul3A_410, %dma_start3A_416] : memref<10240x128xf32, #tpu.memory_space<vmem_shared>> -> memref<624x128xf32, #tpu.memory_space<vmem_shared>>
      tpu.enqueue_dma source(%dma_start3A_417 : memref<624x128xf32, #tpu.memory_space<vmem_shared>>) target(%dma_start3A_415 : memref<624x128xf32, #tpu.memory_space<hbm>>) target_semaphore(%run_scoped3A : memref<!tpu.dma_semaphore, #tpu.memory_space<semaphore_mem>>)
      %dma_wait3A_418 = arith.constant 0 : i32
      %dma_wait3A_419 = tpu.memref_slice %arg4[%arg0, %mul3A_410, %dma_wait3A_418] : memref<2x10000x128xf32, #tpu.memory_space<hbm>> -> memref<1x624x128xf32, #tpu.memory_space<hbm>>
      %dma_wait3A_420 = tpu.memref_squeeze %dma_wait3A_419 : memref<1x624x128xf32, #tpu.memory_space<hbm>> -> memref<624x128xf32, #tpu.memory_space<hbm>>
      %dma_wait3A_421 = arith.constant 0 : i32
      %dma_wait3A_422 = tpu.memref_slice %arg5[%mul3A_410, %dma_wait3A_421] : memref<10240x128xf32, #tpu.memory_space<vmem_shared>> -> memref<624x128xf32, #tpu.memory_space<vmem_shared>>
      tpu.wait_dma2 semaphore(%run_scoped3A : memref<!tpu.dma_semaphore, #tpu.memory_space<semaphore_mem>>) src(%dma_wait3A_422 : memref<624x128xf32, #tpu.memory_space<vmem_shared>>) dst(%dma_wait3A_420 : memref<624x128xf32, #tpu.memory_space<hbm>>)
      tpu.yield
    }) : () -> ()
    %eq3A = arith.constant 0 : i32
    %eq3A_411 = arith.cmpi eq, %arg1, %eq3A : i32
    %convert_element_type3A = arith.extui %eq3A_411 : i1 to i32
    %cond3A = arith.constant 0 : i32
    %cond3A_412 = arith.cmpi ne, %convert_element_type3A, %cond3A : i32
    scf.if %cond3A_412 {
      "tpu.region"() ({
        %run_scoped3A = tpu.sem_alloc : memref<!tpu.dma_semaphore, #tpu.memory_space<semaphore_mem>>
        %dma_start3A_413 = arith.constant 9984 : i32
        %dma_start3A_414 = arith.constant 0 : i32
        %dma_start3A_415 = tpu.memref_slice %arg4[%arg0, %dma_start3A_413, %dma_start3A_414] : memref<2x10000x128xf32, #tpu.memory_space<hbm>> -> memref<1x16x128xf32, #tpu.memory_space<hbm>>
        %dma_start3A_416 = tpu.memref_squeeze %dma_start3A_415 : memref<1x16x128xf32, #tpu.memory_space<hbm>> -> memref<16x128xf32, #tpu.memory_space<hbm>>
        %dma_start3A_417 = arith.constant 9984 : i32
        %dma_start3A_418 = arith.constant 0 : i32
        %dma_start3A_419 = tpu.memref_slice %arg5[%dma_start3A_417, %dma_start3A_418] : memref<10240x128xf32, #tpu.memory_space<vmem_shared>> -> memref<16x128xf32, #tpu.memory_space<vmem_shared>>
        tpu.enqueue_dma source(%dma_start3A_419 : memref<16x128xf32, #tpu.memory_space<vmem_shared>>) target(%dma_start3A_416 : memref<16x128xf32, #tpu.memory_space<hbm>>) target_semaphore(%run_scoped3A : memref<!tpu.dma_semaphore, #tpu.memory_space<semaphore_mem>>)
        %dma_wait3A_420 = arith.constant 9984 : i32
        %dma_wait3A_421 = arith.constant 0 : i32
        %dma_wait3A_422 = tpu.memref_slice %arg4[%arg0, %dma_wait3A_420, %dma_wait3A_421] : memref<2x10000x128xf32, #tpu.memory_space<hbm>> -> memref<1x16x128xf32, #tpu.memory_space<hbm>>
        %dma_wait3A_423 = tpu.memref_squeeze %dma_wait3A_422 : memref<1x16x128xf32, #tpu.memory_space<hbm>> -> memref<16x128xf32, #tpu.memory_space<hbm>>
        %dma_wait3A_424 = arith.constant 9984 : i32
        %dma_wait3A_425 = arith.constant 0 : i32
        %dma_wait3A_426 = tpu.memref_slice %arg5[%dma_wait3A_424, %dma_wait3A_425] : memref<10240x128xf32, #tpu.memory_space<vmem_shared>> -> memref<16x128xf32, #tpu.memory_space<vmem_shared>>
        tpu.wait_dma2 semaphore(%run_scoped3A : memref<!tpu.dma_semaphore, #tpu.memory_space<semaphore_mem>>) src(%dma_wait3A_426 : memref<16x128xf32, #tpu.memory_space<vmem_shared>>) dst(%dma_wait3A_423 : memref<16x128xf32, #tpu.memory_space<hbm>>)
        tpu.yield
      }) : () -> ()
    } else {
    }
    return
  }
}

#map = affine_map<(d0, d1) -> (0, 0)>
#map1 = affine_map<(d0, d1) -> (0, 0, 0)>
module attributes {stable_mosaic.version = 14 : i64} {
  func.func @_sc_agg_body(%arg0: i32, %arg1: i32, %arg2: memref<10000x128xf32, #tpu.memory_space<hbm>>, %arg3: memref<2560x128xi32, #tpu.memory_space<hbm>>, %arg4: memref<2x10000x128xf32, #tpu.memory_space<hbm>>, %arg5: memref<10240x128xf32, #tpu.memory_space<vmem_shared>>, %arg6: memref<80x128xi32, #tpu.memory_space<vmem>>, %arg7: memref<128x128xf32, #tpu.memory_space<vmem>>, %arg8: memref<128x128xf32, #tpu.memory_space<vmem>>, %arg9: memref<128xi32, #tpu.memory_space<vmem>>, %arg10: memref<128xi32, #tpu.memory_space<vmem>>, %arg11: memref<128xi32, #tpu.memory_space<vmem>>, %arg12: memref<128xi32, #tpu.memory_space<vmem>>, %arg13: memref<!tpu.dma_semaphore, #tpu.memory_space<semaphore_mem>>, %arg14: memref<!tpu.dma_semaphore, #tpu.memory_space<semaphore_mem>>, %arg15: memref<!tpu.dma_semaphore, #tpu.memory_space<semaphore_mem>>, %arg16: memref<!tpu.dma_semaphore, #tpu.memory_space<semaphore_mem>>) attributes {dimension_semantics = [#tpu.dimension_semantics<core_parallel>, #tpu.dimension_semantics<subcore_parallel>], iteration_bounds = array<i64: 2, 16>, scalar_prefetch = 0 : i64, scratch_operands = 12 : i64, tpu.core_type = #tpu.core_type<sc_vector_subcore>, window_params = [{transform_indices = #map}, {transform_indices = #map}, {transform_indices = #map1}]} {
    %mul3A = arith.constant 2 : i32
    %mul3A_0 = arith.muli %arg1, %mul3A : i32
    %add3A = arith.addi %mul3A_0, %arg0 : i32
    %scan3A = arith.constant 0 : i32
    %scan3A_1 = arith.constant 0 : i32
    %scan3A_2 = arith.constant 128 : i32
    %scan3A_3 = arith.addi %scan3A_1, %scan3A_2 : i32
    %scan3A_4 = arith.constant 1 : i32
    scf.for %scan3A_413 = %scan3A_1 to %scan3A_3 step %scan3A_4  : i32 {
      %broadcast_in_dim3A = arith.constant 0.000000e+00 : f32
      %broadcast_in_dim3A_414 = vector.broadcast %broadcast_in_dim3A : f32 to vector<16xf32>
      %swap3A_415 = arith.index_cast %scan3A_413 : i32 to index
      %swap3A_416 = arith.constant 0 : index
      %swap3A_417 = tpu.vector_load %arg7[%swap3A_415, %swap3A_416] {strides = array<i32>} : memref<128x128xf32, #tpu.memory_space<vmem>>, vector<1x16xf32>,
      %swap3A_418 = vector.shape_cast %swap3A_417 : vector<1x16xf32> to vector<16xf32>
      %swap3A_419 = vector.shape_cast %broadcast_in_dim3A_414 : vector<16xf32> to vector<1x16xf32>
      tpu.vector_store %arg7[%swap3A_415, %swap3A_416], %swap3A_419 {strides = array<i32>} : memref<128x128xf32, #tpu.memory_space<vmem>>, vector<1x16xf32>,
      %broadcast_in_dim3A_420 = arith.constant 0.000000e+00 : f32
      %broadcast_in_dim3A_421 = vector.broadcast %broadcast_in_dim3A_420 : f32 to vector<16xf32>
      %swap3A_422 = arith.index_cast %scan3A_413 : i32 to index
      %swap3A_423 = arith.constant 16 : index
      %swap3A_424 = tpu.vector_load %arg7[%swap3A_422, %swap3A_423] {strides = array<i32>} : memref<128x128xf32, #tpu.memory_space<vmem>>, vector<1x16xf32>,
      %swap3A_425 = vector.shape_cast %swap3A_424 : vector<1x16xf32> to vector<16xf32>
      %swap3A_426 = vector.shape_cast %broadcast_in_dim3A_421 : vector<16xf32> to vector<1x16xf32>
      tpu.vector_store %arg7[%swap3A_422, %swap3A_423], %swap3A_426 {strides = array<i32>} : memref<128x128xf32, #tpu.memory_space<vmem>>, vector<1x16xf32>,
      %broadcast_in_dim3A_427 = arith.constant 0.000000e+00 : f32
      %broadcast_in_dim3A_428 = vector.broadcast %broadcast_in_dim3A_427 : f32 to vector<16xf32>
      %swap3A_429 = arith.index_cast %scan3A_413 : i32 to index
      %swap3A_430 = arith.constant 32 : index
      %swap3A_431 = tpu.vector_load %arg7[%swap3A_429, %swap3A_430] {strides = array<i32>} : memref<128x128xf32, #tpu.memory_space<vmem>>, vector<1x16xf32>,
      %swap3A_432 = vector.shape_cast %swap3A_431 : vector<1x16xf32> to vector<16xf32>
      %swap3A_433 = vector.shape_cast %broadcast_in_dim3A_428 : vector<16xf32> to vector<1x16xf32>
      tpu.vector_store %arg7[%swap3A_429, %swap3A_430], %swap3A_433 {strides = array<i32>} : memref<128x128xf32, #tpu.memory_space<vmem>>, vector<1x16xf32>,
      %broadcast_in_dim3A_434 = arith.constant 0.000000e+00 : f32
      %broadcast_in_dim3A_435 = vector.broadcast %broadcast_in_dim3A_434 : f32 to vector<16xf32>
      %swap3A_436 = arith.index_cast %scan3A_413 : i32 to index
      %swap3A_437 = arith.constant 48 : index
      %swap3A_438 = tpu.vector_load %arg7[%swap3A_436, %swap3A_437] {strides = array<i32>} : memref<128x128xf32, #tpu.memory_space<vmem>>, vector<1x16xf32>,
      %swap3A_439 = vector.shape_cast %swap3A_438 : vector<1x16xf32> to vector<16xf32>
      %swap3A_440 = vector.shape_cast %broadcast_in_dim3A_435 : vector<16xf32> to vector<1x16xf32>
      tpu.vector_store %arg7[%swap3A_436, %swap3A_437], %swap3A_440 {strides = array<i32>} : memref<128x128xf32, #tpu.memory_space<vmem>>, vector<1x16xf32>,
      %broadcast_in_dim3A_441 = arith.constant 0.000000e+00 : f32
      %broadcast_in_dim3A_442 = vector.broadcast %broadcast_in_dim3A_441 : f32 to vector<16xf32>
      %swap3A_443 = arith.index_cast %scan3A_413 : i32 to index
      %swap3A_444 = arith.constant 64 : index
      %swap3A_445 = tpu.vector_load %arg7[%swap3A_443, %swap3A_444] {strides = array<i32>} : memref<128x128xf32, #tpu.memory_space<vmem>>, vector<1x16xf32>,
      %swap3A_446 = vector.shape_cast %swap3A_445 : vector<1x16xf32> to vector<16xf32>
      %swap3A_447 = vector.shape_cast %broadcast_in_dim3A_442 : vector<16xf32> to vector<1x16xf32>
      tpu.vector_store %arg7[%swap3A_443, %swap3A_444], %swap3A_447 {strides = array<i32>} : memref<128x128xf32, #tpu.memory_space<vmem>>, vector<1x16xf32>,
      %broadcast_in_dim3A_448 = arith.constant 0.000000e+00 : f32
      %broadcast_in_dim3A_449 = vector.broadcast %broadcast_in_dim3A_448 : f32 to vector<16xf32>
      %swap3A_450 = arith.index_cast %scan3A_413 : i32 to index
      %swap3A_451 = arith.constant 80 : index
      %swap3A_452 = tpu.vector_load %arg7[%swap3A_450, %swap3A_451] {strides = array<i32>} : memref<128x128xf32, #tpu.memory_space<vmem>>, vector<1x16xf32>,
      %swap3A_453 = vector.shape_cast %swap3A_452 : vector<1x16xf32> to vector<16xf32>
      %swap3A_454 = vector.shape_cast %broadcast_in_dim3A_449 : vector<16xf32> to vector<1x16xf32>
      tpu.vector_store %arg7[%swap3A_450, %swap3A_451], %swap3A_454 {strides = array<i32>} : memref<128x128xf32, #tpu.memory_space<vmem>>, vector<1x16xf32>,
      %broadcast_in_dim3A_455 = arith.constant 0.000000e+00 : f32
      %broadcast_in_dim3A_456 = vector.broadcast %broadcast_in_dim3A_455 : f32 to vector<16xf32>
      %swap3A_457 = arith.index_cast %scan3A_413 : i32 to index
      %swap3A_458 = arith.constant 96 : index
      %swap3A_459 = tpu.vector_load %arg7[%swap3A_457, %swap3A_458] {strides = array<i32>} : memref<128x128xf32, #tpu.memory_space<vmem>>, vector<1x16xf32>,
      %swap3A_460 = vector.shape_cast %swap3A_459 : vector<1x16xf32> to vector<16xf32>
      %swap3A_461 = vector.shape_cast %broadcast_in_dim3A_456 : vector<16xf32> to vector<1x16xf32>
      tpu.vector_store %arg7[%swap3A_457, %swap3A_458], %swap3A_461 {strides = array<i32>} : memref<128x128xf32, #tpu.memory_space<vmem>>, vector<1x16xf32>,
      %broadcast_in_dim3A_462 = arith.constant 0.000000e+00 : f32
      %broadcast_in_dim3A_463 = vector.broadcast %broadcast_in_dim3A_462 : f32 to vector<16xf32>
      %swap3A_464 = arith.index_cast %scan3A_413 : i32 to index
      %swap3A_465 = arith.constant 112 : index
      %swap3A_466 = tpu.vector_load %arg7[%swap3A_464, %swap3A_465] {strides = array<i32>} : memref<128x128xf32, #tpu.memory_space<vmem>>, vector<1x16xf32>,
      %swap3A_467 = vector.shape_cast %swap3A_466 : vector<1x16xf32> to vector<16xf32>
      %swap3A_468 = vector.shape_cast %broadcast_in_dim3A_463 : vector<16xf32> to vector<1x16xf32>
      tpu.vector_store %arg7[%swap3A_464, %swap3A_465], %swap3A_468 {strides = array<i32>} : memref<128x128xf32, #tpu.memory_space<vmem>>, vector<1x16xf32>,
    }
    %scan3A_5 = arith.constant 128 : i32
    %mul3A_6 = arith.constant 640 : i32
    %mul3A_7 = arith.muli %arg1, %mul3A_6 : i32
    %add3A_8 = arith.constant 0 : i32
    %add3A_9 = arith.addi %mul3A_7, %add3A_8 : i32
    "tpu.region"() ({
      %run_scoped3A = tpu.sem_alloc : memref<!tpu.dma_semaphore, #tpu.memory_space<semaphore_mem>>
      %dma_start3A_413 = arith.constant 0 : i32
      %dma_start3A_414 = tpu.memref_slice %arg5[%add3A_9, %dma_start3A_413] : memref<10240x128xf32, #tpu.memory_space<vmem_shared>> -> memref<128x128xf32, #tpu.memory_space<vmem_shared>>
      %dma_start3A_415 = arith.constant 0 : i32
      %dma_start3A_416 = tpu.memref_slice %arg5[%add3A_9, %dma_start3A_415] : memref<10240x128xf32, #tpu.memory_space<vmem_shared>> -> memref<128x128xf32, #tpu.memory_space<vmem_shared>>
      tpu.enqueue_dma source(%arg7 : memref<128x128xf32, #tpu.memory_space<vmem>>) target(%dma_start3A_416 : memref<128x128xf32, #tpu.memory_space<vmem_shared>>) target_semaphore(%run_scoped3A : memref<!tpu.dma_semaphore, #tpu.memory_space<semaphore_mem>>)
      %dma_wait3A_417 = arith.constant 0 : i32
      %dma_wait3A_418 = tpu.memref_slice %arg5[%add3A_9, %dma_wait3A_417] : memref<10240x128xf32, #tpu.memory_space<vmem_shared>> -> memref<128x128xf32, #tpu.memory_space<vmem_shared>>
      %dma_wait3A_419 = arith.constant 0 : i32
      %dma_wait3A_420 = tpu.memref_slice %arg5[%add3A_9, %dma_wait3A_419] : memref<10240x128xf32, #tpu.memory_space<vmem_shared>> -> memref<128x128xf32, #tpu.memory_space<vmem_shared>>
      tpu.wait_dma2 semaphore(%run_scoped3A : memref<!tpu.dma_semaphore, #tpu.memory_space<semaphore_mem>>) src(%arg7 : memref<128x128xf32, #tpu.memory_space<vmem>>) dst(%dma_wait3A_420 : memref<128x128xf32, #tpu.memory_space<vmem_shared>>)
      tpu.yield
    }) : () -> ()
    %mul3A_10 = arith.constant 640 : i32
    %mul3A_11 = arith.muli %arg1, %mul3A_10 : i32
    %add3A_12 = arith.constant 128 : i32
    %add3A_13 = arith.addi %mul3A_11, %add3A_12 : i32
    "tpu.region"() ({
      %run_scoped3A = tpu.sem_alloc : memref<!tpu.dma_semaphore, #tpu.memory_space<semaphore_mem>>
      %dma_start3A_413 = arith.constant 0 : i32
      %dma_start3A_414 = tpu.memref_slice %arg5[%add3A_13, %dma_start3A_413] : memref<10240x128xf32, #tpu.memory_space<vmem_shared>> -> memref<128x128xf32, #tpu.memory_space<vmem_shared>>
      %dma_start3A_415 = arith.constant 0 : i32
      %dma_start3A_416 = tpu.memref_slice %arg5[%add3A_13, %dma_start3A_415] : memref<10240x128xf32, #tpu.memory_space<vmem_shared>> -> memref<128x128xf32, #tpu.memory_space<vmem_shared>>
      tpu.enqueue_dma source(%arg7 : memref<128x128xf32, #tpu.memory_space<vmem>>) target(%dma_start3A_416 : memref<128x128xf32, #tpu.memory_space<vmem_shared>>) target_semaphore(%run_scoped3A : memref<!tpu.dma_semaphore, #tpu.memory_space<semaphore_mem>>)
      %dma_wait3A_417 = arith.constant 0 : i32
      %dma_wait3A_418 = tpu.memref_slice %arg5[%add3A_13, %dma_wait3A_417] : memref<10240x128xf32, #tpu.memory_space<vmem_shared>> -> memref<128x128xf32, #tpu.memory_space<vmem_shared>>
      %dma_wait3A_419 = arith.constant 0 : i32
      %dma_wait3A_420 = tpu.memref_slice %arg5[%add3A_13, %dma_wait3A_419] : memref<10240x128xf32, #tpu.memory_space<vmem_shared>> -> memref<128x128xf32, #tpu.memory_space<vmem_shared>>
      tpu.wait_dma2 semaphore(%run_scoped3A : memref<!tpu.dma_semaphore, #tpu.memory_space<semaphore_mem>>) src(%arg7 : memref<128x128xf32, #tpu.memory_space<vmem>>) dst(%dma_wait3A_420 : memref<128x128xf32, #tpu.memory_space<vmem_shared>>)
      tpu.yield
    }) : () -> ()
    %mul3A_14 = arith.constant 640 : i32
    %mul3A_15 = arith.muli %arg1, %mul3A_14 : i32
    %add3A_16 = arith.constant 256 : i32
    %add3A_17 = arith.addi %mul3A_15, %add3A_16 : i32
    "tpu.region"() ({
      %run_scoped3A = tpu.sem_alloc : memref<!tpu.dma_semaphore, #tpu.memory_space<semaphore_mem>>
      %dma_start3A_413 = arith.constant 0 : i32
      %dma_start3A_414 = tpu.memref_slice %arg5[%add3A_17, %dma_start3A_413] : memref<10240x128xf32, #tpu.memory_space<vmem_shared>> -> memref<128x128xf32, #tpu.memory_space<vmem_shared>>
      %dma_start3A_415 = arith.constant 0 : i32
      %dma_start3A_416 = tpu.memref_slice %arg5[%add3A_17, %dma_start3A_415] : memref<10240x128xf32, #tpu.memory_space<vmem_shared>> -> memref<128x128xf32, #tpu.memory_space<vmem_shared>>
      tpu.enqueue_dma source(%arg7 : memref<128x128xf32, #tpu.memory_space<vmem>>) target(%dma_start3A_416 : memref<128x128xf32, #tpu.memory_space<vmem_shared>>) target_semaphore(%run_scoped3A : memref<!tpu.dma_semaphore, #tpu.memory_space<semaphore_mem>>)
      %dma_wait3A_417 = arith.constant 0 : i32
      %dma_wait3A_418 = tpu.memref_slice %arg5[%add3A_17, %dma_wait3A_417] : memref<10240x128xf32, #tpu.memory_space<vmem_shared>> -> memref<128x128xf32, #tpu.memory_space<vmem_shared>>
      %dma_wait3A_419 = arith.constant 0 : i32
      %dma_wait3A_420 = tpu.memref_slice %arg5[%add3A_17, %dma_wait3A_419] : memref<10240x128xf32, #tpu.memory_space<vmem_shared>> -> memref<128x128xf32, #tpu.memory_space<vmem_shared>>
      tpu.wait_dma2 semaphore(%run_scoped3A : memref<!tpu.dma_semaphore, #tpu.memory_space<semaphore_mem>>) src(%arg7 : memref<128x128xf32, #tpu.memory_space<vmem>>) dst(%dma_wait3A_420 : memref<128x128xf32, #tpu.memory_space<vmem_shared>>)
      tpu.yield
    }) : () -> ()
    %mul3A_18 = arith.constant 640 : i32
    %mul3A_19 = arith.muli %arg1, %mul3A_18 : i32
    %add3A_20 = arith.constant 384 : i32
    %add3A_21 = arith.addi %mul3A_19, %add3A_20 : i32
    "tpu.region"() ({
      %run_scoped3A = tpu.sem_alloc : memref<!tpu.dma_semaphore, #tpu.memory_space<semaphore_mem>>
      %dma_start3A_413 = arith.constant 0 : i32
      %dma_start3A_414 = tpu.memref_slice %arg5[%add3A_21, %dma_start3A_413] : memref<10240x128xf32, #tpu.memory_space<vmem_shared>> -> memref<128x128xf32, #tpu.memory_space<vmem_shared>>
      %dma_start3A_415 = arith.constant 0 : i32
      %dma_start3A_416 = tpu.memref_slice %arg5[%add3A_21, %dma_start3A_415] : memref<10240x128xf32, #tpu.memory_space<vmem_shared>> -> memref<128x128xf32, #tpu.memory_space<vmem_shared>>
      tpu.enqueue_dma source(%arg7 : memref<128x128xf32, #tpu.memory_space<vmem>>) target(%dma_start3A_416 : memref<128x128xf32, #tpu.memory_space<vmem_shared>>) target_semaphore(%run_scoped3A : memref<!tpu.dma_semaphore, #tpu.memory_space<semaphore_mem>>)
      %dma_wait3A_417 = arith.constant 0 : i32
      %dma_wait3A_418 = tpu.memref_slice %arg5[%add3A_21, %dma_wait3A_417] : memref<10240x128xf32, #tpu.memory_space<vmem_shared>> -> memref<128x128xf32, #tpu.memory_space<vmem_shared>>
      %dma_wait3A_419 = arith.constant 0 : i32
      %dma_wait3A_420 = tpu.memref_slice %arg5[%add3A_21, %dma_wait3A_419] : memref<10240x128xf32, #tpu.memory_space<vmem_shared>> -> memref<128x128xf32, #tpu.memory_space<vmem_shared>>
      tpu.wait_dma2 semaphore(%run_scoped3A : memref<!tpu.dma_semaphore, #tpu.memory_space<semaphore_mem>>) src(%arg7 : memref<128x128xf32, #tpu.memory_space<vmem>>) dst(%dma_wait3A_420 : memref<128x128xf32, #tpu.memory_space<vmem_shared>>)
      tpu.yield
    }) : () -> ()
    %mul3A_22 = arith.constant 640 : i32
    %mul3A_23 = arith.muli %arg1, %mul3A_22 : i32
    %add3A_24 = arith.constant 512 : i32
    %add3A_25 = arith.addi %mul3A_23, %add3A_24 : i32
    "tpu.region"() ({
      %run_scoped3A = tpu.sem_alloc : memref<!tpu.dma_semaphore, #tpu.memory_space<semaphore_mem>>
      %dma_start3A_413 = arith.constant 0 : i32
      %dma_start3A_414 = tpu.memref_slice %arg5[%add3A_25, %dma_start3A_413] : memref<10240x128xf32, #tpu.memory_space<vmem_shared>> -> memref<128x128xf32, #tpu.memory_space<vmem_shared>>
      %dma_start3A_415 = arith.constant 0 : i32
      %dma_start3A_416 = tpu.memref_slice %arg5[%add3A_25, %dma_start3A_415] : memref<10240x128xf32, #tpu.memory_space<vmem_shared>> -> memref<128x128xf32, #tpu.memory_space<vmem_shared>>
      tpu.enqueue_dma source(%arg7 : memref<128x128xf32, #tpu.memory_space<vmem>>) target(%dma_start3A_416 : memref<128x128xf32, #tpu.memory_space<vmem_shared>>) target_semaphore(%run_scoped3A : memref<!tpu.dma_semaphore, #tpu.memory_space<semaphore_mem>>)
      %dma_wait3A_417 = arith.constant 0 : i32
      %dma_wait3A_418 = tpu.memref_slice %arg5[%add3A_25, %dma_wait3A_417] : memref<10240x128xf32, #tpu.memory_space<vmem_shared>> -> memref<128x128xf32, #tpu.memory_space<vmem_shared>>
      %dma_wait3A_419 = arith.constant 0 : i32
      %dma_wait3A_420 = tpu.memref_slice %arg5[%add3A_25, %dma_wait3A_419] : memref<10240x128xf32, #tpu.memory_space<vmem_shared>> -> memref<128x128xf32, #tpu.memory_space<vmem_shared>>
      tpu.wait_dma2 semaphore(%run_scoped3A : memref<!tpu.dma_semaphore, #tpu.memory_space<semaphore_mem>>) src(%arg7 : memref<128x128xf32, #tpu.memory_space<vmem>>) dst(%dma_wait3A_420 : memref<128x128xf32, #tpu.memory_space<vmem_shared>>)
      tpu.yield
    }) : () -> ()
    %barrier3A = arith.constant 0 : index
    tpu.barrier barrier_id(%barrier3A)
    %mul3A_26 = arith.constant 80 : i32
    %mul3A_27 = arith.muli %add3A, %mul3A_26 : i32
    "tpu.region"() ({
      %run_scoped3A = tpu.sem_alloc : memref<!tpu.dma_semaphore, #tpu.memory_space<semaphore_mem>>
      %dma_start3A_413 = arith.constant 0 : i32
      %dma_start3A_414 = tpu.memref_slice %arg3[%mul3A_27, %dma_start3A_413] : memref<2560x128xi32, #tpu.memory_space<hbm>> -> memref<80x128xi32, #tpu.memory_space<hbm>>
      %dma_start3A_415 = arith.constant 0 : i32
      %dma_start3A_416 = tpu.memref_slice %arg3[%mul3A_27, %dma_start3A_415] : memref<2560x128xi32, #tpu.memory_space<hbm>> -> memref<80x128xi32, #tpu.memory_space<hbm>>
      tpu.enqueue_dma source(%dma_start3A_416 : memref<80x128xi32, #tpu.memory_space<hbm>>) target(%arg6 : memref<80x128xi32, #tpu.memory_space<vmem>>) target_semaphore(%run_scoped3A : memref<!tpu.dma_semaphore, #tpu.memory_space<semaphore_mem>>)
      %dma_wait3A_417 = arith.constant 0 : i32
      %dma_wait3A_418 = tpu.memref_slice %arg3[%mul3A_27, %dma_wait3A_417] : memref<2560x128xi32, #tpu.memory_space<hbm>> -> memref<80x128xi32, #tpu.memory_space<hbm>>
      %dma_wait3A_419 = arith.constant 0 : i32
      %dma_wait3A_420 = tpu.memref_slice %arg3[%mul3A_27, %dma_wait3A_419] : memref<2560x128xi32, #tpu.memory_space<hbm>> -> memref<80x128xi32, #tpu.memory_space<hbm>>
      tpu.wait_dma2 semaphore(%run_scoped3A : memref<!tpu.dma_semaphore, #tpu.memory_space<semaphore_mem>>) src(%dma_wait3A_420 : memref<80x128xi32, #tpu.memory_space<hbm>>) dst(%arg6 : memref<80x128xi32, #tpu.memory_space<vmem>>)
      tpu.yield
    }) : () -> ()
    %get3A = arith.constant 0 : i32
    %get3A_28 = arith.index_cast %get3A : i32 to index
    %get3A_29 = arith.constant 0 : index
    %get3A_30 = tpu.vector_load %arg6[%get3A_28, %get3A_29] {strides = array<i32>} : memref<80x128xi32, #tpu.memory_space<vmem>>, vector<1x16xi32>,
    %get3A_31 = vector.shape_cast %get3A_30 : vector<1x16xi32> to vector<16xi32>
    %and3A = arith.constant 65535 : i32
    %and3A_32 = vector.broadcast %and3A : i32 to vector<16xi32>
    %and3A_33 = arith.andi %get3A_31, %and3A_32 : vector<16xi32>
    %swap3A = arith.constant 0 : index
    %swap3A_34 = tpu.vector_load %arg9[%swap3A] {strides = array<i32>} : memref<128xi32, #tpu.memory_space<vmem>>, vector<16xi32>,
    %swap3A_35 = vector.shape_cast %swap3A_34 : vector<16xi32> to vector<16xi32>
    %swap3A_36 = vector.shape_cast %and3A_33 : vector<16xi32> to vector<16xi32>
    tpu.vector_store %arg9[%swap3A], %swap3A_36 {strides = array<i32>} : memref<128xi32, #tpu.memory_space<vmem>>, vector<16xi32>,
    %shift_right_logical3A = arith.constant 16 : i32
    %shift_right_logical3A_37 = vector.broadcast %shift_right_logical3A : i32 to vector<16xi32>
    %shift_right_logical3A_38 = arith.shrui %get3A_31, %shift_right_logical3A_37 : vector<16xi32>
    %swap3A_39 = arith.constant 0 : index
    %swap3A_40 = tpu.vector_load %arg11[%swap3A_39] {strides = array<i32>} : memref<128xi32, #tpu.memory_space<vmem>>, vector<16xi32>,
    %swap3A_41 = vector.shape_cast %swap3A_40 : vector<16xi32> to vector<16xi32>
    %swap3A_42 = vector.shape_cast %shift_right_logical3A_38 : vector<16xi32> to vector<16xi32>
    tpu.vector_store %arg11[%swap3A_39], %swap3A_42 {strides = array<i32>} : memref<128xi32, #tpu.memory_space<vmem>>, vector<16xi32>,
    %get3A_43 = arith.constant 0 : i32
    %get3A_44 = arith.index_cast %get3A_43 : i32 to index
    %get3A_45 = arith.constant 16 : index
    %get3A_46 = tpu.vector_load %arg6[%get3A_44, %get3A_45] {strides = array<i32>} : memref<80x128xi32, #tpu.memory_space<vmem>>, vector<1x16xi32>,
    %get3A_47 = vector.shape_cast %get3A_46 : vector<1x16xi32> to vector<16xi32>
    %and3A_48 = arith.constant 65535 : i32
    %and3A_49 = vector.broadcast %and3A_48 : i32 to vector<16xi32>
    %and3A_50 = arith.andi %get3A_47, %and3A_49 : vector<16xi32>
    %swap3A_51 = arith.constant 16 : index
    %swap3A_52 = tpu.vector_load %arg9[%swap3A_51] {strides = array<i32>} : memref<128xi32, #tpu.memory_space<vmem>>, vector<16xi32>,
    %swap3A_53 = vector.shape_cast %swap3A_52 : vector<16xi32> to vector<16xi32>
    %swap3A_54 = vector.shape_cast %and3A_50 : vector<16xi32> to vector<16xi32>
    tpu.vector_store %arg9[%swap3A_51], %swap3A_54 {strides = array<i32>} : memref<128xi32, #tpu.memory_space<vmem>>, vector<16xi32>,
    %shift_right_logical3A_55 = arith.constant 16 : i32
    %shift_right_logical3A_56 = vector.broadcast %shift_right_logical3A_55 : i32 to vector<16xi32>
    %shift_right_logical3A_57 = arith.shrui %get3A_47, %shift_right_logical3A_56 : vector<16xi32>
    %swap3A_58 = arith.constant 16 : index
    %swap3A_59 = tpu.vector_load %arg11[%swap3A_58] {strides = array<i32>} : memref<128xi32, #tpu.memory_space<vmem>>, vector<16xi32>,
    %swap3A_60 = vector.shape_cast %swap3A_59 : vector<16xi32> to vector<16xi32>
    %swap3A_61 = vector.shape_cast %shift_right_logical3A_57 : vector<16xi32> to vector<16xi32>
    tpu.vector_store %arg11[%swap3A_58], %swap3A_61 {strides = array<i32>} : memref<128xi32, #tpu.memory_space<vmem>>, vector<16xi32>,
    %get3A_62 = arith.constant 0 : i32
    %get3A_63 = arith.index_cast %get3A_62 : i32 to index
    %get3A_64 = arith.constant 32 : index
    %get3A_65 = tpu.vector_load %arg6[%get3A_63, %get3A_64] {strides = array<i32>} : memref<80x128xi32, #tpu.memory_space<vmem>>, vector<1x16xi32>,
    %get3A_66 = vector.shape_cast %get3A_65 : vector<1x16xi32> to vector<16xi32>
    %and3A_67 = arith.constant 65535 : i32
    %and3A_68 = vector.broadcast %and3A_67 : i32 to vector<16xi32>
    %and3A_69 = arith.andi %get3A_66, %and3A_68 : vector<16xi32>
    %swap3A_70 = arith.constant 32 : index
    %swap3A_71 = tpu.vector_load %arg9[%swap3A_70] {strides = array<i32>} : memref<128xi32, #tpu.memory_space<vmem>>, vector<16xi32>,
    %swap3A_72 = vector.shape_cast %swap3A_71 : vector<16xi32> to vector<16xi32>
    %swap3A_73 = vector.shape_cast %and3A_69 : vector<16xi32> to vector<16xi32>
    tpu.vector_store %arg9[%swap3A_70], %swap3A_73 {strides = array<i32>} : memref<128xi32, #tpu.memory_space<vmem>>, vector<16xi32>,
    %shift_right_logical3A_74 = arith.constant 16 : i32
    %shift_right_logical3A_75 = vector.broadcast %shift_right_logical3A_74 : i32 to vector<16xi32>
    %shift_right_logical3A_76 = arith.shrui %get3A_66, %shift_right_logical3A_75 : vector<16xi32>
    %swap3A_77 = arith.constant 32 : index
    %swap3A_78 = tpu.vector_load %arg11[%swap3A_77] {strides = array<i32>} : memref<128xi32, #tpu.memory_space<vmem>>, vector<16xi32>,
    %swap3A_79 = vector.shape_cast %swap3A_78 : vector<16xi32> to vector<16xi32>
    %swap3A_80 = vector.shape_cast %shift_right_logical3A_76 : vector<16xi32> to vector<16xi32>
    tpu.vector_store %arg11[%swap3A_77], %swap3A_80 {strides = array<i32>} : memref<128xi32, #tpu.memory_space<vmem>>, vector<16xi32>,
    %get3A_81 = arith.constant 0 : i32
    %get3A_82 = arith.index_cast %get3A_81 : i32 to index
    %get3A_83 = arith.constant 48 : index
    %get3A_84 = tpu.vector_load %arg6[%get3A_82, %get3A_83] {strides = array<i32>} : memref<80x128xi32, #tpu.memory_space<vmem>>, vector<1x16xi32>,
    %get3A_85 = vector.shape_cast %get3A_84 : vector<1x16xi32> to vector<16xi32>
    %and3A_86 = arith.constant 65535 : i32
    %and3A_87 = vector.broadcast %and3A_86 : i32 to vector<16xi32>
    %and3A_88 = arith.andi %get3A_85, %and3A_87 : vector<16xi32>
    %swap3A_89 = arith.constant 48 : index
    %swap3A_90 = tpu.vector_load %arg9[%swap3A_89] {strides = array<i32>} : memref<128xi32, #tpu.memory_space<vmem>>, vector<16xi32>,
    %swap3A_91 = vector.shape_cast %swap3A_90 : vector<16xi32> to vector<16xi32>
    %swap3A_92 = vector.shape_cast %and3A_88 : vector<16xi32> to vector<16xi32>
    tpu.vector_store %arg9[%swap3A_89], %swap3A_92 {strides = array<i32>} : memref<128xi32, #tpu.memory_space<vmem>>, vector<16xi32>,
    %shift_right_logical3A_93 = arith.constant 16 : i32
    %shift_right_logical3A_94 = vector.broadcast %shift_right_logical3A_93 : i32 to vector<16xi32>
    %shift_right_logical3A_95 = arith.shrui %get3A_85, %shift_right_logical3A_94 : vector<16xi32>
    %swap3A_96 = arith.constant 48 : index
    %swap3A_97 = tpu.vector_load %arg11[%swap3A_96] {strides = array<i32>} : memref<128xi32, #tpu.memory_space<vmem>>, vector<16xi32>,
    %swap3A_98 = vector.shape_cast %swap3A_97 : vector<16xi32> to vector<16xi32>
    %swap3A_99 = vector.shape_cast %shift_right_logical3A_95 : vector<16xi32> to vector<16xi32>
    tpu.vector_store %arg11[%swap3A_96], %swap3A_99 {strides = array<i32>} : memref<128xi32, #tpu.memory_space<vmem>>, vector<16xi32>,
    %get3A_100 = arith.constant 0 : i32
    %get3A_101 = arith.index_cast %get3A_100 : i32 to index
    %get3A_102 = arith.constant 64 : index
    %get3A_103 = tpu.vector_load %arg6[%get3A_101, %get3A_102] {strides = array<i32>} : memref<80x128xi32, #tpu.memory_space<vmem>>, vector<1x16xi32>,
    %get3A_104 = vector.shape_cast %get3A_103 : vector<1x16xi32> to vector<16xi32>
    %and3A_105 = arith.constant 65535 : i32
    %and3A_106 = vector.broadcast %and3A_105 : i32 to vector<16xi32>
    %and3A_107 = arith.andi %get3A_104, %and3A_106 : vector<16xi32>
    %swap3A_108 = arith.constant 64 : index
    %swap3A_109 = tpu.vector_load %arg9[%swap3A_108] {strides = array<i32>} : memref<128xi32, #tpu.memory_space<vmem>>, vector<16xi32>,
    %swap3A_110 = vector.shape_cast %swap3A_109 : vector<16xi32> to vector<16xi32>
    %swap3A_111 = vector.shape_cast %and3A_107 : vector<16xi32> to vector<16xi32>
    tpu.vector_store %arg9[%swap3A_108], %swap3A_111 {strides = array<i32>} : memref<128xi32, #tpu.memory_space<vmem>>, vector<16xi32>,
    %shift_right_logical3A_112 = arith.constant 16 : i32
    %shift_right_logical3A_113 = vector.broadcast %shift_right_logical3A_112 : i32 to vector<16xi32>
    %shift_right_logical3A_114 = arith.shrui %get3A_104, %shift_right_logical3A_113 : vector<16xi32>
    %swap3A_115 = arith.constant 64 : index
    %swap3A_116 = tpu.vector_load %arg11[%swap3A_115] {strides = array<i32>} : memref<128xi32, #tpu.memory_space<vmem>>, vector<16xi32>,
    %swap3A_117 = vector.shape_cast %swap3A_116 : vector<16xi32> to vector<16xi32>
    %swap3A_118 = vector.shape_cast %shift_right_logical3A_114 : vector<16xi32> to vector<16xi32>
    tpu.vector_store %arg11[%swap3A_115], %swap3A_118 {strides = array<i32>} : memref<128xi32, #tpu.memory_space<vmem>>, vector<16xi32>,
    %get3A_119 = arith.constant 0 : i32
    %get3A_120 = arith.index_cast %get3A_119 : i32 to index
    %get3A_121 = arith.constant 80 : index
    %get3A_122 = tpu.vector_load %arg6[%get3A_120, %get3A_121] {strides = array<i32>} : memref<80x128xi32, #tpu.memory_space<vmem>>, vector<1x16xi32>,
    %get3A_123 = vector.shape_cast %get3A_122 : vector<1x16xi32> to vector<16xi32>
    %and3A_124 = arith.constant 65535 : i32
    %and3A_125 = vector.broadcast %and3A_124 : i32 to vector<16xi32>
    %and3A_126 = arith.andi %get3A_123, %and3A_125 : vector<16xi32>
    %swap3A_127 = arith.constant 80 : index
    %swap3A_128 = tpu.vector_load %arg9[%swap3A_127] {strides = array<i32>} : memref<128xi32, #tpu.memory_space<vmem>>, vector<16xi32>,
    %swap3A_129 = vector.shape_cast %swap3A_128 : vector<16xi32> to vector<16xi32>
    %swap3A_130 = vector.shape_cast %and3A_126 : vector<16xi32> to vector<16xi32>
    tpu.vector_store %arg9[%swap3A_127], %swap3A_130 {strides = array<i32>} : memref<128xi32, #tpu.memory_space<vmem>>, vector<16xi32>,
    %shift_right_logical3A_131 = arith.constant 16 : i32
    %shift_right_logical3A_132 = vector.broadcast %shift_right_logical3A_131 : i32 to vector<16xi32>
    %shift_right_logical3A_133 = arith.shrui %get3A_123, %shift_right_logical3A_132 : vector<16xi32>
    %swap3A_134 = arith.constant 80 : index
    %swap3A_135 = tpu.vector_load %arg11[%swap3A_134] {strides = array<i32>} : memref<128xi32, #tpu.memory_space<vmem>>, vector<16xi32>,
    %swap3A_136 = vector.shape_cast %swap3A_135 : vector<16xi32> to vector<16xi32>
    %swap3A_137 = vector.shape_cast %shift_right_logical3A_133 : vector<16xi32> to vector<16xi32>
    tpu.vector_store %arg11[%swap3A_134], %swap3A_137 {strides = array<i32>} : memref<128xi32, #tpu.memory_space<vmem>>, vector<16xi32>,
    %get3A_138 = arith.constant 0 : i32
    %get3A_139 = arith.index_cast %get3A_138 : i32 to index
    %get3A_140 = arith.constant 96 : index
    %get3A_141 = tpu.vector_load %arg6[%get3A_139, %get3A_140] {strides = array<i32>} : memref<80x128xi32, #tpu.memory_space<vmem>>, vector<1x16xi32>,
    %get3A_142 = vector.shape_cast %get3A_141 : vector<1x16xi32> to vector<16xi32>
    %and3A_143 = arith.constant 65535 : i32
    %and3A_144 = vector.broadcast %and3A_143 : i32 to vector<16xi32>
    %and3A_145 = arith.andi %get3A_142, %and3A_144 : vector<16xi32>
    %swap3A_146 = arith.constant 96 : index
    %swap3A_147 = tpu.vector_load %arg9[%swap3A_146] {strides = array<i32>} : memref<128xi32, #tpu.memory_space<vmem>>, vector<16xi32>,
    %swap3A_148 = vector.shape_cast %swap3A_147 : vector<16xi32> to vector<16xi32>
    %swap3A_149 = vector.shape_cast %and3A_145 : vector<16xi32> to vector<16xi32>
    tpu.vector_store %arg9[%swap3A_146], %swap3A_149 {strides = array<i32>} : memref<128xi32, #tpu.memory_space<vmem>>, vector<16xi32>,
    %shift_right_logical3A_150 = arith.constant 16 : i32
    %shift_right_logical3A_151 = vector.broadcast %shift_right_logical3A_150 : i32 to vector<16xi32>
    %shift_right_logical3A_152 = arith.shrui %get3A_142, %shift_right_logical3A_151 : vector<16xi32>
    %swap3A_153 = arith.constant 96 : index
    %swap3A_154 = tpu.vector_load %arg11[%swap3A_153] {strides = array<i32>} : memref<128xi32, #tpu.memory_space<vmem>>, vector<16xi32>,
    %swap3A_155 = vector.shape_cast %swap3A_154 : vector<16xi32> to vector<16xi32>
    %swap3A_156 = vector.shape_cast %shift_right_logical3A_152 : vector<16xi32> to vector<16xi32>
    tpu.vector_store %arg11[%swap3A_153], %swap3A_156 {strides = array<i32>} : memref<128xi32, #tpu.memory_space<vmem>>, vector<16xi32>,
    %get3A_157 = arith.constant 0 : i32
    %get3A_158 = arith.index_cast %get3A_157 : i32 to index
    %get3A_159 = arith.constant 112 : index
    %get3A_160 = tpu.vector_load %arg6[%get3A_158, %get3A_159] {strides = array<i32>} : memref<80x128xi32, #tpu.memory_space<vmem>>, vector<1x16xi32>,
    %get3A_161 = vector.shape_cast %get3A_160 : vector<1x16xi32> to vector<16xi32>
    %and3A_162 = arith.constant 65535 : i32
    %and3A_163 = vector.broadcast %and3A_162 : i32 to vector<16xi32>
    %and3A_164 = arith.andi %get3A_161, %and3A_163 : vector<16xi32>
    %swap3A_165 = arith.constant 112 : index
    %swap3A_166 = tpu.vector_load %arg9[%swap3A_165] {strides = array<i32>} : memref<128xi32, #tpu.memory_space<vmem>>, vector<16xi32>,
    %swap3A_167 = vector.shape_cast %swap3A_166 : vector<16xi32> to vector<16xi32>
    %swap3A_168 = vector.shape_cast %and3A_164 : vector<16xi32> to vector<16xi32>
    tpu.vector_store %arg9[%swap3A_165], %swap3A_168 {strides = array<i32>} : memref<128xi32, #tpu.memory_space<vmem>>, vector<16xi32>,
    %shift_right_logical3A_169 = arith.constant 16 : i32
    %shift_right_logical3A_170 = vector.broadcast %shift_right_logical3A_169 : i32 to vector<16xi32>
    %shift_right_logical3A_171 = arith.shrui %get3A_161, %shift_right_logical3A_170 : vector<16xi32>
    %swap3A_172 = arith.constant 112 : index
    %swap3A_173 = tpu.vector_load %arg11[%swap3A_172] {strides = array<i32>} : memref<128xi32, #tpu.memory_space<vmem>>, vector<16xi32>,
    %swap3A_174 = vector.shape_cast %swap3A_173 : vector<16xi32> to vector<16xi32>
    %swap3A_175 = vector.shape_cast %shift_right_logical3A_171 : vector<16xi32> to vector<16xi32>
    tpu.vector_store %arg11[%swap3A_172], %swap3A_175 {strides = array<i32>} : memref<128xi32, #tpu.memory_space<vmem>>, vector<16xi32>,
    %dma_start3A = arith.constant 0 : i32
    %dma_start3A_176 = arith.constant 0 : i32
    %dma_start3A_177 = tpu.memref_slice %arg7[%dma_start3A, %dma_start3A_176] : memref<128x128xf32, #tpu.memory_space<vmem>> -> memref<64x128xf32, #tpu.memory_space<vmem>>
    %dma_start3A_178 = arith.constant 0 : i32
    %dma_start3A_179 = tpu.memref_slice %arg9[%dma_start3A_178] : memref<128xi32, #tpu.memory_space<vmem>> -> memref<64xi32, #tpu.memory_space<vmem>>
    %dma_start3A_180 = arith.constant 0 : i32
    %dma_start3A_181 = arith.constant 0 : i32
    %dma_start3A_182 = tpu.memref_slice %arg2[%dma_start3A_180, %dma_start3A_181] : memref<10000x128xf32, #tpu.memory_space<hbm>> -> memref<10000x128xf32, #tpu.memory_space<hbm>>
    tpu.enqueue_indirect_dma source(%dma_start3A_182 : memref<10000x128xf32, #tpu.memory_space<hbm>>) target(%dma_start3A_177 : memref<64x128xf32, #tpu.memory_space<vmem>>) offsets(%dma_start3A_179 : memref<64xi32, #tpu.memory_space<vmem>>) semaphore(%arg13 : memref<!tpu.dma_semaphore, #tpu.memory_space<semaphore_mem>>)
    %dma_start3A_183 = arith.constant 64 : i32
    %dma_start3A_184 = arith.constant 0 : i32
    %dma_start3A_185 = tpu.memref_slice %arg7[%dma_start3A_183, %dma_start3A_184] : memref<128x128xf32, #tpu.memory_space<vmem>> -> memref<64x128xf32, #tpu.memory_space<vmem>>
    %dma_start3A_186 = arith.constant 64 : i32
    %dma_start3A_187 = tpu.memref_slice %arg9[%dma_start3A_186] : memref<128xi32, #tpu.memory_space<vmem>> -> memref<64xi32, #tpu.memory_space<vmem>>
    %dma_start3A_188 = arith.constant 0 : i32
    %dma_start3A_189 = arith.constant 0 : i32
    %dma_start3A_190 = tpu.memref_slice %arg2[%dma_start3A_188, %dma_start3A_189] : memref<10000x128xf32, #tpu.memory_space<hbm>> -> memref<10000x128xf32, #tpu.memory_space<hbm>>
    tpu.enqueue_indirect_dma source(%dma_start3A_190 : memref<10000x128xf32, #tpu.memory_space<hbm>>) target(%dma_start3A_185 : memref<64x128xf32, #tpu.memory_space<vmem>>) offsets(%dma_start3A_187 : memref<64xi32, #tpu.memory_space<vmem>>) semaphore(%arg13 : memref<!tpu.dma_semaphore, #tpu.memory_space<semaphore_mem>>)
    %get3A_191 = arith.constant 1 : i32
    %get3A_192 = arith.index_cast %get3A_191 : i32 to index
    %get3A_193 = arith.constant 0 : index
    %get3A_194 = tpu.vector_load %arg6[%get3A_192, %get3A_193] {strides = array<i32>} : memref<80x128xi32, #tpu.memory_space<vmem>>, vector<1x16xi32>,
    %get3A_195 = vector.shape_cast %get3A_194 : vector<1x16xi32> to vector<16xi32>
    %and3A_196 = arith.constant 65535 : i32
    %and3A_197 = vector.broadcast %and3A_196 : i32 to vector<16xi32>
    %and3A_198 = arith.andi %get3A_195, %and3A_197 : vector<16xi32>
    %swap3A_199 = arith.constant 0 : index
    %swap3A_200 = tpu.vector_load %arg10[%swap3A_199] {strides = array<i32>} : memref<128xi32, #tpu.memory_space<vmem>>, vector<16xi32>,
    %swap3A_201 = vector.shape_cast %swap3A_200 : vector<16xi32> to vector<16xi32>
    %swap3A_202 = vector.shape_cast %and3A_198 : vector<16xi32> to vector<16xi32>
    tpu.vector_store %arg10[%swap3A_199], %swap3A_202 {strides = array<i32>} : memref<128xi32, #tpu.memory_space<vmem>>, vector<16xi32>,
    %shift_right_logical3A_203 = arith.constant 16 : i32
    %shift_right_logical3A_204 = vector.broadcast %shift_right_logical3A_203 : i32 to vector<16xi32>
    %shift_right_logical3A_205 = arith.shrui %get3A_195, %shift_right_logical3A_204 : vector<16xi32>
    %swap3A_206 = arith.constant 0 : index
    %swap3A_207 = tpu.vector_load %arg12[%swap3A_206] {strides = array<i32>} : memref<128xi32, #tpu.memory_space<vmem>>, vector<16xi32>,
    %swap3A_208 = vector.shape_cast %swap3A_207 : vector<16xi32> to vector<16xi32>
    %swap3A_209 = vector.shape_cast %shift_right_logical3A_205 : vector<16xi32> to vector<16xi32>
    tpu.vector_store %arg12[%swap3A_206], %swap3A_209 {strides = array<i32>} : memref<128xi32, #tpu.memory_space<vmem>>, vector<16xi32>,
    %get3A_210 = arith.constant 1 : i32
    %get3A_211 = arith.index_cast %get3A_210 : i32 to index
    %get3A_212 = arith.constant 16 : index
    %get3A_213 = tpu.vector_load %arg6[%get3A_211, %get3A_212] {strides = array<i32>} : memref<80x128xi32, #tpu.memory_space<vmem>>, vector<1x16xi32>,
    %get3A_214 = vector.shape_cast %get3A_213 : vector<1x16xi32> to vector<16xi32>
    %and3A_215 = arith.constant 65535 : i32
    %and3A_216 = vector.broadcast %and3A_215 : i32 to vector<16xi32>
    %and3A_217 = arith.andi %get3A_214, %and3A_216 : vector<16xi32>
    %swap3A_218 = arith.constant 16 : index
    %swap3A_219 = tpu.vector_load %arg10[%swap3A_218] {strides = array<i32>} : memref<128xi32, #tpu.memory_space<vmem>>, vector<16xi32>,
    %swap3A_220 = vector.shape_cast %swap3A_219 : vector<16xi32> to vector<16xi32>
    %swap3A_221 = vector.shape_cast %and3A_217 : vector<16xi32> to vector<16xi32>
    tpu.vector_store %arg10[%swap3A_218], %swap3A_221 {strides = array<i32>} : memref<128xi32, #tpu.memory_space<vmem>>, vector<16xi32>,
    %shift_right_logical3A_222 = arith.constant 16 : i32
    %shift_right_logical3A_223 = vector.broadcast %shift_right_logical3A_222 : i32 to vector<16xi32>
    %shift_right_logical3A_224 = arith.shrui %get3A_214, %shift_right_logical3A_223 : vector<16xi32>
    %swap3A_225 = arith.constant 16 : index
    %swap3A_226 = tpu.vector_load %arg12[%swap3A_225] {strides = array<i32>} : memref<128xi32, #tpu.memory_space<vmem>>, vector<16xi32>,
    %swap3A_227 = vector.shape_cast %swap3A_226 : vector<16xi32> to vector<16xi32>
    %swap3A_228 = vector.shape_cast %shift_right_logical3A_224 : vector<16xi32> to vector<16xi32>
    tpu.vector_store %arg12[%swap3A_225], %swap3A_228 {strides = array<i32>} : memref<128xi32, #tpu.memory_space<vmem>>, vector<16xi32>,
    %get3A_229 = arith.constant 1 : i32
    %get3A_230 = arith.index_cast %get3A_229 : i32 to index
    %get3A_231 = arith.constant 32 : index
    %get3A_232 = tpu.vector_load %arg6[%get3A_230, %get3A_231] {strides = array<i32>} : memref<80x128xi32, #tpu.memory_space<vmem>>, vector<1x16xi32>,
    %get3A_233 = vector.shape_cast %get3A_232 : vector<1x16xi32> to vector<16xi32>
    %and3A_234 = arith.constant 65535 : i32
    %and3A_235 = vector.broadcast %and3A_234 : i32 to vector<16xi32>
    %and3A_236 = arith.andi %get3A_233, %and3A_235 : vector<16xi32>
    %swap3A_237 = arith.constant 32 : index
    %swap3A_238 = tpu.vector_load %arg10[%swap3A_237] {strides = array<i32>} : memref<128xi32, #tpu.memory_space<vmem>>, vector<16xi32>,
    %swap3A_239 = vector.shape_cast %swap3A_238 : vector<16xi32> to vector<16xi32>
    %swap3A_240 = vector.shape_cast %and3A_236 : vector<16xi32> to vector<16xi32>
    tpu.vector_store %arg10[%swap3A_237], %swap3A_240 {strides = array<i32>} : memref<128xi32, #tpu.memory_space<vmem>>, vector<16xi32>,
    %shift_right_logical3A_241 = arith.constant 16 : i32
    %shift_right_logical3A_242 = vector.broadcast %shift_right_logical3A_241 : i32 to vector<16xi32>
    %shift_right_logical3A_243 = arith.shrui %get3A_233, %shift_right_logical3A_242 : vector<16xi32>
    %swap3A_244 = arith.constant 32 : index
    %swap3A_245 = tpu.vector_load %arg12[%swap3A_244] {strides = array<i32>} : memref<128xi32, #tpu.memory_space<vmem>>, vector<16xi32>,
    %swap3A_246 = vector.shape_cast %swap3A_245 : vector<16xi32> to vector<16xi32>
    %swap3A_247 = vector.shape_cast %shift_right_logical3A_243 : vector<16xi32> to vector<16xi32>
    tpu.vector_store %arg12[%swap3A_244], %swap3A_247 {strides = array<i32>} : memref<128xi32, #tpu.memory_space<vmem>>, vector<16xi32>,
    %get3A_248 = arith.constant 1 : i32
    %get3A_249 = arith.index_cast %get3A_248 : i32 to index
    %get3A_250 = arith.constant 48 : index
    %get3A_251 = tpu.vector_load %arg6[%get3A_249, %get3A_250] {strides = array<i32>} : memref<80x128xi32, #tpu.memory_space<vmem>>, vector<1x16xi32>,
    %get3A_252 = vector.shape_cast %get3A_251 : vector<1x16xi32> to vector<16xi32>
    %and3A_253 = arith.constant 65535 : i32
    %and3A_254 = vector.broadcast %and3A_253 : i32 to vector<16xi32>
    %and3A_255 = arith.andi %get3A_252, %and3A_254 : vector<16xi32>
    %swap3A_256 = arith.constant 48 : index
    %swap3A_257 = tpu.vector_load %arg10[%swap3A_256] {strides = array<i32>} : memref<128xi32, #tpu.memory_space<vmem>>, vector<16xi32>,
    %swap3A_258 = vector.shape_cast %swap3A_257 : vector<16xi32> to vector<16xi32>
    %swap3A_259 = vector.shape_cast %and3A_255 : vector<16xi32> to vector<16xi32>
    tpu.vector_store %arg10[%swap3A_256], %swap3A_259 {strides = array<i32>} : memref<128xi32, #tpu.memory_space<vmem>>, vector<16xi32>,
    %shift_right_logical3A_260 = arith.constant 16 : i32
    %shift_right_logical3A_261 = vector.broadcast %shift_right_logical3A_260 : i32 to vector<16xi32>
    %shift_right_logical3A_262 = arith.shrui %get3A_252, %shift_right_logical3A_261 : vector<16xi32>
    %swap3A_263 = arith.constant 48 : index
    %swap3A_264 = tpu.vector_load %arg12[%swap3A_263] {strides = array<i32>} : memref<128xi32, #tpu.memory_space<vmem>>, vector<16xi32>,
    %swap3A_265 = vector.shape_cast %swap3A_264 : vector<16xi32> to vector<16xi32>
    %swap3A_266 = vector.shape_cast %shift_right_logical3A_262 : vector<16xi32> to vector<16xi32>
    tpu.vector_store %arg12[%swap3A_263], %swap3A_266 {strides = array<i32>} : memref<128xi32, #tpu.memory_space<vmem>>, vector<16xi32>,
    %get3A_267 = arith.constant 1 : i32
    %get3A_268 = arith.index_cast %get3A_267 : i32 to index
    %get3A_269 = arith.constant 64 : index
    %get3A_270 = tpu.vector_load %arg6[%get3A_268, %get3A_269] {strides = array<i32>} : memref<80x128xi32, #tpu.memory_space<vmem>>, vector<1x16xi32>,
    %get3A_271 = vector.shape_cast %get3A_270 : vector<1x16xi32> to vector<16xi32>
    %and3A_272 = arith.constant 65535 : i32
    %and3A_273 = vector.broadcast %and3A_272 : i32 to vector<16xi32>
    %and3A_274 = arith.andi %get3A_271, %and3A_273 : vector<16xi32>
    %swap3A_275 = arith.constant 64 : index
    %swap3A_276 = tpu.vector_load %arg10[%swap3A_275] {strides = array<i32>} : memref<128xi32, #tpu.memory_space<vmem>>, vector<16xi32>,
    %swap3A_277 = vector.shape_cast %swap3A_276 : vector<16xi32> to vector<16xi32>
    %swap3A_278 = vector.shape_cast %and3A_274 : vector<16xi32> to vector<16xi32>
    tpu.vector_store %arg10[%swap3A_275], %swap3A_278 {strides = array<i32>} : memref<128xi32, #tpu.memory_space<vmem>>, vector<16xi32>,
    %shift_right_logical3A_279 = arith.constant 16 : i32
    %shift_right_logical3A_280 = vector.broadcast %shift_right_logical3A_279 : i32 to vector<16xi32>
    %shift_right_logical3A_281 = arith.shrui %get3A_271, %shift_right_logical3A_280 : vector<16xi32>
    %swap3A_282 = arith.constant 64 : index
    %swap3A_283 = tpu.vector_load %arg12[%swap3A_282] {strides = array<i32>} : memref<128xi32, #tpu.memory_space<vmem>>, vector<16xi32>,
    %swap3A_284 = vector.shape_cast %swap3A_283 : vector<16xi32> to vector<16xi32>
    %swap3A_285 = vector.shape_cast %shift_right_logical3A_281 : vector<16xi32> to vector<16xi32>
    tpu.vector_store %arg12[%swap3A_282], %swap3A_285 {strides = array<i32>} : memref<128xi32, #tpu.memory_space<vmem>>, vector<16xi32>,
    %get3A_286 = arith.constant 1 : i32
    %get3A_287 = arith.index_cast %get3A_286 : i32 to index
    %get3A_288 = arith.constant 80 : index
    %get3A_289 = tpu.vector_load %arg6[%get3A_287, %get3A_288] {strides = array<i32>} : memref<80x128xi32, #tpu.memory_space<vmem>>, vector<1x16xi32>,
    %get3A_290 = vector.shape_cast %get3A_289 : vector<1x16xi32> to vector<16xi32>
    %and3A_291 = arith.constant 65535 : i32
    %and3A_292 = vector.broadcast %and3A_291 : i32 to vector<16xi32>
    %and3A_293 = arith.andi %get3A_290, %and3A_292 : vector<16xi32>
    %swap3A_294 = arith.constant 80 : index
    %swap3A_295 = tpu.vector_load %arg10[%swap3A_294] {strides = array<i32>} : memref<128xi32, #tpu.memory_space<vmem>>, vector<16xi32>,
    %swap3A_296 = vector.shape_cast %swap3A_295 : vector<16xi32> to vector<16xi32>
    %swap3A_297 = vector.shape_cast %and3A_293 : vector<16xi32> to vector<16xi32>
    tpu.vector_store %arg10[%swap3A_294], %swap3A_297 {strides = array<i32>} : memref<128xi32, #tpu.memory_space<vmem>>, vector<16xi32>,
    %shift_right_logical3A_298 = arith.constant 16 : i32
    %shift_right_logical3A_299 = vector.broadcast %shift_right_logical3A_298 : i32 to vector<16xi32>
    %shift_right_logical3A_300 = arith.shrui %get3A_290, %shift_right_logical3A_299 : vector<16xi32>
    %swap3A_301 = arith.constant 80 : index
    %swap3A_302 = tpu.vector_load %arg12[%swap3A_301] {strides = array<i32>} : memref<128xi32, #tpu.memory_space<vmem>>, vector<16xi32>,
    %swap3A_303 = vector.shape_cast %swap3A_302 : vector<16xi32> to vector<16xi32>
    %swap3A_304 = vector.shape_cast %shift_right_logical3A_300 : vector<16xi32> to vector<16xi32>
    tpu.vector_store %arg12[%swap3A_301], %swap3A_304 {strides = array<i32>} : memref<128xi32, #tpu.memory_space<vmem>>, vector<16xi32>,
    %get3A_305 = arith.constant 1 : i32
    %get3A_306 = arith.index_cast %get3A_305 : i32 to index
    %get3A_307 = arith.constant 96 : index
    %get3A_308 = tpu.vector_load %arg6[%get3A_306, %get3A_307] {strides = array<i32>} : memref<80x128xi32, #tpu.memory_space<vmem>>, vector<1x16xi32>,
    %get3A_309 = vector.shape_cast %get3A_308 : vector<1x16xi32> to vector<16xi32>
    %and3A_310 = arith.constant 65535 : i32
    %and3A_311 = vector.broadcast %and3A_310 : i32 to vector<16xi32>
    %and3A_312 = arith.andi %get3A_309, %and3A_311 : vector<16xi32>
    %swap3A_313 = arith.constant 96 : index
    %swap3A_314 = tpu.vector_load %arg10[%swap3A_313] {strides = array<i32>} : memref<128xi32, #tpu.memory_space<vmem>>, vector<16xi32>,
    %swap3A_315 = vector.shape_cast %swap3A_314 : vector<16xi32> to vector<16xi32>
    %swap3A_316 = vector.shape_cast %and3A_312 : vector<16xi32> to vector<16xi32>
    tpu.vector_store %arg10[%swap3A_313], %swap3A_316 {strides = array<i32>} : memref<128xi32, #tpu.memory_space<vmem>>, vector<16xi32>,
    %shift_right_logical3A_317 = arith.constant 16 : i32
    %shift_right_logical3A_318 = vector.broadcast %shift_right_logical3A_317 : i32 to vector<16xi32>
    %shift_right_logical3A_319 = arith.shrui %get3A_309, %shift_right_logical3A_318 : vector<16xi32>
    %swap3A_320 = arith.constant 96 : index
    %swap3A_321 = tpu.vector_load %arg12[%swap3A_320] {strides = array<i32>} : memref<128xi32, #tpu.memory_space<vmem>>, vector<16xi32>,
    %swap3A_322 = vector.shape_cast %swap3A_321 : vector<16xi32> to vector<16xi32>
    %swap3A_323 = vector.shape_cast %shift_right_logical3A_319 : vector<16xi32> to vector<16xi32>
    tpu.vector_store %arg12[%swap3A_320], %swap3A_323 {strides = array<i32>} : memref<128xi32, #tpu.memory_space<vmem>>, vector<16xi32>,
    %get3A_324 = arith.constant 1 : i32
    %get3A_325 = arith.index_cast %get3A_324 : i32 to index
    %get3A_326 = arith.constant 112 : index
    %get3A_327 = tpu.vector_load %arg6[%get3A_325, %get3A_326] {strides = array<i32>} : memref<80x128xi32, #tpu.memory_space<vmem>>, vector<1x16xi32>,
    %get3A_328 = vector.shape_cast %get3A_327 : vector<1x16xi32> to vector<16xi32>
    %and3A_329 = arith.constant 65535 : i32
    %and3A_330 = vector.broadcast %and3A_329 : i32 to vector<16xi32>
    %and3A_331 = arith.andi %get3A_328, %and3A_330 : vector<16xi32>
    %swap3A_332 = arith.constant 112 : index
    %swap3A_333 = tpu.vector_load %arg10[%swap3A_332] {strides = array<i32>} : memref<128xi32, #tpu.memory_space<vmem>>, vector<16xi32>,
    %swap3A_334 = vector.shape_cast %swap3A_333 : vector<16xi32> to vector<16xi32>
    %swap3A_335 = vector.shape_cast %and3A_331 : vector<16xi32> to vector<16xi32>
    tpu.vector_store %arg10[%swap3A_332], %swap3A_335 {strides = array<i32>} : memref<128xi32, #tpu.memory_space<vmem>>, vector<16xi32>,
    %shift_right_logical3A_336 = arith.constant 16 : i32
    %shift_right_logical3A_337 = vector.broadcast %shift_right_logical3A_336 : i32 to vector<16xi32>
    %shift_right_logical3A_338 = arith.shrui %get3A_328, %shift_right_logical3A_337 : vector<16xi32>
    %swap3A_339 = arith.constant 112 : index
    %swap3A_340 = tpu.vector_load %arg12[%swap3A_339] {strides = array<i32>} : memref<128xi32, #tpu.memory_space<vmem>>, vector<16xi32>,
    %swap3A_341 = vector.shape_cast %swap3A_340 : vector<16xi32> to vector<16xi32>
    %swap3A_342 = vector.shape_cast %shift_right_logical3A_338 : vector<16xi32> to vector<16xi32>
    tpu.vector_store %arg12[%swap3A_339], %swap3A_342 {strides = array<i32>} : memref<128xi32, #tpu.memory_space<vmem>>, vector<16xi32>,
    %dma_start3A_343 = arith.constant 0 : i32
    %dma_start3A_344 = arith.constant 0 : i32
    %dma_start3A_345 = tpu.memref_slice %arg8[%dma_start3A_343, %dma_start3A_344] : memref<128x128xf32, #tpu.memory_space<vmem>> -> memref<64x128xf32, #tpu.memory_space<vmem>>
    %dma_start3A_346 = arith.constant 0 : i32
    %dma_start3A_347 = tpu.memref_slice %arg10[%dma_start3A_346] : memref<128xi32, #tpu.memory_space<vmem>> -> memref<64xi32, #tpu.memory_space<vmem>>
    %dma_start3A_348 = arith.constant 0 : i32
    %dma_start3A_349 = arith.constant 0 : i32
    %dma_start3A_350 = tpu.memref_slice %arg2[%dma_start3A_348, %dma_start3A_349] : memref<10000x128xf32, #tpu.memory_space<hbm>> -> memref<10000x128xf32, #tpu.memory_space<hbm>>
    tpu.enqueue_indirect_dma source(%dma_start3A_350 : memref<10000x128xf32, #tpu.memory_space<hbm>>) target(%dma_start3A_345 : memref<64x128xf32, #tpu.memory_space<vmem>>) offsets(%dma_start3A_347 : memref<64xi32, #tpu.memory_space<vmem>>) semaphore(%arg14 : memref<!tpu.dma_semaphore, #tpu.memory_space<semaphore_mem>>)
    %dma_start3A_351 = arith.constant 64 : i32
    %dma_start3A_352 = arith.constant 0 : i32
    %dma_start3A_353 = tpu.memref_slice %arg8[%dma_start3A_351, %dma_start3A_352] : memref<128x128xf32, #tpu.memory_space<vmem>> -> memref<64x128xf32, #tpu.memory_space<vmem>>
    %dma_start3A_354 = arith.constant 64 : i32
    %dma_start3A_355 = tpu.memref_slice %arg10[%dma_start3A_354] : memref<128xi32, #tpu.memory_space<vmem>> -> memref<64xi32, #tpu.memory_space<vmem>>
    %dma_start3A_356 = arith.constant 0 : i32
    %dma_start3A_357 = arith.constant 0 : i32
    %dma_start3A_358 = tpu.memref_slice %arg2[%dma_start3A_356, %dma_start3A_357] : memref<10000x128xf32, #tpu.memory_space<hbm>> -> memref<10000x128xf32, #tpu.memory_space<hbm>>
    tpu.enqueue_indirect_dma source(%dma_start3A_358 : memref<10000x128xf32, #tpu.memory_space<hbm>>) target(%dma_start3A_353 : memref<64x128xf32, #tpu.memory_space<vmem>>) offsets(%dma_start3A_355 : memref<64xi32, #tpu.memory_space<vmem>>) semaphore(%arg14 : memref<!tpu.dma_semaphore, #tpu.memory_space<semaphore_mem>>)
    %dma_wait3A = arith.constant 0 : i32
    %dma_wait3A_359 = arith.constant 0 : i32
    %dma_wait3A_360 = tpu.memref_slice %arg7[%dma_wait3A, %dma_wait3A_359] : memref<128x128xf32, #tpu.memory_space<vmem>> -> memref<64x128xf32, #tpu.memory_space<vmem>>
    %dma_wait3A_361 = arith.constant 0 : i32
    %dma_wait3A_362 = tpu.memref_slice %arg9[%dma_wait3A_361] : memref<128xi32, #tpu.memory_space<vmem>> -> memref<64xi32, #tpu.memory_space<vmem>>
    %dma_wait3A_363 = arith.constant 0 : i32
    %dma_wait3A_364 = arith.constant 0 : i32
    %dma_wait3A_365 = tpu.memref_slice %arg2[%dma_wait3A_363, %dma_wait3A_364] : memref<10000x128xf32, #tpu.memory_space<hbm>> -> memref<10000x128xf32, #tpu.memory_space<hbm>>
    tpu.wait_indirect_dma semaphore(%arg13 : memref<!tpu.dma_semaphore, #tpu.memory_space<semaphore_mem>>) src(%dma_wait3A_365 : memref<10000x128xf32, #tpu.memory_space<hbm>>) dst(%dma_wait3A_360 : memref<64x128xf32, #tpu.memory_space<vmem>>)
    %dma_wait3A_366 = arith.constant 64 : i32
    %dma_wait3A_367 = arith.constant 0 : i32
    %dma_wait3A_368 = tpu.memref_slice %arg7[%dma_wait3A_366, %dma_wait3A_367] : memref<128x128xf32, #tpu.memory_space<vmem>> -> memref<64x128xf32, #tpu.memory_space<vmem>>
    %dma_wait3A_369 = arith.constant 64 : i32
    %dma_wait3A_370 = tpu.memref_slice %arg9[%dma_wait3A_369] : memref<128xi32, #tpu.memory_space<vmem>> -> memref<64xi32, #tpu.memory_space<vmem>>
    %dma_wait3A_371 = arith.constant 0 : i32
    %dma_wait3A_372 = arith.constant 0 : i32
    %dma_wait3A_373 = tpu.memref_slice %arg2[%dma_wait3A_371, %dma_wait3A_372] : memref<10000x128xf32, #tpu.memory_space<hbm>> -> memref<10000x128xf32, #tpu.memory_space<hbm>>
    tpu.wait_indirect_dma semaphore(%arg13 : memref<!tpu.dma_semaphore, #tpu.memory_space<semaphore_mem>>) src(%dma_wait3A_373 : memref<10000x128xf32, #tpu.memory_space<hbm>>) dst(%dma_wait3A_368 : memref<64x128xf32, #tpu.memory_space<vmem>>)
    %dma_start3A_374 = arith.constant 0 : i32
    %dma_start3A_375 = arith.constant 0 : i32
    %dma_start3A_376 = tpu.memref_slice %arg5[%dma_start3A_374, %dma_start3A_375] : memref<10240x128xf32, #tpu.memory_space<vmem_shared>> -> memref<10240x128xf32, #tpu.memory_space<vmem_shared>>
    tpu.enqueue_indirect_dma source(%arg7 : memref<128x128xf32, #tpu.memory_space<vmem>>) target(%dma_start3A_376 : memref<10240x128xf32, #tpu.memory_space<vmem_shared>>) offsets(%arg11 : memref<128xi32, #tpu.memory_space<vmem>>) semaphore(%arg15 : memref<!tpu.dma_semaphore, #tpu.memory_space<semaphore_mem>>) {add = true}
    %scan3A_377 = arith.constant 0 : i32
    %scan3A_378 = arith.constant 0 : i32
    %scan3A_379 = arith.constant 39 : i32
    %scan3A_380 = arith.addi %scan3A_378, %scan3A_379 : i32
    %scan3A_381 = arith.constant 1 : i32
    scf.for %scan3A_413 = %scan3A_378 to %scan3A_380 step %scan3A_381  : i32 {
      %mul3A_414 = arith.constant 2 : i32
      %mul3A_415 = arith.muli %mul3A_414, %scan3A_413 : i32
      %add3A_416 = arith.constant 1 : i32
      %add3A_417 = arith.addi %mul3A_415, %add3A_416 : i32
      %dma_wait3A_418 = arith.constant 0 : i32
      %dma_wait3A_419 = arith.constant 0 : i32
      %dma_wait3A_420 = tpu.memref_slice %arg8[%dma_wait3A_418, %dma_wait3A_419] : memref<128x128xf32, #tpu.memory_space<vmem>> -> memref<64x128xf32, #tpu.memory_space<vmem>>
      %dma_wait3A_421 = arith.constant 0 : i32
      %dma_wait3A_422 = tpu.memref_slice %arg10[%dma_wait3A_421] : memref<128xi32, #tpu.memory_space<vmem>> -> memref<64xi32, #tpu.memory_space<vmem>>
      %dma_wait3A_423 = arith.constant 0 : i32
      %dma_wait3A_424 = arith.constant 0 : i32
      %dma_wait3A_425 = tpu.memref_slice %arg2[%dma_wait3A_423, %dma_wait3A_424] : memref<10000x128xf32, #tpu.memory_space<hbm>> -> memref<10000x128xf32, #tpu.memory_space<hbm>>
      tpu.wait_indirect_dma semaphore(%arg14 : memref<!tpu.dma_semaphore, #tpu.memory_space<semaphore_mem>>) src(%dma_wait3A_425 : memref<10000x128xf32, #tpu.memory_space<hbm>>) dst(%dma_wait3A_420 : memref<64x128xf32, #tpu.memory_space<vmem>>)
      %dma_wait3A_426 = arith.constant 64 : i32
      %dma_wait3A_427 = arith.constant 0 : i32
      %dma_wait3A_428 = tpu.memref_slice %arg8[%dma_wait3A_426, %dma_wait3A_427] : memref<128x128xf32, #tpu.memory_space<vmem>> -> memref<64x128xf32, #tpu.memory_space<vmem>>
      %dma_wait3A_429 = arith.constant 64 : i32
      %dma_wait3A_430 = tpu.memref_slice %arg10[%dma_wait3A_429] : memref<128xi32, #tpu.memory_space<vmem>> -> memref<64xi32, #tpu.memory_space<vmem>>
      %dma_wait3A_431 = arith.constant 0 : i32
      %dma_wait3A_432 = arith.constant 0 : i32
      %dma_wait3A_433 = tpu.memref_slice %arg2[%dma_wait3A_431, %dma_wait3A_432] : memref<10000x128xf32, #tpu.memory_space<hbm>> -> memref<10000x128xf32, #tpu.memory_space<hbm>>
      tpu.wait_indirect_dma semaphore(%arg14 : memref<!tpu.dma_semaphore, #tpu.memory_space<semaphore_mem>>) src(%dma_wait3A_433 : memref<10000x128xf32, #tpu.memory_space<hbm>>) dst(%dma_wait3A_428 : memref<64x128xf32, #tpu.memory_space<vmem>>)
      %dma_start3A_434 = arith.constant 0 : i32
      %dma_start3A_435 = arith.constant 0 : i32
      %dma_start3A_436 = tpu.memref_slice %arg5[%dma_start3A_434, %dma_start3A_435] : memref<10240x128xf32, #tpu.memory_space<vmem_shared>> -> memref<10240x128xf32, #tpu.memory_space<vmem_shared>>
      tpu.enqueue_indirect_dma source(%arg8 : memref<128x128xf32, #tpu.memory_space<vmem>>) target(%dma_start3A_436 : memref<10240x128xf32, #tpu.memory_space<vmem_shared>>) offsets(%arg12 : memref<128xi32, #tpu.memory_space<vmem>>) semaphore(%arg16 : memref<!tpu.dma_semaphore, #tpu.memory_space<semaphore_mem>>) {add = true}
      %dma_wait3A_437 = arith.constant 0 : i32
      %dma_wait3A_438 = arith.constant 0 : i32
      %dma_wait3A_439 = tpu.memref_slice %arg5[%dma_wait3A_437, %dma_wait3A_438] : memref<10240x128xf32, #tpu.memory_space<vmem_shared>> -> memref<10240x128xf32, #tpu.memory_space<vmem_shared>>
      tpu.wait_indirect_dma semaphore(%arg15 : memref<!tpu.dma_semaphore, #tpu.memory_space<semaphore_mem>>) src(%arg7 : memref<128x128xf32, #tpu.memory_space<vmem>>) dst(%dma_wait3A_439 : memref<10240x128xf32, #tpu.memory_space<vmem_shared>>)
      %add3A_440 = arith.constant 1 : i32
      %add3A_441 = arith.addi %add3A_417, %add3A_440 : i32
      %get3A_442 = arith.index_cast %add3A_441 : i32 to index
      %get3A_443 = arith.constant 0 : index
      %get3A_444 = tpu.vector_load %arg6[%get3A_442, %get3A_443] {strides = array<i32>} : memref<80x128xi32, #tpu.memory_space<vmem>>, vector<1x16xi32>,
      %get3A_445 = vector.shape_cast %get3A_444 : vector<1x16xi32> to vector<16xi32>
      %and3A_446 = arith.constant 65535 : i32
      %and3A_447 = vector.broadcast %and3A_446 : i32 to vector<16xi32>
      %and3A_448 = arith.andi %get3A_445, %and3A_447 : vector<16xi32>
      %swap3A_449 = arith.constant 0 : index
      %swap3A_450 = tpu.vector_load %arg9[%swap3A_449] {strides = array<i32>} : memref<128xi32, #tpu.memory_space<vmem>>, vector<16xi32>,
      %swap3A_451 = vector.shape_cast %swap3A_450 : vector<16xi32> to vector<16xi32>
      %swap3A_452 = vector.shape_cast %and3A_448 : vector<16xi32> to vector<16xi32>
      tpu.vector_store %arg9[%swap3A_449], %swap3A_452 {strides = array<i32>} : memref<128xi32, #tpu.memory_space<vmem>>, vector<16xi32>,
      %shift_right_logical3A_453 = arith.constant 16 : i32
      %shift_right_logical3A_454 = vector.broadcast %shift_right_logical3A_453 : i32 to vector<16xi32>
      %shift_right_logical3A_455 = arith.shrui %get3A_445, %shift_right_logical3A_454 : vector<16xi32>
      %swap3A_456 = arith.constant 0 : index
      %swap3A_457 = tpu.vector_load %arg11[%swap3A_456] {strides = array<i32>} : memref<128xi32, #tpu.memory_space<vmem>>, vector<16xi32>,
      %swap3A_458 = vector.shape_cast %swap3A_457 : vector<16xi32> to vector<16xi32>
      %swap3A_459 = vector.shape_cast %shift_right_logical3A_455 : vector<16xi32> to vector<16xi32>
      tpu.vector_store %arg11[%swap3A_456], %swap3A_459 {strides = array<i32>} : memref<128xi32, #tpu.memory_space<vmem>>, vector<16xi32>,
      %get3A_460 = arith.index_cast %add3A_441 : i32 to index
      %get3A_461 = arith.constant 16 : index
      %get3A_462 = tpu.vector_load %arg6[%get3A_460, %get3A_461] {strides = array<i32>} : memref<80x128xi32, #tpu.memory_space<vmem>>, vector<1x16xi32>,
      %get3A_463 = vector.shape_cast %get3A_462 : vector<1x16xi32> to vector<16xi32>
      %and3A_464 = arith.constant 65535 : i32
      %and3A_465 = vector.broadcast %and3A_464 : i32 to vector<16xi32>
      %and3A_466 = arith.andi %get3A_463, %and3A_465 : vector<16xi32>
      %swap3A_467 = arith.constant 16 : index
      %swap3A_468 = tpu.vector_load %arg9[%swap3A_467] {strides = array<i32>} : memref<128xi32, #tpu.memory_space<vmem>>, vector<16xi32>,
      %swap3A_469 = vector.shape_cast %swap3A_468 : vector<16xi32> to vector<16xi32>
      %swap3A_470 = vector.shape_cast %and3A_466 : vector<16xi32> to vector<16xi32>
      tpu.vector_store %arg9[%swap3A_467], %swap3A_470 {strides = array<i32>} : memref<128xi32, #tpu.memory_space<vmem>>, vector<16xi32>,
      %shift_right_logical3A_471 = arith.constant 16 : i32
      %shift_right_logical3A_472 = vector.broadcast %shift_right_logical3A_471 : i32 to vector<16xi32>
      %shift_right_logical3A_473 = arith.shrui %get3A_463, %shift_right_logical3A_472 : vector<16xi32>
      %swap3A_474 = arith.constant 16 : index
      %swap3A_475 = tpu.vector_load %arg11[%swap3A_474] {strides = array<i32>} : memref<128xi32, #tpu.memory_space<vmem>>, vector<16xi32>,
      %swap3A_476 = vector.shape_cast %swap3A_475 : vector<16xi32> to vector<16xi32>
      %swap3A_477 = vector.shape_cast %shift_right_logical3A_473 : vector<16xi32> to vector<16xi32>
      tpu.vector_store %arg11[%swap3A_474], %swap3A_477 {strides = array<i32>} : memref<128xi32, #tpu.memory_space<vmem>>, vector<16xi32>,
      %get3A_478 = arith.index_cast %add3A_441 : i32 to index
      %get3A_479 = arith.constant 32 : index
      %get3A_480 = tpu.vector_load %arg6[%get3A_478, %get3A_479] {strides = array<i32>} : memref<80x128xi32, #tpu.memory_space<vmem>>, vector<1x16xi32>,
      %get3A_481 = vector.shape_cast %get3A_480 : vector<1x16xi32> to vector<16xi32>
      %and3A_482 = arith.constant 65535 : i32
      %and3A_483 = vector.broadcast %and3A_482 : i32 to vector<16xi32>
      %and3A_484 = arith.andi %get3A_481, %and3A_483 : vector<16xi32>
      %swap3A_485 = arith.constant 32 : index
      %swap3A_486 = tpu.vector_load %arg9[%swap3A_485] {strides = array<i32>} : memref<128xi32, #tpu.memory_space<vmem>>, vector<16xi32>,
      %swap3A_487 = vector.shape_cast %swap3A_486 : vector<16xi32> to vector<16xi32>
      %swap3A_488 = vector.shape_cast %and3A_484 : vector<16xi32> to vector<16xi32>
      tpu.vector_store %arg9[%swap3A_485], %swap3A_488 {strides = array<i32>} : memref<128xi32, #tpu.memory_space<vmem>>, vector<16xi32>,
      %shift_right_logical3A_489 = arith.constant 16 : i32
      %shift_right_logical3A_490 = vector.broadcast %shift_right_logical3A_489 : i32 to vector<16xi32>
      %shift_right_logical3A_491 = arith.shrui %get3A_481, %shift_right_logical3A_490 : vector<16xi32>
      %swap3A_492 = arith.constant 32 : index
      %swap3A_493 = tpu.vector_load %arg11[%swap3A_492] {strides = array<i32>} : memref<128xi32, #tpu.memory_space<vmem>>, vector<16xi32>,
      %swap3A_494 = vector.shape_cast %swap3A_493 : vector<16xi32> to vector<16xi32>
      %swap3A_495 = vector.shape_cast %shift_right_logical3A_491 : vector<16xi32> to vector<16xi32>
      tpu.vector_store %arg11[%swap3A_492], %swap3A_495 {strides = array<i32>} : memref<128xi32, #tpu.memory_space<vmem>>, vector<16xi32>,
      %get3A_496 = arith.index_cast %add3A_441 : i32 to index
      %get3A_497 = arith.constant 48 : index
      %get3A_498 = tpu.vector_load %arg6[%get3A_496, %get3A_497] {strides = array<i32>} : memref<80x128xi32, #tpu.memory_space<vmem>>, vector<1x16xi32>,
      %get3A_499 = vector.shape_cast %get3A_498 : vector<1x16xi32> to vector<16xi32>
      %and3A_500 = arith.constant 65535 : i32
      %and3A_501 = vector.broadcast %and3A_500 : i32 to vector<16xi32>
      %and3A_502 = arith.andi %get3A_499, %and3A_501 : vector<16xi32>
      %swap3A_503 = arith.constant 48 : index
      %swap3A_504 = tpu.vector_load %arg9[%swap3A_503] {strides = array<i32>} : memref<128xi32, #tpu.memory_space<vmem>>, vector<16xi32>,
      %swap3A_505 = vector.shape_cast %swap3A_504 : vector<16xi32> to vector<16xi32>
      %swap3A_506 = vector.shape_cast %and3A_502 : vector<16xi32> to vector<16xi32>
      tpu.vector_store %arg9[%swap3A_503], %swap3A_506 {strides = array<i32>} : memref<128xi32, #tpu.memory_space<vmem>>, vector<16xi32>,
      %shift_right_logical3A_507 = arith.constant 16 : i32
      %shift_right_logical3A_508 = vector.broadcast %shift_right_logical3A_507 : i32 to vector<16xi32>
      %shift_right_logical3A_509 = arith.shrui %get3A_499, %shift_right_logical3A_508 : vector<16xi32>
      %swap3A_510 = arith.constant 48 : index
      %swap3A_511 = tpu.vector_load %arg11[%swap3A_510] {strides = array<i32>} : memref<128xi32, #tpu.memory_space<vmem>>, vector<16xi32>,
      %swap3A_512 = vector.shape_cast %swap3A_511 : vector<16xi32> to vector<16xi32>
      %swap3A_513 = vector.shape_cast %shift_right_logical3A_509 : vector<16xi32> to vector<16xi32>
      tpu.vector_store %arg11[%swap3A_510], %swap3A_513 {strides = array<i32>} : memref<128xi32, #tpu.memory_space<vmem>>, vector<16xi32>,
      %get3A_514 = arith.index_cast %add3A_441 : i32 to index
      %get3A_515 = arith.constant 64 : index
      %get3A_516 = tpu.vector_load %arg6[%get3A_514, %get3A_515] {strides = array<i32>} : memref<80x128xi32, #tpu.memory_space<vmem>>, vector<1x16xi32>,
      %get3A_517 = vector.shape_cast %get3A_516 : vector<1x16xi32> to vector<16xi32>
      %and3A_518 = arith.constant 65535 : i32
      %and3A_519 = vector.broadcast %and3A_518 : i32 to vector<16xi32>
      %and3A_520 = arith.andi %get3A_517, %and3A_519 : vector<16xi32>
      %swap3A_521 = arith.constant 64 : index
      %swap3A_522 = tpu.vector_load %arg9[%swap3A_521] {strides = array<i32>} : memref<128xi32, #tpu.memory_space<vmem>>, vector<16xi32>,
      %swap3A_523 = vector.shape_cast %swap3A_522 : vector<16xi32> to vector<16xi32>
      %swap3A_524 = vector.shape_cast %and3A_520 : vector<16xi32> to vector<16xi32>
      tpu.vector_store %arg9[%swap3A_521], %swap3A_524 {strides = array<i32>} : memref<128xi32, #tpu.memory_space<vmem>>, vector<16xi32>,
      %shift_right_logical3A_525 = arith.constant 16 : i32
      %shift_right_logical3A_526 = vector.broadcast %shift_right_logical3A_525 : i32 to vector<16xi32>
      %shift_right_logical3A_527 = arith.shrui %get3A_517, %shift_right_logical3A_526 : vector<16xi32>
      %swap3A_528 = arith.constant 64 : index
      %swap3A_529 = tpu.vector_load %arg11[%swap3A_528] {strides = array<i32>} : memref<128xi32, #tpu.memory_space<vmem>>, vector<16xi32>,
      %swap3A_530 = vector.shape_cast %swap3A_529 : vector<16xi32> to vector<16xi32>
      %swap3A_531 = vector.shape_cast %shift_right_logical3A_527 : vector<16xi32> to vector<16xi32>
      tpu.vector_store %arg11[%swap3A_528], %swap3A_531 {strides = array<i32>} : memref<128xi32, #tpu.memory_space<vmem>>, vector<16xi32>,
      %get3A_532 = arith.index_cast %add3A_441 : i32 to index
      %get3A_533 = arith.constant 80 : index
      %get3A_534 = tpu.vector_load %arg6[%get3A_532, %get3A_533] {strides = array<i32>} : memref<80x128xi32, #tpu.memory_space<vmem>>, vector<1x16xi32>,
      %get3A_535 = vector.shape_cast %get3A_534 : vector<1x16xi32> to vector<16xi32>
      %and3A_536 = arith.constant 65535 : i32
      %and3A_537 = vector.broadcast %and3A_536 : i32 to vector<16xi32>
      %and3A_538 = arith.andi %get3A_535, %and3A_537 : vector<16xi32>
      %swap3A_539 = arith.constant 80 : index
      %swap3A_540 = tpu.vector_load %arg9[%swap3A_539] {strides = array<i32>} : memref<128xi32, #tpu.memory_space<vmem>>, vector<16xi32>,
      %swap3A_541 = vector.shape_cast %swap3A_540 : vector<16xi32> to vector<16xi32>
      %swap3A_542 = vector.shape_cast %and3A_538 : vector<16xi32> to vector<16xi32>
      tpu.vector_store %arg9[%swap3A_539], %swap3A_542 {strides = array<i32>} : memref<128xi32, #tpu.memory_space<vmem>>, vector<16xi32>,
      %shift_right_logical3A_543 = arith.constant 16 : i32
      %shift_right_logical3A_544 = vector.broadcast %shift_right_logical3A_543 : i32 to vector<16xi32>
      %shift_right_logical3A_545 = arith.shrui %get3A_535, %shift_right_logical3A_544 : vector<16xi32>
      %swap3A_546 = arith.constant 80 : index
      %swap3A_547 = tpu.vector_load %arg11[%swap3A_546] {strides = array<i32>} : memref<128xi32, #tpu.memory_space<vmem>>, vector<16xi32>,
      %swap3A_548 = vector.shape_cast %swap3A_547 : vector<16xi32> to vector<16xi32>
      %swap3A_549 = vector.shape_cast %shift_right_logical3A_545 : vector<16xi32> to vector<16xi32>
      tpu.vector_store %arg11[%swap3A_546], %swap3A_549 {strides = array<i32>} : memref<128xi32, #tpu.memory_space<vmem>>, vector<16xi32>,
      %get3A_550 = arith.index_cast %add3A_441 : i32 to index
      %get3A_551 = arith.constant 96 : index
      %get3A_552 = tpu.vector_load %arg6[%get3A_550, %get3A_551] {strides = array<i32>} : memref<80x128xi32, #tpu.memory_space<vmem>>, vector<1x16xi32>,
      %get3A_553 = vector.shape_cast %get3A_552 : vector<1x16xi32> to vector<16xi32>
      %and3A_554 = arith.constant 65535 : i32
      %and3A_555 = vector.broadcast %and3A_554 : i32 to vector<16xi32>
      %and3A_556 = arith.andi %get3A_553, %and3A_555 : vector<16xi32>
      %swap3A_557 = arith.constant 96 : index
      %swap3A_558 = tpu.vector_load %arg9[%swap3A_557] {strides = array<i32>} : memref<128xi32, #tpu.memory_space<vmem>>, vector<16xi32>,
      %swap3A_559 = vector.shape_cast %swap3A_558 : vector<16xi32> to vector<16xi32>
      %swap3A_560 = vector.shape_cast %and3A_556 : vector<16xi32> to vector<16xi32>
      tpu.vector_store %arg9[%swap3A_557], %swap3A_560 {strides = array<i32>} : memref<128xi32, #tpu.memory_space<vmem>>, vector<16xi32>,
      %shift_right_logical3A_561 = arith.constant 16 : i32
      %shift_right_logical3A_562 = vector.broadcast %shift_right_logical3A_561 : i32 to vector<16xi32>
      %shift_right_logical3A_563 = arith.shrui %get3A_553, %shift_right_logical3A_562 : vector<16xi32>
      %swap3A_564 = arith.constant 96 : index
      %swap3A_565 = tpu.vector_load %arg11[%swap3A_564] {strides = array<i32>} : memref<128xi32, #tpu.memory_space<vmem>>, vector<16xi32>,
      %swap3A_566 = vector.shape_cast %swap3A_565 : vector<16xi32> to vector<16xi32>
      %swap3A_567 = vector.shape_cast %shift_right_logical3A_563 : vector<16xi32> to vector<16xi32>
      tpu.vector_store %arg11[%swap3A_564], %swap3A_567 {strides = array<i32>} : memref<128xi32, #tpu.memory_space<vmem>>, vector<16xi32>,
      %get3A_568 = arith.index_cast %add3A_441 : i32 to index
      %get3A_569 = arith.constant 112 : index
      %get3A_570 = tpu.vector_load %arg6[%get3A_568, %get3A_569] {strides = array<i32>} : memref<80x128xi32, #tpu.memory_space<vmem>>, vector<1x16xi32>,
      %get3A_571 = vector.shape_cast %get3A_570 : vector<1x16xi32> to vector<16xi32>
      %and3A_572 = arith.constant 65535 : i32
      %and3A_573 = vector.broadcast %and3A_572 : i32 to vector<16xi32>
      %and3A_574 = arith.andi %get3A_571, %and3A_573 : vector<16xi32>
      %swap3A_575 = arith.constant 112 : index
      %swap3A_576 = tpu.vector_load %arg9[%swap3A_575] {strides = array<i32>} : memref<128xi32, #tpu.memory_space<vmem>>, vector<16xi32>,
      %swap3A_577 = vector.shape_cast %swap3A_576 : vector<16xi32> to vector<16xi32>
      %swap3A_578 = vector.shape_cast %and3A_574 : vector<16xi32> to vector<16xi32>
      tpu.vector_store %arg9[%swap3A_575], %swap3A_578 {strides = array<i32>} : memref<128xi32, #tpu.memory_space<vmem>>, vector<16xi32>,
      %shift_right_logical3A_579 = arith.constant 16 : i32
      %shift_right_logical3A_580 = vector.broadcast %shift_right_logical3A_579 : i32 to vector<16xi32>
      %shift_right_logical3A_581 = arith.shrui %get3A_571, %shift_right_logical3A_580 : vector<16xi32>
      %swap3A_582 = arith.constant 112 : index
      %swap3A_583 = tpu.vector_load %arg11[%swap3A_582] {strides = array<i32>} : memref<128xi32, #tpu.memory_space<vmem>>, vector<16xi32>,
      %swap3A_584 = vector.shape_cast %swap3A_583 : vector<16xi32> to vector<16xi32>
      %swap3A_585 = vector.shape_cast %shift_right_logical3A_581 : vector<16xi32> to vector<16xi32>
      tpu.vector_store %arg11[%swap3A_582], %swap3A_585 {strides = array<i32>} : memref<128xi32, #tpu.memory_space<vmem>>, vector<16xi32>,
      %dma_start3A_586 = arith.constant 0 : i32
      %dma_start3A_587 = arith.constant 0 : i32
      %dma_start3A_588 = tpu.memref_slice %arg7[%dma_start3A_586, %dma_start3A_587] : memref<128x128xf32, #tpu.memory_space<vmem>> -> memref<64x128xf32, #tpu.memory_space<vmem>>
      %dma_start3A_589 = arith.constant 0 : i32
      %dma_start3A_590 = tpu.memref_slice %arg9[%dma_start3A_589] : memref<128xi32, #tpu.memory_space<vmem>> -> memref<64xi32, #tpu.memory_space<vmem>>
      %dma_start3A_591 = arith.constant 0 : i32
      %dma_start3A_592 = arith.constant 0 : i32
      %dma_start3A_593 = tpu.memref_slice %arg2[%dma_start3A_591, %dma_start3A_592] : memref<10000x128xf32, #tpu.memory_space<hbm>> -> memref<10000x128xf32, #tpu.memory_space<hbm>>
      tpu.enqueue_indirect_dma source(%dma_start3A_593 : memref<10000x128xf32, #tpu.memory_space<hbm>>) target(%dma_start3A_588 : memref<64x128xf32, #tpu.memory_space<vmem>>) offsets(%dma_start3A_590 : memref<64xi32, #tpu.memory_space<vmem>>) semaphore(%arg13 : memref<!tpu.dma_semaphore, #tpu.memory_space<semaphore_mem>>)
      %dma_start3A_594 = arith.constant 64 : i32
      %dma_start3A_595 = arith.constant 0 : i32
      %dma_start3A_596 = tpu.memref_slice %arg7[%dma_start3A_594, %dma_start3A_595] : memref<128x128xf32, #tpu.memory_space<vmem>> -> memref<64x128xf32, #tpu.memory_space<vmem>>
      %dma_start3A_597 = arith.constant 64 : i32
      %dma_start3A_598 = tpu.memref_slice %arg9[%dma_start3A_597] : memref<128xi32, #tpu.memory_space<vmem>> -> memref<64xi32, #tpu.memory_space<vmem>>
      %dma_start3A_599 = arith.constant 0 : i32
      %dma_start3A_600 = arith.constant 0 : i32
      %dma_start3A_601 = tpu.memref_slice %arg2[%dma_start3A_599, %dma_start3A_600] : memref<10000x128xf32, #tpu.memory_space<hbm>> -> memref<10000x128xf32, #tpu.memory_space<hbm>>
      tpu.enqueue_indirect_dma source(%dma_start3A_601 : memref<10000x128xf32, #tpu.memory_space<hbm>>) target(%dma_start3A_596 : memref<64x128xf32, #tpu.memory_space<vmem>>) offsets(%dma_start3A_598 : memref<64xi32, #tpu.memory_space<vmem>>) semaphore(%arg13 : memref<!tpu.dma_semaphore, #tpu.memory_space<semaphore_mem>>)
      %dma_wait3A_602 = arith.constant 0 : i32
      %dma_wait3A_603 = arith.constant 0 : i32
      %dma_wait3A_604 = tpu.memref_slice %arg7[%dma_wait3A_602, %dma_wait3A_603] : memref<128x128xf32, #tpu.memory_space<vmem>> -> memref<64x128xf32, #tpu.memory_space<vmem>>
      %dma_wait3A_605 = arith.constant 0 : i32
      %dma_wait3A_606 = tpu.memref_slice %arg9[%dma_wait3A_605] : memref<128xi32, #tpu.memory_space<vmem>> -> memref<64xi32, #tpu.memory_space<vmem>>
      %dma_wait3A_607 = arith.constant 0 : i32
      %dma_wait3A_608 = arith.constant 0 : i32
      %dma_wait3A_609 = tpu.memref_slice %arg2[%dma_wait3A_607, %dma_wait3A_608] : memref<10000x128xf32, #tpu.memory_space<hbm>> -> memref<10000x128xf32, #tpu.memory_space<hbm>>
      tpu.wait_indirect_dma semaphore(%arg13 : memref<!tpu.dma_semaphore, #tpu.memory_space<semaphore_mem>>) src(%dma_wait3A_609 : memref<10000x128xf32, #tpu.memory_space<hbm>>) dst(%dma_wait3A_604 : memref<64x128xf32, #tpu.memory_space<vmem>>)
      %dma_wait3A_610 = arith.constant 64 : i32
      %dma_wait3A_611 = arith.constant 0 : i32
      %dma_wait3A_612 = tpu.memref_slice %arg7[%dma_wait3A_610, %dma_wait3A_611] : memref<128x128xf32, #tpu.memory_space<vmem>> -> memref<64x128xf32, #tpu.memory_space<vmem>>
      %dma_wait3A_613 = arith.constant 64 : i32
      %dma_wait3A_614 = tpu.memref_slice %arg9[%dma_wait3A_613] : memref<128xi32, #tpu.memory_space<vmem>> -> memref<64xi32, #tpu.memory_space<vmem>>
      %dma_wait3A_615 = arith.constant 0 : i32
      %dma_wait3A_616 = arith.constant 0 : i32
      %dma_wait3A_617 = tpu.memref_slice %arg2[%dma_wait3A_615, %dma_wait3A_616] : memref<10000x128xf32, #tpu.memory_space<hbm>> -> memref<10000x128xf32, #tpu.memory_space<hbm>>
      tpu.wait_indirect_dma semaphore(%arg13 : memref<!tpu.dma_semaphore, #tpu.memory_space<semaphore_mem>>) src(%dma_wait3A_617 : memref<10000x128xf32, #tpu.memory_space<hbm>>) dst(%dma_wait3A_612 : memref<64x128xf32, #tpu.memory_space<vmem>>)
      %dma_start3A_618 = arith.constant 0 : i32
      %dma_start3A_619 = arith.constant 0 : i32
      %dma_start3A_620 = tpu.memref_slice %arg5[%dma_start3A_618, %dma_start3A_619] : memref<10240x128xf32, #tpu.memory_space<vmem_shared>> -> memref<10240x128xf32, #tpu.memory_space<vmem_shared>>
      tpu.enqueue_indirect_dma source(%arg7 : memref<128x128xf32, #tpu.memory_space<vmem>>) target(%dma_start3A_620 : memref<10240x128xf32, #tpu.memory_space<vmem_shared>>) offsets(%arg11 : memref<128xi32, #tpu.memory_space<vmem>>) semaphore(%arg15 : memref<!tpu.dma_semaphore, #tpu.memory_space<semaphore_mem>>) {add = true}
      %dma_wait3A_621 = arith.constant 0 : i32
      %dma_wait3A_622 = arith.constant 0 : i32
      %dma_wait3A_623 = tpu.memref_slice %arg5[%dma_wait3A_621, %dma_wait3A_622] : memref<10240x128xf32, #tpu.memory_space<vmem_shared>> -> memref<10240x128xf32, #tpu.memory_space<vmem_shared>>
      tpu.wait_indirect_dma semaphore(%arg16 : memref<!tpu.dma_semaphore, #tpu.memory_space<semaphore_mem>>) src(%arg8 : memref<128x128xf32, #tpu.memory_space<vmem>>) dst(%dma_wait3A_623 : memref<10240x128xf32, #tpu.memory_space<vmem_shared>>)
      %add3A_624 = arith.constant 2 : i32
      %add3A_625 = arith.addi %add3A_417, %add3A_624 : i32
      %get3A_626 = arith.index_cast %add3A_625 : i32 to index
      %get3A_627 = arith.constant 0 : index
      %get3A_628 = tpu.vector_load %arg6[%get3A_626, %get3A_627] {strides = array<i32>} : memref<80x128xi32, #tpu.memory_space<vmem>>, vector<1x16xi32>,
      %get3A_629 = vector.shape_cast %get3A_628 : vector<1x16xi32> to vector<16xi32>
      %and3A_630 = arith.constant 65535 : i32
      %and3A_631 = vector.broadcast %and3A_630 : i32 to vector<16xi32>
      %and3A_632 = arith.andi %get3A_629, %and3A_631 : vector<16xi32>
      %swap3A_633 = arith.constant 0 : index
      %swap3A_634 = tpu.vector_load %arg10[%swap3A_633] {strides = array<i32>} : memref<128xi32, #tpu.memory_space<vmem>>, vector<16xi32>,
      %swap3A_635 = vector.shape_cast %swap3A_634 : vector<16xi32> to vector<16xi32>
      %swap3A_636 = vector.shape_cast %and3A_632 : vector<16xi32> to vector<16xi32>
      tpu.vector_store %arg10[%swap3A_633], %swap3A_636 {strides = array<i32>} : memref<128xi32, #tpu.memory_space<vmem>>, vector<16xi32>,
      %shift_right_logical3A_637 = arith.constant 16 : i32
      %shift_right_logical3A_638 = vector.broadcast %shift_right_logical3A_637 : i32 to vector<16xi32>
      %shift_right_logical3A_639 = arith.shrui %get3A_629, %shift_right_logical3A_638 : vector<16xi32>
      %swap3A_640 = arith.constant 0 : index
      %swap3A_641 = tpu.vector_load %arg12[%swap3A_640] {strides = array<i32>} : memref<128xi32, #tpu.memory_space<vmem>>, vector<16xi32>,
      %swap3A_642 = vector.shape_cast %swap3A_641 : vector<16xi32> to vector<16xi32>
      %swap3A_643 = vector.shape_cast %shift_right_logical3A_639 : vector<16xi32> to vector<16xi32>
      tpu.vector_store %arg12[%swap3A_640], %swap3A_643 {strides = array<i32>} : memref<128xi32, #tpu.memory_space<vmem>>, vector<16xi32>,
      %get3A_644 = arith.index_cast %add3A_625 : i32 to index
      %get3A_645 = arith.constant 16 : index
      %get3A_646 = tpu.vector_load %arg6[%get3A_644, %get3A_645] {strides = array<i32>} : memref<80x128xi32, #tpu.memory_space<vmem>>, vector<1x16xi32>,
      %get3A_647 = vector.shape_cast %get3A_646 : vector<1x16xi32> to vector<16xi32>
      %and3A_648 = arith.constant 65535 : i32
      %and3A_649 = vector.broadcast %and3A_648 : i32 to vector<16xi32>
      %and3A_650 = arith.andi %get3A_647, %and3A_649 : vector<16xi32>
      %swap3A_651 = arith.constant 16 : index
      %swap3A_652 = tpu.vector_load %arg10[%swap3A_651] {strides = array<i32>} : memref<128xi32, #tpu.memory_space<vmem>>, vector<16xi32>,
      %swap3A_653 = vector.shape_cast %swap3A_652 : vector<16xi32> to vector<16xi32>
      %swap3A_654 = vector.shape_cast %and3A_650 : vector<16xi32> to vector<16xi32>
      tpu.vector_store %arg10[%swap3A_651], %swap3A_654 {strides = array<i32>} : memref<128xi32, #tpu.memory_space<vmem>>, vector<16xi32>,
      %shift_right_logical3A_655 = arith.constant 16 : i32
      %shift_right_logical3A_656 = vector.broadcast %shift_right_logical3A_655 : i32 to vector<16xi32>
      %shift_right_logical3A_657 = arith.shrui %get3A_647, %shift_right_logical3A_656 : vector<16xi32>
      %swap3A_658 = arith.constant 16 : index
      %swap3A_659 = tpu.vector_load %arg12[%swap3A_658] {strides = array<i32>} : memref<128xi32, #tpu.memory_space<vmem>>, vector<16xi32>,
      %swap3A_660 = vector.shape_cast %swap3A_659 : vector<16xi32> to vector<16xi32>
      %swap3A_661 = vector.shape_cast %shift_right_logical3A_657 : vector<16xi32> to vector<16xi32>
      tpu.vector_store %arg12[%swap3A_658], %swap3A_661 {strides = array<i32>} : memref<128xi32, #tpu.memory_space<vmem>>, vector<16xi32>,
      %get3A_662 = arith.index_cast %add3A_625 : i32 to index
      %get3A_663 = arith.constant 32 : index
      %get3A_664 = tpu.vector_load %arg6[%get3A_662, %get3A_663] {strides = array<i32>} : memref<80x128xi32, #tpu.memory_space<vmem>>, vector<1x16xi32>,
      %get3A_665 = vector.shape_cast %get3A_664 : vector<1x16xi32> to vector<16xi32>
      %and3A_666 = arith.constant 65535 : i32
      %and3A_667 = vector.broadcast %and3A_666 : i32 to vector<16xi32>
      %and3A_668 = arith.andi %get3A_665, %and3A_667 : vector<16xi32>
      %swap3A_669 = arith.constant 32 : index
      %swap3A_670 = tpu.vector_load %arg10[%swap3A_669] {strides = array<i32>} : memref<128xi32, #tpu.memory_space<vmem>>, vector<16xi32>,
      %swap3A_671 = vector.shape_cast %swap3A_670 : vector<16xi32> to vector<16xi32>
      %swap3A_672 = vector.shape_cast %and3A_668 : vector<16xi32> to vector<16xi32>
      tpu.vector_store %arg10[%swap3A_669], %swap3A_672 {strides = array<i32>} : memref<128xi32, #tpu.memory_space<vmem>>, vector<16xi32>,
      %shift_right_logical3A_673 = arith.constant 16 : i32
      %shift_right_logical3A_674 = vector.broadcast %shift_right_logical3A_673 : i32 to vector<16xi32>
      %shift_right_logical3A_675 = arith.shrui %get3A_665, %shift_right_logical3A_674 : vector<16xi32>
      %swap3A_676 = arith.constant 32 : index
      %swap3A_677 = tpu.vector_load %arg12[%swap3A_676] {strides = array<i32>} : memref<128xi32, #tpu.memory_space<vmem>>, vector<16xi32>,
      %swap3A_678 = vector.shape_cast %swap3A_677 : vector<16xi32> to vector<16xi32>
      %swap3A_679 = vector.shape_cast %shift_right_logical3A_675 : vector<16xi32> to vector<16xi32>
      tpu.vector_store %arg12[%swap3A_676], %swap3A_679 {strides = array<i32>} : memref<128xi32, #tpu.memory_space<vmem>>, vector<16xi32>,
      %get3A_680 = arith.index_cast %add3A_625 : i32 to index
      %get3A_681 = arith.constant 48 : index
      %get3A_682 = tpu.vector_load %arg6[%get3A_680, %get3A_681] {strides = array<i32>} : memref<80x128xi32, #tpu.memory_space<vmem>>, vector<1x16xi32>,
      %get3A_683 = vector.shape_cast %get3A_682 : vector<1x16xi32> to vector<16xi32>
      %and3A_684 = arith.constant 65535 : i32
      %and3A_685 = vector.broadcast %and3A_684 : i32 to vector<16xi32>
      %and3A_686 = arith.andi %get3A_683, %and3A_685 : vector<16xi32>
      %swap3A_687 = arith.constant 48 : index
      %swap3A_688 = tpu.vector_load %arg10[%swap3A_687] {strides = array<i32>} : memref<128xi32, #tpu.memory_space<vmem>>, vector<16xi32>,
      %swap3A_689 = vector.shape_cast %swap3A_688 : vector<16xi32> to vector<16xi32>
      %swap3A_690 = vector.shape_cast %and3A_686 : vector<16xi32> to vector<16xi32>
      tpu.vector_store %arg10[%swap3A_687], %swap3A_690 {strides = array<i32>} : memref<128xi32, #tpu.memory_space<vmem>>, vector<16xi32>,
      %shift_right_logical3A_691 = arith.constant 16 : i32
      %shift_right_logical3A_692 = vector.broadcast %shift_right_logical3A_691 : i32 to vector<16xi32>
      %shift_right_logical3A_693 = arith.shrui %get3A_683, %shift_right_logical3A_692 : vector<16xi32>
      %swap3A_694 = arith.constant 48 : index
      %swap3A_695 = tpu.vector_load %arg12[%swap3A_694] {strides = array<i32>} : memref<128xi32, #tpu.memory_space<vmem>>, vector<16xi32>,
      %swap3A_696 = vector.shape_cast %swap3A_695 : vector<16xi32> to vector<16xi32>
      %swap3A_697 = vector.shape_cast %shift_right_logical3A_693 : vector<16xi32> to vector<16xi32>
      tpu.vector_store %arg12[%swap3A_694], %swap3A_697 {strides = array<i32>} : memref<128xi32, #tpu.memory_space<vmem>>, vector<16xi32>,
      %get3A_698 = arith.index_cast %add3A_625 : i32 to index
      %get3A_699 = arith.constant 64 : index
      %get3A_700 = tpu.vector_load %arg6[%get3A_698, %get3A_699] {strides = array<i32>} : memref<80x128xi32, #tpu.memory_space<vmem>>, vector<1x16xi32>,
      %get3A_701 = vector.shape_cast %get3A_700 : vector<1x16xi32> to vector<16xi32>
      %and3A_702 = arith.constant 65535 : i32
      %and3A_703 = vector.broadcast %and3A_702 : i32 to vector<16xi32>
      %and3A_704 = arith.andi %get3A_701, %and3A_703 : vector<16xi32>
      %swap3A_705 = arith.constant 64 : index
      %swap3A_706 = tpu.vector_load %arg10[%swap3A_705] {strides = array<i32>} : memref<128xi32, #tpu.memory_space<vmem>>, vector<16xi32>,
      %swap3A_707 = vector.shape_cast %swap3A_706 : vector<16xi32> to vector<16xi32>
      %swap3A_708 = vector.shape_cast %and3A_704 : vector<16xi32> to vector<16xi32>
      tpu.vector_store %arg10[%swap3A_705], %swap3A_708 {strides = array<i32>} : memref<128xi32, #tpu.memory_space<vmem>>, vector<16xi32>,
      %shift_right_logical3A_709 = arith.constant 16 : i32
      %shift_right_logical3A_710 = vector.broadcast %shift_right_logical3A_709 : i32 to vector<16xi32>
      %shift_right_logical3A_711 = arith.shrui %get3A_701, %shift_right_logical3A_710 : vector<16xi32>
      %swap3A_712 = arith.constant 64 : index
      %swap3A_713 = tpu.vector_load %arg12[%swap3A_712] {strides = array<i32>} : memref<128xi32, #tpu.memory_space<vmem>>, vector<16xi32>,
      %swap3A_714 = vector.shape_cast %swap3A_713 : vector<16xi32> to vector<16xi32>
      %swap3A_715 = vector.shape_cast %shift_right_logical3A_711 : vector<16xi32> to vector<16xi32>
      tpu.vector_store %arg12[%swap3A_712], %swap3A_715 {strides = array<i32>} : memref<128xi32, #tpu.memory_space<vmem>>, vector<16xi32>,
      %get3A_716 = arith.index_cast %add3A_625 : i32 to index
      %get3A_717 = arith.constant 80 : index
      %get3A_718 = tpu.vector_load %arg6[%get3A_716, %get3A_717] {strides = array<i32>} : memref<80x128xi32, #tpu.memory_space<vmem>>, vector<1x16xi32>,
      %get3A_719 = vector.shape_cast %get3A_718 : vector<1x16xi32> to vector<16xi32>
      %and3A_720 = arith.constant 65535 : i32
      %and3A_721 = vector.broadcast %and3A_720 : i32 to vector<16xi32>
      %and3A_722 = arith.andi %get3A_719, %and3A_721 : vector<16xi32>
      %swap3A_723 = arith.constant 80 : index
      %swap3A_724 = tpu.vector_load %arg10[%swap3A_723] {strides = array<i32>} : memref<128xi32, #tpu.memory_space<vmem>>, vector<16xi32>,
      %swap3A_725 = vector.shape_cast %swap3A_724 : vector<16xi32> to vector<16xi32>
      %swap3A_726 = vector.shape_cast %and3A_722 : vector<16xi32> to vector<16xi32>
      tpu.vector_store %arg10[%swap3A_723], %swap3A_726 {strides = array<i32>} : memref<128xi32, #tpu.memory_space<vmem>>, vector<16xi32>,
      %shift_right_logical3A_727 = arith.constant 16 : i32
      %shift_right_logical3A_728 = vector.broadcast %shift_right_logical3A_727 : i32 to vector<16xi32>
      %shift_right_logical3A_729 = arith.shrui %get3A_719, %shift_right_logical3A_728 : vector<16xi32>
      %swap3A_730 = arith.constant 80 : index
      %swap3A_731 = tpu.vector_load %arg12[%swap3A_730] {strides = array<i32>} : memref<128xi32, #tpu.memory_space<vmem>>, vector<16xi32>,
      %swap3A_732 = vector.shape_cast %swap3A_731 : vector<16xi32> to vector<16xi32>
      %swap3A_733 = vector.shape_cast %shift_right_logical3A_729 : vector<16xi32> to vector<16xi32>
      tpu.vector_store %arg12[%swap3A_730], %swap3A_733 {strides = array<i32>} : memref<128xi32, #tpu.memory_space<vmem>>, vector<16xi32>,
      %get3A_734 = arith.index_cast %add3A_625 : i32 to index
      %get3A_735 = arith.constant 96 : index
      %get3A_736 = tpu.vector_load %arg6[%get3A_734, %get3A_735] {strides = array<i32>} : memref<80x128xi32, #tpu.memory_space<vmem>>, vector<1x16xi32>,
      %get3A_737 = vector.shape_cast %get3A_736 : vector<1x16xi32> to vector<16xi32>
      %and3A_738 = arith.constant 65535 : i32
      %and3A_739 = vector.broadcast %and3A_738 : i32 to vector<16xi32>
      %and3A_740 = arith.andi %get3A_737, %and3A_739 : vector<16xi32>
      %swap3A_741 = arith.constant 96 : index
      %swap3A_742 = tpu.vector_load %arg10[%swap3A_741] {strides = array<i32>} : memref<128xi32, #tpu.memory_space<vmem>>, vector<16xi32>,
      %swap3A_743 = vector.shape_cast %swap3A_742 : vector<16xi32> to vector<16xi32>
      %swap3A_744 = vector.shape_cast %and3A_740 : vector<16xi32> to vector<16xi32>
      tpu.vector_store %arg10[%swap3A_741], %swap3A_744 {strides = array<i32>} : memref<128xi32, #tpu.memory_space<vmem>>, vector<16xi32>,
      %shift_right_logical3A_745 = arith.constant 16 : i32
      %shift_right_logical3A_746 = vector.broadcast %shift_right_logical3A_745 : i32 to vector<16xi32>
      %shift_right_logical3A_747 = arith.shrui %get3A_737, %shift_right_logical3A_746 : vector<16xi32>
      %swap3A_748 = arith.constant 96 : index
      %swap3A_749 = tpu.vector_load %arg12[%swap3A_748] {strides = array<i32>} : memref<128xi32, #tpu.memory_space<vmem>>, vector<16xi32>,
      %swap3A_750 = vector.shape_cast %swap3A_749 : vector<16xi32> to vector<16xi32>
      %swap3A_751 = vector.shape_cast %shift_right_logical3A_747 : vector<16xi32> to vector<16xi32>
      tpu.vector_store %arg12[%swap3A_748], %swap3A_751 {strides = array<i32>} : memref<128xi32, #tpu.memory_space<vmem>>, vector<16xi32>,
      %get3A_752 = arith.index_cast %add3A_625 : i32 to index
      %get3A_753 = arith.constant 112 : index
      %get3A_754 = tpu.vector_load %arg6[%get3A_752, %get3A_753] {strides = array<i32>} : memref<80x128xi32, #tpu.memory_space<vmem>>, vector<1x16xi32>,
      %get3A_755 = vector.shape_cast %get3A_754 : vector<1x16xi32> to vector<16xi32>
      %and3A_756 = arith.constant 65535 : i32
      %and3A_757 = vector.broadcast %and3A_756 : i32 to vector<16xi32>
      %and3A_758 = arith.andi %get3A_755, %and3A_757 : vector<16xi32>
      %swap3A_759 = arith.constant 112 : index
      %swap3A_760 = tpu.vector_load %arg10[%swap3A_759] {strides = array<i32>} : memref<128xi32, #tpu.memory_space<vmem>>, vector<16xi32>,
      %swap3A_761 = vector.shape_cast %swap3A_760 : vector<16xi32> to vector<16xi32>
      %swap3A_762 = vector.shape_cast %and3A_758 : vector<16xi32> to vector<16xi32>
      tpu.vector_store %arg10[%swap3A_759], %swap3A_762 {strides = array<i32>} : memref<128xi32, #tpu.memory_space<vmem>>, vector<16xi32>,
      %shift_right_logical3A_763 = arith.constant 16 : i32
      %shift_right_logical3A_764 = vector.broadcast %shift_right_logical3A_763 : i32 to vector<16xi32>
      %shift_right_logical3A_765 = arith.shrui %get3A_755, %shift_right_logical3A_764 : vector<16xi32>
      %swap3A_766 = arith.constant 112 : index
      %swap3A_767 = tpu.vector_load %arg12[%swap3A_766] {strides = array<i32>} : memref<128xi32, #tpu.memory_space<vmem>>, vector<16xi32>,
      %swap3A_768 = vector.shape_cast %swap3A_767 : vector<16xi32> to vector<16xi32>
      %swap3A_769 = vector.shape_cast %shift_right_logical3A_765 : vector<16xi32> to vector<16xi32>
      tpu.vector_store %arg12[%swap3A_766], %swap3A_769 {strides = array<i32>} : memref<128xi32, #tpu.memory_space<vmem>>, vector<16xi32>,
      %dma_start3A_770 = arith.constant 0 : i32
      %dma_start3A_771 = arith.constant 0 : i32
      %dma_start3A_772 = tpu.memref_slice %arg8[%dma_start3A_770, %dma_start3A_771] : memref<128x128xf32, #tpu.memory_space<vmem>> -> memref<64x128xf32, #tpu.memory_space<vmem>>
      %dma_start3A_773 = arith.constant 0 : i32
      %dma_start3A_774 = tpu.memref_slice %arg10[%dma_start3A_773] : memref<128xi32, #tpu.memory_space<vmem>> -> memref<64xi32, #tpu.memory_space<vmem>>
      %dma_start3A_775 = arith.constant 0 : i32
      %dma_start3A_776 = arith.constant 0 : i32
      %dma_start3A_777 = tpu.memref_slice %arg2[%dma_start3A_775, %dma_start3A_776] : memref<10000x128xf32, #tpu.memory_space<hbm>> -> memref<10000x128xf32, #tpu.memory_space<hbm>>
      tpu.enqueue_indirect_dma source(%dma_start3A_777 : memref<10000x128xf32, #tpu.memory_space<hbm>>) target(%dma_start3A_772 : memref<64x128xf32, #tpu.memory_space<vmem>>) offsets(%dma_start3A_774 : memref<64xi32, #tpu.memory_space<vmem>>) semaphore(%arg14 : memref<!tpu.dma_semaphore, #tpu.memory_space<semaphore_mem>>)
      %dma_start3A_778 = arith.constant 64 : i32
      %dma_start3A_779 = arith.constant 0 : i32
      %dma_start3A_780 = tpu.memref_slice %arg8[%dma_start3A_778, %dma_start3A_779] : memref<128x128xf32, #tpu.memory_space<vmem>> -> memref<64x128xf32, #tpu.memory_space<vmem>>
      %dma_start3A_781 = arith.constant 64 : i32
      %dma_start3A_782 = tpu.memref_slice %arg10[%dma_start3A_781] : memref<128xi32, #tpu.memory_space<vmem>> -> memref<64xi32, #tpu.memory_space<vmem>>
      %dma_start3A_783 = arith.constant 0 : i32
      %dma_start3A_784 = arith.constant 0 : i32
      %dma_start3A_785 = tpu.memref_slice %arg2[%dma_start3A_783, %dma_start3A_784] : memref<10000x128xf32, #tpu.memory_space<hbm>> -> memref<10000x128xf32, #tpu.memory_space<hbm>>
      tpu.enqueue_indirect_dma source(%dma_start3A_785 : memref<10000x128xf32, #tpu.memory_space<hbm>>) target(%dma_start3A_780 : memref<64x128xf32, #tpu.memory_space<vmem>>) offsets(%dma_start3A_782 : memref<64xi32, #tpu.memory_space<vmem>>) semaphore(%arg14 : memref<!tpu.dma_semaphore, #tpu.memory_space<semaphore_mem>>)
    }
    %scan3A_382 = arith.constant 39 : i32
    %dma_wait3A_383 = arith.constant 0 : i32
    %dma_wait3A_384 = arith.constant 0 : i32
    %dma_wait3A_385 = tpu.memref_slice %arg8[%dma_wait3A_383, %dma_wait3A_384] : memref<128x128xf32, #tpu.memory_space<vmem>> -> memref<64x128xf32, #tpu.memory_space<vmem>>
    %dma_wait3A_386 = arith.constant 0 : i32
    %dma_wait3A_387 = tpu.memref_slice %arg10[%dma_wait3A_386] : memref<128xi32, #tpu.memory_space<vmem>> -> memref<64xi32, #tpu.memory_space<vmem>>
    %dma_wait3A_388 = arith.constant 0 : i32
    %dma_wait3A_389 = arith.constant 0 : i32
    %dma_wait3A_390 = tpu.memref_slice %arg2[%dma_wait3A_388, %dma_wait3A_389] : memref<10000x128xf32, #tpu.memory_space<hbm>> -> memref<10000x128xf32, #tpu.memory_space<hbm>>
    tpu.wait_indirect_dma semaphore(%arg14 : memref<!tpu.dma_semaphore, #tpu.memory_space<semaphore_mem>>) src(%dma_wait3A_390 : memref<10000x128xf32, #tpu.memory_space<hbm>>) dst(%dma_wait3A_385 : memref<64x128xf32, #tpu.memory_space<vmem>>)
    %dma_wait3A_391 = arith.constant 64 : i32
    %dma_wait3A_392 = arith.constant 0 : i32
    %dma_wait3A_393 = tpu.memref_slice %arg8[%dma_wait3A_391, %dma_wait3A_392] : memref<128x128xf32, #tpu.memory_space<vmem>> -> memref<64x128xf32, #tpu.memory_space<vmem>>
    %dma_wait3A_394 = arith.constant 64 : i32
    %dma_wait3A_395 = tpu.memref_slice %arg10[%dma_wait3A_394] : memref<128xi32, #tpu.memory_space<vmem>> -> memref<64xi32, #tpu.memory_space<vmem>>
    %dma_wait3A_396 = arith.constant 0 : i32
    %dma_wait3A_397 = arith.constant 0 : i32
    %dma_wait3A_398 = tpu.memref_slice %arg2[%dma_wait3A_396, %dma_wait3A_397] : memref<10000x128xf32, #tpu.memory_space<hbm>> -> memref<10000x128xf32, #tpu.memory_space<hbm>>
    tpu.wait_indirect_dma semaphore(%arg14 : memref<!tpu.dma_semaphore, #tpu.memory_space<semaphore_mem>>) src(%dma_wait3A_398 : memref<10000x128xf32, #tpu.memory_space<hbm>>) dst(%dma_wait3A_393 : memref<64x128xf32, #tpu.memory_space<vmem>>)
    %dma_start3A_399 = arith.constant 0 : i32
    %dma_start3A_400 = arith.constant 0 : i32
    %dma_start3A_401 = tpu.memref_slice %arg5[%dma_start3A_399, %dma_start3A_400] : memref<10240x128xf32, #tpu.memory_space<vmem_shared>> -> memref<10240x128xf32, #tpu.memory_space<vmem_shared>>
    tpu.enqueue_indirect_dma source(%arg8 : memref<128x128xf32, #tpu.memory_space<vmem>>) target(%dma_start3A_401 : memref<10240x128xf32, #tpu.memory_space<vmem_shared>>) offsets(%arg12 : memref<128xi32, #tpu.memory_space<vmem>>) semaphore(%arg16 : memref<!tpu.dma_semaphore, #tpu.memory_space<semaphore_mem>>) {add = true}
    %dma_wait3A_402 = arith.constant 0 : i32
    %dma_wait3A_403 = arith.constant 0 : i32
    %dma_wait3A_404 = tpu.memref_slice %arg5[%dma_wait3A_402, %dma_wait3A_403] : memref<10240x128xf32, #tpu.memory_space<vmem_shared>> -> memref<10240x128xf32, #tpu.memory_space<vmem_shared>>
    tpu.wait_indirect_dma semaphore(%arg15 : memref<!tpu.dma_semaphore, #tpu.memory_space<semaphore_mem>>) src(%arg7 : memref<128x128xf32, #tpu.memory_space<vmem>>) dst(%dma_wait3A_404 : memref<10240x128xf32, #tpu.memory_space<vmem_shared>>)
    %dma_wait3A_405 = arith.constant 0 : i32
    %dma_wait3A_406 = arith.constant 0 : i32
    %dma_wait3A_407 = tpu.memref_slice %arg5[%dma_wait3A_405, %dma_wait3A_406] : memref<10240x128xf32, #tpu.memory_space<vmem_shared>> -> memref<10240x128xf32, #tpu.memory_space<vmem_shared>>
    tpu.wait_indirect_dma semaphore(%arg16 : memref<!tpu.dma_semaphore, #tpu.memory_space<semaphore_mem>>) src(%arg8 : memref<128x128xf32, #tpu.memory_space<vmem>>) dst(%dma_wait3A_407 : memref<10240x128xf32, #tpu.memory_space<vmem_shared>>)
    %barrier3A_408 = arith.constant 0 : index
    tpu.barrier barrier_id(%barrier3A_408)
    %mul3A_409 = arith.constant 624 : i32
    %mul3A_410 = arith.muli %arg1, %mul3A_409 : i32
    "tpu.region"() ({
      %run_scoped3A = tpu.sem_alloc : memref<!tpu.dma_semaphore, #tpu.memory_space<semaphore_mem>>
      %dma_start3A_413 = arith.constant 0 : i32
      %dma_start3A_414 = tpu.memref_slice %arg4[%arg0, %mul3A_410, %dma_start3A_413] : memref<2x10000x128xf32, #tpu.memory_space<hbm>> -> memref<1x624x128xf32, #tpu.memory_space<hbm>>
      %dma_start3A_415 = tpu.memref_squeeze %dma_start3A_414 : memref<1x624x128xf32, #tpu.memory_space<hbm>> -> memref<624x128xf32, #tpu.memory_space<hbm>>
      %dma_start3A_416 = arith.constant 0 : i32
      %dma_start3A_417 = tpu.memref_slice %arg5[%mul3A_410, %dma_start3A_416] : memref<10240x128xf32, #tpu.memory_space<vmem_shared>> -> memref<624x128xf32, #tpu.memory_space<vmem_shared>>
      tpu.enqueue_dma source(%dma_start3A_417 : memref<624x128xf32, #tpu.memory_space<vmem_shared>>) target(%dma_start3A_415 : memref<624x128xf32, #tpu.memory_space<hbm>>) target_semaphore(%run_scoped3A : memref<!tpu.dma_semaphore, #tpu.memory_space<semaphore_mem>>)
      %dma_wait3A_418 = arith.constant 0 : i32
      %dma_wait3A_419 = tpu.memref_slice %arg4[%arg0, %mul3A_410, %dma_wait3A_418] : memref<2x10000x128xf32, #tpu.memory_space<hbm>> -> memref<1x624x128xf32, #tpu.memory_space<hbm>>
      %dma_wait3A_420 = tpu.memref_squeeze %dma_wait3A_419 : memref<1x624x128xf32, #tpu.memory_space<hbm>> -> memref<624x128xf32, #tpu.memory_space<hbm>>
      %dma_wait3A_421 = arith.constant 0 : i32
      %dma_wait3A_422 = tpu.memref_slice %arg5[%mul3A_410, %dma_wait3A_421] : memref<10240x128xf32, #tpu.memory_space<vmem_shared>> -> memref<624x128xf32, #tpu.memory_space<vmem_shared>>
      tpu.wait_dma2 semaphore(%run_scoped3A : memref<!tpu.dma_semaphore, #tpu.memory_space<semaphore_mem>>) src(%dma_wait3A_422 : memref<624x128xf32, #tpu.memory_space<vmem_shared>>) dst(%dma_wait3A_420 : memref<624x128xf32, #tpu.memory_space<hbm>>)
      tpu.yield
    }) : () -> ()
    %eq3A = arith.constant 0 : i32
    %eq3A_411 = arith.cmpi eq, %arg1, %eq3A : i32
    %convert_element_type3A = arith.extui %eq3A_411 : i1 to i32
    %cond3A = arith.constant 0 : i32
    %cond3A_412 = arith.cmpi ne, %convert_element_type3A, %cond3A : i32
    scf.if %cond3A_412 {
      "tpu.region"() ({
        %run_scoped3A = tpu.sem_alloc : memref<!tpu.dma_semaphore, #tpu.memory_space<semaphore_mem>>
        %dma_start3A_413 = arith.constant 9984 : i32
        %dma_start3A_414 = arith.constant 0 : i32
        %dma_start3A_415 = tpu.memref_slice %arg4[%arg0, %dma_start3A_413, %dma_start3A_414] : memref<2x10000x128xf32, #tpu.memory_space<hbm>> -> memref<1x16x128xf32, #tpu.memory_space<hbm>>
        %dma_start3A_416 = tpu.memref_squeeze %dma_start3A_415 : memref<1x16x128xf32, #tpu.memory_space<hbm>> -> memref<16x128xf32, #tpu.memory_space<hbm>>
        %dma_start3A_417 = arith.constant 9984 : i32
        %dma_start3A_418 = arith.constant 0 : i32
        %dma_start3A_419 = tpu.memref_slice %arg5[%dma_start3A_417, %dma_start3A_418] : memref<10240x128xf32, #tpu.memory_space<vmem_shared>> -> memref<16x128xf32, #tpu.memory_space<vmem_shared>>
        tpu.enqueue_dma source(%dma_start3A_419 : memref<16x128xf32, #tpu.memory_space<vmem_shared>>) target(%dma_start3A_416 : memref<16x128xf32, #tpu.memory_space<hbm>>) target_semaphore(%run_scoped3A : memref<!tpu.dma_semaphore, #tpu.memory_space<semaphore_mem>>)
        %dma_wait3A_420 = arith.constant 9984 : i32
        %dma_wait3A_421 = arith.constant 0 : i32
        %dma_wait3A_422 = tpu.memref_slice %arg4[%arg0, %dma_wait3A_420, %dma_wait3A_421] : memref<2x10000x128xf32, #tpu.memory_space<hbm>> -> memref<1x16x128xf32, #tpu.memory_space<hbm>>
        %dma_wait3A_423 = tpu.memref_squeeze %dma_wait3A_422 : memref<1x16x128xf32, #tpu.memory_space<hbm>> -> memref<16x128xf32, #tpu.memory_space<hbm>>
        %dma_wait3A_424 = arith.constant 9984 : i32
        %dma_wait3A_425 = arith.constant 0 : i32
        %dma_wait3A_426 = tpu.memref_slice %arg5[%dma_wait3A_424, %dma_wait3A_425] : memref<10240x128xf32, #tpu.memory_space<vmem_shared>> -> memref<16x128xf32, #tpu.memory_space<vmem_shared>>
        tpu.wait_dma2 semaphore(%run_scoped3A : memref<!tpu.dma_semaphore, #tpu.memory_space<semaphore_mem>>) src(%dma_wait3A_426 : memref<16x128xf32, #tpu.memory_space<vmem_shared>>) dst(%dma_wait3A_423 : memref<16x128xf32, #tpu.memory_space<hbm>>)
        tpu.yield
      }) : () -> ()
    } else {
    }
    return
  }
}

#map = affine_map<(d0, d1) -> (0, 0)>
#map1 = affine_map<(d0, d1) -> (0, 0, 0)>
module attributes {stable_mosaic.version = 14 : i64} {
  func.func @_sc_agg_body(%arg0: i32, %arg1: i32, %arg2: memref<10000x128xf32, #tpu.memory_space<hbm>>, %arg3: memref<2560x128xi32, #tpu.memory_space<hbm>>, %arg4: memref<2x10000x128xf32, #tpu.memory_space<hbm>>, %arg5: memref<10240x128xf32, #tpu.memory_space<vmem_shared>>, %arg6: memref<80x128xi32, #tpu.memory_space<vmem>>, %arg7: memref<128x128xf32, #tpu.memory_space<vmem>>, %arg8: memref<128x128xf32, #tpu.memory_space<vmem>>, %arg9: memref<128xi32, #tpu.memory_space<vmem>>, %arg10: memref<128xi32, #tpu.memory_space<vmem>>, %arg11: memref<128xi32, #tpu.memory_space<vmem>>, %arg12: memref<128xi32, #tpu.memory_space<vmem>>, %arg13: memref<!tpu.dma_semaphore, #tpu.memory_space<semaphore_mem>>, %arg14: memref<!tpu.dma_semaphore, #tpu.memory_space<semaphore_mem>>, %arg15: memref<!tpu.dma_semaphore, #tpu.memory_space<semaphore_mem>>, %arg16: memref<!tpu.dma_semaphore, #tpu.memory_space<semaphore_mem>>) attributes {dimension_semantics = [#tpu.dimension_semantics<core_parallel>, #tpu.dimension_semantics<subcore_parallel>], iteration_bounds = array<i64: 2, 16>, scalar_prefetch = 0 : i64, scratch_operands = 12 : i64, tpu.core_type = #tpu.core_type<sc_vector_subcore>, window_params = [{transform_indices = #map}, {transform_indices = #map}, {transform_indices = #map1}]} {
    %mul3A = arith.constant 2 : i32
    %mul3A_0 = arith.muli %arg1, %mul3A : i32
    %add3A = arith.addi %mul3A_0, %arg0 : i32
    %scan3A = arith.constant 0 : i32
    %scan3A_1 = arith.constant 0 : i32
    %scan3A_2 = arith.constant 128 : i32
    %scan3A_3 = arith.addi %scan3A_1, %scan3A_2 : i32
    %scan3A_4 = arith.constant 1 : i32
    scf.for %scan3A_413 = %scan3A_1 to %scan3A_3 step %scan3A_4  : i32 {
      %broadcast_in_dim3A = arith.constant 0.000000e+00 : f32
      %broadcast_in_dim3A_414 = vector.broadcast %broadcast_in_dim3A : f32 to vector<16xf32>
      %swap3A_415 = arith.index_cast %scan3A_413 : i32 to index
      %swap3A_416 = arith.constant 0 : index
      %swap3A_417 = tpu.vector_load %arg7[%swap3A_415, %swap3A_416] {strides = array<i32>} : memref<128x128xf32, #tpu.memory_space<vmem>>, vector<1x16xf32>,
      %swap3A_418 = vector.shape_cast %swap3A_417 : vector<1x16xf32> to vector<16xf32>
      %swap3A_419 = vector.shape_cast %broadcast_in_dim3A_414 : vector<16xf32> to vector<1x16xf32>
      tpu.vector_store %arg7[%swap3A_415, %swap3A_416], %swap3A_419 {strides = array<i32>} : memref<128x128xf32, #tpu.memory_space<vmem>>, vector<1x16xf32>,
      %broadcast_in_dim3A_420 = arith.constant 0.000000e+00 : f32
      %broadcast_in_dim3A_421 = vector.broadcast %broadcast_in_dim3A_420 : f32 to vector<16xf32>
      %swap3A_422 = arith.index_cast %scan3A_413 : i32 to index
      %swap3A_423 = arith.constant 16 : index
      %swap3A_424 = tpu.vector_load %arg7[%swap3A_422, %swap3A_423] {strides = array<i32>} : memref<128x128xf32, #tpu.memory_space<vmem>>, vector<1x16xf32>,
      %swap3A_425 = vector.shape_cast %swap3A_424 : vector<1x16xf32> to vector<16xf32>
      %swap3A_426 = vector.shape_cast %broadcast_in_dim3A_421 : vector<16xf32> to vector<1x16xf32>
      tpu.vector_store %arg7[%swap3A_422, %swap3A_423], %swap3A_426 {strides = array<i32>} : memref<128x128xf32, #tpu.memory_space<vmem>>, vector<1x16xf32>,
      %broadcast_in_dim3A_427 = arith.constant 0.000000e+00 : f32
      %broadcast_in_dim3A_428 = vector.broadcast %broadcast_in_dim3A_427 : f32 to vector<16xf32>
      %swap3A_429 = arith.index_cast %scan3A_413 : i32 to index
      %swap3A_430 = arith.constant 32 : index
      %swap3A_431 = tpu.vector_load %arg7[%swap3A_429, %swap3A_430] {strides = array<i32>} : memref<128x128xf32, #tpu.memory_space<vmem>>, vector<1x16xf32>,
      %swap3A_432 = vector.shape_cast %swap3A_431 : vector<1x16xf32> to vector<16xf32>
      %swap3A_433 = vector.shape_cast %broadcast_in_dim3A_428 : vector<16xf32> to vector<1x16xf32>
      tpu.vector_store %arg7[%swap3A_429, %swap3A_430], %swap3A_433 {strides = array<i32>} : memref<128x128xf32, #tpu.memory_space<vmem>>, vector<1x16xf32>,
      %broadcast_in_dim3A_434 = arith.constant 0.000000e+00 : f32
      %broadcast_in_dim3A_435 = vector.broadcast %broadcast_in_dim3A_434 : f32 to vector<16xf32>
      %swap3A_436 = arith.index_cast %scan3A_413 : i32 to index
      %swap3A_437 = arith.constant 48 : index
      %swap3A_438 = tpu.vector_load %arg7[%swap3A_436, %swap3A_437] {strides = array<i32>} : memref<128x128xf32, #tpu.memory_space<vmem>>, vector<1x16xf32>,
      %swap3A_439 = vector.shape_cast %swap3A_438 : vector<1x16xf32> to vector<16xf32>
      %swap3A_440 = vector.shape_cast %broadcast_in_dim3A_435 : vector<16xf32> to vector<1x16xf32>
      tpu.vector_store %arg7[%swap3A_436, %swap3A_437], %swap3A_440 {strides = array<i32>} : memref<128x128xf32, #tpu.memory_space<vmem>>, vector<1x16xf32>,
      %broadcast_in_dim3A_441 = arith.constant 0.000000e+00 : f32
      %broadcast_in_dim3A_442 = vector.broadcast %broadcast_in_dim3A_441 : f32 to vector<16xf32>
      %swap3A_443 = arith.index_cast %scan3A_413 : i32 to index
      %swap3A_444 = arith.constant 64 : index
      %swap3A_445 = tpu.vector_load %arg7[%swap3A_443, %swap3A_444] {strides = array<i32>} : memref<128x128xf32, #tpu.memory_space<vmem>>, vector<1x16xf32>,
      %swap3A_446 = vector.shape_cast %swap3A_445 : vector<1x16xf32> to vector<16xf32>
      %swap3A_447 = vector.shape_cast %broadcast_in_dim3A_442 : vector<16xf32> to vector<1x16xf32>
      tpu.vector_store %arg7[%swap3A_443, %swap3A_444], %swap3A_447 {strides = array<i32>} : memref<128x128xf32, #tpu.memory_space<vmem>>, vector<1x16xf32>,
      %broadcast_in_dim3A_448 = arith.constant 0.000000e+00 : f32
      %broadcast_in_dim3A_449 = vector.broadcast %broadcast_in_dim3A_448 : f32 to vector<16xf32>
      %swap3A_450 = arith.index_cast %scan3A_413 : i32 to index
      %swap3A_451 = arith.constant 80 : index
      %swap3A_452 = tpu.vector_load %arg7[%swap3A_450, %swap3A_451] {strides = array<i32>} : memref<128x128xf32, #tpu.memory_space<vmem>>, vector<1x16xf32>,
      %swap3A_453 = vector.shape_cast %swap3A_452 : vector<1x16xf32> to vector<16xf32>
      %swap3A_454 = vector.shape_cast %broadcast_in_dim3A_449 : vector<16xf32> to vector<1x16xf32>
      tpu.vector_store %arg7[%swap3A_450, %swap3A_451], %swap3A_454 {strides = array<i32>} : memref<128x128xf32, #tpu.memory_space<vmem>>, vector<1x16xf32>,
      %broadcast_in_dim3A_455 = arith.constant 0.000000e+00 : f32
      %broadcast_in_dim3A_456 = vector.broadcast %broadcast_in_dim3A_455 : f32 to vector<16xf32>
      %swap3A_457 = arith.index_cast %scan3A_413 : i32 to index
      %swap3A_458 = arith.constant 96 : index
      %swap3A_459 = tpu.vector_load %arg7[%swap3A_457, %swap3A_458] {strides = array<i32>} : memref<128x128xf32, #tpu.memory_space<vmem>>, vector<1x16xf32>,
      %swap3A_460 = vector.shape_cast %swap3A_459 : vector<1x16xf32> to vector<16xf32>
      %swap3A_461 = vector.shape_cast %broadcast_in_dim3A_456 : vector<16xf32> to vector<1x16xf32>
      tpu.vector_store %arg7[%swap3A_457, %swap3A_458], %swap3A_461 {strides = array<i32>} : memref<128x128xf32, #tpu.memory_space<vmem>>, vector<1x16xf32>,
      %broadcast_in_dim3A_462 = arith.constant 0.000000e+00 : f32
      %broadcast_in_dim3A_463 = vector.broadcast %broadcast_in_dim3A_462 : f32 to vector<16xf32>
      %swap3A_464 = arith.index_cast %scan3A_413 : i32 to index
      %swap3A_465 = arith.constant 112 : index
      %swap3A_466 = tpu.vector_load %arg7[%swap3A_464, %swap3A_465] {strides = array<i32>} : memref<128x128xf32, #tpu.memory_space<vmem>>, vector<1x16xf32>,
      %swap3A_467 = vector.shape_cast %swap3A_466 : vector<1x16xf32> to vector<16xf32>
      %swap3A_468 = vector.shape_cast %broadcast_in_dim3A_463 : vector<16xf32> to vector<1x16xf32>
      tpu.vector_store %arg7[%swap3A_464, %swap3A_465], %swap3A_468 {strides = array<i32>} : memref<128x128xf32, #tpu.memory_space<vmem>>, vector<1x16xf32>,
    }
    %scan3A_5 = arith.constant 128 : i32
    %mul3A_6 = arith.constant 640 : i32
    %mul3A_7 = arith.muli %arg1, %mul3A_6 : i32
    %add3A_8 = arith.constant 0 : i32
    %add3A_9 = arith.addi %mul3A_7, %add3A_8 : i32
    "tpu.region"() ({
      %run_scoped3A = tpu.sem_alloc : memref<!tpu.dma_semaphore, #tpu.memory_space<semaphore_mem>>
      %dma_start3A_413 = arith.constant 0 : i32
      %dma_start3A_414 = tpu.memref_slice %arg5[%add3A_9, %dma_start3A_413] : memref<10240x128xf32, #tpu.memory_space<vmem_shared>> -> memref<128x128xf32, #tpu.memory_space<vmem_shared>>
      %dma_start3A_415 = arith.constant 0 : i32
      %dma_start3A_416 = tpu.memref_slice %arg5[%add3A_9, %dma_start3A_415] : memref<10240x128xf32, #tpu.memory_space<vmem_shared>> -> memref<128x128xf32, #tpu.memory_space<vmem_shared>>
      tpu.enqueue_dma source(%arg7 : memref<128x128xf32, #tpu.memory_space<vmem>>) target(%dma_start3A_416 : memref<128x128xf32, #tpu.memory_space<vmem_shared>>) target_semaphore(%run_scoped3A : memref<!tpu.dma_semaphore, #tpu.memory_space<semaphore_mem>>)
      %dma_wait3A_417 = arith.constant 0 : i32
      %dma_wait3A_418 = tpu.memref_slice %arg5[%add3A_9, %dma_wait3A_417] : memref<10240x128xf32, #tpu.memory_space<vmem_shared>> -> memref<128x128xf32, #tpu.memory_space<vmem_shared>>
      %dma_wait3A_419 = arith.constant 0 : i32
      %dma_wait3A_420 = tpu.memref_slice %arg5[%add3A_9, %dma_wait3A_419] : memref<10240x128xf32, #tpu.memory_space<vmem_shared>> -> memref<128x128xf32, #tpu.memory_space<vmem_shared>>
      tpu.wait_dma2 semaphore(%run_scoped3A : memref<!tpu.dma_semaphore, #tpu.memory_space<semaphore_mem>>) src(%arg7 : memref<128x128xf32, #tpu.memory_space<vmem>>) dst(%dma_wait3A_420 : memref<128x128xf32, #tpu.memory_space<vmem_shared>>)
      tpu.yield
    }) : () -> ()
    %mul3A_10 = arith.constant 640 : i32
    %mul3A_11 = arith.muli %arg1, %mul3A_10 : i32
    %add3A_12 = arith.constant 128 : i32
    %add3A_13 = arith.addi %mul3A_11, %add3A_12 : i32
    "tpu.region"() ({
      %run_scoped3A = tpu.sem_alloc : memref<!tpu.dma_semaphore, #tpu.memory_space<semaphore_mem>>
      %dma_start3A_413 = arith.constant 0 : i32
      %dma_start3A_414 = tpu.memref_slice %arg5[%add3A_13, %dma_start3A_413] : memref<10240x128xf32, #tpu.memory_space<vmem_shared>> -> memref<128x128xf32, #tpu.memory_space<vmem_shared>>
      %dma_start3A_415 = arith.constant 0 : i32
      %dma_start3A_416 = tpu.memref_slice %arg5[%add3A_13, %dma_start3A_415] : memref<10240x128xf32, #tpu.memory_space<vmem_shared>> -> memref<128x128xf32, #tpu.memory_space<vmem_shared>>
      tpu.enqueue_dma source(%arg7 : memref<128x128xf32, #tpu.memory_space<vmem>>) target(%dma_start3A_416 : memref<128x128xf32, #tpu.memory_space<vmem_shared>>) target_semaphore(%run_scoped3A : memref<!tpu.dma_semaphore, #tpu.memory_space<semaphore_mem>>)
      %dma_wait3A_417 = arith.constant 0 : i32
      %dma_wait3A_418 = tpu.memref_slice %arg5[%add3A_13, %dma_wait3A_417] : memref<10240x128xf32, #tpu.memory_space<vmem_shared>> -> memref<128x128xf32, #tpu.memory_space<vmem_shared>>
      %dma_wait3A_419 = arith.constant 0 : i32
      %dma_wait3A_420 = tpu.memref_slice %arg5[%add3A_13, %dma_wait3A_419] : memref<10240x128xf32, #tpu.memory_space<vmem_shared>> -> memref<128x128xf32, #tpu.memory_space<vmem_shared>>
      tpu.wait_dma2 semaphore(%run_scoped3A : memref<!tpu.dma_semaphore, #tpu.memory_space<semaphore_mem>>) src(%arg7 : memref<128x128xf32, #tpu.memory_space<vmem>>) dst(%dma_wait3A_420 : memref<128x128xf32, #tpu.memory_space<vmem_shared>>)
      tpu.yield
    }) : () -> ()
    %mul3A_14 = arith.constant 640 : i32
    %mul3A_15 = arith.muli %arg1, %mul3A_14 : i32
    %add3A_16 = arith.constant 256 : i32
    %add3A_17 = arith.addi %mul3A_15, %add3A_16 : i32
    "tpu.region"() ({
      %run_scoped3A = tpu.sem_alloc : memref<!tpu.dma_semaphore, #tpu.memory_space<semaphore_mem>>
      %dma_start3A_413 = arith.constant 0 : i32
      %dma_start3A_414 = tpu.memref_slice %arg5[%add3A_17, %dma_start3A_413] : memref<10240x128xf32, #tpu.memory_space<vmem_shared>> -> memref<128x128xf32, #tpu.memory_space<vmem_shared>>
      %dma_start3A_415 = arith.constant 0 : i32
      %dma_start3A_416 = tpu.memref_slice %arg5[%add3A_17, %dma_start3A_415] : memref<10240x128xf32, #tpu.memory_space<vmem_shared>> -> memref<128x128xf32, #tpu.memory_space<vmem_shared>>
      tpu.enqueue_dma source(%arg7 : memref<128x128xf32, #tpu.memory_space<vmem>>) target(%dma_start3A_416 : memref<128x128xf32, #tpu.memory_space<vmem_shared>>) target_semaphore(%run_scoped3A : memref<!tpu.dma_semaphore, #tpu.memory_space<semaphore_mem>>)
      %dma_wait3A_417 = arith.constant 0 : i32
      %dma_wait3A_418 = tpu.memref_slice %arg5[%add3A_17, %dma_wait3A_417] : memref<10240x128xf32, #tpu.memory_space<vmem_shared>> -> memref<128x128xf32, #tpu.memory_space<vmem_shared>>
      %dma_wait3A_419 = arith.constant 0 : i32
      %dma_wait3A_420 = tpu.memref_slice %arg5[%add3A_17, %dma_wait3A_419] : memref<10240x128xf32, #tpu.memory_space<vmem_shared>> -> memref<128x128xf32, #tpu.memory_space<vmem_shared>>
      tpu.wait_dma2 semaphore(%run_scoped3A : memref<!tpu.dma_semaphore, #tpu.memory_space<semaphore_mem>>) src(%arg7 : memref<128x128xf32, #tpu.memory_space<vmem>>) dst(%dma_wait3A_420 : memref<128x128xf32, #tpu.memory_space<vmem_shared>>)
      tpu.yield
    }) : () -> ()
    %mul3A_18 = arith.constant 640 : i32
    %mul3A_19 = arith.muli %arg1, %mul3A_18 : i32
    %add3A_20 = arith.constant 384 : i32
    %add3A_21 = arith.addi %mul3A_19, %add3A_20 : i32
    "tpu.region"() ({
      %run_scoped3A = tpu.sem_alloc : memref<!tpu.dma_semaphore, #tpu.memory_space<semaphore_mem>>
      %dma_start3A_413 = arith.constant 0 : i32
      %dma_start3A_414 = tpu.memref_slice %arg5[%add3A_21, %dma_start3A_413] : memref<10240x128xf32, #tpu.memory_space<vmem_shared>> -> memref<128x128xf32, #tpu.memory_space<vmem_shared>>
      %dma_start3A_415 = arith.constant 0 : i32
      %dma_start3A_416 = tpu.memref_slice %arg5[%add3A_21, %dma_start3A_415] : memref<10240x128xf32, #tpu.memory_space<vmem_shared>> -> memref<128x128xf32, #tpu.memory_space<vmem_shared>>
      tpu.enqueue_dma source(%arg7 : memref<128x128xf32, #tpu.memory_space<vmem>>) target(%dma_start3A_416 : memref<128x128xf32, #tpu.memory_space<vmem_shared>>) target_semaphore(%run_scoped3A : memref<!tpu.dma_semaphore, #tpu.memory_space<semaphore_mem>>)
      %dma_wait3A_417 = arith.constant 0 : i32
      %dma_wait3A_418 = tpu.memref_slice %arg5[%add3A_21, %dma_wait3A_417] : memref<10240x128xf32, #tpu.memory_space<vmem_shared>> -> memref<128x128xf32, #tpu.memory_space<vmem_shared>>
      %dma_wait3A_419 = arith.constant 0 : i32
      %dma_wait3A_420 = tpu.memref_slice %arg5[%add3A_21, %dma_wait3A_419] : memref<10240x128xf32, #tpu.memory_space<vmem_shared>> -> memref<128x128xf32, #tpu.memory_space<vmem_shared>>
      tpu.wait_dma2 semaphore(%run_scoped3A : memref<!tpu.dma_semaphore, #tpu.memory_space<semaphore_mem>>) src(%arg7 : memref<128x128xf32, #tpu.memory_space<vmem>>) dst(%dma_wait3A_420 : memref<128x128xf32, #tpu.memory_space<vmem_shared>>)
      tpu.yield
    }) : () -> ()
    %mul3A_22 = arith.constant 640 : i32
    %mul3A_23 = arith.muli %arg1, %mul3A_22 : i32
    %add3A_24 = arith.constant 512 : i32
    %add3A_25 = arith.addi %mul3A_23, %add3A_24 : i32
    "tpu.region"() ({
      %run_scoped3A = tpu.sem_alloc : memref<!tpu.dma_semaphore, #tpu.memory_space<semaphore_mem>>
      %dma_start3A_413 = arith.constant 0 : i32
      %dma_start3A_414 = tpu.memref_slice %arg5[%add3A_25, %dma_start3A_413] : memref<10240x128xf32, #tpu.memory_space<vmem_shared>> -> memref<128x128xf32, #tpu.memory_space<vmem_shared>>
      %dma_start3A_415 = arith.constant 0 : i32
      %dma_start3A_416 = tpu.memref_slice %arg5[%add3A_25, %dma_start3A_415] : memref<10240x128xf32, #tpu.memory_space<vmem_shared>> -> memref<128x128xf32, #tpu.memory_space<vmem_shared>>
      tpu.enqueue_dma source(%arg7 : memref<128x128xf32, #tpu.memory_space<vmem>>) target(%dma_start3A_416 : memref<128x128xf32, #tpu.memory_space<vmem_shared>>) target_semaphore(%run_scoped3A : memref<!tpu.dma_semaphore, #tpu.memory_space<semaphore_mem>>)
      %dma_wait3A_417 = arith.constant 0 : i32
      %dma_wait3A_418 = tpu.memref_slice %arg5[%add3A_25, %dma_wait3A_417] : memref<10240x128xf32, #tpu.memory_space<vmem_shared>> -> memref<128x128xf32, #tpu.memory_space<vmem_shared>>
      %dma_wait3A_419 = arith.constant 0 : i32
      %dma_wait3A_420 = tpu.memref_slice %arg5[%add3A_25, %dma_wait3A_419] : memref<10240x128xf32, #tpu.memory_space<vmem_shared>> -> memref<128x128xf32, #tpu.memory_space<vmem_shared>>
      tpu.wait_dma2 semaphore(%run_scoped3A : memref<!tpu.dma_semaphore, #tpu.memory_space<semaphore_mem>>) src(%arg7 : memref<128x128xf32, #tpu.memory_space<vmem>>) dst(%dma_wait3A_420 : memref<128x128xf32, #tpu.memory_space<vmem_shared>>)
      tpu.yield
    }) : () -> ()
    %barrier3A = arith.constant 0 : index
    tpu.barrier barrier_id(%barrier3A)
    %mul3A_26 = arith.constant 80 : i32
    %mul3A_27 = arith.muli %add3A, %mul3A_26 : i32
    "tpu.region"() ({
      %run_scoped3A = tpu.sem_alloc : memref<!tpu.dma_semaphore, #tpu.memory_space<semaphore_mem>>
      %dma_start3A_413 = arith.constant 0 : i32
      %dma_start3A_414 = tpu.memref_slice %arg3[%mul3A_27, %dma_start3A_413] : memref<2560x128xi32, #tpu.memory_space<hbm>> -> memref<80x128xi32, #tpu.memory_space<hbm>>
      %dma_start3A_415 = arith.constant 0 : i32
      %dma_start3A_416 = tpu.memref_slice %arg3[%mul3A_27, %dma_start3A_415] : memref<2560x128xi32, #tpu.memory_space<hbm>> -> memref<80x128xi32, #tpu.memory_space<hbm>>
      tpu.enqueue_dma source(%dma_start3A_416 : memref<80x128xi32, #tpu.memory_space<hbm>>) target(%arg6 : memref<80x128xi32, #tpu.memory_space<vmem>>) target_semaphore(%run_scoped3A : memref<!tpu.dma_semaphore, #tpu.memory_space<semaphore_mem>>)
      %dma_wait3A_417 = arith.constant 0 : i32
      %dma_wait3A_418 = tpu.memref_slice %arg3[%mul3A_27, %dma_wait3A_417] : memref<2560x128xi32, #tpu.memory_space<hbm>> -> memref<80x128xi32, #tpu.memory_space<hbm>>
      %dma_wait3A_419 = arith.constant 0 : i32
      %dma_wait3A_420 = tpu.memref_slice %arg3[%mul3A_27, %dma_wait3A_419] : memref<2560x128xi32, #tpu.memory_space<hbm>> -> memref<80x128xi32, #tpu.memory_space<hbm>>
      tpu.wait_dma2 semaphore(%run_scoped3A : memref<!tpu.dma_semaphore, #tpu.memory_space<semaphore_mem>>) src(%dma_wait3A_420 : memref<80x128xi32, #tpu.memory_space<hbm>>) dst(%arg6 : memref<80x128xi32, #tpu.memory_space<vmem>>)
      tpu.yield
    }) : () -> ()
    %get3A = arith.constant 0 : i32
    %get3A_28 = arith.index_cast %get3A : i32 to index
    %get3A_29 = arith.constant 0 : index
    %get3A_30 = tpu.vector_load %arg6[%get3A_28, %get3A_29] {strides = array<i32>} : memref<80x128xi32, #tpu.memory_space<vmem>>, vector<1x16xi32>,
    %get3A_31 = vector.shape_cast %get3A_30 : vector<1x16xi32> to vector<16xi32>
    %and3A = arith.constant 65535 : i32
    %and3A_32 = vector.broadcast %and3A : i32 to vector<16xi32>
    %and3A_33 = arith.andi %get3A_31, %and3A_32 : vector<16xi32>
    %swap3A = arith.constant 0 : index
    %swap3A_34 = tpu.vector_load %arg9[%swap3A] {strides = array<i32>} : memref<128xi32, #tpu.memory_space<vmem>>, vector<16xi32>,
    %swap3A_35 = vector.shape_cast %swap3A_34 : vector<16xi32> to vector<16xi32>
    %swap3A_36 = vector.shape_cast %and3A_33 : vector<16xi32> to vector<16xi32>
    tpu.vector_store %arg9[%swap3A], %swap3A_36 {strides = array<i32>} : memref<128xi32, #tpu.memory_space<vmem>>, vector<16xi32>,
    %shift_right_logical3A = arith.constant 16 : i32
    %shift_right_logical3A_37 = vector.broadcast %shift_right_logical3A : i32 to vector<16xi32>
    %shift_right_logical3A_38 = arith.shrui %get3A_31, %shift_right_logical3A_37 : vector<16xi32>
    %swap3A_39 = arith.constant 0 : index
    %swap3A_40 = tpu.vector_load %arg11[%swap3A_39] {strides = array<i32>} : memref<128xi32, #tpu.memory_space<vmem>>, vector<16xi32>,
    %swap3A_41 = vector.shape_cast %swap3A_40 : vector<16xi32> to vector<16xi32>
    %swap3A_42 = vector.shape_cast %shift_right_logical3A_38 : vector<16xi32> to vector<16xi32>
    tpu.vector_store %arg11[%swap3A_39], %swap3A_42 {strides = array<i32>} : memref<128xi32, #tpu.memory_space<vmem>>, vector<16xi32>,
    %get3A_43 = arith.constant 0 : i32
    %get3A_44 = arith.index_cast %get3A_43 : i32 to index
    %get3A_45 = arith.constant 16 : index
    %get3A_46 = tpu.vector_load %arg6[%get3A_44, %get3A_45] {strides = array<i32>} : memref<80x128xi32, #tpu.memory_space<vmem>>, vector<1x16xi32>,
    %get3A_47 = vector.shape_cast %get3A_46 : vector<1x16xi32> to vector<16xi32>
    %and3A_48 = arith.constant 65535 : i32
    %and3A_49 = vector.broadcast %and3A_48 : i32 to vector<16xi32>
    %and3A_50 = arith.andi %get3A_47, %and3A_49 : vector<16xi32>
    %swap3A_51 = arith.constant 16 : index
    %swap3A_52 = tpu.vector_load %arg9[%swap3A_51] {strides = array<i32>} : memref<128xi32, #tpu.memory_space<vmem>>, vector<16xi32>,
    %swap3A_53 = vector.shape_cast %swap3A_52 : vector<16xi32> to vector<16xi32>
    %swap3A_54 = vector.shape_cast %and3A_50 : vector<16xi32> to vector<16xi32>
    tpu.vector_store %arg9[%swap3A_51], %swap3A_54 {strides = array<i32>} : memref<128xi32, #tpu.memory_space<vmem>>, vector<16xi32>,
    %shift_right_logical3A_55 = arith.constant 16 : i32
    %shift_right_logical3A_56 = vector.broadcast %shift_right_logical3A_55 : i32 to vector<16xi32>
    %shift_right_logical3A_57 = arith.shrui %get3A_47, %shift_right_logical3A_56 : vector<16xi32>
    %swap3A_58 = arith.constant 16 : index
    %swap3A_59 = tpu.vector_load %arg11[%swap3A_58] {strides = array<i32>} : memref<128xi32, #tpu.memory_space<vmem>>, vector<16xi32>,
    %swap3A_60 = vector.shape_cast %swap3A_59 : vector<16xi32> to vector<16xi32>
    %swap3A_61 = vector.shape_cast %shift_right_logical3A_57 : vector<16xi32> to vector<16xi32>
    tpu.vector_store %arg11[%swap3A_58], %swap3A_61 {strides = array<i32>} : memref<128xi32, #tpu.memory_space<vmem>>, vector<16xi32>,
    %get3A_62 = arith.constant 0 : i32
    %get3A_63 = arith.index_cast %get3A_62 : i32 to index
    %get3A_64 = arith.constant 32 : index
    %get3A_65 = tpu.vector_load %arg6[%get3A_63, %get3A_64] {strides = array<i32>} : memref<80x128xi32, #tpu.memory_space<vmem>>, vector<1x16xi32>,
    %get3A_66 = vector.shape_cast %get3A_65 : vector<1x16xi32> to vector<16xi32>
    %and3A_67 = arith.constant 65535 : i32
    %and3A_68 = vector.broadcast %and3A_67 : i32 to vector<16xi32>
    %and3A_69 = arith.andi %get3A_66, %and3A_68 : vector<16xi32>
    %swap3A_70 = arith.constant 32 : index
    %swap3A_71 = tpu.vector_load %arg9[%swap3A_70] {strides = array<i32>} : memref<128xi32, #tpu.memory_space<vmem>>, vector<16xi32>,
    %swap3A_72 = vector.shape_cast %swap3A_71 : vector<16xi32> to vector<16xi32>
    %swap3A_73 = vector.shape_cast %and3A_69 : vector<16xi32> to vector<16xi32>
    tpu.vector_store %arg9[%swap3A_70], %swap3A_73 {strides = array<i32>} : memref<128xi32, #tpu.memory_space<vmem>>, vector<16xi32>,
    %shift_right_logical3A_74 = arith.constant 16 : i32
    %shift_right_logical3A_75 = vector.broadcast %shift_right_logical3A_74 : i32 to vector<16xi32>
    %shift_right_logical3A_76 = arith.shrui %get3A_66, %shift_right_logical3A_75 : vector<16xi32>
    %swap3A_77 = arith.constant 32 : index
    %swap3A_78 = tpu.vector_load %arg11[%swap3A_77] {strides = array<i32>} : memref<128xi32, #tpu.memory_space<vmem>>, vector<16xi32>,
    %swap3A_79 = vector.shape_cast %swap3A_78 : vector<16xi32> to vector<16xi32>
    %swap3A_80 = vector.shape_cast %shift_right_logical3A_76 : vector<16xi32> to vector<16xi32>
    tpu.vector_store %arg11[%swap3A_77], %swap3A_80 {strides = array<i32>} : memref<128xi32, #tpu.memory_space<vmem>>, vector<16xi32>,
    %get3A_81 = arith.constant 0 : i32
    %get3A_82 = arith.index_cast %get3A_81 : i32 to index
    %get3A_83 = arith.constant 48 : index
    %get3A_84 = tpu.vector_load %arg6[%get3A_82, %get3A_83] {strides = array<i32>} : memref<80x128xi32, #tpu.memory_space<vmem>>, vector<1x16xi32>,
    %get3A_85 = vector.shape_cast %get3A_84 : vector<1x16xi32> to vector<16xi32>
    %and3A_86 = arith.constant 65535 : i32
    %and3A_87 = vector.broadcast %and3A_86 : i32 to vector<16xi32>
    %and3A_88 = arith.andi %get3A_85, %and3A_87 : vector<16xi32>
    %swap3A_89 = arith.constant 48 : index
    %swap3A_90 = tpu.vector_load %arg9[%swap3A_89] {strides = array<i32>} : memref<128xi32, #tpu.memory_space<vmem>>, vector<16xi32>,
    %swap3A_91 = vector.shape_cast %swap3A_90 : vector<16xi32> to vector<16xi32>
    %swap3A_92 = vector.shape_cast %and3A_88 : vector<16xi32> to vector<16xi32>
    tpu.vector_store %arg9[%swap3A_89], %swap3A_92 {strides = array<i32>} : memref<128xi32, #tpu.memory_space<vmem>>, vector<16xi32>,
    %shift_right_logical3A_93 = arith.constant 16 : i32
    %shift_right_logical3A_94 = vector.broadcast %shift_right_logical3A_93 : i32 to vector<16xi32>
    %shift_right_logical3A_95 = arith.shrui %get3A_85, %shift_right_logical3A_94 : vector<16xi32>
    %swap3A_96 = arith.constant 48 : index
    %swap3A_97 = tpu.vector_load %arg11[%swap3A_96] {strides = array<i32>} : memref<128xi32, #tpu.memory_space<vmem>>, vector<16xi32>,
    %swap3A_98 = vector.shape_cast %swap3A_97 : vector<16xi32> to vector<16xi32>
    %swap3A_99 = vector.shape_cast %shift_right_logical3A_95 : vector<16xi32> to vector<16xi32>
    tpu.vector_store %arg11[%swap3A_96], %swap3A_99 {strides = array<i32>} : memref<128xi32, #tpu.memory_space<vmem>>, vector<16xi32>,
    %get3A_100 = arith.constant 0 : i32
    %get3A_101 = arith.index_cast %get3A_100 : i32 to index
    %get3A_102 = arith.constant 64 : index
    %get3A_103 = tpu.vector_load %arg6[%get3A_101, %get3A_102] {strides = array<i32>} : memref<80x128xi32, #tpu.memory_space<vmem>>, vector<1x16xi32>,
    %get3A_104 = vector.shape_cast %get3A_103 : vector<1x16xi32> to vector<16xi32>
    %and3A_105 = arith.constant 65535 : i32
    %and3A_106 = vector.broadcast %and3A_105 : i32 to vector<16xi32>
    %and3A_107 = arith.andi %get3A_104, %and3A_106 : vector<16xi32>
    %swap3A_108 = arith.constant 64 : index
    %swap3A_109 = tpu.vector_load %arg9[%swap3A_108] {strides = array<i32>} : memref<128xi32, #tpu.memory_space<vmem>>, vector<16xi32>,
    %swap3A_110 = vector.shape_cast %swap3A_109 : vector<16xi32> to vector<16xi32>
    %swap3A_111 = vector.shape_cast %and3A_107 : vector<16xi32> to vector<16xi32>
    tpu.vector_store %arg9[%swap3A_108], %swap3A_111 {strides = array<i32>} : memref<128xi32, #tpu.memory_space<vmem>>, vector<16xi32>,
    %shift_right_logical3A_112 = arith.constant 16 : i32
    %shift_right_logical3A_113 = vector.broadcast %shift_right_logical3A_112 : i32 to vector<16xi32>
    %shift_right_logical3A_114 = arith.shrui %get3A_104, %shift_right_logical3A_113 : vector<16xi32>
    %swap3A_115 = arith.constant 64 : index
    %swap3A_116 = tpu.vector_load %arg11[%swap3A_115] {strides = array<i32>} : memref<128xi32, #tpu.memory_space<vmem>>, vector<16xi32>,
    %swap3A_117 = vector.shape_cast %swap3A_116 : vector<16xi32> to vector<16xi32>
    %swap3A_118 = vector.shape_cast %shift_right_logical3A_114 : vector<16xi32> to vector<16xi32>
    tpu.vector_store %arg11[%swap3A_115], %swap3A_118 {strides = array<i32>} : memref<128xi32, #tpu.memory_space<vmem>>, vector<16xi32>,
    %get3A_119 = arith.constant 0 : i32
    %get3A_120 = arith.index_cast %get3A_119 : i32 to index
    %get3A_121 = arith.constant 80 : index
    %get3A_122 = tpu.vector_load %arg6[%get3A_120, %get3A_121] {strides = array<i32>} : memref<80x128xi32, #tpu.memory_space<vmem>>, vector<1x16xi32>,
    %get3A_123 = vector.shape_cast %get3A_122 : vector<1x16xi32> to vector<16xi32>
    %and3A_124 = arith.constant 65535 : i32
    %and3A_125 = vector.broadcast %and3A_124 : i32 to vector<16xi32>
    %and3A_126 = arith.andi %get3A_123, %and3A_125 : vector<16xi32>
    %swap3A_127 = arith.constant 80 : index
    %swap3A_128 = tpu.vector_load %arg9[%swap3A_127] {strides = array<i32>} : memref<128xi32, #tpu.memory_space<vmem>>, vector<16xi32>,
    %swap3A_129 = vector.shape_cast %swap3A_128 : vector<16xi32> to vector<16xi32>
    %swap3A_130 = vector.shape_cast %and3A_126 : vector<16xi32> to vector<16xi32>
    tpu.vector_store %arg9[%swap3A_127], %swap3A_130 {strides = array<i32>} : memref<128xi32, #tpu.memory_space<vmem>>, vector<16xi32>,
    %shift_right_logical3A_131 = arith.constant 16 : i32
    %shift_right_logical3A_132 = vector.broadcast %shift_right_logical3A_131 : i32 to vector<16xi32>
    %shift_right_logical3A_133 = arith.shrui %get3A_123, %shift_right_logical3A_132 : vector<16xi32>
    %swap3A_134 = arith.constant 80 : index
    %swap3A_135 = tpu.vector_load %arg11[%swap3A_134] {strides = array<i32>} : memref<128xi32, #tpu.memory_space<vmem>>, vector<16xi32>,
    %swap3A_136 = vector.shape_cast %swap3A_135 : vector<16xi32> to vector<16xi32>
    %swap3A_137 = vector.shape_cast %shift_right_logical3A_133 : vector<16xi32> to vector<16xi32>
    tpu.vector_store %arg11[%swap3A_134], %swap3A_137 {strides = array<i32>} : memref<128xi32, #tpu.memory_space<vmem>>, vector<16xi32>,
    %get3A_138 = arith.constant 0 : i32
    %get3A_139 = arith.index_cast %get3A_138 : i32 to index
    %get3A_140 = arith.constant 96 : index
    %get3A_141 = tpu.vector_load %arg6[%get3A_139, %get3A_140] {strides = array<i32>} : memref<80x128xi32, #tpu.memory_space<vmem>>, vector<1x16xi32>,
    %get3A_142 = vector.shape_cast %get3A_141 : vector<1x16xi32> to vector<16xi32>
    %and3A_143 = arith.constant 65535 : i32
    %and3A_144 = vector.broadcast %and3A_143 : i32 to vector<16xi32>
    %and3A_145 = arith.andi %get3A_142, %and3A_144 : vector<16xi32>
    %swap3A_146 = arith.constant 96 : index
    %swap3A_147 = tpu.vector_load %arg9[%swap3A_146] {strides = array<i32>} : memref<128xi32, #tpu.memory_space<vmem>>, vector<16xi32>,
    %swap3A_148 = vector.shape_cast %swap3A_147 : vector<16xi32> to vector<16xi32>
    %swap3A_149 = vector.shape_cast %and3A_145 : vector<16xi32> to vector<16xi32>
    tpu.vector_store %arg9[%swap3A_146], %swap3A_149 {strides = array<i32>} : memref<128xi32, #tpu.memory_space<vmem>>, vector<16xi32>,
    %shift_right_logical3A_150 = arith.constant 16 : i32
    %shift_right_logical3A_151 = vector.broadcast %shift_right_logical3A_150 : i32 to vector<16xi32>
    %shift_right_logical3A_152 = arith.shrui %get3A_142, %shift_right_logical3A_151 : vector<16xi32>
    %swap3A_153 = arith.constant 96 : index
    %swap3A_154 = tpu.vector_load %arg11[%swap3A_153] {strides = array<i32>} : memref<128xi32, #tpu.memory_space<vmem>>, vector<16xi32>,
    %swap3A_155 = vector.shape_cast %swap3A_154 : vector<16xi32> to vector<16xi32>
    %swap3A_156 = vector.shape_cast %shift_right_logical3A_152 : vector<16xi32> to vector<16xi32>
    tpu.vector_store %arg11[%swap3A_153], %swap3A_156 {strides = array<i32>} : memref<128xi32, #tpu.memory_space<vmem>>, vector<16xi32>,
    %get3A_157 = arith.constant 0 : i32
    %get3A_158 = arith.index_cast %get3A_157 : i32 to index
    %get3A_159 = arith.constant 112 : index
    %get3A_160 = tpu.vector_load %arg6[%get3A_158, %get3A_159] {strides = array<i32>} : memref<80x128xi32, #tpu.memory_space<vmem>>, vector<1x16xi32>,
    %get3A_161 = vector.shape_cast %get3A_160 : vector<1x16xi32> to vector<16xi32>
    %and3A_162 = arith.constant 65535 : i32
    %and3A_163 = vector.broadcast %and3A_162 : i32 to vector<16xi32>
    %and3A_164 = arith.andi %get3A_161, %and3A_163 : vector<16xi32>
    %swap3A_165 = arith.constant 112 : index
    %swap3A_166 = tpu.vector_load %arg9[%swap3A_165] {strides = array<i32>} : memref<128xi32, #tpu.memory_space<vmem>>, vector<16xi32>,
    %swap3A_167 = vector.shape_cast %swap3A_166 : vector<16xi32> to vector<16xi32>
    %swap3A_168 = vector.shape_cast %and3A_164 : vector<16xi32> to vector<16xi32>
    tpu.vector_store %arg9[%swap3A_165], %swap3A_168 {strides = array<i32>} : memref<128xi32, #tpu.memory_space<vmem>>, vector<16xi32>,
    %shift_right_logical3A_169 = arith.constant 16 : i32
    %shift_right_logical3A_170 = vector.broadcast %shift_right_logical3A_169 : i32 to vector<16xi32>
    %shift_right_logical3A_171 = arith.shrui %get3A_161, %shift_right_logical3A_170 : vector<16xi32>
    %swap3A_172 = arith.constant 112 : index
    %swap3A_173 = tpu.vector_load %arg11[%swap3A_172] {strides = array<i32>} : memref<128xi32, #tpu.memory_space<vmem>>, vector<16xi32>,
    %swap3A_174 = vector.shape_cast %swap3A_173 : vector<16xi32> to vector<16xi32>
    %swap3A_175 = vector.shape_cast %shift_right_logical3A_171 : vector<16xi32> to vector<16xi32>
    tpu.vector_store %arg11[%swap3A_172], %swap3A_175 {strides = array<i32>} : memref<128xi32, #tpu.memory_space<vmem>>, vector<16xi32>,
    %dma_start3A = arith.constant 0 : i32
    %dma_start3A_176 = arith.constant 0 : i32
    %dma_start3A_177 = tpu.memref_slice %arg7[%dma_start3A, %dma_start3A_176] : memref<128x128xf32, #tpu.memory_space<vmem>> -> memref<64x128xf32, #tpu.memory_space<vmem>>
    %dma_start3A_178 = arith.constant 0 : i32
    %dma_start3A_179 = tpu.memref_slice %arg9[%dma_start3A_178] : memref<128xi32, #tpu.memory_space<vmem>> -> memref<64xi32, #tpu.memory_space<vmem>>
    %dma_start3A_180 = arith.constant 0 : i32
    %dma_start3A_181 = arith.constant 0 : i32
    %dma_start3A_182 = tpu.memref_slice %arg2[%dma_start3A_180, %dma_start3A_181] : memref<10000x128xf32, #tpu.memory_space<hbm>> -> memref<10000x128xf32, #tpu.memory_space<hbm>>
    tpu.enqueue_indirect_dma source(%dma_start3A_182 : memref<10000x128xf32, #tpu.memory_space<hbm>>) target(%dma_start3A_177 : memref<64x128xf32, #tpu.memory_space<vmem>>) offsets(%dma_start3A_179 : memref<64xi32, #tpu.memory_space<vmem>>) semaphore(%arg13 : memref<!tpu.dma_semaphore, #tpu.memory_space<semaphore_mem>>)
    %dma_start3A_183 = arith.constant 64 : i32
    %dma_start3A_184 = arith.constant 0 : i32
    %dma_start3A_185 = tpu.memref_slice %arg7[%dma_start3A_183, %dma_start3A_184] : memref<128x128xf32, #tpu.memory_space<vmem>> -> memref<64x128xf32, #tpu.memory_space<vmem>>
    %dma_start3A_186 = arith.constant 64 : i32
    %dma_start3A_187 = tpu.memref_slice %arg9[%dma_start3A_186] : memref<128xi32, #tpu.memory_space<vmem>> -> memref<64xi32, #tpu.memory_space<vmem>>
    %dma_start3A_188 = arith.constant 0 : i32
    %dma_start3A_189 = arith.constant 0 : i32
    %dma_start3A_190 = tpu.memref_slice %arg2[%dma_start3A_188, %dma_start3A_189] : memref<10000x128xf32, #tpu.memory_space<hbm>> -> memref<10000x128xf32, #tpu.memory_space<hbm>>
    tpu.enqueue_indirect_dma source(%dma_start3A_190 : memref<10000x128xf32, #tpu.memory_space<hbm>>) target(%dma_start3A_185 : memref<64x128xf32, #tpu.memory_space<vmem>>) offsets(%dma_start3A_187 : memref<64xi32, #tpu.memory_space<vmem>>) semaphore(%arg13 : memref<!tpu.dma_semaphore, #tpu.memory_space<semaphore_mem>>)
    %get3A_191 = arith.constant 1 : i32
    %get3A_192 = arith.index_cast %get3A_191 : i32 to index
    %get3A_193 = arith.constant 0 : index
    %get3A_194 = tpu.vector_load %arg6[%get3A_192, %get3A_193] {strides = array<i32>} : memref<80x128xi32, #tpu.memory_space<vmem>>, vector<1x16xi32>,
    %get3A_195 = vector.shape_cast %get3A_194 : vector<1x16xi32> to vector<16xi32>
    %and3A_196 = arith.constant 65535 : i32
    %and3A_197 = vector.broadcast %and3A_196 : i32 to vector<16xi32>
    %and3A_198 = arith.andi %get3A_195, %and3A_197 : vector<16xi32>
    %swap3A_199 = arith.constant 0 : index
    %swap3A_200 = tpu.vector_load %arg10[%swap3A_199] {strides = array<i32>} : memref<128xi32, #tpu.memory_space<vmem>>, vector<16xi32>,
    %swap3A_201 = vector.shape_cast %swap3A_200 : vector<16xi32> to vector<16xi32>
    %swap3A_202 = vector.shape_cast %and3A_198 : vector<16xi32> to vector<16xi32>
    tpu.vector_store %arg10[%swap3A_199], %swap3A_202 {strides = array<i32>} : memref<128xi32, #tpu.memory_space<vmem>>, vector<16xi32>,
    %shift_right_logical3A_203 = arith.constant 16 : i32
    %shift_right_logical3A_204 = vector.broadcast %shift_right_logical3A_203 : i32 to vector<16xi32>
    %shift_right_logical3A_205 = arith.shrui %get3A_195, %shift_right_logical3A_204 : vector<16xi32>
    %swap3A_206 = arith.constant 0 : index
    %swap3A_207 = tpu.vector_load %arg12[%swap3A_206] {strides = array<i32>} : memref<128xi32, #tpu.memory_space<vmem>>, vector<16xi32>,
    %swap3A_208 = vector.shape_cast %swap3A_207 : vector<16xi32> to vector<16xi32>
    %swap3A_209 = vector.shape_cast %shift_right_logical3A_205 : vector<16xi32> to vector<16xi32>
    tpu.vector_store %arg12[%swap3A_206], %swap3A_209 {strides = array<i32>} : memref<128xi32, #tpu.memory_space<vmem>>, vector<16xi32>,
    %get3A_210 = arith.constant 1 : i32
    %get3A_211 = arith.index_cast %get3A_210 : i32 to index
    %get3A_212 = arith.constant 16 : index
    %get3A_213 = tpu.vector_load %arg6[%get3A_211, %get3A_212] {strides = array<i32>} : memref<80x128xi32, #tpu.memory_space<vmem>>, vector<1x16xi32>,
    %get3A_214 = vector.shape_cast %get3A_213 : vector<1x16xi32> to vector<16xi32>
    %and3A_215 = arith.constant 65535 : i32
    %and3A_216 = vector.broadcast %and3A_215 : i32 to vector<16xi32>
    %and3A_217 = arith.andi %get3A_214, %and3A_216 : vector<16xi32>
    %swap3A_218 = arith.constant 16 : index
    %swap3A_219 = tpu.vector_load %arg10[%swap3A_218] {strides = array<i32>} : memref<128xi32, #tpu.memory_space<vmem>>, vector<16xi32>,
    %swap3A_220 = vector.shape_cast %swap3A_219 : vector<16xi32> to vector<16xi32>
    %swap3A_221 = vector.shape_cast %and3A_217 : vector<16xi32> to vector<16xi32>
    tpu.vector_store %arg10[%swap3A_218], %swap3A_221 {strides = array<i32>} : memref<128xi32, #tpu.memory_space<vmem>>, vector<16xi32>,
    %shift_right_logical3A_222 = arith.constant 16 : i32
    %shift_right_logical3A_223 = vector.broadcast %shift_right_logical3A_222 : i32 to vector<16xi32>
    %shift_right_logical3A_224 = arith.shrui %get3A_214, %shift_right_logical3A_223 : vector<16xi32>
    %swap3A_225 = arith.constant 16 : index
    %swap3A_226 = tpu.vector_load %arg12[%swap3A_225] {strides = array<i32>} : memref<128xi32, #tpu.memory_space<vmem>>, vector<16xi32>,
    %swap3A_227 = vector.shape_cast %swap3A_226 : vector<16xi32> to vector<16xi32>
    %swap3A_228 = vector.shape_cast %shift_right_logical3A_224 : vector<16xi32> to vector<16xi32>
    tpu.vector_store %arg12[%swap3A_225], %swap3A_228 {strides = array<i32>} : memref<128xi32, #tpu.memory_space<vmem>>, vector<16xi32>,
    %get3A_229 = arith.constant 1 : i32
    %get3A_230 = arith.index_cast %get3A_229 : i32 to index
    %get3A_231 = arith.constant 32 : index
    %get3A_232 = tpu.vector_load %arg6[%get3A_230, %get3A_231] {strides = array<i32>} : memref<80x128xi32, #tpu.memory_space<vmem>>, vector<1x16xi32>,
    %get3A_233 = vector.shape_cast %get3A_232 : vector<1x16xi32> to vector<16xi32>
    %and3A_234 = arith.constant 65535 : i32
    %and3A_235 = vector.broadcast %and3A_234 : i32 to vector<16xi32>
    %and3A_236 = arith.andi %get3A_233, %and3A_235 : vector<16xi32>
    %swap3A_237 = arith.constant 32 : index
    %swap3A_238 = tpu.vector_load %arg10[%swap3A_237] {strides = array<i32>} : memref<128xi32, #tpu.memory_space<vmem>>, vector<16xi32>,
    %swap3A_239 = vector.shape_cast %swap3A_238 : vector<16xi32> to vector<16xi32>
    %swap3A_240 = vector.shape_cast %and3A_236 : vector<16xi32> to vector<16xi32>
    tpu.vector_store %arg10[%swap3A_237], %swap3A_240 {strides = array<i32>} : memref<128xi32, #tpu.memory_space<vmem>>, vector<16xi32>,
    %shift_right_logical3A_241 = arith.constant 16 : i32
    %shift_right_logical3A_242 = vector.broadcast %shift_right_logical3A_241 : i32 to vector<16xi32>
    %shift_right_logical3A_243 = arith.shrui %get3A_233, %shift_right_logical3A_242 : vector<16xi32>
    %swap3A_244 = arith.constant 32 : index
    %swap3A_245 = tpu.vector_load %arg12[%swap3A_244] {strides = array<i32>} : memref<128xi32, #tpu.memory_space<vmem>>, vector<16xi32>,
    %swap3A_246 = vector.shape_cast %swap3A_245 : vector<16xi32> to vector<16xi32>
    %swap3A_247 = vector.shape_cast %shift_right_logical3A_243 : vector<16xi32> to vector<16xi32>
    tpu.vector_store %arg12[%swap3A_244], %swap3A_247 {strides = array<i32>} : memref<128xi32, #tpu.memory_space<vmem>>, vector<16xi32>,
    %get3A_248 = arith.constant 1 : i32
    %get3A_249 = arith.index_cast %get3A_248 : i32 to index
    %get3A_250 = arith.constant 48 : index
    %get3A_251 = tpu.vector_load %arg6[%get3A_249, %get3A_250] {strides = array<i32>} : memref<80x128xi32, #tpu.memory_space<vmem>>, vector<1x16xi32>,
    %get3A_252 = vector.shape_cast %get3A_251 : vector<1x16xi32> to vector<16xi32>
    %and3A_253 = arith.constant 65535 : i32
    %and3A_254 = vector.broadcast %and3A_253 : i32 to vector<16xi32>
    %and3A_255 = arith.andi %get3A_252, %and3A_254 : vector<16xi32>
    %swap3A_256 = arith.constant 48 : index
    %swap3A_257 = tpu.vector_load %arg10[%swap3A_256] {strides = array<i32>} : memref<128xi32, #tpu.memory_space<vmem>>, vector<16xi32>,
    %swap3A_258 = vector.shape_cast %swap3A_257 : vector<16xi32> to vector<16xi32>
    %swap3A_259 = vector.shape_cast %and3A_255 : vector<16xi32> to vector<16xi32>
    tpu.vector_store %arg10[%swap3A_256], %swap3A_259 {strides = array<i32>} : memref<128xi32, #tpu.memory_space<vmem>>, vector<16xi32>,
    %shift_right_logical3A_260 = arith.constant 16 : i32
    %shift_right_logical3A_261 = vector.broadcast %shift_right_logical3A_260 : i32 to vector<16xi32>
    %shift_right_logical3A_262 = arith.shrui %get3A_252, %shift_right_logical3A_261 : vector<16xi32>
    %swap3A_263 = arith.constant 48 : index
    %swap3A_264 = tpu.vector_load %arg12[%swap3A_263] {strides = array<i32>} : memref<128xi32, #tpu.memory_space<vmem>>, vector<16xi32>,
    %swap3A_265 = vector.shape_cast %swap3A_264 : vector<16xi32> to vector<16xi32>
    %swap3A_266 = vector.shape_cast %shift_right_logical3A_262 : vector<16xi32> to vector<16xi32>
    tpu.vector_store %arg12[%swap3A_263], %swap3A_266 {strides = array<i32>} : memref<128xi32, #tpu.memory_space<vmem>>, vector<16xi32>,
    %get3A_267 = arith.constant 1 : i32
    %get3A_268 = arith.index_cast %get3A_267 : i32 to index
    %get3A_269 = arith.constant 64 : index
    %get3A_270 = tpu.vector_load %arg6[%get3A_268, %get3A_269] {strides = array<i32>} : memref<80x128xi32, #tpu.memory_space<vmem>>, vector<1x16xi32>,
    %get3A_271 = vector.shape_cast %get3A_270 : vector<1x16xi32> to vector<16xi32>
    %and3A_272 = arith.constant 65535 : i32
    %and3A_273 = vector.broadcast %and3A_272 : i32 to vector<16xi32>
    %and3A_274 = arith.andi %get3A_271, %and3A_273 : vector<16xi32>
    %swap3A_275 = arith.constant 64 : index
    %swap3A_276 = tpu.vector_load %arg10[%swap3A_275] {strides = array<i32>} : memref<128xi32, #tpu.memory_space<vmem>>, vector<16xi32>,
    %swap3A_277 = vector.shape_cast %swap3A_276 : vector<16xi32> to vector<16xi32>
    %swap3A_278 = vector.shape_cast %and3A_274 : vector<16xi32> to vector<16xi32>
    tpu.vector_store %arg10[%swap3A_275], %swap3A_278 {strides = array<i32>} : memref<128xi32, #tpu.memory_space<vmem>>, vector<16xi32>,
    %shift_right_logical3A_279 = arith.constant 16 : i32
    %shift_right_logical3A_280 = vector.broadcast %shift_right_logical3A_279 : i32 to vector<16xi32>
    %shift_right_logical3A_281 = arith.shrui %get3A_271, %shift_right_logical3A_280 : vector<16xi32>
    %swap3A_282 = arith.constant 64 : index
    %swap3A_283 = tpu.vector_load %arg12[%swap3A_282] {strides = array<i32>} : memref<128xi32, #tpu.memory_space<vmem>>, vector<16xi32>,
    %swap3A_284 = vector.shape_cast %swap3A_283 : vector<16xi32> to vector<16xi32>
    %swap3A_285 = vector.shape_cast %shift_right_logical3A_281 : vector<16xi32> to vector<16xi32>
    tpu.vector_store %arg12[%swap3A_282], %swap3A_285 {strides = array<i32>} : memref<128xi32, #tpu.memory_space<vmem>>, vector<16xi32>,
    %get3A_286 = arith.constant 1 : i32
    %get3A_287 = arith.index_cast %get3A_286 : i32 to index
    %get3A_288 = arith.constant 80 : index
    %get3A_289 = tpu.vector_load %arg6[%get3A_287, %get3A_288] {strides = array<i32>} : memref<80x128xi32, #tpu.memory_space<vmem>>, vector<1x16xi32>,
    %get3A_290 = vector.shape_cast %get3A_289 : vector<1x16xi32> to vector<16xi32>
    %and3A_291 = arith.constant 65535 : i32
    %and3A_292 = vector.broadcast %and3A_291 : i32 to vector<16xi32>
    %and3A_293 = arith.andi %get3A_290, %and3A_292 : vector<16xi32>
    %swap3A_294 = arith.constant 80 : index
    %swap3A_295 = tpu.vector_load %arg10[%swap3A_294] {strides = array<i32>} : memref<128xi32, #tpu.memory_space<vmem>>, vector<16xi32>,
    %swap3A_296 = vector.shape_cast %swap3A_295 : vector<16xi32> to vector<16xi32>
    %swap3A_297 = vector.shape_cast %and3A_293 : vector<16xi32> to vector<16xi32>
    tpu.vector_store %arg10[%swap3A_294], %swap3A_297 {strides = array<i32>} : memref<128xi32, #tpu.memory_space<vmem>>, vector<16xi32>,
    %shift_right_logical3A_298 = arith.constant 16 : i32
    %shift_right_logical3A_299 = vector.broadcast %shift_right_logical3A_298 : i32 to vector<16xi32>
    %shift_right_logical3A_300 = arith.shrui %get3A_290, %shift_right_logical3A_299 : vector<16xi32>
    %swap3A_301 = arith.constant 80 : index
    %swap3A_302 = tpu.vector_load %arg12[%swap3A_301] {strides = array<i32>} : memref<128xi32, #tpu.memory_space<vmem>>, vector<16xi32>,
    %swap3A_303 = vector.shape_cast %swap3A_302 : vector<16xi32> to vector<16xi32>
    %swap3A_304 = vector.shape_cast %shift_right_logical3A_300 : vector<16xi32> to vector<16xi32>
    tpu.vector_store %arg12[%swap3A_301], %swap3A_304 {strides = array<i32>} : memref<128xi32, #tpu.memory_space<vmem>>, vector<16xi32>,
    %get3A_305 = arith.constant 1 : i32
    %get3A_306 = arith.index_cast %get3A_305 : i32 to index
    %get3A_307 = arith.constant 96 : index
    %get3A_308 = tpu.vector_load %arg6[%get3A_306, %get3A_307] {strides = array<i32>} : memref<80x128xi32, #tpu.memory_space<vmem>>, vector<1x16xi32>,
    %get3A_309 = vector.shape_cast %get3A_308 : vector<1x16xi32> to vector<16xi32>
    %and3A_310 = arith.constant 65535 : i32
    %and3A_311 = vector.broadcast %and3A_310 : i32 to vector<16xi32>
    %and3A_312 = arith.andi %get3A_309, %and3A_311 : vector<16xi32>
    %swap3A_313 = arith.constant 96 : index
    %swap3A_314 = tpu.vector_load %arg10[%swap3A_313] {strides = array<i32>} : memref<128xi32, #tpu.memory_space<vmem>>, vector<16xi32>,
    %swap3A_315 = vector.shape_cast %swap3A_314 : vector<16xi32> to vector<16xi32>
    %swap3A_316 = vector.shape_cast %and3A_312 : vector<16xi32> to vector<16xi32>
    tpu.vector_store %arg10[%swap3A_313], %swap3A_316 {strides = array<i32>} : memref<128xi32, #tpu.memory_space<vmem>>, vector<16xi32>,
    %shift_right_logical3A_317 = arith.constant 16 : i32
    %shift_right_logical3A_318 = vector.broadcast %shift_right_logical3A_317 : i32 to vector<16xi32>
    %shift_right_logical3A_319 = arith.shrui %get3A_309, %shift_right_logical3A_318 : vector<16xi32>
    %swap3A_320 = arith.constant 96 : index
    %swap3A_321 = tpu.vector_load %arg12[%swap3A_320] {strides = array<i32>} : memref<128xi32, #tpu.memory_space<vmem>>, vector<16xi32>,
    %swap3A_322 = vector.shape_cast %swap3A_321 : vector<16xi32> to vector<16xi32>
    %swap3A_323 = vector.shape_cast %shift_right_logical3A_319 : vector<16xi32> to vector<16xi32>
    tpu.vector_store %arg12[%swap3A_320], %swap3A_323 {strides = array<i32>} : memref<128xi32, #tpu.memory_space<vmem>>, vector<16xi32>,
    %get3A_324 = arith.constant 1 : i32
    %get3A_325 = arith.index_cast %get3A_324 : i32 to index
    %get3A_326 = arith.constant 112 : index
    %get3A_327 = tpu.vector_load %arg6[%get3A_325, %get3A_326] {strides = array<i32>} : memref<80x128xi32, #tpu.memory_space<vmem>>, vector<1x16xi32>,
    %get3A_328 = vector.shape_cast %get3A_327 : vector<1x16xi32> to vector<16xi32>
    %and3A_329 = arith.constant 65535 : i32
    %and3A_330 = vector.broadcast %and3A_329 : i32 to vector<16xi32>
    %and3A_331 = arith.andi %get3A_328, %and3A_330 : vector<16xi32>
    %swap3A_332 = arith.constant 112 : index
    %swap3A_333 = tpu.vector_load %arg10[%swap3A_332] {strides = array<i32>} : memref<128xi32, #tpu.memory_space<vmem>>, vector<16xi32>,
    %swap3A_334 = vector.shape_cast %swap3A_333 : vector<16xi32> to vector<16xi32>
    %swap3A_335 = vector.shape_cast %and3A_331 : vector<16xi32> to vector<16xi32>
    tpu.vector_store %arg10[%swap3A_332], %swap3A_335 {strides = array<i32>} : memref<128xi32, #tpu.memory_space<vmem>>, vector<16xi32>,
    %shift_right_logical3A_336 = arith.constant 16 : i32
    %shift_right_logical3A_337 = vector.broadcast %shift_right_logical3A_336 : i32 to vector<16xi32>
    %shift_right_logical3A_338 = arith.shrui %get3A_328, %shift_right_logical3A_337 : vector<16xi32>
    %swap3A_339 = arith.constant 112 : index
    %swap3A_340 = tpu.vector_load %arg12[%swap3A_339] {strides = array<i32>} : memref<128xi32, #tpu.memory_space<vmem>>, vector<16xi32>,
    %swap3A_341 = vector.shape_cast %swap3A_340 : vector<16xi32> to vector<16xi32>
    %swap3A_342 = vector.shape_cast %shift_right_logical3A_338 : vector<16xi32> to vector<16xi32>
    tpu.vector_store %arg12[%swap3A_339], %swap3A_342 {strides = array<i32>} : memref<128xi32, #tpu.memory_space<vmem>>, vector<16xi32>,
    %dma_start3A_343 = arith.constant 0 : i32
    %dma_start3A_344 = arith.constant 0 : i32
    %dma_start3A_345 = tpu.memref_slice %arg8[%dma_start3A_343, %dma_start3A_344] : memref<128x128xf32, #tpu.memory_space<vmem>> -> memref<64x128xf32, #tpu.memory_space<vmem>>
    %dma_start3A_346 = arith.constant 0 : i32
    %dma_start3A_347 = tpu.memref_slice %arg10[%dma_start3A_346] : memref<128xi32, #tpu.memory_space<vmem>> -> memref<64xi32, #tpu.memory_space<vmem>>
    %dma_start3A_348 = arith.constant 0 : i32
    %dma_start3A_349 = arith.constant 0 : i32
    %dma_start3A_350 = tpu.memref_slice %arg2[%dma_start3A_348, %dma_start3A_349] : memref<10000x128xf32, #tpu.memory_space<hbm>> -> memref<10000x128xf32, #tpu.memory_space<hbm>>
    tpu.enqueue_indirect_dma source(%dma_start3A_350 : memref<10000x128xf32, #tpu.memory_space<hbm>>) target(%dma_start3A_345 : memref<64x128xf32, #tpu.memory_space<vmem>>) offsets(%dma_start3A_347 : memref<64xi32, #tpu.memory_space<vmem>>) semaphore(%arg14 : memref<!tpu.dma_semaphore, #tpu.memory_space<semaphore_mem>>)
    %dma_start3A_351 = arith.constant 64 : i32
    %dma_start3A_352 = arith.constant 0 : i32
    %dma_start3A_353 = tpu.memref_slice %arg8[%dma_start3A_351, %dma_start3A_352] : memref<128x128xf32, #tpu.memory_space<vmem>> -> memref<64x128xf32, #tpu.memory_space<vmem>>
    %dma_start3A_354 = arith.constant 64 : i32
    %dma_start3A_355 = tpu.memref_slice %arg10[%dma_start3A_354] : memref<128xi32, #tpu.memory_space<vmem>> -> memref<64xi32, #tpu.memory_space<vmem>>
    %dma_start3A_356 = arith.constant 0 : i32
    %dma_start3A_357 = arith.constant 0 : i32
    %dma_start3A_358 = tpu.memref_slice %arg2[%dma_start3A_356, %dma_start3A_357] : memref<10000x128xf32, #tpu.memory_space<hbm>> -> memref<10000x128xf32, #tpu.memory_space<hbm>>
    tpu.enqueue_indirect_dma source(%dma_start3A_358 : memref<10000x128xf32, #tpu.memory_space<hbm>>) target(%dma_start3A_353 : memref<64x128xf32, #tpu.memory_space<vmem>>) offsets(%dma_start3A_355 : memref<64xi32, #tpu.memory_space<vmem>>) semaphore(%arg14 : memref<!tpu.dma_semaphore, #tpu.memory_space<semaphore_mem>>)
    %dma_wait3A = arith.constant 0 : i32
    %dma_wait3A_359 = arith.constant 0 : i32
    %dma_wait3A_360 = tpu.memref_slice %arg7[%dma_wait3A, %dma_wait3A_359] : memref<128x128xf32, #tpu.memory_space<vmem>> -> memref<64x128xf32, #tpu.memory_space<vmem>>
    %dma_wait3A_361 = arith.constant 0 : i32
    %dma_wait3A_362 = tpu.memref_slice %arg9[%dma_wait3A_361] : memref<128xi32, #tpu.memory_space<vmem>> -> memref<64xi32, #tpu.memory_space<vmem>>
    %dma_wait3A_363 = arith.constant 0 : i32
    %dma_wait3A_364 = arith.constant 0 : i32
    %dma_wait3A_365 = tpu.memref_slice %arg2[%dma_wait3A_363, %dma_wait3A_364] : memref<10000x128xf32, #tpu.memory_space<hbm>> -> memref<10000x128xf32, #tpu.memory_space<hbm>>
    tpu.wait_indirect_dma semaphore(%arg13 : memref<!tpu.dma_semaphore, #tpu.memory_space<semaphore_mem>>) src(%dma_wait3A_365 : memref<10000x128xf32, #tpu.memory_space<hbm>>) dst(%dma_wait3A_360 : memref<64x128xf32, #tpu.memory_space<vmem>>)
    %dma_wait3A_366 = arith.constant 64 : i32
    %dma_wait3A_367 = arith.constant 0 : i32
    %dma_wait3A_368 = tpu.memref_slice %arg7[%dma_wait3A_366, %dma_wait3A_367] : memref<128x128xf32, #tpu.memory_space<vmem>> -> memref<64x128xf32, #tpu.memory_space<vmem>>
    %dma_wait3A_369 = arith.constant 64 : i32
    %dma_wait3A_370 = tpu.memref_slice %arg9[%dma_wait3A_369] : memref<128xi32, #tpu.memory_space<vmem>> -> memref<64xi32, #tpu.memory_space<vmem>>
    %dma_wait3A_371 = arith.constant 0 : i32
    %dma_wait3A_372 = arith.constant 0 : i32
    %dma_wait3A_373 = tpu.memref_slice %arg2[%dma_wait3A_371, %dma_wait3A_372] : memref<10000x128xf32, #tpu.memory_space<hbm>> -> memref<10000x128xf32, #tpu.memory_space<hbm>>
    tpu.wait_indirect_dma semaphore(%arg13 : memref<!tpu.dma_semaphore, #tpu.memory_space<semaphore_mem>>) src(%dma_wait3A_373 : memref<10000x128xf32, #tpu.memory_space<hbm>>) dst(%dma_wait3A_368 : memref<64x128xf32, #tpu.memory_space<vmem>>)
    %dma_start3A_374 = arith.constant 0 : i32
    %dma_start3A_375 = arith.constant 0 : i32
    %dma_start3A_376 = tpu.memref_slice %arg5[%dma_start3A_374, %dma_start3A_375] : memref<10240x128xf32, #tpu.memory_space<vmem_shared>> -> memref<10240x128xf32, #tpu.memory_space<vmem_shared>>
    tpu.enqueue_indirect_dma source(%arg7 : memref<128x128xf32, #tpu.memory_space<vmem>>) target(%dma_start3A_376 : memref<10240x128xf32, #tpu.memory_space<vmem_shared>>) offsets(%arg11 : memref<128xi32, #tpu.memory_space<vmem>>) semaphore(%arg15 : memref<!tpu.dma_semaphore, #tpu.memory_space<semaphore_mem>>) {add = true}
    %scan3A_377 = arith.constant 0 : i32
    %scan3A_378 = arith.constant 0 : i32
    %scan3A_379 = arith.constant 39 : i32
    %scan3A_380 = arith.addi %scan3A_378, %scan3A_379 : i32
    %scan3A_381 = arith.constant 1 : i32
    scf.for %scan3A_413 = %scan3A_378 to %scan3A_380 step %scan3A_381  : i32 {
      %mul3A_414 = arith.constant 2 : i32
      %mul3A_415 = arith.muli %mul3A_414, %scan3A_413 : i32
      %add3A_416 = arith.constant 1 : i32
      %add3A_417 = arith.addi %mul3A_415, %add3A_416 : i32
      %dma_wait3A_418 = arith.constant 0 : i32
      %dma_wait3A_419 = arith.constant 0 : i32
      %dma_wait3A_420 = tpu.memref_slice %arg8[%dma_wait3A_418, %dma_wait3A_419] : memref<128x128xf32, #tpu.memory_space<vmem>> -> memref<64x128xf32, #tpu.memory_space<vmem>>
      %dma_wait3A_421 = arith.constant 0 : i32
      %dma_wait3A_422 = tpu.memref_slice %arg10[%dma_wait3A_421] : memref<128xi32, #tpu.memory_space<vmem>> -> memref<64xi32, #tpu.memory_space<vmem>>
      %dma_wait3A_423 = arith.constant 0 : i32
      %dma_wait3A_424 = arith.constant 0 : i32
      %dma_wait3A_425 = tpu.memref_slice %arg2[%dma_wait3A_423, %dma_wait3A_424] : memref<10000x128xf32, #tpu.memory_space<hbm>> -> memref<10000x128xf32, #tpu.memory_space<hbm>>
      tpu.wait_indirect_dma semaphore(%arg14 : memref<!tpu.dma_semaphore, #tpu.memory_space<semaphore_mem>>) src(%dma_wait3A_425 : memref<10000x128xf32, #tpu.memory_space<hbm>>) dst(%dma_wait3A_420 : memref<64x128xf32, #tpu.memory_space<vmem>>)
      %dma_wait3A_426 = arith.constant 64 : i32
      %dma_wait3A_427 = arith.constant 0 : i32
      %dma_wait3A_428 = tpu.memref_slice %arg8[%dma_wait3A_426, %dma_wait3A_427] : memref<128x128xf32, #tpu.memory_space<vmem>> -> memref<64x128xf32, #tpu.memory_space<vmem>>
      %dma_wait3A_429 = arith.constant 64 : i32
      %dma_wait3A_430 = tpu.memref_slice %arg10[%dma_wait3A_429] : memref<128xi32, #tpu.memory_space<vmem>> -> memref<64xi32, #tpu.memory_space<vmem>>
      %dma_wait3A_431 = arith.constant 0 : i32
      %dma_wait3A_432 = arith.constant 0 : i32
      %dma_wait3A_433 = tpu.memref_slice %arg2[%dma_wait3A_431, %dma_wait3A_432] : memref<10000x128xf32, #tpu.memory_space<hbm>> -> memref<10000x128xf32, #tpu.memory_space<hbm>>
      tpu.wait_indirect_dma semaphore(%arg14 : memref<!tpu.dma_semaphore, #tpu.memory_space<semaphore_mem>>) src(%dma_wait3A_433 : memref<10000x128xf32, #tpu.memory_space<hbm>>) dst(%dma_wait3A_428 : memref<64x128xf32, #tpu.memory_space<vmem>>)
      %dma_start3A_434 = arith.constant 0 : i32
      %dma_start3A_435 = arith.constant 0 : i32
      %dma_start3A_436 = tpu.memref_slice %arg5[%dma_start3A_434, %dma_start3A_435] : memref<10240x128xf32, #tpu.memory_space<vmem_shared>> -> memref<10240x128xf32, #tpu.memory_space<vmem_shared>>
      tpu.enqueue_indirect_dma source(%arg8 : memref<128x128xf32, #tpu.memory_space<vmem>>) target(%dma_start3A_436 : memref<10240x128xf32, #tpu.memory_space<vmem_shared>>) offsets(%arg12 : memref<128xi32, #tpu.memory_space<vmem>>) semaphore(%arg16 : memref<!tpu.dma_semaphore, #tpu.memory_space<semaphore_mem>>) {add = true}
      %dma_wait3A_437 = arith.constant 0 : i32
      %dma_wait3A_438 = arith.constant 0 : i32
      %dma_wait3A_439 = tpu.memref_slice %arg5[%dma_wait3A_437, %dma_wait3A_438] : memref<10240x128xf32, #tpu.memory_space<vmem_shared>> -> memref<10240x128xf32, #tpu.memory_space<vmem_shared>>
      tpu.wait_indirect_dma semaphore(%arg15 : memref<!tpu.dma_semaphore, #tpu.memory_space<semaphore_mem>>) src(%arg7 : memref<128x128xf32, #tpu.memory_space<vmem>>) dst(%dma_wait3A_439 : memref<10240x128xf32, #tpu.memory_space<vmem_shared>>)
      %add3A_440 = arith.constant 1 : i32
      %add3A_441 = arith.addi %add3A_417, %add3A_440 : i32
      %get3A_442 = arith.index_cast %add3A_441 : i32 to index
      %get3A_443 = arith.constant 0 : index
      %get3A_444 = tpu.vector_load %arg6[%get3A_442, %get3A_443] {strides = array<i32>} : memref<80x128xi32, #tpu.memory_space<vmem>>, vector<1x16xi32>,
      %get3A_445 = vector.shape_cast %get3A_444 : vector<1x16xi32> to vector<16xi32>
      %and3A_446 = arith.constant 65535 : i32
      %and3A_447 = vector.broadcast %and3A_446 : i32 to vector<16xi32>
      %and3A_448 = arith.andi %get3A_445, %and3A_447 : vector<16xi32>
      %swap3A_449 = arith.constant 0 : index
      %swap3A_450 = tpu.vector_load %arg9[%swap3A_449] {strides = array<i32>} : memref<128xi32, #tpu.memory_space<vmem>>, vector<16xi32>,
      %swap3A_451 = vector.shape_cast %swap3A_450 : vector<16xi32> to vector<16xi32>
      %swap3A_452 = vector.shape_cast %and3A_448 : vector<16xi32> to vector<16xi32>
      tpu.vector_store %arg9[%swap3A_449], %swap3A_452 {strides = array<i32>} : memref<128xi32, #tpu.memory_space<vmem>>, vector<16xi32>,
      %shift_right_logical3A_453 = arith.constant 16 : i32
      %shift_right_logical3A_454 = vector.broadcast %shift_right_logical3A_453 : i32 to vector<16xi32>
      %shift_right_logical3A_455 = arith.shrui %get3A_445, %shift_right_logical3A_454 : vector<16xi32>
      %swap3A_456 = arith.constant 0 : index
      %swap3A_457 = tpu.vector_load %arg11[%swap3A_456] {strides = array<i32>} : memref<128xi32, #tpu.memory_space<vmem>>, vector<16xi32>,
      %swap3A_458 = vector.shape_cast %swap3A_457 : vector<16xi32> to vector<16xi32>
      %swap3A_459 = vector.shape_cast %shift_right_logical3A_455 : vector<16xi32> to vector<16xi32>
      tpu.vector_store %arg11[%swap3A_456], %swap3A_459 {strides = array<i32>} : memref<128xi32, #tpu.memory_space<vmem>>, vector<16xi32>,
      %get3A_460 = arith.index_cast %add3A_441 : i32 to index
      %get3A_461 = arith.constant 16 : index
      %get3A_462 = tpu.vector_load %arg6[%get3A_460, %get3A_461] {strides = array<i32>} : memref<80x128xi32, #tpu.memory_space<vmem>>, vector<1x16xi32>,
      %get3A_463 = vector.shape_cast %get3A_462 : vector<1x16xi32> to vector<16xi32>
      %and3A_464 = arith.constant 65535 : i32
      %and3A_465 = vector.broadcast %and3A_464 : i32 to vector<16xi32>
      %and3A_466 = arith.andi %get3A_463, %and3A_465 : vector<16xi32>
      %swap3A_467 = arith.constant 16 : index
      %swap3A_468 = tpu.vector_load %arg9[%swap3A_467] {strides = array<i32>} : memref<128xi32, #tpu.memory_space<vmem>>, vector<16xi32>,
      %swap3A_469 = vector.shape_cast %swap3A_468 : vector<16xi32> to vector<16xi32>
      %swap3A_470 = vector.shape_cast %and3A_466 : vector<16xi32> to vector<16xi32>
      tpu.vector_store %arg9[%swap3A_467], %swap3A_470 {strides = array<i32>} : memref<128xi32, #tpu.memory_space<vmem>>, vector<16xi32>,
      %shift_right_logical3A_471 = arith.constant 16 : i32
      %shift_right_logical3A_472 = vector.broadcast %shift_right_logical3A_471 : i32 to vector<16xi32>
      %shift_right_logical3A_473 = arith.shrui %get3A_463, %shift_right_logical3A_472 : vector<16xi32>
      %swap3A_474 = arith.constant 16 : index
      %swap3A_475 = tpu.vector_load %arg11[%swap3A_474] {strides = array<i32>} : memref<128xi32, #tpu.memory_space<vmem>>, vector<16xi32>,
      %swap3A_476 = vector.shape_cast %swap3A_475 : vector<16xi32> to vector<16xi32>
      %swap3A_477 = vector.shape_cast %shift_right_logical3A_473 : vector<16xi32> to vector<16xi32>
      tpu.vector_store %arg11[%swap3A_474], %swap3A_477 {strides = array<i32>} : memref<128xi32, #tpu.memory_space<vmem>>, vector<16xi32>,
      %get3A_478 = arith.index_cast %add3A_441 : i32 to index
      %get3A_479 = arith.constant 32 : index
      %get3A_480 = tpu.vector_load %arg6[%get3A_478, %get3A_479] {strides = array<i32>} : memref<80x128xi32, #tpu.memory_space<vmem>>, vector<1x16xi32>,
      %get3A_481 = vector.shape_cast %get3A_480 : vector<1x16xi32> to vector<16xi32>
      %and3A_482 = arith.constant 65535 : i32
      %and3A_483 = vector.broadcast %and3A_482 : i32 to vector<16xi32>
      %and3A_484 = arith.andi %get3A_481, %and3A_483 : vector<16xi32>
      %swap3A_485 = arith.constant 32 : index
      %swap3A_486 = tpu.vector_load %arg9[%swap3A_485] {strides = array<i32>} : memref<128xi32, #tpu.memory_space<vmem>>, vector<16xi32>,
      %swap3A_487 = vector.shape_cast %swap3A_486 : vector<16xi32> to vector<16xi32>
      %swap3A_488 = vector.shape_cast %and3A_484 : vector<16xi32> to vector<16xi32>
      tpu.vector_store %arg9[%swap3A_485], %swap3A_488 {strides = array<i32>} : memref<128xi32, #tpu.memory_space<vmem>>, vector<16xi32>,
      %shift_right_logical3A_489 = arith.constant 16 : i32
      %shift_right_logical3A_490 = vector.broadcast %shift_right_logical3A_489 : i32 to vector<16xi32>
      %shift_right_logical3A_491 = arith.shrui %get3A_481, %shift_right_logical3A_490 : vector<16xi32>
      %swap3A_492 = arith.constant 32 : index
      %swap3A_493 = tpu.vector_load %arg11[%swap3A_492] {strides = array<i32>} : memref<128xi32, #tpu.memory_space<vmem>>, vector<16xi32>,
      %swap3A_494 = vector.shape_cast %swap3A_493 : vector<16xi32> to vector<16xi32>
      %swap3A_495 = vector.shape_cast %shift_right_logical3A_491 : vector<16xi32> to vector<16xi32>
      tpu.vector_store %arg11[%swap3A_492], %swap3A_495 {strides = array<i32>} : memref<128xi32, #tpu.memory_space<vmem>>, vector<16xi32>,
      %get3A_496 = arith.index_cast %add3A_441 : i32 to index
      %get3A_497 = arith.constant 48 : index
      %get3A_498 = tpu.vector_load %arg6[%get3A_496, %get3A_497] {strides = array<i32>} : memref<80x128xi32, #tpu.memory_space<vmem>>, vector<1x16xi32>,
      %get3A_499 = vector.shape_cast %get3A_498 : vector<1x16xi32> to vector<16xi32>
      %and3A_500 = arith.constant 65535 : i32
      %and3A_501 = vector.broadcast %and3A_500 : i32 to vector<16xi32>
      %and3A_502 = arith.andi %get3A_499, %and3A_501 : vector<16xi32>
      %swap3A_503 = arith.constant 48 : index
      %swap3A_504 = tpu.vector_load %arg9[%swap3A_503] {strides = array<i32>} : memref<128xi32, #tpu.memory_space<vmem>>, vector<16xi32>,
      %swap3A_505 = vector.shape_cast %swap3A_504 : vector<16xi32> to vector<16xi32>
      %swap3A_506 = vector.shape_cast %and3A_502 : vector<16xi32> to vector<16xi32>
      tpu.vector_store %arg9[%swap3A_503], %swap3A_506 {strides = array<i32>} : memref<128xi32, #tpu.memory_space<vmem>>, vector<16xi32>,
      %shift_right_logical3A_507 = arith.constant 16 : i32
      %shift_right_logical3A_508 = vector.broadcast %shift_right_logical3A_507 : i32 to vector<16xi32>
      %shift_right_logical3A_509 = arith.shrui %get3A_499, %shift_right_logical3A_508 : vector<16xi32>
      %swap3A_510 = arith.constant 48 : index
      %swap3A_511 = tpu.vector_load %arg11[%swap3A_510] {strides = array<i32>} : memref<128xi32, #tpu.memory_space<vmem>>, vector<16xi32>,
      %swap3A_512 = vector.shape_cast %swap3A_511 : vector<16xi32> to vector<16xi32>
      %swap3A_513 = vector.shape_cast %shift_right_logical3A_509 : vector<16xi32> to vector<16xi32>
      tpu.vector_store %arg11[%swap3A_510], %swap3A_513 {strides = array<i32>} : memref<128xi32, #tpu.memory_space<vmem>>, vector<16xi32>,
      %get3A_514 = arith.index_cast %add3A_441 : i32 to index
      %get3A_515 = arith.constant 64 : index
      %get3A_516 = tpu.vector_load %arg6[%get3A_514, %get3A_515] {strides = array<i32>} : memref<80x128xi32, #tpu.memory_space<vmem>>, vector<1x16xi32>,
      %get3A_517 = vector.shape_cast %get3A_516 : vector<1x16xi32> to vector<16xi32>
      %and3A_518 = arith.constant 65535 : i32
      %and3A_519 = vector.broadcast %and3A_518 : i32 to vector<16xi32>
      %and3A_520 = arith.andi %get3A_517, %and3A_519 : vector<16xi32>
      %swap3A_521 = arith.constant 64 : index
      %swap3A_522 = tpu.vector_load %arg9[%swap3A_521] {strides = array<i32>} : memref<128xi32, #tpu.memory_space<vmem>>, vector<16xi32>,
      %swap3A_523 = vector.shape_cast %swap3A_522 : vector<16xi32> to vector<16xi32>
      %swap3A_524 = vector.shape_cast %and3A_520 : vector<16xi32> to vector<16xi32>
      tpu.vector_store %arg9[%swap3A_521], %swap3A_524 {strides = array<i32>} : memref<128xi32, #tpu.memory_space<vmem>>, vector<16xi32>,
      %shift_right_logical3A_525 = arith.constant 16 : i32
      %shift_right_logical3A_526 = vector.broadcast %shift_right_logical3A_525 : i32 to vector<16xi32>
      %shift_right_logical3A_527 = arith.shrui %get3A_517, %shift_right_logical3A_526 : vector<16xi32>
      %swap3A_528 = arith.constant 64 : index
      %swap3A_529 = tpu.vector_load %arg11[%swap3A_528] {strides = array<i32>} : memref<128xi32, #tpu.memory_space<vmem>>, vector<16xi32>,
      %swap3A_530 = vector.shape_cast %swap3A_529 : vector<16xi32> to vector<16xi32>
      %swap3A_531 = vector.shape_cast %shift_right_logical3A_527 : vector<16xi32> to vector<16xi32>
      tpu.vector_store %arg11[%swap3A_528], %swap3A_531 {strides = array<i32>} : memref<128xi32, #tpu.memory_space<vmem>>, vector<16xi32>,
      %get3A_532 = arith.index_cast %add3A_441 : i32 to index
      %get3A_533 = arith.constant 80 : index
      %get3A_534 = tpu.vector_load %arg6[%get3A_532, %get3A_533] {strides = array<i32>} : memref<80x128xi32, #tpu.memory_space<vmem>>, vector<1x16xi32>,
      %get3A_535 = vector.shape_cast %get3A_534 : vector<1x16xi32> to vector<16xi32>
      %and3A_536 = arith.constant 65535 : i32
      %and3A_537 = vector.broadcast %and3A_536 : i32 to vector<16xi32>
      %and3A_538 = arith.andi %get3A_535, %and3A_537 : vector<16xi32>
      %swap3A_539 = arith.constant 80 : index
      %swap3A_540 = tpu.vector_load %arg9[%swap3A_539] {strides = array<i32>} : memref<128xi32, #tpu.memory_space<vmem>>, vector<16xi32>,
      %swap3A_541 = vector.shape_cast %swap3A_540 : vector<16xi32> to vector<16xi32>
      %swap3A_542 = vector.shape_cast %and3A_538 : vector<16xi32> to vector<16xi32>
      tpu.vector_store %arg9[%swap3A_539], %swap3A_542 {strides = array<i32>} : memref<128xi32, #tpu.memory_space<vmem>>, vector<16xi32>,
      %shift_right_logical3A_543 = arith.constant 16 : i32
      %shift_right_logical3A_544 = vector.broadcast %shift_right_logical3A_543 : i32 to vector<16xi32>
      %shift_right_logical3A_545 = arith.shrui %get3A_535, %shift_right_logical3A_544 : vector<16xi32>
      %swap3A_546 = arith.constant 80 : index
      %swap3A_547 = tpu.vector_load %arg11[%swap3A_546] {strides = array<i32>} : memref<128xi32, #tpu.memory_space<vmem>>, vector<16xi32>,
      %swap3A_548 = vector.shape_cast %swap3A_547 : vector<16xi32> to vector<16xi32>
      %swap3A_549 = vector.shape_cast %shift_right_logical3A_545 : vector<16xi32> to vector<16xi32>
      tpu.vector_store %arg11[%swap3A_546], %swap3A_549 {strides = array<i32>} : memref<128xi32, #tpu.memory_space<vmem>>, vector<16xi32>,
      %get3A_550 = arith.index_cast %add3A_441 : i32 to index
      %get3A_551 = arith.constant 96 : index
      %get3A_552 = tpu.vector_load %arg6[%get3A_550, %get3A_551] {strides = array<i32>} : memref<80x128xi32, #tpu.memory_space<vmem>>, vector<1x16xi32>,
      %get3A_553 = vector.shape_cast %get3A_552 : vector<1x16xi32> to vector<16xi32>
      %and3A_554 = arith.constant 65535 : i32
      %and3A_555 = vector.broadcast %and3A_554 : i32 to vector<16xi32>
      %and3A_556 = arith.andi %get3A_553, %and3A_555 : vector<16xi32>
      %swap3A_557 = arith.constant 96 : index
      %swap3A_558 = tpu.vector_load %arg9[%swap3A_557] {strides = array<i32>} : memref<128xi32, #tpu.memory_space<vmem>>, vector<16xi32>,
      %swap3A_559 = vector.shape_cast %swap3A_558 : vector<16xi32> to vector<16xi32>
      %swap3A_560 = vector.shape_cast %and3A_556 : vector<16xi32> to vector<16xi32>
      tpu.vector_store %arg9[%swap3A_557], %swap3A_560 {strides = array<i32>} : memref<128xi32, #tpu.memory_space<vmem>>, vector<16xi32>,
      %shift_right_logical3A_561 = arith.constant 16 : i32
      %shift_right_logical3A_562 = vector.broadcast %shift_right_logical3A_561 : i32 to vector<16xi32>
      %shift_right_logical3A_563 = arith.shrui %get3A_553, %shift_right_logical3A_562 : vector<16xi32>
      %swap3A_564 = arith.constant 96 : index
      %swap3A_565 = tpu.vector_load %arg11[%swap3A_564] {strides = array<i32>} : memref<128xi32, #tpu.memory_space<vmem>>, vector<16xi32>,
      %swap3A_566 = vector.shape_cast %swap3A_565 : vector<16xi32> to vector<16xi32>
      %swap3A_567 = vector.shape_cast %shift_right_logical3A_563 : vector<16xi32> to vector<16xi32>
      tpu.vector_store %arg11[%swap3A_564], %swap3A_567 {strides = array<i32>} : memref<128xi32, #tpu.memory_space<vmem>>, vector<16xi32>,
      %get3A_568 = arith.index_cast %add3A_441 : i32 to index
      %get3A_569 = arith.constant 112 : index
      %get3A_570 = tpu.vector_load %arg6[%get3A_568, %get3A_569] {strides = array<i32>} : memref<80x128xi32, #tpu.memory_space<vmem>>, vector<1x16xi32>,
      %get3A_571 = vector.shape_cast %get3A_570 : vector<1x16xi32> to vector<16xi32>
      %and3A_572 = arith.constant 65535 : i32
      %and3A_573 = vector.broadcast %and3A_572 : i32 to vector<16xi32>
      %and3A_574 = arith.andi %get3A_571, %and3A_573 : vector<16xi32>
      %swap3A_575 = arith.constant 112 : index
      %swap3A_576 = tpu.vector_load %arg9[%swap3A_575] {strides = array<i32>} : memref<128xi32, #tpu.memory_space<vmem>>, vector<16xi32>,
      %swap3A_577 = vector.shape_cast %swap3A_576 : vector<16xi32> to vector<16xi32>
      %swap3A_578 = vector.shape_cast %and3A_574 : vector<16xi32> to vector<16xi32>
      tpu.vector_store %arg9[%swap3A_575], %swap3A_578 {strides = array<i32>} : memref<128xi32, #tpu.memory_space<vmem>>, vector<16xi32>,
      %shift_right_logical3A_579 = arith.constant 16 : i32
      %shift_right_logical3A_580 = vector.broadcast %shift_right_logical3A_579 : i32 to vector<16xi32>
      %shift_right_logical3A_581 = arith.shrui %get3A_571, %shift_right_logical3A_580 : vector<16xi32>
      %swap3A_582 = arith.constant 112 : index
      %swap3A_583 = tpu.vector_load %arg11[%swap3A_582] {strides = array<i32>} : memref<128xi32, #tpu.memory_space<vmem>>, vector<16xi32>,
      %swap3A_584 = vector.shape_cast %swap3A_583 : vector<16xi32> to vector<16xi32>
      %swap3A_585 = vector.shape_cast %shift_right_logical3A_581 : vector<16xi32> to vector<16xi32>
      tpu.vector_store %arg11[%swap3A_582], %swap3A_585 {strides = array<i32>} : memref<128xi32, #tpu.memory_space<vmem>>, vector<16xi32>,
      %dma_start3A_586 = arith.constant 0 : i32
      %dma_start3A_587 = arith.constant 0 : i32
      %dma_start3A_588 = tpu.memref_slice %arg7[%dma_start3A_586, %dma_start3A_587] : memref<128x128xf32, #tpu.memory_space<vmem>> -> memref<64x128xf32, #tpu.memory_space<vmem>>
      %dma_start3A_589 = arith.constant 0 : i32
      %dma_start3A_590 = tpu.memref_slice %arg9[%dma_start3A_589] : memref<128xi32, #tpu.memory_space<vmem>> -> memref<64xi32, #tpu.memory_space<vmem>>
      %dma_start3A_591 = arith.constant 0 : i32
      %dma_start3A_592 = arith.constant 0 : i32
      %dma_start3A_593 = tpu.memref_slice %arg2[%dma_start3A_591, %dma_start3A_592] : memref<10000x128xf32, #tpu.memory_space<hbm>> -> memref<10000x128xf32, #tpu.memory_space<hbm>>
      tpu.enqueue_indirect_dma source(%dma_start3A_593 : memref<10000x128xf32, #tpu.memory_space<hbm>>) target(%dma_start3A_588 : memref<64x128xf32, #tpu.memory_space<vmem>>) offsets(%dma_start3A_590 : memref<64xi32, #tpu.memory_space<vmem>>) semaphore(%arg13 : memref<!tpu.dma_semaphore, #tpu.memory_space<semaphore_mem>>)
      %dma_start3A_594 = arith.constant 64 : i32
      %dma_start3A_595 = arith.constant 0 : i32
      %dma_start3A_596 = tpu.memref_slice %arg7[%dma_start3A_594, %dma_start3A_595] : memref<128x128xf32, #tpu.memory_space<vmem>> -> memref<64x128xf32, #tpu.memory_space<vmem>>
      %dma_start3A_597 = arith.constant 64 : i32
      %dma_start3A_598 = tpu.memref_slice %arg9[%dma_start3A_597] : memref<128xi32, #tpu.memory_space<vmem>> -> memref<64xi32, #tpu.memory_space<vmem>>
      %dma_start3A_599 = arith.constant 0 : i32
      %dma_start3A_600 = arith.constant 0 : i32
      %dma_start3A_601 = tpu.memref_slice %arg2[%dma_start3A_599, %dma_start3A_600] : memref<10000x128xf32, #tpu.memory_space<hbm>> -> memref<10000x128xf32, #tpu.memory_space<hbm>>
      tpu.enqueue_indirect_dma source(%dma_start3A_601 : memref<10000x128xf32, #tpu.memory_space<hbm>>) target(%dma_start3A_596 : memref<64x128xf32, #tpu.memory_space<vmem>>) offsets(%dma_start3A_598 : memref<64xi32, #tpu.memory_space<vmem>>) semaphore(%arg13 : memref<!tpu.dma_semaphore, #tpu.memory_space<semaphore_mem>>)
      %dma_wait3A_602 = arith.constant 0 : i32
      %dma_wait3A_603 = arith.constant 0 : i32
      %dma_wait3A_604 = tpu.memref_slice %arg7[%dma_wait3A_602, %dma_wait3A_603] : memref<128x128xf32, #tpu.memory_space<vmem>> -> memref<64x128xf32, #tpu.memory_space<vmem>>
      %dma_wait3A_605 = arith.constant 0 : i32
      %dma_wait3A_606 = tpu.memref_slice %arg9[%dma_wait3A_605] : memref<128xi32, #tpu.memory_space<vmem>> -> memref<64xi32, #tpu.memory_space<vmem>>
      %dma_wait3A_607 = arith.constant 0 : i32
      %dma_wait3A_608 = arith.constant 0 : i32
      %dma_wait3A_609 = tpu.memref_slice %arg2[%dma_wait3A_607, %dma_wait3A_608] : memref<10000x128xf32, #tpu.memory_space<hbm>> -> memref<10000x128xf32, #tpu.memory_space<hbm>>
      tpu.wait_indirect_dma semaphore(%arg13 : memref<!tpu.dma_semaphore, #tpu.memory_space<semaphore_mem>>) src(%dma_wait3A_609 : memref<10000x128xf32, #tpu.memory_space<hbm>>) dst(%dma_wait3A_604 : memref<64x128xf32, #tpu.memory_space<vmem>>)
      %dma_wait3A_610 = arith.constant 64 : i32
      %dma_wait3A_611 = arith.constant 0 : i32
      %dma_wait3A_612 = tpu.memref_slice %arg7[%dma_wait3A_610, %dma_wait3A_611] : memref<128x128xf32, #tpu.memory_space<vmem>> -> memref<64x128xf32, #tpu.memory_space<vmem>>
      %dma_wait3A_613 = arith.constant 64 : i32
      %dma_wait3A_614 = tpu.memref_slice %arg9[%dma_wait3A_613] : memref<128xi32, #tpu.memory_space<vmem>> -> memref<64xi32, #tpu.memory_space<vmem>>
      %dma_wait3A_615 = arith.constant 0 : i32
      %dma_wait3A_616 = arith.constant 0 : i32
      %dma_wait3A_617 = tpu.memref_slice %arg2[%dma_wait3A_615, %dma_wait3A_616] : memref<10000x128xf32, #tpu.memory_space<hbm>> -> memref<10000x128xf32, #tpu.memory_space<hbm>>
      tpu.wait_indirect_dma semaphore(%arg13 : memref<!tpu.dma_semaphore, #tpu.memory_space<semaphore_mem>>) src(%dma_wait3A_617 : memref<10000x128xf32, #tpu.memory_space<hbm>>) dst(%dma_wait3A_612 : memref<64x128xf32, #tpu.memory_space<vmem>>)
      %dma_start3A_618 = arith.constant 0 : i32
      %dma_start3A_619 = arith.constant 0 : i32
      %dma_start3A_620 = tpu.memref_slice %arg5[%dma_start3A_618, %dma_start3A_619] : memref<10240x128xf32, #tpu.memory_space<vmem_shared>> -> memref<10240x128xf32, #tpu.memory_space<vmem_shared>>
      tpu.enqueue_indirect_dma source(%arg7 : memref<128x128xf32, #tpu.memory_space<vmem>>) target(%dma_start3A_620 : memref<10240x128xf32, #tpu.memory_space<vmem_shared>>) offsets(%arg11 : memref<128xi32, #tpu.memory_space<vmem>>) semaphore(%arg15 : memref<!tpu.dma_semaphore, #tpu.memory_space<semaphore_mem>>) {add = true}
      %dma_wait3A_621 = arith.constant 0 : i32
      %dma_wait3A_622 = arith.constant 0 : i32
      %dma_wait3A_623 = tpu.memref_slice %arg5[%dma_wait3A_621, %dma_wait3A_622] : memref<10240x128xf32, #tpu.memory_space<vmem_shared>> -> memref<10240x128xf32, #tpu.memory_space<vmem_shared>>
      tpu.wait_indirect_dma semaphore(%arg16 : memref<!tpu.dma_semaphore, #tpu.memory_space<semaphore_mem>>) src(%arg8 : memref<128x128xf32, #tpu.memory_space<vmem>>) dst(%dma_wait3A_623 : memref<10240x128xf32, #tpu.memory_space<vmem_shared>>)
      %add3A_624 = arith.constant 2 : i32
      %add3A_625 = arith.addi %add3A_417, %add3A_624 : i32
      %get3A_626 = arith.index_cast %add3A_625 : i32 to index
      %get3A_627 = arith.constant 0 : index
      %get3A_628 = tpu.vector_load %arg6[%get3A_626, %get3A_627] {strides = array<i32>} : memref<80x128xi32, #tpu.memory_space<vmem>>, vector<1x16xi32>,
      %get3A_629 = vector.shape_cast %get3A_628 : vector<1x16xi32> to vector<16xi32>
      %and3A_630 = arith.constant 65535 : i32
      %and3A_631 = vector.broadcast %and3A_630 : i32 to vector<16xi32>
      %and3A_632 = arith.andi %get3A_629, %and3A_631 : vector<16xi32>
      %swap3A_633 = arith.constant 0 : index
      %swap3A_634 = tpu.vector_load %arg10[%swap3A_633] {strides = array<i32>} : memref<128xi32, #tpu.memory_space<vmem>>, vector<16xi32>,
      %swap3A_635 = vector.shape_cast %swap3A_634 : vector<16xi32> to vector<16xi32>
      %swap3A_636 = vector.shape_cast %and3A_632 : vector<16xi32> to vector<16xi32>
      tpu.vector_store %arg10[%swap3A_633], %swap3A_636 {strides = array<i32>} : memref<128xi32, #tpu.memory_space<vmem>>, vector<16xi32>,
      %shift_right_logical3A_637 = arith.constant 16 : i32
      %shift_right_logical3A_638 = vector.broadcast %shift_right_logical3A_637 : i32 to vector<16xi32>
      %shift_right_logical3A_639 = arith.shrui %get3A_629, %shift_right_logical3A_638 : vector<16xi32>
      %swap3A_640 = arith.constant 0 : index
      %swap3A_641 = tpu.vector_load %arg12[%swap3A_640] {strides = array<i32>} : memref<128xi32, #tpu.memory_space<vmem>>, vector<16xi32>,
      %swap3A_642 = vector.shape_cast %swap3A_641 : vector<16xi32> to vector<16xi32>
      %swap3A_643 = vector.shape_cast %shift_right_logical3A_639 : vector<16xi32> to vector<16xi32>
      tpu.vector_store %arg12[%swap3A_640], %swap3A_643 {strides = array<i32>} : memref<128xi32, #tpu.memory_space<vmem>>, vector<16xi32>,
      %get3A_644 = arith.index_cast %add3A_625 : i32 to index
      %get3A_645 = arith.constant 16 : index
      %get3A_646 = tpu.vector_load %arg6[%get3A_644, %get3A_645] {strides = array<i32>} : memref<80x128xi32, #tpu.memory_space<vmem>>, vector<1x16xi32>,
      %get3A_647 = vector.shape_cast %get3A_646 : vector<1x16xi32> to vector<16xi32>
      %and3A_648 = arith.constant 65535 : i32
      %and3A_649 = vector.broadcast %and3A_648 : i32 to vector<16xi32>
      %and3A_650 = arith.andi %get3A_647, %and3A_649 : vector<16xi32>
      %swap3A_651 = arith.constant 16 : index
      %swap3A_652 = tpu.vector_load %arg10[%swap3A_651] {strides = array<i32>} : memref<128xi32, #tpu.memory_space<vmem>>, vector<16xi32>,
      %swap3A_653 = vector.shape_cast %swap3A_652 : vector<16xi32> to vector<16xi32>
      %swap3A_654 = vector.shape_cast %and3A_650 : vector<16xi32> to vector<16xi32>
      tpu.vector_store %arg10[%swap3A_651], %swap3A_654 {strides = array<i32>} : memref<128xi32, #tpu.memory_space<vmem>>, vector<16xi32>,
      %shift_right_logical3A_655 = arith.constant 16 : i32
      %shift_right_logical3A_656 = vector.broadcast %shift_right_logical3A_655 : i32 to vector<16xi32>
      %shift_right_logical3A_657 = arith.shrui %get3A_647, %shift_right_logical3A_656 : vector<16xi32>
      %swap3A_658 = arith.constant 16 : index
      %swap3A_659 = tpu.vector_load %arg12[%swap3A_658] {strides = array<i32>} : memref<128xi32, #tpu.memory_space<vmem>>, vector<16xi32>,
      %swap3A_660 = vector.shape_cast %swap3A_659 : vector<16xi32> to vector<16xi32>
      %swap3A_661 = vector.shape_cast %shift_right_logical3A_657 : vector<16xi32> to vector<16xi32>
      tpu.vector_store %arg12[%swap3A_658], %swap3A_661 {strides = array<i32>} : memref<128xi32, #tpu.memory_space<vmem>>, vector<16xi32>,
      %get3A_662 = arith.index_cast %add3A_625 : i32 to index
      %get3A_663 = arith.constant 32 : index
      %get3A_664 = tpu.vector_load %arg6[%get3A_662, %get3A_663] {strides = array<i32>} : memref<80x128xi32, #tpu.memory_space<vmem>>, vector<1x16xi32>,
      %get3A_665 = vector.shape_cast %get3A_664 : vector<1x16xi32> to vector<16xi32>
      %and3A_666 = arith.constant 65535 : i32
      %and3A_667 = vector.broadcast %and3A_666 : i32 to vector<16xi32>
      %and3A_668 = arith.andi %get3A_665, %and3A_667 : vector<16xi32>
      %swap3A_669 = arith.constant 32 : index
      %swap3A_670 = tpu.vector_load %arg10[%swap3A_669] {strides = array<i32>} : memref<128xi32, #tpu.memory_space<vmem>>, vector<16xi32>,
      %swap3A_671 = vector.shape_cast %swap3A_670 : vector<16xi32> to vector<16xi32>
      %swap3A_672 = vector.shape_cast %and3A_668 : vector<16xi32> to vector<16xi32>
      tpu.vector_store %arg10[%swap3A_669], %swap3A_672 {strides = array<i32>} : memref<128xi32, #tpu.memory_space<vmem>>, vector<16xi32>,
      %shift_right_logical3A_673 = arith.constant 16 : i32
      %shift_right_logical3A_674 = vector.broadcast %shift_right_logical3A_673 : i32 to vector<16xi32>
      %shift_right_logical3A_675 = arith.shrui %get3A_665, %shift_right_logical3A_674 : vector<16xi32>
      %swap3A_676 = arith.constant 32 : index
      %swap3A_677 = tpu.vector_load %arg12[%swap3A_676] {strides = array<i32>} : memref<128xi32, #tpu.memory_space<vmem>>, vector<16xi32>,
      %swap3A_678 = vector.shape_cast %swap3A_677 : vector<16xi32> to vector<16xi32>
      %swap3A_679 = vector.shape_cast %shift_right_logical3A_675 : vector<16xi32> to vector<16xi32>
      tpu.vector_store %arg12[%swap3A_676], %swap3A_679 {strides = array<i32>} : memref<128xi32, #tpu.memory_space<vmem>>, vector<16xi32>,
      %get3A_680 = arith.index_cast %add3A_625 : i32 to index
      %get3A_681 = arith.constant 48 : index
      %get3A_682 = tpu.vector_load %arg6[%get3A_680, %get3A_681] {strides = array<i32>} : memref<80x128xi32, #tpu.memory_space<vmem>>, vector<1x16xi32>,
      %get3A_683 = vector.shape_cast %get3A_682 : vector<1x16xi32> to vector<16xi32>
      %and3A_684 = arith.constant 65535 : i32
      %and3A_685 = vector.broadcast %and3A_684 : i32 to vector<16xi32>
      %and3A_686 = arith.andi %get3A_683, %and3A_685 : vector<16xi32>
      %swap3A_687 = arith.constant 48 : index
      %swap3A_688 = tpu.vector_load %arg10[%swap3A_687] {strides = array<i32>} : memref<128xi32, #tpu.memory_space<vmem>>, vector<16xi32>,
      %swap3A_689 = vector.shape_cast %swap3A_688 : vector<16xi32> to vector<16xi32>
      %swap3A_690 = vector.shape_cast %and3A_686 : vector<16xi32> to vector<16xi32>
      tpu.vector_store %arg10[%swap3A_687], %swap3A_690 {strides = array<i32>} : memref<128xi32, #tpu.memory_space<vmem>>, vector<16xi32>,
      %shift_right_logical3A_691 = arith.constant 16 : i32
      %shift_right_logical3A_692 = vector.broadcast %shift_right_logical3A_691 : i32 to vector<16xi32>
      %shift_right_logical3A_693 = arith.shrui %get3A_683, %shift_right_logical3A_692 : vector<16xi32>
      %swap3A_694 = arith.constant 48 : index
      %swap3A_695 = tpu.vector_load %arg12[%swap3A_694] {strides = array<i32>} : memref<128xi32, #tpu.memory_space<vmem>>, vector<16xi32>,
      %swap3A_696 = vector.shape_cast %swap3A_695 : vector<16xi32> to vector<16xi32>
      %swap3A_697 = vector.shape_cast %shift_right_logical3A_693 : vector<16xi32> to vector<16xi32>
      tpu.vector_store %arg12[%swap3A_694], %swap3A_697 {strides = array<i32>} : memref<128xi32, #tpu.memory_space<vmem>>, vector<16xi32>,
      %get3A_698 = arith.index_cast %add3A_625 : i32 to index
      %get3A_699 = arith.constant 64 : index
      %get3A_700 = tpu.vector_load %arg6[%get3A_698, %get3A_699] {strides = array<i32>} : memref<80x128xi32, #tpu.memory_space<vmem>>, vector<1x16xi32>,
      %get3A_701 = vector.shape_cast %get3A_700 : vector<1x16xi32> to vector<16xi32>
      %and3A_702 = arith.constant 65535 : i32
      %and3A_703 = vector.broadcast %and3A_702 : i32 to vector<16xi32>
      %and3A_704 = arith.andi %get3A_701, %and3A_703 : vector<16xi32>
      %swap3A_705 = arith.constant 64 : index
      %swap3A_706 = tpu.vector_load %arg10[%swap3A_705] {strides = array<i32>} : memref<128xi32, #tpu.memory_space<vmem>>, vector<16xi32>,
      %swap3A_707 = vector.shape_cast %swap3A_706 : vector<16xi32> to vector<16xi32>
      %swap3A_708 = vector.shape_cast %and3A_704 : vector<16xi32> to vector<16xi32>
      tpu.vector_store %arg10[%swap3A_705], %swap3A_708 {strides = array<i32>} : memref<128xi32, #tpu.memory_space<vmem>>, vector<16xi32>,
      %shift_right_logical3A_709 = arith.constant 16 : i32
      %shift_right_logical3A_710 = vector.broadcast %shift_right_logical3A_709 : i32 to vector<16xi32>
      %shift_right_logical3A_711 = arith.shrui %get3A_701, %shift_right_logical3A_710 : vector<16xi32>
      %swap3A_712 = arith.constant 64 : index
      %swap3A_713 = tpu.vector_load %arg12[%swap3A_712] {strides = array<i32>} : memref<128xi32, #tpu.memory_space<vmem>>, vector<16xi32>,
      %swap3A_714 = vector.shape_cast %swap3A_713 : vector<16xi32> to vector<16xi32>
      %swap3A_715 = vector.shape_cast %shift_right_logical3A_711 : vector<16xi32> to vector<16xi32>
      tpu.vector_store %arg12[%swap3A_712], %swap3A_715 {strides = array<i32>} : memref<128xi32, #tpu.memory_space<vmem>>, vector<16xi32>,
      %get3A_716 = arith.index_cast %add3A_625 : i32 to index
      %get3A_717 = arith.constant 80 : index
      %get3A_718 = tpu.vector_load %arg6[%get3A_716, %get3A_717] {strides = array<i32>} : memref<80x128xi32, #tpu.memory_space<vmem>>, vector<1x16xi32>,
      %get3A_719 = vector.shape_cast %get3A_718 : vector<1x16xi32> to vector<16xi32>
      %and3A_720 = arith.constant 65535 : i32
      %and3A_721 = vector.broadcast %and3A_720 : i32 to vector<16xi32>
      %and3A_722 = arith.andi %get3A_719, %and3A_721 : vector<16xi32>
      %swap3A_723 = arith.constant 80 : index
      %swap3A_724 = tpu.vector_load %arg10[%swap3A_723] {strides = array<i32>} : memref<128xi32, #tpu.memory_space<vmem>>, vector<16xi32>,
      %swap3A_725 = vector.shape_cast %swap3A_724 : vector<16xi32> to vector<16xi32>
      %swap3A_726 = vector.shape_cast %and3A_722 : vector<16xi32> to vector<16xi32>
      tpu.vector_store %arg10[%swap3A_723], %swap3A_726 {strides = array<i32>} : memref<128xi32, #tpu.memory_space<vmem>>, vector<16xi32>,
      %shift_right_logical3A_727 = arith.constant 16 : i32
      %shift_right_logical3A_728 = vector.broadcast %shift_right_logical3A_727 : i32 to vector<16xi32>
      %shift_right_logical3A_729 = arith.shrui %get3A_719, %shift_right_logical3A_728 : vector<16xi32>
      %swap3A_730 = arith.constant 80 : index
      %swap3A_731 = tpu.vector_load %arg12[%swap3A_730] {strides = array<i32>} : memref<128xi32, #tpu.memory_space<vmem>>, vector<16xi32>,
      %swap3A_732 = vector.shape_cast %swap3A_731 : vector<16xi32> to vector<16xi32>
      %swap3A_733 = vector.shape_cast %shift_right_logical3A_729 : vector<16xi32> to vector<16xi32>
      tpu.vector_store %arg12[%swap3A_730], %swap3A_733 {strides = array<i32>} : memref<128xi32, #tpu.memory_space<vmem>>, vector<16xi32>,
      %get3A_734 = arith.index_cast %add3A_625 : i32 to index
      %get3A_735 = arith.constant 96 : index
      %get3A_736 = tpu.vector_load %arg6[%get3A_734, %get3A_735] {strides = array<i32>} : memref<80x128xi32, #tpu.memory_space<vmem>>, vector<1x16xi32>,
      %get3A_737 = vector.shape_cast %get3A_736 : vector<1x16xi32> to vector<16xi32>
      %and3A_738 = arith.constant 65535 : i32
      %and3A_739 = vector.broadcast %and3A_738 : i32 to vector<16xi32>
      %and3A_740 = arith.andi %get3A_737, %and3A_739 : vector<16xi32>
      %swap3A_741 = arith.constant 96 : index
      %swap3A_742 = tpu.vector_load %arg10[%swap3A_741] {strides = array<i32>} : memref<128xi32, #tpu.memory_space<vmem>>, vector<16xi32>,
      %swap3A_743 = vector.shape_cast %swap3A_742 : vector<16xi32> to vector<16xi32>
      %swap3A_744 = vector.shape_cast %and3A_740 : vector<16xi32> to vector<16xi32>
      tpu.vector_store %arg10[%swap3A_741], %swap3A_744 {strides = array<i32>} : memref<128xi32, #tpu.memory_space<vmem>>, vector<16xi32>,
      %shift_right_logical3A_745 = arith.constant 16 : i32
      %shift_right_logical3A_746 = vector.broadcast %shift_right_logical3A_745 : i32 to vector<16xi32>
      %shift_right_logical3A_747 = arith.shrui %get3A_737, %shift_right_logical3A_746 : vector<16xi32>
      %swap3A_748 = arith.constant 96 : index
      %swap3A_749 = tpu.vector_load %arg12[%swap3A_748] {strides = array<i32>} : memref<128xi32, #tpu.memory_space<vmem>>, vector<16xi32>,
      %swap3A_750 = vector.shape_cast %swap3A_749 : vector<16xi32> to vector<16xi32>
      %swap3A_751 = vector.shape_cast %shift_right_logical3A_747 : vector<16xi32> to vector<16xi32>
      tpu.vector_store %arg12[%swap3A_748], %swap3A_751 {strides = array<i32>} : memref<128xi32, #tpu.memory_space<vmem>>, vector<16xi32>,
      %get3A_752 = arith.index_cast %add3A_625 : i32 to index
      %get3A_753 = arith.constant 112 : index
      %get3A_754 = tpu.vector_load %arg6[%get3A_752, %get3A_753] {strides = array<i32>} : memref<80x128xi32, #tpu.memory_space<vmem>>, vector<1x16xi32>,
      %get3A_755 = vector.shape_cast %get3A_754 : vector<1x16xi32> to vector<16xi32>
      %and3A_756 = arith.constant 65535 : i32
      %and3A_757 = vector.broadcast %and3A_756 : i32 to vector<16xi32>
      %and3A_758 = arith.andi %get3A_755, %and3A_757 : vector<16xi32>
      %swap3A_759 = arith.constant 112 : index
      %swap3A_760 = tpu.vector_load %arg10[%swap3A_759] {strides = array<i32>} : memref<128xi32, #tpu.memory_space<vmem>>, vector<16xi32>,
      %swap3A_761 = vector.shape_cast %swap3A_760 : vector<16xi32> to vector<16xi32>
      %swap3A_762 = vector.shape_cast %and3A_758 : vector<16xi32> to vector<16xi32>
      tpu.vector_store %arg10[%swap3A_759], %swap3A_762 {strides = array<i32>} : memref<128xi32, #tpu.memory_space<vmem>>, vector<16xi32>,
      %shift_right_logical3A_763 = arith.constant 16 : i32
      %shift_right_logical3A_764 = vector.broadcast %shift_right_logical3A_763 : i32 to vector<16xi32>
      %shift_right_logical3A_765 = arith.shrui %get3A_755, %shift_right_logical3A_764 : vector<16xi32>
      %swap3A_766 = arith.constant 112 : index
      %swap3A_767 = tpu.vector_load %arg12[%swap3A_766] {strides = array<i32>} : memref<128xi32, #tpu.memory_space<vmem>>, vector<16xi32>,
      %swap3A_768 = vector.shape_cast %swap3A_767 : vector<16xi32> to vector<16xi32>
      %swap3A_769 = vector.shape_cast %shift_right_logical3A_765 : vector<16xi32> to vector<16xi32>
      tpu.vector_store %arg12[%swap3A_766], %swap3A_769 {strides = array<i32>} : memref<128xi32, #tpu.memory_space<vmem>>, vector<16xi32>,
      %dma_start3A_770 = arith.constant 0 : i32
      %dma_start3A_771 = arith.constant 0 : i32
      %dma_start3A_772 = tpu.memref_slice %arg8[%dma_start3A_770, %dma_start3A_771] : memref<128x128xf32, #tpu.memory_space<vmem>> -> memref<64x128xf32, #tpu.memory_space<vmem>>
      %dma_start3A_773 = arith.constant 0 : i32
      %dma_start3A_774 = tpu.memref_slice %arg10[%dma_start3A_773] : memref<128xi32, #tpu.memory_space<vmem>> -> memref<64xi32, #tpu.memory_space<vmem>>
      %dma_start3A_775 = arith.constant 0 : i32
      %dma_start3A_776 = arith.constant 0 : i32
      %dma_start3A_777 = tpu.memref_slice %arg2[%dma_start3A_775, %dma_start3A_776] : memref<10000x128xf32, #tpu.memory_space<hbm>> -> memref<10000x128xf32, #tpu.memory_space<hbm>>
      tpu.enqueue_indirect_dma source(%dma_start3A_777 : memref<10000x128xf32, #tpu.memory_space<hbm>>) target(%dma_start3A_772 : memref<64x128xf32, #tpu.memory_space<vmem>>) offsets(%dma_start3A_774 : memref<64xi32, #tpu.memory_space<vmem>>) semaphore(%arg14 : memref<!tpu.dma_semaphore, #tpu.memory_space<semaphore_mem>>)
      %dma_start3A_778 = arith.constant 64 : i32
      %dma_start3A_779 = arith.constant 0 : i32
      %dma_start3A_780 = tpu.memref_slice %arg8[%dma_start3A_778, %dma_start3A_779] : memref<128x128xf32, #tpu.memory_space<vmem>> -> memref<64x128xf32, #tpu.memory_space<vmem>>
      %dma_start3A_781 = arith.constant 64 : i32
      %dma_start3A_782 = tpu.memref_slice %arg10[%dma_start3A_781] : memref<128xi32, #tpu.memory_space<vmem>> -> memref<64xi32, #tpu.memory_space<vmem>>
      %dma_start3A_783 = arith.constant 0 : i32
      %dma_start3A_784 = arith.constant 0 : i32
      %dma_start3A_785 = tpu.memref_slice %arg2[%dma_start3A_783, %dma_start3A_784] : memref<10000x128xf32, #tpu.memory_space<hbm>> -> memref<10000x128xf32, #tpu.memory_space<hbm>>
      tpu.enqueue_indirect_dma source(%dma_start3A_785 : memref<10000x128xf32, #tpu.memory_space<hbm>>) target(%dma_start3A_780 : memref<64x128xf32, #tpu.memory_space<vmem>>) offsets(%dma_start3A_782 : memref<64xi32, #tpu.memory_space<vmem>>) semaphore(%arg14 : memref<!tpu.dma_semaphore, #tpu.memory_space<semaphore_mem>>)
    }
    %scan3A_382 = arith.constant 39 : i32
    %dma_wait3A_383 = arith.constant 0 : i32
    %dma_wait3A_384 = arith.constant 0 : i32
    %dma_wait3A_385 = tpu.memref_slice %arg8[%dma_wait3A_383, %dma_wait3A_384] : memref<128x128xf32, #tpu.memory_space<vmem>> -> memref<64x128xf32, #tpu.memory_space<vmem>>
    %dma_wait3A_386 = arith.constant 0 : i32
    %dma_wait3A_387 = tpu.memref_slice %arg10[%dma_wait3A_386] : memref<128xi32, #tpu.memory_space<vmem>> -> memref<64xi32, #tpu.memory_space<vmem>>
    %dma_wait3A_388 = arith.constant 0 : i32
    %dma_wait3A_389 = arith.constant 0 : i32
    %dma_wait3A_390 = tpu.memref_slice %arg2[%dma_wait3A_388, %dma_wait3A_389] : memref<10000x128xf32, #tpu.memory_space<hbm>> -> memref<10000x128xf32, #tpu.memory_space<hbm>>
    tpu.wait_indirect_dma semaphore(%arg14 : memref<!tpu.dma_semaphore, #tpu.memory_space<semaphore_mem>>) src(%dma_wait3A_390 : memref<10000x128xf32, #tpu.memory_space<hbm>>) dst(%dma_wait3A_385 : memref<64x128xf32, #tpu.memory_space<vmem>>)
    %dma_wait3A_391 = arith.constant 64 : i32
    %dma_wait3A_392 = arith.constant 0 : i32
    %dma_wait3A_393 = tpu.memref_slice %arg8[%dma_wait3A_391, %dma_wait3A_392] : memref<128x128xf32, #tpu.memory_space<vmem>> -> memref<64x128xf32, #tpu.memory_space<vmem>>
    %dma_wait3A_394 = arith.constant 64 : i32
    %dma_wait3A_395 = tpu.memref_slice %arg10[%dma_wait3A_394] : memref<128xi32, #tpu.memory_space<vmem>> -> memref<64xi32, #tpu.memory_space<vmem>>
    %dma_wait3A_396 = arith.constant 0 : i32
    %dma_wait3A_397 = arith.constant 0 : i32
    %dma_wait3A_398 = tpu.memref_slice %arg2[%dma_wait3A_396, %dma_wait3A_397] : memref<10000x128xf32, #tpu.memory_space<hbm>> -> memref<10000x128xf32, #tpu.memory_space<hbm>>
    tpu.wait_indirect_dma semaphore(%arg14 : memref<!tpu.dma_semaphore, #tpu.memory_space<semaphore_mem>>) src(%dma_wait3A_398 : memref<10000x128xf32, #tpu.memory_space<hbm>>) dst(%dma_wait3A_393 : memref<64x128xf32, #tpu.memory_space<vmem>>)
    %dma_start3A_399 = arith.constant 0 : i32
    %dma_start3A_400 = arith.constant 0 : i32
    %dma_start3A_401 = tpu.memref_slice %arg5[%dma_start3A_399, %dma_start3A_400] : memref<10240x128xf32, #tpu.memory_space<vmem_shared>> -> memref<10240x128xf32, #tpu.memory_space<vmem_shared>>
    tpu.enqueue_indirect_dma source(%arg8 : memref<128x128xf32, #tpu.memory_space<vmem>>) target(%dma_start3A_401 : memref<10240x128xf32, #tpu.memory_space<vmem_shared>>) offsets(%arg12 : memref<128xi32, #tpu.memory_space<vmem>>) semaphore(%arg16 : memref<!tpu.dma_semaphore, #tpu.memory_space<semaphore_mem>>) {add = true}
    %dma_wait3A_402 = arith.constant 0 : i32
    %dma_wait3A_403 = arith.constant 0 : i32
    %dma_wait3A_404 = tpu.memref_slice %arg5[%dma_wait3A_402, %dma_wait3A_403] : memref<10240x128xf32, #tpu.memory_space<vmem_shared>> -> memref<10240x128xf32, #tpu.memory_space<vmem_shared>>
    tpu.wait_indirect_dma semaphore(%arg15 : memref<!tpu.dma_semaphore, #tpu.memory_space<semaphore_mem>>) src(%arg7 : memref<128x128xf32, #tpu.memory_space<vmem>>) dst(%dma_wait3A_404 : memref<10240x128xf32, #tpu.memory_space<vmem_shared>>)
    %dma_wait3A_405 = arith.constant 0 : i32
    %dma_wait3A_406 = arith.constant 0 : i32
    %dma_wait3A_407 = tpu.memref_slice %arg5[%dma_wait3A_405, %dma_wait3A_406] : memref<10240x128xf32, #tpu.memory_space<vmem_shared>> -> memref<10240x128xf32, #tpu.memory_space<vmem_shared>>
    tpu.wait_indirect_dma semaphore(%arg16 : memref<!tpu.dma_semaphore, #tpu.memory_space<semaphore_mem>>) src(%arg8 : memref<128x128xf32, #tpu.memory_space<vmem>>) dst(%dma_wait3A_407 : memref<10240x128xf32, #tpu.memory_space<vmem_shared>>)
    %barrier3A_408 = arith.constant 0 : index
    tpu.barrier barrier_id(%barrier3A_408)
    %mul3A_409 = arith.constant 624 : i32
    %mul3A_410 = arith.muli %arg1, %mul3A_409 : i32
    "tpu.region"() ({
      %run_scoped3A = tpu.sem_alloc : memref<!tpu.dma_semaphore, #tpu.memory_space<semaphore_mem>>
      %dma_start3A_413 = arith.constant 0 : i32
      %dma_start3A_414 = tpu.memref_slice %arg4[%arg0, %mul3A_410, %dma_start3A_413] : memref<2x10000x128xf32, #tpu.memory_space<hbm>> -> memref<1x624x128xf32, #tpu.memory_space<hbm>>
      %dma_start3A_415 = tpu.memref_squeeze %dma_start3A_414 : memref<1x624x128xf32, #tpu.memory_space<hbm>> -> memref<624x128xf32, #tpu.memory_space<hbm>>
      %dma_start3A_416 = arith.constant 0 : i32
      %dma_start3A_417 = tpu.memref_slice %arg5[%mul3A_410, %dma_start3A_416] : memref<10240x128xf32, #tpu.memory_space<vmem_shared>> -> memref<624x128xf32, #tpu.memory_space<vmem_shared>>
      tpu.enqueue_dma source(%dma_start3A_417 : memref<624x128xf32, #tpu.memory_space<vmem_shared>>) target(%dma_start3A_415 : memref<624x128xf32, #tpu.memory_space<hbm>>) target_semaphore(%run_scoped3A : memref<!tpu.dma_semaphore, #tpu.memory_space<semaphore_mem>>)
      %dma_wait3A_418 = arith.constant 0 : i32
      %dma_wait3A_419 = tpu.memref_slice %arg4[%arg0, %mul3A_410, %dma_wait3A_418] : memref<2x10000x128xf32, #tpu.memory_space<hbm>> -> memref<1x624x128xf32, #tpu.memory_space<hbm>>
      %dma_wait3A_420 = tpu.memref_squeeze %dma_wait3A_419 : memref<1x624x128xf32, #tpu.memory_space<hbm>> -> memref<624x128xf32, #tpu.memory_space<hbm>>
      %dma_wait3A_421 = arith.constant 0 : i32
      %dma_wait3A_422 = tpu.memref_slice %arg5[%mul3A_410, %dma_wait3A_421] : memref<10240x128xf32, #tpu.memory_space<vmem_shared>> -> memref<624x128xf32, #tpu.memory_space<vmem_shared>>
      tpu.wait_dma2 semaphore(%run_scoped3A : memref<!tpu.dma_semaphore, #tpu.memory_space<semaphore_mem>>) src(%dma_wait3A_422 : memref<624x128xf32, #tpu.memory_space<vmem_shared>>) dst(%dma_wait3A_420 : memref<624x128xf32, #tpu.memory_space<hbm>>)
      tpu.yield
    }) : () -> ()
    %eq3A = arith.constant 0 : i32
    %eq3A_411 = arith.cmpi eq, %arg1, %eq3A : i32
    %convert_element_type3A = arith.extui %eq3A_411 : i1 to i32
    %cond3A = arith.constant 0 : i32
    %cond3A_412 = arith.cmpi ne, %convert_element_type3A, %cond3A : i32
    scf.if %cond3A_412 {
      "tpu.region"() ({
        %run_scoped3A = tpu.sem_alloc : memref<!tpu.dma_semaphore, #tpu.memory_space<semaphore_mem>>
        %dma_start3A_413 = arith.constant 9984 : i32
        %dma_start3A_414 = arith.constant 0 : i32
        %dma_start3A_415 = tpu.memref_slice %arg4[%arg0, %dma_start3A_413, %dma_start3A_414] : memref<2x10000x128xf32, #tpu.memory_space<hbm>> -> memref<1x16x128xf32, #tpu.memory_space<hbm>>
        %dma_start3A_416 = tpu.memref_squeeze %dma_start3A_415 : memref<1x16x128xf32, #tpu.memory_space<hbm>> -> memref<16x128xf32, #tpu.memory_space<hbm>>
        %dma_start3A_417 = arith.constant 9984 : i32
        %dma_start3A_418 = arith.constant 0 : i32
        %dma_start3A_419 = tpu.memref_slice %arg5[%dma_start3A_417, %dma_start3A_418] : memref<10240x128xf32, #tpu.memory_space<vmem_shared>> -> memref<16x128xf32, #tpu.memory_space<vmem_shared>>
        tpu.enqueue_dma source(%dma_start3A_419 : memref<16x128xf32, #tpu.memory_space<vmem_shared>>) target(%dma_start3A_416 : memref<16x128xf32, #tpu.memory_space<hbm>>) target_semaphore(%run_scoped3A : memref<!tpu.dma_semaphore, #tpu.memory_space<semaphore_mem>>)
        %dma_wait3A_420 = arith.constant 9984 : i32
        %dma_wait3A_421 = arith.constant 0 : i32
        %dma_wait3A_422 = tpu.memref_slice %arg4[%arg0, %dma_wait3A_420, %dma_wait3A_421] : memref<2x10000x128xf32, #tpu.memory_space<hbm>> -> memref<1x16x128xf32, #tpu.memory_space<hbm>>
        %dma_wait3A_423 = tpu.memref_squeeze %dma_wait3A_422 : memref<1x16x128xf32, #tpu.memory_space<hbm>> -> memref<16x128xf32, #tpu.memory_space<hbm>>
        %dma_wait3A_424 = arith.constant 9984 : i32
        %dma_wait3A_425 = arith.constant 0 : i32
        %dma_wait3A_426 = tpu.memref_slice %arg5[%dma_wait3A_424, %dma_wait3A_425] : memref<10240x128xf32, #tpu.memory_space<vmem_shared>> -> memref<16x128xf32, #tpu.memory_space<vmem_shared>>
        tpu.wait_dma2 semaphore(%run_scoped3A : memref<!tpu.dma_semaphore, #tpu.memory_space<semaphore_mem>>) src(%dma_wait3A_426 : memref<16x128xf32, #tpu.memory_space<vmem_shared>>) dst(%dma_wait3A_423 : memref<16x128xf32, #tpu.memory_space<hbm>>)
        tpu.yield
      }) : () -> ()
    } else {
    }
    return
  }
}

module attributes {stable_mosaic.version = 14 : i64} {
  func.func @_mm_bias_body(%arg0: i32, %arg1: memref<2000x128xf32, #tpu.memory_space<vmem>>, %arg2: memref<128x128xf32, #tpu.memory_space<vmem>>, %arg3: memref<1x128xf32, #tpu.memory_space<vmem>>, %arg4: memref<2000x128xf32, #tpu.memory_space<vmem>>) attributes {dimension_semantics = [#tpu.dimension_semantics<arbitrary>], iteration_bounds = array<i64: 5>, scalar_prefetch = 0 : i64, scratch_operands = 0 : i64, tpu.core_type = #tpu.core_type<tc>, window_params = [{transform_indices = @transform_0, window_bounds = array<i64: 2000, 128>}, {pipeline_mode = #tpu.pipeline_mode<synchronous>, transform_indices = @transform_1, window_bounds = array<i64: 128, 128>}, {pipeline_mode = #tpu.pipeline_mode<synchronous>, transform_indices = @transform_2, window_bounds = array<i64: 1, 128>}, {transform_indices = @transform_3, window_bounds = array<i64: 2000, 128>}]} {
    %get3A = arith.constant 0 : index
    %get3A_0 = arith.constant 0 : index
    %get3A_1 = vector.load %arg1[%get3A, %get3A_0] : memref<2000x128xf32, #tpu.memory_space<vmem>>, vector<2000x128xf32>
    %get3A_2 = arith.constant 0 : index
    %get3A_3 = arith.constant 0 : index
    %get3A_4 = vector.load %arg2[%get3A_2, %get3A_3] : memref<128x128xf32, #tpu.memory_space<vmem>>, vector<128x128xf32>
    %dot_general3A = arith.constant dense<0.000000e+00> : vector<2000x128xf32>
    %dot_general3A_5 = tpu.matmul %get3A_1, %get3A_4, %dot_general3A {dimension_numbers = #tpu.dot_dimension_numbers<[1], [0], [0], [1], [0, 0, 1, 1], [], []>, transpose_lhs_hint = false} : vector<2000x128xf32>, vector<128x128xf32>, vector<2000x128xf32> -> vector<2000x128xf32>
    %get3A_6 = arith.constant 0 : index
    %get3A_7 = arith.constant 0 : index
    %get3A_8 = vector.load %arg3[%get3A_6, %get3A_7] : memref<1x128xf32, #tpu.memory_space<vmem>>, vector<1x128xf32>
    %add3A = vector.broadcast %get3A_8 : vector<1x128xf32> to vector<2000x128xf32>
    %add3A_9 = arith.addf %dot_general3A_5, %add3A : vector<2000x128xf32>
    %swap3A = arith.constant 0 : index
    %swap3A_10 = arith.constant 0 : index
    %swap3A_11 = vector.load %arg4[%swap3A, %swap3A_10] : memref<2000x128xf32, #tpu.memory_space<vmem>>, vector<2000x128xf32>
    tpu.vector_store %arg4[%swap3A, %swap3A_10], %add3A_9 {strides = array<i32>} : memref<2000x128xf32, #tpu.memory_space<vmem>>, vector<2000x128xf32>,
    return
  }
  func.func @transform_0(%arg0: i32) -> (i32, i32) {
    %c0_i32 = arith.constant 0 : i32
    %c0_i32_0 = arith.constant 0 : i32
    return %arg0, %c0_i32 : i32, i32
  }
  func.func @transform_1(%arg0: i32) -> (i32, i32) {
    %c0_i32 = arith.constant 0 : i32
    %c0_i32_0 = arith.constant 0 : i32
    %c0_i32_1 = arith.constant 0 : i32
    return %c0_i32, %c0_i32_0 : i32, i32
  }
  func.func @transform_2(%arg0: i32) -> (i32, i32) {
    %c0_i32 = arith.constant 0 : i32
    %c0_i32_0 = arith.constant 0 : i32
    %c0_i32_1 = arith.constant 0 : i32
    return %c0_i32, %c0_i32_0 : i32, i32
  }
  func.func @transform_3(%arg0: i32) -> (i32, i32) {
    %c0_i32 = arith.constant 0 : i32
    %c0_i32_0 = arith.constant 0 : i32
    return %arg0, %c0_i32 : i32, i32
  }
}

module attributes {stable_mosaic.version = 14 : i64} {
  func.func @_relu2_mm_bias_body(%arg0: i32, %arg1: memref<2x2000x128xf32, #tpu.memory_space<vmem>>, %arg2: memref<128x128xf32, #tpu.memory_space<vmem>>, %arg3: memref<1x128xf32, #tpu.memory_space<vmem>>, %arg4: memref<2000x128xf32, #tpu.memory_space<vmem>>) attributes {dimension_semantics = [#tpu.dimension_semantics<arbitrary>], iteration_bounds = array<i64: 5>, scalar_prefetch = 0 : i64, scratch_operands = 0 : i64, tpu.core_type = #tpu.core_type<tc>, window_params = [{transform_indices = @transform_0, window_bounds = array<i64: 2, 2000, 128>}, {pipeline_mode = #tpu.pipeline_mode<synchronous>, transform_indices = @transform_1, window_bounds = array<i64: 128, 128>}, {pipeline_mode = #tpu.pipeline_mode<synchronous>, transform_indices = @transform_2, window_bounds = array<i64: 1, 128>}, {transform_indices = @transform_3, window_bounds = array<i64: 2000, 128>}]} {
    %get3A = arith.constant 0 : index
    %get3A_0 = arith.constant 0 : index
    %get3A_1 = arith.constant 0 : index
    %get3A_2 = vector.load %arg1[%get3A, %get3A_0, %get3A_1] : memref<2x2000x128xf32, #tpu.memory_space<vmem>>, vector<1x2000x128xf32>
    %get3A_3 = vector.shape_cast %get3A_2 : vector<1x2000x128xf32> to vector<2000x128xf32>
    %get3A_4 = arith.constant 1 : index
    %get3A_5 = arith.constant 0 : index
    %get3A_6 = arith.constant 0 : index
    %get3A_7 = vector.load %arg1[%get3A_4, %get3A_5, %get3A_6] : memref<2x2000x128xf32, #tpu.memory_space<vmem>>, vector<1x2000x128xf32>
    %get3A_8 = vector.shape_cast %get3A_7 : vector<1x2000x128xf32> to vector<2000x128xf32>
    %add3A = arith.addf %get3A_3, %get3A_8 : vector<2000x128xf32>
    %max3A = arith.constant 0.000000e+00 : f32
    %max3A_9 = vector.broadcast %max3A : f32 to vector<2000x128xf32>
    %max3A_10 = arith.maximumf %add3A, %max3A_9 : vector<2000x128xf32>
    %get3A_11 = arith.constant 0 : index
    %get3A_12 = arith.constant 0 : index
    %get3A_13 = vector.load %arg2[%get3A_11, %get3A_12] : memref<128x128xf32, #tpu.memory_space<vmem>>, vector<128x128xf32>
    %dot_general3A = arith.constant dense<0.000000e+00> : vector<2000x128xf32>
    %dot_general3A_14 = tpu.matmul %max3A_10, %get3A_13, %dot_general3A {dimension_numbers = #tpu.dot_dimension_numbers<[1], [0], [0], [1], [0, 0, 1, 1], [], []>, transpose_lhs_hint = false} : vector<2000x128xf32>, vector<128x128xf32>, vector<2000x128xf32> -> vector<2000x128xf32>
    %get3A_15 = arith.constant 0 : index
    %get3A_16 = arith.constant 0 : index
    %get3A_17 = vector.load %arg3[%get3A_15, %get3A_16] : memref<1x128xf32, #tpu.memory_space<vmem>>, vector<1x128xf32>
    %add3A_18 = vector.broadcast %get3A_17 : vector<1x128xf32> to vector<2000x128xf32>
    %add3A_19 = arith.addf %dot_general3A_14, %add3A_18 : vector<2000x128xf32>
    %swap3A = arith.constant 0 : index
    %swap3A_20 = arith.constant 0 : index
    %swap3A_21 = vector.load %arg4[%swap3A, %swap3A_20] : memref<2000x128xf32, #tpu.memory_space<vmem>>, vector<2000x128xf32>
    tpu.vector_store %arg4[%swap3A, %swap3A_20], %add3A_19 {strides = array<i32>} : memref<2000x128xf32, #tpu.memory_space<vmem>>, vector<2000x128xf32>,
    return
  }
  func.func @transform_0(%arg0: i32) -> (i32, i32, i32) {
    %c0_i32 = arith.constant 0 : i32
    %c0_i32_0 = arith.constant 0 : i32
    %c0_i32_1 = arith.constant 0 : i32
    return %c0_i32, %arg0, %c0_i32_0 : i32, i32, i32
  }
  func.func @transform_1(%arg0: i32) -> (i32, i32) {
    %c0_i32 = arith.constant 0 : i32
    %c0_i32_0 = arith.constant 0 : i32
    %c0_i32_1 = arith.constant 0 : i32
    return %c0_i32, %c0_i32_0 : i32, i32
  }
  func.func @transform_2(%arg0: i32) -> (i32, i32) {
    %c0_i32 = arith.constant 0 : i32
    %c0_i32_0 = arith.constant 0 : i32
    %c0_i32_1 = arith.constant 0 : i32
    return %c0_i32, %c0_i32_0 : i32, i32
  }
  func.func @transform_3(%arg0: i32) -> (i32, i32) {
    %c0_i32 = arith.constant 0 : i32
    %c0_i32_0 = arith.constant 0 : i32
    return %arg0, %c0_i32 : i32, i32
  }
}

module attributes {stable_mosaic.version = 14 : i64} {
  func.func @_head_body(%arg0: memref<2x10000x128xf32, #tpu.memory_space<vmem>>, %arg1: memref<128x10xf32, #tpu.memory_space<vmem>>, %arg2: memref<1x10xf32, #tpu.memory_space<vmem>>, %arg3: memref<1x10xf32, #tpu.memory_space<vmem>>) attributes {dimension_semantics = [], scalar_prefetch = 0 : i64, scratch_operands = 0 : i64, tpu.core_type = #tpu.core_type<tc>} {
    %get3A = arith.constant 0 : index
    %get3A_0 = arith.constant 0 : index
    %get3A_1 = arith.constant 0 : index
    %get3A_2 = vector.load %arg0[%get3A, %get3A_0, %get3A_1] : memref<2x10000x128xf32, #tpu.memory_space<vmem>>, vector<1x10000x128xf32>
    %get3A_3 = vector.shape_cast %get3A_2 : vector<1x10000x128xf32> to vector<10000x128xf32>
    %get3A_4 = arith.constant 1 : index
    %get3A_5 = arith.constant 0 : index
    %get3A_6 = arith.constant 0 : index
    %get3A_7 = vector.load %arg0[%get3A_4, %get3A_5, %get3A_6] : memref<2x10000x128xf32, #tpu.memory_space<vmem>>, vector<1x10000x128xf32>
    %get3A_8 = vector.shape_cast %get3A_7 : vector<1x10000x128xf32> to vector<10000x128xf32>
    %add3A = arith.addf %get3A_3, %get3A_8 : vector<10000x128xf32>
    %max3A = arith.constant 0.000000e+00 : f32
    %max3A_9 = vector.broadcast %max3A : f32 to vector<10000x128xf32>
    %max3A_10 = arith.maximumf %add3A, %max3A_9 : vector<10000x128xf32>
    %reduce_sum3A = arith.constant dense<0.000000e+00> : vector<128xf32>
    %reduce_sum3A_11 = vector.multi_reduction <add>, %max3A_10, %reduce_sum3A [0] : vector<10000x128xf32> to vector<128xf32>
    %broadcast_in_dim3A = vector.shape_cast %reduce_sum3A_11 : vector<128xf32> to vector<1x128xf32>
    %mul3A = arith.constant 9.99999974E-5 : f32
    %mul3A_12 = vector.broadcast %mul3A : f32 to vector<1x128xf32>
    %mul3A_13 = arith.mulf %broadcast_in_dim3A, %mul3A_12 : vector<1x128xf32>
    %get3A_14 = arith.constant 0 : index
    %get3A_15 = arith.constant 0 : index
    %get3A_16 = vector.load %arg1[%get3A_14, %get3A_15] : memref<128x10xf32, #tpu.memory_space<vmem>>, vector<128x10xf32>
    %dot_general3A = arith.constant dense<0.000000e+00> : vector<1x10xf32>
    %dot_general3A_17 = tpu.matmul %mul3A_13, %get3A_16, %dot_general3A {dimension_numbers = #tpu.dot_dimension_numbers<[1], [0], [0], [1], [0, 0, 1, 1], [], []>, transpose_lhs_hint = false} : vector<1x128xf32>, vector<128x10xf32>, vector<1x10xf32> -> vector<1x10xf32>
    %get3A_18 = arith.constant 0 : index
    %get3A_19 = arith.constant 0 : index
    %get3A_20 = vector.load %arg2[%get3A_18, %get3A_19] : memref<1x10xf32, #tpu.memory_space<vmem>>, vector<1x10xf32>
    %add3A_21 = arith.addf %dot_general3A_17, %get3A_20 : vector<1x10xf32>
    %reduce_max3A = arith.constant dense<0xFF800000> : vector<1xf32>
    %reduce_max3A_22 = vector.multi_reduction <maximumf>, %add3A_21, %reduce_max3A [1] : vector<1x10xf32> to vector<1xf32>
    %broadcast_in_dim3A_23 = vector.shape_cast %reduce_max3A_22 : vector<1xf32> to vector<1x1xf32>
    %sub3A = vector.broadcast %broadcast_in_dim3A_23 : vector<1x1xf32> to vector<1x10xf32>
    %sub3A_24 = arith.subf %add3A_21, %sub3A : vector<1x10xf32>
    %exp3A = math.exp %sub3A_24 : vector<1x10xf32>
    %reduce_sum3A_25 = arith.constant dense<0.000000e+00> : vector<1xf32>
    %reduce_sum3A_26 = vector.multi_reduction <add>, %exp3A, %reduce_sum3A_25 [1] : vector<1x10xf32> to vector<1xf32>
    %broadcast_in_dim3A_27 = vector.shape_cast %reduce_sum3A_26 : vector<1xf32> to vector<1x1xf32>
    %log3A = math.log %broadcast_in_dim3A_27 : vector<1x1xf32>
    %sub3A_28 = vector.broadcast %log3A : vector<1x1xf32> to vector<1x10xf32>
    %sub3A_29 = arith.subf %sub3A_24, %sub3A_28 : vector<1x10xf32>
    %swap3A = arith.constant 0 : index
    %swap3A_30 = arith.constant 0 : index
    %swap3A_31 = vector.load %arg3[%swap3A, %swap3A_30] : memref<1x10xf32, #tpu.memory_space<vmem>>, vector<1x10xf32>
    tpu.vector_store %arg3[%swap3A, %swap3A_30], %sub3A_29 {strides = array<i32>} : memref<1x10xf32, #tpu.memory_space<vmem>>, vector<1x10xf32>,
    return
  }
}

</mosaic_0001>

<sc_bundles>
// kernel: kernel.12.cloned.1.call-start
scs
__scs_entry_jumppad:
0x0: {  	(pc) =	sbr.rel $0x88, $3  }
0x1: {  	(tag) =	ssettag $0x0;
	lr =	simm.s32 $0x1  }
0x2: {  	[smem:$0x3F97] =	sst lr;
	_ =	strace $0xD0000000  }
0x3: {  	_ = 	snop  }
0x4: {  	_ = 	snop  }
0x5: {  	_ = 	snop  }
0x6: {  	_ = 	snop  }
0x7: {  	_ = 	snop  }
__scs_overlays_trampoline_lowered:
0x8: {  	[smem:$0x3FA6] =	sst s0  }
0x9: {  	[smem:$0x3FA7] =	sst s1  }
0xa: {  	[smem:$0x3FA8] =	sst s2  }
0xb: {  	[smem:$0x3FA9] =	sst s3  }
0xc: {  	[smem:$0x3FAA] =	sst s4  }
0xd: {  	[smem:$0x3FAB] =	sst s5  }
0xe: {  	[smem:$0x3FAC] =	sst s6  }
0xf: {  	[smem:$0x3FAD] =	sst s7  }
0x10: {  	[smem:$0x3FAE] =	sst s8  }
0x11: {  	[smem:$0x3FAF] =	sst s9;
	s0 =	simm.s32 @!p0 $0x0  }
0x12: {  	s1 =	sld [smem:$0x3F95];
	s0 =	simm.s32 @p0 $0x1  }
0x13: {  	[smem:$0x3FB0] =	sst s0;
	s0 =	simm.s32 @!p1 $0x0  }
0x14: {  	s2 =	sld [smem:$0x3F94];
	s0 =	simm.s32 @p1 $0x1  }
0x15: {  	[smem:$0x3FB1] =	sst s0;
	s0 =	simm.s32 @!p2 $0x0  }
0x16: {  	s3 =	sld [smem:$0x3FDB];
	s0 =	simm.s32 @p2 $0x1  }
0x17: {  	s4 =	simm.s32 $0x1BF5;
	[smem:$0x3FB3] =	sst s0  }
0x18: {  	s0 =	sld [smem:$0x3F96];
	_ =	swait.ge [sflag:s4], $0x0  }
0x19: {  	s7 =	sld [smem:$0x3F97]  }
0x1a: {  	s8 =	sadd.s32 $0xFFFFE003, lr  }
0x1b: {  	s9 =	sadd.s32 $0xFFFFFEF7, lr;
	s5 =	simm.s32 $0xFFFFFFFF;
	p2 =	slt.u32 s8, $0xFFFFF086  }
0x1c: {  	p1 =	slt.u32 s9, $0xF7A;
	s5 =	simm.s32 @!p2 $0x0  }
0x1d: {  	s5 =	simm.s32 @p1 $0x1;
	p0 =	seq.s32 s7, s2  }
0x1e: {  	s7 =	smul.u32 @!p0 $0xF7A, s2;
	p2 =	seq.s32 @!p0 s5, $0x0  }
0x1f: {  	s9 =	smul.u32 $0xF7A, s1;
	s8 =	simm.s32 @!p0 $0x1BF5;
	p2 =	por !p2, p0  }
0x20: {  	[sflag:s8] =	ssyncset.s32 @!p0 $0xFFFFF086;
	s6 =	sadd.s32 @!p0 s3, s7;
	s7 =	simm.s32 @!p0 $0x108  }
0x21: {  	s3 =	sadd.s32 s3, s9;
	s6 =	sadd.s32 @!p0 $0x88, s6;
	s7 =	simm.s32 @p2 $0x1082  }
0x22: {  	[simem:s7], [sflag:s8] =	dma.local @!p0 [hbm:s6], $0xF7A  }
0x23: {  	s9 =	sor.u32 $0xD0000000, s2;
	s6 =	simm.s32 $0x108;
	_ =	swait.ge @!p0 [sflag:s8], $0x0  }
0x24: {  	s3 =	sadd.s32 $0x88, s3;
	s6 =	simm.s32 @!p1 $0x1082;
	[sflag:s4] =	ssyncset.s32 $0xFFFFF086  }
0x25: {  	[simem:s6], [sflag:s4] =	dma.local [hbm:s3], $0xF7A  }
0x26: {  	[smem:$0x3F97] =	sst s1;
	(tag) =	ssettag s2;
	_ =	strace s9  }
0x27: {  	s1 =	sld [smem:$0x3FA7]  }
0x28: {  	s2 =	sld [smem:$0x3FA8]  }
0x29: {  	s4 =	sld [smem:$0x3FAA]  }
0x2a: {  	p0 =	seq.s32 s5, $0x0;
	s5 =	sld [smem:$0x3FAB]  }
0x2b: {  	s6 =	sld [smem:$0x3FAC]  }
0x2c: {  	s7 =	sld [smem:$0x3FAD]  }
0x2d: {  	s3 =	simm.s32 $0x108;
	s8 =	sld [smem:$0x3FAE]  }
0x2e: {  	s3 =	simm.s32 @!p0 $0x1082;
	s9 =	sld [smem:$0x3FAF]  }
0x2f: {  	lr =	sadd.s32 s0, s3;
	s0 =	sld [smem:$0x3FA6]  }
0x30: {  	s3 =	sld [smem:$0x3FA9]  }
0x31: {  	[smem:$0x3FB2] =	sst s10  }
0x32: {  	s10 =	sld [smem:$0x3FB0];
	_ =	sdelay $0x3  }
0x33: {  	p0 =	seq.s32 s10, $0x1;
	s10 =	sld [smem:$0x3FB2];
	_ =	sdelay $0x3  }
0x34: {  	[smem:$0x3FB2] =	sst s10  }
0x35: {  	s10 =	sld [smem:$0x3FB1];
	_ =	sdelay $0x3  }
0x36: {  	p1 =	seq.s32 s10, $0x1;
	s10 =	sld [smem:$0x3FB2];
	_ =	sdelay $0x3  }
0x37: {  	[smem:$0x3FB2] =	sst s10  }
0x38: {  	s10 =	sld [smem:$0x3FB3]  }
0x39: {  	_ = 	snop;
	(pc) =	sbr.ind lr, $3  }
0x3a: {  	_ = 	snop  }
0x3b: {  	_ = 	snop  }
0x3c: {  	p2 =	seq.s32 s10, $0x1;
	s10 =	sld [smem:$0x3FB2]  }
0x3d: {  	_ =	shalt  }
0x3e: {  	_ =	shalt  }
0x3f: {  	_ =	shalt  }
0x40: {  	_ =	shalt  }
0x41: {  	_ =	shalt  }
0x42: {  	_ =	shalt  }
0x43: {  	_ =	shalt  }
0x44: {  	_ =	shalt  }
0x45: {  	_ =	shalt  }
0x46: {  	_ =	shalt  }
0x47: {  	_ =	shalt  }
0x48: {  	_ =	shalt  }
0x49: {  	_ =	shalt  }
0x4a: {  	_ =	shalt  }
0x4b: {  	_ =	shalt  }
0x4c: {  	_ =	shalt  }
0x4d: {  	_ =	shalt  }
0x4e: {  	_ =	shalt  }
0x4f: {  	_ =	shalt  }
0x50: {  	_ =	shalt  }
0x51: {  	_ =	shalt  }
0x52: {  	_ =	shalt  }
0x53: {  	_ =	shalt  }
0x54: {  	_ =	shalt  }
0x55: {  	_ =	shalt  }
0x56: {  	_ =	shalt  }
0x57: {  	_ =	shalt  }
0x58: {  	_ =	shalt  }
0x59: {  	_ =	shalt  }
0x5a: {  	_ =	shalt  }
0x5b: {  	_ =	shalt  }
0x5c: {  	_ =	shalt  }
0x5d: {  	_ =	shalt  }
0x5e: {  	_ =	shalt  }
0x5f: {  	_ =	shalt  }
0x60: {  	_ =	shalt  }
0x61: {  	_ =	shalt  }
0x62: {  	_ =	shalt  }
0x63: {  	_ =	shalt  }
0x64: {  	_ =	shalt  }
0x65: {  	_ =	shalt  }
0x66: {  	_ =	shalt  }
0x67: {  	_ =	shalt  }
0x68: {  	_ =	shalt  }
0x69: {  	_ =	shalt  }
0x6a: {  	_ =	shalt  }
0x6b: {  	_ =	shalt  }
0x6c: {  	_ =	shalt  }
0x6d: {  	_ =	shalt  }
0x6e: {  	_ =	shalt  }
0x6f: {  	_ =	shalt  }
0x70: {  	_ =	shalt  }
0x71: {  	_ =	shalt  }
0x72: {  	_ =	shalt  }
0x73: {  	_ =	shalt  }
0x74: {  	_ =	shalt  }
0x75: {  	_ =	shalt  }
0x76: {  	_ =	shalt  }
0x77: {  	_ =	shalt  }
0x78: {  	_ =	shalt  }
0x79: {  	_ =	shalt  }
0x7a: {  	_ =	shalt  }
0x7b: {  	_ =	shalt  }
0x7c: {  	_ =	shalt  }
0x7d: {  	_ =	shalt  }
0x7e: {  	_ =	shalt  }
0x7f: {  	_ =	shalt  }
0x80: {  	_ =	shalt  }
0x81: {  	_ =	shalt  }
0x82: {  	_ =	shalt  }
0x83: {  	_ =	shalt  }
0x84: {  	_ =	shalt  }
0x85: {  	_ =	shalt  }
0x86: {  	_ =	shalt  }
0x87: {  	_ =	shalt  }
.Lfunc_end0:
.L_simem_size_0:
called_computation.1_lowered:
.L_overlay_start_0:
0x88: {  	s2 =	sld [smem:$0x3FD9]  }
0x89: {  	s3 =	sld [smem:$0x3FFE];
	_ =	sdelay $0x1  }
0x8a: {  	s1 =	srdreg.scid  }
0x8b: {  	s0 =	sand.u32 $0x1, s1  }
0x8c: {  	s16 =	sshll.u32 s0, $0xA;
	s2 =	sadd.s32 s3, s2  }
0x8d: {  	s2 =	sadd.s32 s2, s16  }
0x8e: {  	[smem:$0x3FBE] =	sst s2  }
0x8f: {  	_ = 	snop  }
0x90: {  	(tm) =	ssettm $0x1  }
0x91: {  	s17 =	sld [smem:$0x3FFB];
	_ =	sdelay $0x3  }
0x92: {  	_ =	strace s17  }
0x93: {  	s2 =	sld [smem:$0x3FFC];
	_ =	sdelay $0x3  }
0x94: {  	_ =	strace s2  }
0x95: {  	s2 =	sld [smem:$0x3FFD];
	_ =	sdelay $0x3  }
0x96: {  	_ =	strace s2  }
0x97: {  	_ =	strace $0x8FFFFFFF  }
0x98: {  	s18 =	sld [smem:$0x3FDB];
	_ =	sdelay $0x1  }
0x99: {  	s19 =	simm.s32 $_scs_section_size  }
0x9a: {  	s4 =	simm.s32 $_size__tile_overlayer_lowered;
	s5 =	simm.s32 $_tile_overlayer_lowered  }
0x9b: {  	s22 =	simm.s32 $0x1BFF;
	s21 =	sshll.u32 s5, $0x1;
	s2 =	sadd.s32 s19, s18  }
0x9c: {  	s6 =	simm.s32 $0x0;
	s20 =	sshll.u32 s4, $0x1;
	s4 =	sadd.s32 s21, s2  }
0x9d: {  	[timem:s6], [sflag:s22] =	dma.local [hbm:s4], s20  }
0x9e: {  	_ =	swait.ge [sflag:s22], s20  }
0x9f: {  	s3 =	ssub.s32 $0x0, s20;
	[sflag:s22] =	ssyncset.done $0x0  }
0xa0: {  	[sflag:s22] =	ssyncadd.s32 s3;
	_ =	sdelay $0x1  }
0xa1: {  	s23 =	simm.s32 $0x1B8B  }
0xa2: {  	_ =	swait.ge [sflag:s23], $0x1  }
0xa3: {  	[sflag:s23] =	ssyncset.done $0x0  }
0xa4: {  	s25 =	simm.s32 $0x1B8E;
	s24 =	sld [smem:$0x3FFE];
	[sflag:s23] =	ssyncadd.s32 $0xFFFFFFFF  }
0xa5: {  	s26 =	simm.s32 $execute0_lowered;
	[smem:$0x3FD2] =	sst s25  }
0xa6: {  	s4 =	sshll.u32 s26, $0x1;
	_ =	strace $0x80000049;
	[dreg:$0x1] =	wrdreg $0xFFFFFFFF  }
0xa7: {  	s28 =	simm.s32 $_size_execute0_lowered;
	s2 =	sadd.s32 s2, s4;
	[dreg:$0x0] =	wrdreg $0x0  }
0xa8: {  	s4 =	sshll.u32 s28, $0x1;
	[dreg:$0x2] =	wrdreg s2  }
0xa9: {  	[dreg:$0x3] =	wrdreg s4  }
0xaa: {  	[dreg:$0x4] =	wrdreg $0xC0  }
0xab: {  	_ =	task [dreg:s6], $0x5FFFF  }
0xac: {  	[dreg:$0x1] =	wrdreg $0xFFFFFFFF  }
0xad: {  	[dreg:$0x0] =	wrdreg $0x60  }
0xae: {  	[dreg:$0x2] =	wrdreg s24  }
0xaf: {  	[dreg:$0x3] =	wrdreg $0x0  }
0xb0: {  	[dreg:$0x4] =	wrdreg $0x9  }
0xb1: {  	_ =	task.clear_ibuf [dreg:s6], $0x5FFFF;
	_ =	strace $0x90000049  }
0xb2: {  	s29 =	simm.s32 $0x9;
	_ =	strace $0x8000004B  }
0xb3: {  	_ =	swait.ge [sflag:s29], $0x1  }
0xb4: {  	[sflag:s29] =	ssyncadd.s32 $0xFFFFFFFF  }
0xb5: {  	_ =	strace $0x9000004B  }
0xb6: {  	_ =	sfence  }
0xb7: {  	s30 =	sld [smem:$0x0];
	_ =	sdelay $0x2  }
0xb8: {  	s31 =	sshll.u32 s1, $0xD;
	s1 =	sshrl.u32 s1, $0x2  }
0xb9: {  	s3 =	sand.u32 $0x4000, s31;
	s1 =	sadd.s32 s1, s30  }
0xba: {  	s0 =	sor.u32 s3, s0;
	s1 =	sshll.u32 s1, $0x11  }
0xbb: {  	s0 =	sor.u32 s1, s0  }
0xbc: {  	s0 =	sadd.s32 $0x8F2B, s0  }
0xbd: {  	[sflag:s0] =	ssyncadd.remote.s32 $0x1  }
0xbe: {  	_ =	sfence.sel $0xFFFF  }
0xbf: {  	[dreg:$0x0] =	wrdreg $0xFFFFFFFF;
	(pc) =	sbr.abs _section_cstart, $3  }
0xc0: {  	[dreg:$0x1] =	wrdreg $0xFFFFFFFF  }
0xc1: {  	_ =	task.clear_ibuf [dreg:s6], $0x2FFFF;
	_ =	strace $0x9FFFFFFF  }
0xc2: {  	(tm) =	ssettm $0x7FFFFFFF  }
0xc3: {  	_ =	shalt  }
tec
execute0_lowered:
.L_overlay_start_1:
0x0: {  	(tag) =	ssettag $0x1  }
0x1: {  	s0 =	rddreg [dreg:$0x0];
	s1 =	srdreg.scid  }
0x2: {  	s8 =	stileid.u32;
	s2 =	rddreg [dreg:$0x1];
	s4 =	simm.s32 $0x0  }
0x3: {  	s14 =	simm.s32 $0x16800;
	s15 =	simm.s32 $0x5;
	s17 =	simm.s32 $0x40  }
0x4: {  	s18 =	simm.s32 $0x1E800;
	s19 =	simm.s32 $0x1E840;
	s20 =	simm.s32 $0x18800  }
0x5: {  	s28 =	simm.s32 $0x1;
	s29 =	simm.s32 $0x80;
	s30 =	simm.s32 $0x1E900  }
0x6: {  	s31 =	simm.s32 $0x2;
	s16 =	simm.s32 $0x4;
	s5 =	smul.u32 $0x50000, s8  }
0x7: {  	s1 =	sand.u32 $0x1, s1;
	s3 =	sshll.u32 s8, $0x1;
	s23 =	smul.u32 $0x13800, s8  }
0x8: {  	[smem:$0x7FF] =	sst s4;
	s4 =	sadd.s32 $0xC600, s0;
	s11 =	smul.u32 $0x4E000, s8  }
0x9: {  	s3 =	sor.u32 s1, s3;
	s6 =	ssub.s32 $0x2, s1;
	s1 =	smul.u32 $0x138800, s1  }
0xa: {  	p0 =	sne.s32 s8, $0x0;
	_ =	strace $0x8000004A;
	s3 =	smul.u32 $0x500, s3  }
0xb: {  	s7 =	sshrl.u32 s6, $0x1;
	s5 =	sshrl.u32 s5, $0x2;
	s25 =	sshrl.u32 s11, $0x2  }
0xc: {  	s6 =	ssub.s32 s6, s7;
	s5 =	sadd.s32 s5, s2;
	s24 =	sadd.s32 s23, s1  }
0xd: {  	s1 =	sshrl.u32 s1, $0x3;
	s26 =	sadd.s32 s25, s2;
	s21 =	sadd.s32 $0x4000, s5  }
0xe: {  	s23 =	simm.s32 $0x1E8C0;
	s22 =	sadd.s32 $0x8000, s5;
	[dreg:$0x3] =	wrdreg s21  }
0xf: {  	s3 =	sadd.s32 s3, s0;
	s9 =	sadd.s32 $0xC000, s5;
	[dreg:$0x4] =	wrdreg s22  }
0x10: {  	s0 =	sadd.s32 $0x33800, s0;
	s13 =	smax.u32 s6, $0x1;
	[dreg:$0x5] =	wrdreg s9  }
0x11: {  	s9 =	sadd.s32 $0x10000, s5;
	s10 =	sadd.s32 $0x2600, s3;
	s3 =	sshrl.u32 s24, $0x3  }
0x12: {  	s1 =	sadd.s32 s0, s1;
	s21 =	simm.s32 $0x1E880;
	s22 =	simm.s32 $0x1A800  }
0x13: {  	s24 =	sshrl.u32 s26, $0x3;
	s26 =	simm.s32 $0x1C800;
	s11 =	sadd.s32 s0, s3  }
0x14: {  	s12 =	sadd.s32 $0x27000, s1;
	s1 =	sadd.s32 $0x138000, s2;
	s0 =	simm.s32 $0x1E980  }
0x15: {  	v0 =	vimm.f32 $0.0e+00;
	s3 =	simm.s32 $0x3;
	s25 =	sshrl.u32 @!p0 s1, $0x3;
	s1 =	simm.s32 $0x0  }
.LBB2_1:
0x16: {  	s6 =	simm.s32 $0x0;
	s7 =	simm.s32 $0x200  }
.LBB2_2:
0x17: {  	p1 =	sne.s32 s7, $0xFE00;
	[tilespmem:s6+$0x16870] =	vst v0  }
0x18: {  	[tilespmem:s6+$0x16800] =	vst v0  }
0x19: {  	[tilespmem:s6+$0x16810] =	vst v0  }
.Ltmp0:
0x1a: {  	[tilespmem:s6+$0x16820] =	vst v0;
	(pc) =	sbr.rel @p1 .LBB2_2-.Ltmp0, $4  }
0x1b: {  	[tilespmem:s6+$0x16830] =	vst v0  }
0x1c: {  	[tilespmem:s6+$0x16840] =	vst v0  }
0x1d: {  	[tilespmem:s6+$0x16850] =	vst v0  }
0x1e: {  	[tilespmem:s6+$0x16860] =	vst v0;
	s6 =	sshra.s32 s7, $0x2;
	s7 =	sadd.s32 $0x200, s7  }
0x1f: {  	[tilespmem:s6+$0x16870] =	vst v0  }
0x20: {  	[tilespmem:s6+$0x16800] =	vst v0  }
0x21: {  	[tilespmem:s6+$0x16810] =	vst v0  }
0x22: {  	[tilespmem:s6+$0x16820] =	vst v0  }
0x23: {  	[tilespmem:s6+$0x16830] =	vst v0  }
0x24: {  	[tilespmem:s6+$0x16840] =	vst v0  }
0x25: {  	[tilespmem:s6+$0x16850] =	vst v0  }
0x26: {  	[tilespmem:s6+$0x16860] =	vst v0  }
0x27: {  	[spmem:s5] =	stream.linear.scatter [tilespmem:s14], [sflag:$0x5], $0x4000, $0x38;
	[tilespmem:$0x1EA00] =	vst v63  }
0x28: {  	_ =	swait.ge [sflag:s15], $0x4000  }
0x29: {  	[sflag:s15] =	ssyncset.done $0x0  }
0x2a: {  	s7 =	rddreg [dreg:$0x3];
	[sflag:s15] =	ssyncadd.s32 $0xFFFFC000  }
0x2b: {  	[spmem:s7] =	stream.linear.scatter [tilespmem:s14], [sflag:$0x5], $0x4000, $0x38;
	[tilespmem:$0x1EA00] =	vst v63  }
0x2c: {  	_ =	swait.ge [sflag:s15], $0x4000  }
0x2d: {  	[sflag:s15] =	ssyncset.done $0x0  }
0x2e: {  	s8 =	rddreg [dreg:$0x4];
	[sflag:s15] =	ssyncadd.s32 $0xFFFFC000  }
0x2f: {  	[spmem:s8] =	stream.linear.scatter [tilespmem:s14], [sflag:$0x5], $0x4000, $0x38;
	[tilespmem:$0x1EA00] =	vst v63  }
0x30: {  	_ =	swait.ge [sflag:s15], $0x4000  }
0x31: {  	[sflag:s15] =	ssyncset.done $0x0  }
0x32: {  	s7 =	rddreg [dreg:$0x5];
	[sflag:s15] =	ssyncadd.s32 $0xFFFFC000  }
0x33: {  	[spmem:s7] =	stream.linear.scatter [tilespmem:s14], [sflag:$0x5], $0x4000, $0x38;
	[tilespmem:$0x1EA00] =	vst v63  }
0x34: {  	_ =	swait.ge [sflag:s15], $0x4000  }
0x35: {  	[sflag:s15] =	ssyncset.done $0x0  }
0x36: {  	[sflag:s15] =	ssyncadd.s32 $0xFFFFC000  }
0x37: {  	[spmem:s9] =	stream.linear.scatter [tilespmem:s14], [sflag:$0x5], $0x4000, $0x38;
	[tilespmem:$0x1EA00] =	vst v63  }
0x38: {  	_ =	swait.ge [sflag:s15], $0x4000  }
0x39: {  	[sflag:s15] =	ssyncset.done $0x0  }
0x3a: {  	[sflag:s15] =	ssyncadd.s32 $0xFFFFC000  }
0x3b: {  	s8 =	simm.s32 $0x0;
	s7 =	simm.s32 $0x14000;
	[bflag:$0x0] =	sbarrier.arrive $0xFFFF  }
0x3c: {  	[tilespmem:s7], [sflag:$0x5] =	stream.linear.gather [hbm4b:s10+s8], $0x2800, $0x38;
	[tilespmem:$0x1EA00] =	vst v63  }
0x3d: {  	_ =	swait.ge [sflag:s15], $0x2800  }
0x3e: {  	[sflag:s15] =	ssyncset.done $0x0  }
0x3f: {  	[sflag:s15] =	ssyncadd.s32 $0xFFFFD800  }
0x40: {  	v1 =	vld [tilespmem:$0x14000];
	_ =	sdelay $0x1  }
0x41: {  	v2 =	vld [tilespmem:$0x14010];
	_ =	sdelay $0x1  }
0x42: {  	v3 =	vld [tilespmem:$0x14020]  }
0x43: {  	v4 =	vand.u32 $0xFFFF, v1  }
0x44: {  	v59 =	vld [tilespmem:$0x14030];
	v1 =	vshrl.u32 v1, $0x10;
	[tilespmem:$0x1E800] =	vst v4  }
0x45: {  	[tilespmem:$0x1E900] =	vst v1;
	v1 =	vand.u32 $0xFFFF, v2  }
0x46: {  	[tilespmem:$0x1E810] =	vst v1;
	v1 =	vshrl.u32 v2, $0x10;
	v2 =	vld [tilespmem:$0x14040]  }
0x47: {  	[tilespmem:$0x1E910] =	vst v1;
	v1 =	vand.u32 $0xFFFF, v3  }
0x48: {  	[tilespmem:$0x1E820] =	vst v1;
	v1 =	vshrl.u32 v3, $0x10;
	v3 =	vld [tilespmem:$0x14050]  }
0x49: {  	[tilespmem:$0x1E920] =	vst v1;
	v1 =	vand.u32 $0xFFFF, v59  }
0x4a: {  	v60 =	vld [tilespmem:$0x14060];
	[tilespmem:$0x1E830] =	vst v1;
	v1 =	vshrl.u32 v59, $0x10  }
0x4b: {  	[tilespmem:$0x1E930] =	vst v1;
	v1 =	vand.u32 $0xFFFF, v2  }
0x4c: {  	[tilespmem:$0x1E840] =	vst v1;
	v1 =	vshrl.u32 v2, $0x10;
	v2 =	vld [tilespmem:$0x14070]  }
0x4d: {  	[tilespmem:$0x1E940] =	vst v1;
	v1 =	vand.u32 $0xFFFF, v3  }
0x4e: {  	[tilespmem:$0x1E850] =	vst v1;
	v1 =	vshrl.u32 v3, $0x10  }
0x4f: {  	[tilespmem:$0x1E950] =	vst v1;
	v1 =	vand.u32 $0xFFFF, v60  }
0x50: {  	[tilespmem:$0x1E860] =	vst v1;
	v1 =	vshrl.u32 v60, $0x10  }
0x51: {  	[tilespmem:$0x1E960] =	vst v1;
	v1 =	vand.u32 $0xFFFF, v2  }
0x52: {  	[tilespmem:$0x1E870] =	vst v1;
	v1 =	vshrl.u32 v2, $0x10  }
0x53: {  	[tilespmem:$0x1E970] =	vst v1  }
0x54: {  	[tilespmem:s14], [sflag:$0x1] =	stream.indirect.gather [hbm4b:s4+s17], $0x80, s18, s17, $0xb8;
	[tilespmem:$0x1EA00] =	vst v63  }
0x55: {  	_ = 	snop  }
0x56: {  	[tilespmem:s20], [sflag:$0x1] =	stream.indirect.gather [hbm4b:s4+s17], $0x80, s19, s17, $0xb8;
	[tilespmem:$0x1EA00] =	vst v63  }
0x57: {  	v1 =	vld [tilespmem:$0x14080];
	_ =	sdelay $0x1  }
0x58: {  	v2 =	vld [tilespmem:$0x14090];
	_ =	sdelay $0x1  }
0x59: {  	v3 =	vld [tilespmem:$0x140A0]  }
0x5a: {  	v61 =	vand.u32 $0xFFFF, v1  }
0x5b: {  	v62 =	vld [tilespmem:$0x140B0];
	v1 =	vshrl.u32 v1, $0x10;
	[tilespmem:$0x1E880] =	vst v61  }
0x5c: {  	[tilespmem:$0x1E980] =	vst v1;
	v1 =	vand.u32 $0xFFFF, v2  }
0x5d: {  	[tilespmem:$0x1E890] =	vst v1;
	v1 =	vshrl.u32 v2, $0x10;
	v2 =	vld [tilespmem:$0x140C0]  }
0x5e: {  	[tilespmem:$0x1E990] =	vst v1;
	v1 =	vand.u32 $0xFFFF, v3  }
0x5f: {  	[tilespmem:$0x1E8A0] =	vst v1;
	v1 =	vshrl.u32 v3, $0x10;
	v3 =	vld [tilespmem:$0x140D0]  }
0x60: {  	[tilespmem:$0x1E9A0] =	vst v1;
	v1 =	vand.u32 $0xFFFF, v62  }
0x61: {  	v63 =	vld [tilespmem:$0x140E0];
	[tilespmem:$0x1E8B0] =	vst v1;
	v1 =	vshrl.u32 v62, $0x10  }
0x62: {  	[tilespmem:$0x1E9B0] =	vst v1;
	v1 =	vand.u32 $0xFFFF, v2  }
0x63: {  	[tilespmem:$0x1E8C0] =	vst v1;
	v1 =	vshrl.u32 v2, $0x10;
	v2 =	vld [tilespmem:$0x140F0]  }
0x64: {  	[tilespmem:$0x1E9C0] =	vst v1;
	v1 =	vand.u32 $0xFFFF, v3  }
0x65: {  	[tilespmem:$0x1E8D0] =	vst v1;
	v1 =	vshrl.u32 v3, $0x10  }
0x66: {  	[tilespmem:$0x1E9D0] =	vst v1;
	v1 =	vand.u32 $0xFFFF, v63  }
0x67: {  	[tilespmem:$0x1E8E0] =	vst v1;
	v1 =	vshrl.u32 v63, $0x10  }
0x68: {  	[tilespmem:$0x1E9E0] =	vst v1;
	v1 =	vand.u32 $0xFFFF, v2  }
0x69: {  	[tilespmem:$0x1E8F0] =	vst v1;
	v1 =	vshrl.u32 v2, $0x10  }
0x6a: {  	[tilespmem:$0x1E9F0] =	vst v1  }
0x6b: {  	[tilespmem:s22], [sflag:$0x2] =	stream.indirect.gather [hbm4b:s4+s17], $0x80, s21, s17, $0xb8;
	[tilespmem:$0x1EA00] =	vst v63  }
0x6c: {  	_ = 	snop  }
0x6d: {  	[tilespmem:s26], [sflag:$0x2] =	stream.indirect.gather [hbm4b:s4+s17], $0x80, s23, s17, $0xb8;
	[tilespmem:$0x1EA00] =	vst v63  }
0x6e: {  	_ =	swait.ge [sflag:s28], $0x2000  }
0x6f: {  	[sflag:s28] =	ssyncset.done $0x0  }
0x70: {  	[sflag:s28] =	ssyncadd.s32 $0xFFFFE000  }
0x71: {  	_ =	swait.ge [sflag:s28], $0x2000  }
0x72: {  	[sflag:s28] =	ssyncset.done $0x0  }
0x73: {  	[sflag:s28] =	ssyncadd.s32 $0xFFFFE000  }
0x74: {  	[spmem:s2] =	stream.indirect.scatter.add.f32 [tilespmem:s14], [sflag:$0x3], $0x80, s30, s29, $0xb8;
	[tilespmem:$0x1EA00] =	vst v63  }
0x75: {  	_ =	swait.ge [sflag:s31], $0x2000  }
0x76: {  	[sflag:s31] =	ssyncset.done $0x0  }
0x77: {  	[sflag:s31] =	ssyncadd.s32 $0xFFFFE000  }
0x78: {  	_ =	swait.ge [sflag:s31], $0x2000  }
0x79: {  	[sflag:s31] =	ssyncset.done $0x0  }
0x7a: {  	[sflag:s31] =	ssyncadd.s32 $0xFFFFE000  }
0x7b: {  	[spmem:s2] =	stream.indirect.scatter.add.f32 [tilespmem:s22], [sflag:$0x4], $0x80, s0, s29, $0xb8;
	[tilespmem:$0x1EA00] =	vst v63  }
0x7c: {  	_ =	swait.ge [sflag:s3], $0x4000  }
0x7d: {  	[sflag:s3] =	ssyncset.done $0x0  }
0x7e: {  	s6 =	simm.s32 $0x1F0;
	[sflag:s3] =	ssyncadd.s32 $0xFFFFC000  }
0x7f: {  	v1 =	vld [tilespmem:s6+$0x13F10];
	_ =	sdelay $0x4  }
0x80: {  	v2 =	vand.u32 $0xFFFF, v1  }
0x81: {  	v1 =	vshrl.u32 v1, $0x10;
	[tilespmem:$0x1E800] =	vst v2  }
0x82: {  	[tilespmem:$0x1E900] =	vst v1  }
0x83: {  	v1 =	vld [tilespmem:s6+$0x13F20];
	_ =	sdelay $0x4  }
0x84: {  	v2 =	vand.u32 $0xFFFF, v1  }
0x85: {  	v1 =	vshrl.u32 v1, $0x10;
	[tilespmem:$0x1E810] =	vst v2  }
0x86: {  	[tilespmem:$0x1E910] =	vst v1  }
0x87: {  	v1 =	vld [tilespmem:s6+$0x13F30];
	_ =	sdelay $0x4  }
0x88: {  	v2 =	vand.u32 $0xFFFF, v1  }
0x89: {  	v1 =	vshrl.u32 v1, $0x10;
	[tilespmem:$0x1E820] =	vst v2  }
0x8a: {  	[tilespmem:$0x1E920] =	vst v1  }
0x8b: {  	v1 =	vld [tilespmem:s6+$0x13F40];
	_ =	sdelay $0x4  }
0x8c: {  	v2 =	vand.u32 $0xFFFF, v1  }
0x8d: {  	v1 =	vshrl.u32 v1, $0x10;
	[tilespmem:$0x1E830] =	vst v2  }
0x8e: {  	[tilespmem:$0x1E930] =	vst v1  }
0x8f: {  	v1 =	vld [tilespmem:s6+$0x13F50];
	_ =	sdelay $0x4  }
0x90: {  	v2 =	vand.u32 $0xFFFF, v1  }
0x91: {  	v1 =	vshrl.u32 v1, $0x10;
	[tilespmem:$0x1E840] =	vst v2  }
0x92: {  	[tilespmem:$0x1E940] =	vst v1  }
0x93: {  	v1 =	vld [tilespmem:s6+$0x13F60];
	_ =	sdelay $0x4  }
0x94: {  	v2 =	vand.u32 $0xFFFF, v1  }
0x95: {  	v1 =	vshrl.u32 v1, $0x10;
	[tilespmem:$0x1E850] =	vst v2  }
0x96: {  	[tilespmem:$0x1E950] =	vst v1  }
0x97: {  	v1 =	vld [tilespmem:s6+$0x13F70];
	_ =	sdelay $0x4  }
0x98: {  	v2 =	vand.u32 $0xFFFF, v1  }
0x99: {  	v1 =	vshrl.u32 v1, $0x10;
	[tilespmem:$0x1E860] =	vst v2  }
0x9a: {  	[tilespmem:$0x1E960] =	vst v1  }
0x9b: {  	v1 =	vld [tilespmem:s6+$0x13F80];
	_ =	sdelay $0x4  }
0x9c: {  	v2 =	vand.u32 $0xFFFF, v1  }
0x9d: {  	v1 =	vshrl.u32 v1, $0x10;
	[tilespmem:$0x1E870] =	vst v2  }
0x9e: {  	[tilespmem:$0x1E970] =	vst v1  }
0x9f: {  	[tilespmem:s14], [sflag:$0x1] =	stream.indirect.gather [hbm4b:s4+s17], $0x80, s18, s17, $0xb8;
	[tilespmem:$0x1EA00] =	vst v63  }
0xa0: {  	_ = 	snop  }
0xa1: {  	[tilespmem:s20], [sflag:$0x1] =	stream.indirect.gather [hbm4b:s4+s17], $0x80, s19, s17, $0xb8;
	[tilespmem:$0x1EA00] =	vst v63  }
0xa2: {  	_ =	swait.ge [sflag:s28], $0x2000  }
0xa3: {  	[sflag:s28] =	ssyncset.done $0x0  }
0xa4: {  	[sflag:s28] =	ssyncadd.s32 $0xFFFFE000  }
0xa5: {  	_ =	swait.ge [sflag:s28], $0x2000  }
0xa6: {  	[sflag:s28] =	ssyncset.done $0x0  }
0xa7: {  	[sflag:s28] =	ssyncadd.s32 $0xFFFFE000  }
0xa8: {  	[spmem:s2] =	stream.indirect.scatter.add.f32 [tilespmem:s14], [sflag:$0x3], $0x80, s30, s29, $0xb8;
	[tilespmem:$0x1EA00] =	vst v63  }
0xa9: {  	_ =	swait.ge [sflag:s16], $0x4000  }
0xaa: {  	[sflag:s16] =	ssyncset.done $0x0  }
0xab: {  	[sflag:s16] =	ssyncadd.s32 $0xFFFFC000  }
0xac: {  	v1 =	vld [tilespmem:s6+$0x13F90];
	_ =	sdelay $0x4  }
0xad: {  	v2 =	vand.u32 $0xFFFF, v1  }
0xae: {  	v1 =	vshrl.u32 v1, $0x10;
	[tilespmem:$0x1E880] =	vst v2  }
0xaf: {  	[tilespmem:$0x1E980] =	vst v1  }
0xb0: {  	v1 =	vld [tilespmem:s6+$0x13FA0];
	_ =	sdelay $0x4  }
0xb1: {  	v2 =	vand.u32 $0xFFFF, v1  }
0xb2: {  	v1 =	vshrl.u32 v1, $0x10;
	[tilespmem:$0x1E890] =	vst v2  }
0xb3: {  	[tilespmem:$0x1E990] =	vst v1  }
0xb4: {  	v1 =	vld [tilespmem:s6+$0x13FB0];
	_ =	sdelay $0x4  }
0xb5: {  	v2 =	vand.u32 $0xFFFF, v1  }
0xb6: {  	v1 =	vshrl.u32 v1, $0x10;
	[tilespmem:$0x1E8A0] =	vst v2  }
0xb7: {  	[tilespmem:$0x1E9A0] =	vst v1  }
0xb8: {  	v1 =	vld [tilespmem:s6+$0x13FC0];
	_ =	sdelay $0x4  }
0xb9: {  	v2 =	vand.u32 $0xFFFF, v1  }
0xba: {  	v1 =	vshrl.u32 v1, $0x10;
	[tilespmem:$0x1E8B0] =	vst v2  }
0xbb: {  	[tilespmem:$0x1E9B0] =	vst v1  }
0xbc: {  	v1 =	vld [tilespmem:s6+$0x13FD0];
	_ =	sdelay $0x4  }
0xbd: {  	v2 =	vand.u32 $0xFFFF, v1  }
0xbe: {  	v1 =	vshrl.u32 v1, $0x10;
	[tilespmem:$0x1E8C0] =	vst v2  }
0xbf: {  	[tilespmem:$0x1E9C0] =	vst v1  }
0xc0: {  	v1 =	vld [tilespmem:s6+$0x13FE0];
	_ =	sdelay $0x4  }
0xc1: {  	v2 =	vand.u32 $0xFFFF, v1  }
0xc2: {  	v1 =	vshrl.u32 v1, $0x10;
	[tilespmem:$0x1E8D0] =	vst v2  }
0xc3: {  	[tilespmem:$0x1E9D0] =	vst v1  }
0xc4: {  	s7 =	simm.s32 $0xBC0;
	v1 =	vld [tilespmem:s6+$0x13FF0]  }
.LBB2_4:
0xc5: {  	_ = 	snop  }
0xc6: {  	p1 =	sne.s32 s7, $0x9FC0;
	s8 =	smov.u32 s7;
	s7 =	sadd.s32 $0x400, s7  }
0xc7: {  	_ =	sdelay $0x1  }
0xc8: {  	v2 =	vand.u32 $0xFFFF, v1;
	v1 =	vshrl.u32 v1, $0x10  }
0xc9: {  	[tilespmem:$0x1E8E0] =	vst v2  }
0xca: {  	[tilespmem:$0x1E9E0] =	vst v1  }
0xcb: {  	v1 =	vld [tilespmem:s6+$0x14000];
	_ =	sdelay $0x4  }
0xcc: {  	v2 =	vand.u32 $0xFFFF, v1;
	v1 =	vshrl.u32 v1, $0x10  }
0xcd: {  	[tilespmem:$0x1E8F0] =	vst v2  }
0xce: {  	[tilespmem:$0x1E9F0] =	vst v1  }
0xcf: {  	[tilespmem:s22], [sflag:$0x2] =	stream.indirect.gather [hbm4b:s4+s17], $0x80, s21, s17, $0xb8;
	[tilespmem:$0x1EA00] =	vst v63  }
0xd0: {  	_ = 	snop  }
0xd1: {  	[tilespmem:s26], [sflag:$0x2] =	stream.indirect.gather [hbm4b:s4+s17], $0x80, s23, s17, $0xb8;
	[tilespmem:$0x1EA00] =	vst v63  }
0xd2: {  	_ =	swait.ge [sflag:s31], $0x2000  }
0xd3: {  	[sflag:s31] =	ssyncset.done $0x0  }
0xd4: {  	[sflag:s31] =	ssyncadd.s32 $0xFFFFE000  }
0xd5: {  	_ =	swait.ge [sflag:s31], $0x2000  }
0xd6: {  	[sflag:s31] =	ssyncset.done $0x0  }
0xd7: {  	[sflag:s31] =	ssyncadd.s32 $0xFFFFE000  }
0xd8: {  	[spmem:s2] =	stream.indirect.scatter.add.f32 [tilespmem:s22], [sflag:$0x4], $0x80, s0, s29, $0xb8;
	[tilespmem:$0x1EA00] =	vst v63  }
0xd9: {  	_ =	swait.ge [sflag:s3], $0x4000  }
0xda: {  	[sflag:s3] =	ssyncset.done $0x0  }
0xdb: {  	s6 =	sshra.s32 s8, $0x2;
	[sflag:s3] =	ssyncadd.s32 $0xFFFFC000  }
0xdc: {  	v1 =	vld [tilespmem:s6+$0x13F10];
	_ =	sdelay $0x4  }
0xdd: {  	v2 =	vand.u32 $0xFFFF, v1;
	v1 =	vshrl.u32 v1, $0x10  }
0xde: {  	[tilespmem:$0x1E800] =	vst v2  }
0xdf: {  	[tilespmem:$0x1E900] =	vst v1  }
0xe0: {  	v1 =	vld [tilespmem:s6+$0x13F20];
	_ =	sdelay $0x4  }
0xe1: {  	v2 =	vand.u32 $0xFFFF, v1;
	v1 =	vshrl.u32 v1, $0x10  }
0xe2: {  	[tilespmem:$0x1E810] =	vst v2  }
0xe3: {  	[tilespmem:$0x1E910] =	vst v1  }
0xe4: {  	v1 =	vld [tilespmem:s6+$0x13F30];
	_ =	sdelay $0x4  }
0xe5: {  	v2 =	vand.u32 $0xFFFF, v1;
	v1 =	vshrl.u32 v1, $0x10  }
0xe6: {  	[tilespmem:$0x1E820] =	vst v2  }
0xe7: {  	[tilespmem:$0x1E920] =	vst v1  }
0xe8: {  	v1 =	vld [tilespmem:s6+$0x13F40];
	_ =	sdelay $0x4  }
0xe9: {  	v2 =	vand.u32 $0xFFFF, v1;
	v1 =	vshrl.u32 v1, $0x10  }
0xea: {  	[tilespmem:$0x1E830] =	vst v2  }
0xeb: {  	[tilespmem:$0x1E930] =	vst v1  }
0xec: {  	v1 =	vld [tilespmem:s6+$0x13F50];
	_ =	sdelay $0x4  }
0xed: {  	v2 =	vand.u32 $0xFFFF, v1;
	v1 =	vshrl.u32 v1, $0x10  }
0xee: {  	[tilespmem:$0x1E840] =	vst v2  }
0xef: {  	[tilespmem:$0x1E940] =	vst v1  }
0xf0: {  	v1 =	vld [tilespmem:s6+$0x13F60];
	_ =	sdelay $0x4  }
0xf1: {  	v2 =	vand.u32 $0xFFFF, v1;
	v1 =	vshrl.u32 v1, $0x10  }
0xf2: {  	[tilespmem:$0x1E850] =	vst v2  }
0xf3: {  	[tilespmem:$0x1E950] =	vst v1  }
0xf4: {  	v1 =	vld [tilespmem:s6+$0x13F70];
	_ =	sdelay $0x4  }
0xf5: {  	v2 =	vand.u32 $0xFFFF, v1;
	v1 =	vshrl.u32 v1, $0x10  }
0xf6: {  	[tilespmem:$0x1E860] =	vst v2  }
0xf7: {  	[tilespmem:$0x1E960] =	vst v1  }
0xf8: {  	v1 =	vld [tilespmem:s6+$0x13F80];
	_ =	sdelay $0x4  }
0xf9: {  	v2 =	vand.u32 $0xFFFF, v1;
	v1 =	vshrl.u32 v1, $0x10  }
0xfa: {  	[tilespmem:$0x1E870] =	vst v2  }
0xfb: {  	[tilespmem:$0x1E970] =	vst v1  }
0xfc: {  	[tilespmem:s14], [sflag:$0x1] =	stream.indirect.gather [hbm4b:s4+s17], $0x80, s18, s17, $0xb8;
	[tilespmem:$0x1EA00] =	vst v63  }
0xfd: {  	_ = 	snop  }
0xfe: {  	[tilespmem:s20], [sflag:$0x1] =	stream.indirect.gather [hbm4b:s4+s17], $0x80, s19, s17, $0xb8;
	[tilespmem:$0x1EA00] =	vst v63  }
0xff: {  	_ =	swait.ge [sflag:s28], $0x2000  }
0x100: {  	[sflag:s28] =	ssyncset.done $0x0  }
0x101: {  	[sflag:s28] =	ssyncadd.s32 $0xFFFFE000  }
0x102: {  	_ =	swait.ge [sflag:s28], $0x2000  }
0x103: {  	[sflag:s28] =	ssyncset.done $0x0  }
0x104: {  	[sflag:s28] =	ssyncadd.s32 $0xFFFFE000  }
0x105: {  	[spmem:s2] =	stream.indirect.scatter.add.f32 [tilespmem:s14], [sflag:$0x3], $0x80, s30, s29, $0xb8;
	[tilespmem:$0x1EA00] =	vst v63  }
0x106: {  	_ =	swait.ge [sflag:s16], $0x4000  }
0x107: {  	[sflag:s16] =	ssyncset.done $0x0  }
0x108: {  	[sflag:s16] =	ssyncadd.s32 $0xFFFFC000  }
0x109: {  	v1 =	vld [tilespmem:s6+$0x13F90];
	_ =	sdelay $0x4  }
0x10a: {  	v2 =	vand.u32 $0xFFFF, v1;
	v1 =	vshrl.u32 v1, $0x10  }
0x10b: {  	[tilespmem:$0x1E880] =	vst v2  }
0x10c: {  	[tilespmem:$0x1E980] =	vst v1  }
0x10d: {  	v1 =	vld [tilespmem:s6+$0x13FA0];
	_ =	sdelay $0x4  }
0x10e: {  	v2 =	vand.u32 $0xFFFF, v1;
	v1 =	vshrl.u32 v1, $0x10  }
0x10f: {  	[tilespmem:$0x1E890] =	vst v2  }
0x110: {  	[tilespmem:$0x1E990] =	vst v1  }
0x111: {  	v1 =	vld [tilespmem:s6+$0x13FB0];
	_ =	sdelay $0x4  }
0x112: {  	v2 =	vand.u32 $0xFFFF, v1;
	v1 =	vshrl.u32 v1, $0x10  }
0x113: {  	[tilespmem:$0x1E8A0] =	vst v2  }
0x114: {  	[tilespmem:$0x1E9A0] =	vst v1  }
0x115: {  	v1 =	vld [tilespmem:s6+$0x13FC0];
	_ =	sdelay $0x4  }
0x116: {  	v2 =	vand.u32 $0xFFFF, v1;
	v1 =	vshrl.u32 v1, $0x10  }
0x117: {  	[tilespmem:$0x1E8B0] =	vst v2  }
0x118: {  	[tilespmem:$0x1E9B0] =	vst v1  }
0x119: {  	v1 =	vld [tilespmem:s6+$0x13FD0];
	_ =	sdelay $0x4  }
0x11a: {  	v2 =	vand.u32 $0xFFFF, v1;
	v1 =	vshrl.u32 v1, $0x10  }
0x11b: {  	[tilespmem:$0x1E8C0] =	vst v2  }
0x11c: {  	[tilespmem:$0x1E9C0] =	vst v1  }
0x11d: {  	v1 =	vld [tilespmem:s6+$0x13FE0];
	_ =	sdelay $0x3  }
.Ltmp1:
0x11e: {  	(pc) =	sbr.rel @p1 .LBB2_4-.Ltmp1, $4  }
0x11f: {  	v2 =	vand.u32 $0xFFFF, v1;
	v1 =	vshrl.u32 v1, $0x10  }
0x120: {  	[tilespmem:$0x1E8D0] =	vst v2  }
0x121: {  	[tilespmem:$0x1E9D0] =	vst v1  }
0x122: {  	v1 =	vld [tilespmem:s6+$0x13FF0]  }
0x123: {  	_ =	sdelay $0x3  }
0x124: {  	v2 =	vand.u32 $0xFFFF, v1  }
0x125: {  	v1 =	vshrl.u32 v1, $0x10;
	[tilespmem:$0x1E8E0] =	vst v2  }
0x126: {  	[tilespmem:$0x1E9E0] =	vst v1  }
0x127: {  	v1 =	vld [tilespmem:s6+$0x14000];
	_ =	sdelay $0x4  }
0x128: {  	v2 =	vand.u32 $0xFFFF, v1  }
0x129: {  	v1 =	vshrl.u32 v1, $0x10;
	[tilespmem:$0x1E8F0] =	vst v2  }
0x12a: {  	[tilespmem:$0x1E9F0] =	vst v1  }
0x12b: {  	[tilespmem:s22], [sflag:$0x2] =	stream.indirect.gather [hbm4b:s4+s17], $0x80, s21, s17, $0xb8;
	[tilespmem:$0x1EA00] =	vst v63  }
0x12c: {  	_ = 	snop  }
0x12d: {  	[tilespmem:s26], [sflag:$0x2] =	stream.indirect.gather [hbm4b:s4+s17], $0x80, s23, s17, $0xb8;
	[tilespmem:$0x1EA00] =	vst v63  }
0x12e: {  	_ =	swait.ge [sflag:s31], $0x2000  }
0x12f: {  	[sflag:s31] =	ssyncset.done $0x0  }
0x130: {  	[sflag:s31] =	ssyncadd.s32 $0xFFFFE000  }
0x131: {  	_ =	swait.ge [sflag:s31], $0x2000  }
0x132: {  	[sflag:s31] =	ssyncset.done $0x0  }
0x133: {  	[sflag:s31] =	ssyncadd.s32 $0xFFFFE000  }
0x134: {  	[spmem:s2] =	stream.indirect.scatter.add.f32 [tilespmem:s22], [sflag:$0x4], $0x80, s0, s29, $0xb8;
	[tilespmem:$0x1EA00] =	vst v63  }
0x135: {  	_ =	swait.ge [sflag:s3], $0x4000  }
0x136: {  	[sflag:s3] =	ssyncset.done $0x0  }
0x137: {  	[sflag:s3] =	ssyncadd.s32 $0xFFFFC000  }
0x138: {  	_ =	swait.ge [sflag:s16], $0x4000  }
0x139: {  	s8 =	stileid.u32;
	[sflag:s16] =	ssyncset.done $0x0  }
0x13a: {  	s6 =	sshll.u32 s8, $0x6;
	[sflag:s16] =	ssyncadd.s32 $0xFFFFC000  }
0x13b: {  	s6 =	sor.u32 $0x1C05, s6;
	[bflag:$0x0] =	sbarrier.arrive $0xFFFF  }
0x13c: {  	[hbm:s11], [sflag:s6] =	dma.local [spmem:s24], $0x2700  }
0x13d: {  	_ =	swait.ge [sflag:s15], $0x2700  }
0x13e: {  	s1 =	sadd.s32 $0x1, s1;
	[sflag:s15] =	ssyncset.done $0x0  }
0x13f: {  	p1 =	sne.s32 s1, s13;
	[sflag:s15] =	ssyncadd.s32 $0xFFFFD900  }
0x140: {  	[hbm:s12], [sflag:s6] =	dma.local @!p0 [spmem:s25], $0x100  }
.Ltmp2:
0x141: {  	_ = 	snop;
	(pc) =	sbr.rel @p1 .LBB2_1-.Ltmp2, $4  }
0x142: {  	s6 =	simm.s32 @!p0 $0x5  }
0x143: {  	_ =	swait.ge @!p0 [sflag:s6], $0x100  }
0x144: {  	[sflag:s6] =	ssyncset.done @!p0 $0x0  }
0x145: {  	[sflag:s6] =	ssyncadd.s32 @!p0 $0xFFFFFF00  }
0x146: {  	_ =	sfence.sel $0x180000  }
0x147: {  	[bflag:$0x0] =	sbarrier.arrive $0xFFFF  }
0x148: {  	_ =	strace $0x9000004A  }
0x149: {  	[bflag:$0x2] =	sbarrier.arrive $0xFFFF  }
0x14a: {  	s0 =	rddreg [dreg:$0x2]  }
0x14b: {  	s0 =	sadd.s32 @!p0 $0x100000, s0  }
0x14c: {  	[sflag:s0] =	ssyncadd.tile.s32 @!p0 $0x1;
	_ =	shalt  }
.Lfunc_end2:
_tile_overlayer_lowered:
.L_overlay_start_2:
0x14d: {  	(tag) =	ssettag $0x2  }
0x14e: {  	s0 =	rddreg [dreg:$0x0];
	s2 =	stileid.u32  }
0x14f: {  	s1 =	rddreg [dreg:$0x1];
	p0 =	sne.s32 s2, $0x0  }
0x150: {  	s3 =	rddreg [dreg:$0x2];
	[bflag:$0x3] =	sbarrier.arrive $0xFFFF;
	s2 =	simm.s32 @!p0 $0x1C05  }
0x151: {  	[timem:s3], [sflag:s2] =	dma.local @!p0 [hbm:s0], s1  }
0x152: {  	s0 =	simm.s32 @!p0 $0x5  }
0x153: {  	_ =	swait.ge @!p0 [sflag:s0], s1  }
0x154: {  	s1 =	ssub.s32 @!p0 $0x0, s1;
	[sflag:s0] =	ssyncset.done @!p0 $0x0  }
0x155: {  	[sflag:s0] =	ssyncadd.s32 @!p0 s1  }
0x156: {  	[bflag:$0x3] =	sbarrier.arrive $0xFFFF  }
0x157: {  	_ =	shalt  }

// kernel: kernel.15.cloned.1.call-start
scs
__scs_entry_jumppad:
0x0: {  	(pc) =	sbr.rel $0x88, $3  }
0x1: {  	(tag) =	ssettag $0x0;
	lr =	simm.s32 $0x1  }
0x2: {  	[smem:$0x3F97] =	sst lr;
	_ =	strace $0xD0000000  }
0x3: {  	_ = 	snop  }
0x4: {  	_ = 	snop  }
0x5: {  	_ = 	snop  }
0x6: {  	_ = 	snop  }
0x7: {  	_ = 	snop  }
__scs_overlays_trampoline_lowered:
0x8: {  	[smem:$0x3FA6] =	sst s0  }
0x9: {  	[smem:$0x3FA7] =	sst s1  }
0xa: {  	[smem:$0x3FA8] =	sst s2  }
0xb: {  	[smem:$0x3FA9] =	sst s3  }
0xc: {  	[smem:$0x3FAA] =	sst s4  }
0xd: {  	[smem:$0x3FAB] =	sst s5  }
0xe: {  	[smem:$0x3FAC] =	sst s6  }
0xf: {  	[smem:$0x3FAD] =	sst s7  }
0x10: {  	[smem:$0x3FAE] =	sst s8  }
0x11: {  	[smem:$0x3FAF] =	sst s9;
	s0 =	simm.s32 @!p0 $0x0  }
0x12: {  	s1 =	sld [smem:$0x3F95];
	s0 =	simm.s32 @p0 $0x1  }
0x13: {  	[smem:$0x3FB0] =	sst s0;
	s0 =	simm.s32 @!p1 $0x0  }
0x14: {  	s2 =	sld [smem:$0x3F94];
	s0 =	simm.s32 @p1 $0x1  }
0x15: {  	[smem:$0x3FB1] =	sst s0;
	s0 =	simm.s32 @!p2 $0x0  }
0x16: {  	s3 =	sld [smem:$0x3FDB];
	s0 =	simm.s32 @p2 $0x1  }
0x17: {  	s4 =	simm.s32 $0x1BF5;
	[smem:$0x3FB3] =	sst s0  }
0x18: {  	s0 =	sld [smem:$0x3F96];
	_ =	swait.ge [sflag:s4], $0x0  }
0x19: {  	s7 =	sld [smem:$0x3F97]  }
0x1a: {  	s8 =	sadd.s32 $0xFFFFE003, lr  }
0x1b: {  	s9 =	sadd.s32 $0xFFFFFEF7, lr;
	s5 =	simm.s32 $0xFFFFFFFF;
	p2 =	slt.u32 s8, $0xFFFFF086  }
0x1c: {  	p1 =	slt.u32 s9, $0xF7A;
	s5 =	simm.s32 @!p2 $0x0  }
0x1d: {  	s5 =	simm.s32 @p1 $0x1;
	p0 =	seq.s32 s7, s2  }
0x1e: {  	s7 =	smul.u32 @!p0 $0xF7A, s2;
	p2 =	seq.s32 @!p0 s5, $0x0  }
0x1f: {  	s9 =	smul.u32 $0xF7A, s1;
	s8 =	simm.s32 @!p0 $0x1BF5;
	p2 =	por !p2, p0  }
0x20: {  	[sflag:s8] =	ssyncset.s32 @!p0 $0xFFFFF086;
	s6 =	sadd.s32 @!p0 s3, s7;
	s7 =	simm.s32 @!p0 $0x108  }
0x21: {  	s3 =	sadd.s32 s3, s9;
	s6 =	sadd.s32 @!p0 $0x88, s6;
	s7 =	simm.s32 @p2 $0x1082  }
0x22: {  	[simem:s7], [sflag:s8] =	dma.local @!p0 [hbm:s6], $0xF7A  }
0x23: {  	s9 =	sor.u32 $0xD0000000, s2;
	s6 =	simm.s32 $0x108;
	_ =	swait.ge @!p0 [sflag:s8], $0x0  }
0x24: {  	s3 =	sadd.s32 $0x88, s3;
	s6 =	simm.s32 @!p1 $0x1082;
	[sflag:s4] =	ssyncset.s32 $0xFFFFF086  }
0x25: {  	[simem:s6], [sflag:s4] =	dma.local [hbm:s3], $0xF7A  }
0x26: {  	[smem:$0x3F97] =	sst s1;
	(tag) =	ssettag s2;
	_ =	strace s9  }
0x27: {  	s1 =	sld [smem:$0x3FA7]  }
0x28: {  	s2 =	sld [smem:$0x3FA8]  }
0x29: {  	s4 =	sld [smem:$0x3FAA]  }
0x2a: {  	p0 =	seq.s32 s5, $0x0;
	s5 =	sld [smem:$0x3FAB]  }
0x2b: {  	s6 =	sld [smem:$0x3FAC]  }
0x2c: {  	s7 =	sld [smem:$0x3FAD]  }
0x2d: {  	s3 =	simm.s32 $0x108;
	s8 =	sld [smem:$0x3FAE]  }
0x2e: {  	s3 =	simm.s32 @!p0 $0x1082;
	s9 =	sld [smem:$0x3FAF]  }
0x2f: {  	lr =	sadd.s32 s0, s3;
	s0 =	sld [smem:$0x3FA6]  }
0x30: {  	s3 =	sld [smem:$0x3FA9]  }
0x31: {  	[smem:$0x3FB2] =	sst s10  }
0x32: {  	s10 =	sld [smem:$0x3FB0];
	_ =	sdelay $0x3  }
0x33: {  	p0 =	seq.s32 s10, $0x1;
	s10 =	sld [smem:$0x3FB2];
	_ =	sdelay $0x3  }
0x34: {  	[smem:$0x3FB2] =	sst s10  }
0x35: {  	s10 =	sld [smem:$0x3FB1];
	_ =	sdelay $0x3  }
0x36: {  	p1 =	seq.s32 s10, $0x1;
	s10 =	sld [smem:$0x3FB2];
	_ =	sdelay $0x3  }
0x37: {  	[smem:$0x3FB2] =	sst s10  }
0x38: {  	s10 =	sld [smem:$0x3FB3]  }
0x39: {  	_ = 	snop;
	(pc) =	sbr.ind lr, $3  }
0x3a: {  	_ = 	snop  }
0x3b: {  	_ = 	snop  }
0x3c: {  	p2 =	seq.s32 s10, $0x1;
	s10 =	sld [smem:$0x3FB2]  }
0x3d: {  	_ =	shalt  }
0x3e: {  	_ =	shalt  }
0x3f: {  	_ =	shalt  }
0x40: {  	_ =	shalt  }
0x41: {  	_ =	shalt  }
0x42: {  	_ =	shalt  }
0x43: {  	_ =	shalt  }
0x44: {  	_ =	shalt  }
0x45: {  	_ =	shalt  }
0x46: {  	_ =	shalt  }
0x47: {  	_ =	shalt  }
0x48: {  	_ =	shalt  }
0x49: {  	_ =	shalt  }
0x4a: {  	_ =	shalt  }
0x4b: {  	_ =	shalt  }
0x4c: {  	_ =	shalt  }
0x4d: {  	_ =	shalt  }
0x4e: {  	_ =	shalt  }
0x4f: {  	_ =	shalt  }
0x50: {  	_ =	shalt  }
0x51: {  	_ =	shalt  }
0x52: {  	_ =	shalt  }
0x53: {  	_ =	shalt  }
0x54: {  	_ =	shalt  }
0x55: {  	_ =	shalt  }
0x56: {  	_ =	shalt  }
0x57: {  	_ =	shalt  }
0x58: {  	_ =	shalt  }
0x59: {  	_ =	shalt  }
0x5a: {  	_ =	shalt  }
0x5b: {  	_ =	shalt  }
0x5c: {  	_ =	shalt  }
0x5d: {  	_ =	shalt  }
0x5e: {  	_ =	shalt  }
0x5f: {  	_ =	shalt  }
0x60: {  	_ =	shalt  }
0x61: {  	_ =	shalt  }
0x62: {  	_ =	shalt  }
0x63: {  	_ =	shalt  }
0x64: {  	_ =	shalt  }
0x65: {  	_ =	shalt  }
0x66: {  	_ =	shalt  }
0x67: {  	_ =	shalt  }
0x68: {  	_ =	shalt  }
0x69: {  	_ =	shalt  }
0x6a: {  	_ =	shalt  }
0x6b: {  	_ =	shalt  }
0x6c: {  	_ =	shalt  }
0x6d: {  	_ =	shalt  }
0x6e: {  	_ =	shalt  }
0x6f: {  	_ =	shalt  }
0x70: {  	_ =	shalt  }
0x71: {  	_ =	shalt  }
0x72: {  	_ =	shalt  }
0x73: {  	_ =	shalt  }
0x74: {  	_ =	shalt  }
0x75: {  	_ =	shalt  }
0x76: {  	_ =	shalt  }
0x77: {  	_ =	shalt  }
0x78: {  	_ =	shalt  }
0x79: {  	_ =	shalt  }
0x7a: {  	_ =	shalt  }
0x7b: {  	_ =	shalt  }
0x7c: {  	_ =	shalt  }
0x7d: {  	_ =	shalt  }
0x7e: {  	_ =	shalt  }
0x7f: {  	_ =	shalt  }
0x80: {  	_ =	shalt  }
0x81: {  	_ =	shalt  }
0x82: {  	_ =	shalt  }
0x83: {  	_ =	shalt  }
0x84: {  	_ =	shalt  }
0x85: {  	_ =	shalt  }
0x86: {  	_ =	shalt  }
0x87: {  	_ =	shalt  }
.Lfunc_end0:
.L_simem_size_0:
called_computation.2_lowered:
.L_overlay_start_0:
0x88: {  	s2 =	sld [smem:$0x3FD9]  }
0x89: {  	s3 =	sld [smem:$0x3FFE];
	_ =	sdelay $0x1  }
0x8a: {  	s1 =	srdreg.scid  }
0x8b: {  	s0 =	sand.u32 $0x1, s1  }
0x8c: {  	s16 =	sshll.u32 s0, $0xA;
	s2 =	sadd.s32 s3, s2  }
0x8d: {  	s2 =	sadd.s32 s2, s16  }
0x8e: {  	[smem:$0x3FBE] =	sst s2  }
0x8f: {  	_ = 	snop  }
0x90: {  	(tm) =	ssettm $0x1  }
0x91: {  	s17 =	sld [smem:$0x3FFB];
	_ =	sdelay $0x3  }
0x92: {  	_ =	strace s17  }
0x93: {  	s2 =	sld [smem:$0x3FFC];
	_ =	sdelay $0x3  }
0x94: {  	_ =	strace s2  }
0x95: {  	s2 =	sld [smem:$0x3FFD];
	_ =	sdelay $0x3  }
0x96: {  	_ =	strace s2  }
0x97: {  	_ =	strace $0x8FFFFFFF  }
0x98: {  	s18 =	sld [smem:$0x3FDB];
	_ =	sdelay $0x1  }
0x99: {  	s19 =	simm.s32 $_scs_section_size  }
0x9a: {  	s4 =	simm.s32 $_size__tile_overlayer_lowered;
	s5 =	simm.s32 $_tile_overlayer_lowered  }
0x9b: {  	s22 =	simm.s32 $0x1BFF;
	s21 =	sshll.u32 s5, $0x1;
	s2 =	sadd.s32 s19, s18  }
0x9c: {  	s6 =	simm.s32 $0x0;
	s20 =	sshll.u32 s4, $0x1;
	s4 =	sadd.s32 s21, s2  }
0x9d: {  	[timem:s6], [sflag:s22] =	dma.local [hbm:s4], s20  }
0x9e: {  	_ =	swait.ge [sflag:s22], s20  }
0x9f: {  	s3 =	ssub.s32 $0x0, s20;
	[sflag:s22] =	ssyncset.done $0x0  }
0xa0: {  	[sflag:s22] =	ssyncadd.s32 s3;
	_ =	sdelay $0x1  }
0xa1: {  	s23 =	simm.s32 $0x1B8B  }
0xa2: {  	_ =	swait.ge [sflag:s23], $0x1  }
0xa3: {  	[sflag:s23] =	ssyncset.done $0x0  }
0xa4: {  	s25 =	simm.s32 $0x1B8E;
	s24 =	sld [smem:$0x3FFE];
	[sflag:s23] =	ssyncadd.s32 $0xFFFFFFFF  }
0xa5: {  	s26 =	simm.s32 $execute0_lowered;
	[smem:$0x3FD2] =	sst s25  }
0xa6: {  	s4 =	sshll.u32 s26, $0x1;
	_ =	strace $0x8000004C;
	[dreg:$0x1] =	wrdreg $0xFFFFFFFF  }
0xa7: {  	s28 =	simm.s32 $_size_execute0_lowered;
	s2 =	sadd.s32 s2, s4;
	[dreg:$0x0] =	wrdreg $0x0  }
0xa8: {  	s4 =	sshll.u32 s28, $0x1;
	[dreg:$0x2] =	wrdreg s2  }
0xa9: {  	[dreg:$0x3] =	wrdreg s4  }
0xaa: {  	[dreg:$0x4] =	wrdreg $0xC0  }
0xab: {  	_ =	task [dreg:s6], $0x5FFFF  }
0xac: {  	[dreg:$0x1] =	wrdreg $0xFFFFFFFF  }
0xad: {  	[dreg:$0x0] =	wrdreg $0x60  }
0xae: {  	[dreg:$0x2] =	wrdreg s24  }
0xaf: {  	[dreg:$0x3] =	wrdreg $0x0  }
0xb0: {  	[dreg:$0x4] =	wrdreg $0x9  }
0xb1: {  	_ =	task.clear_ibuf [dreg:s6], $0x5FFFF;
	_ =	strace $0x9000004C  }
0xb2: {  	s29 =	simm.s32 $0x9;
	_ =	strace $0x8000004E  }
0xb3: {  	_ =	swait.ge [sflag:s29], $0x1  }
0xb4: {  	[sflag:s29] =	ssyncadd.s32 $0xFFFFFFFF  }
0xb5: {  	_ =	strace $0x9000004E  }
0xb6: {  	_ =	sfence  }
0xb7: {  	s30 =	sld [smem:$0x0];
	_ =	sdelay $0x2  }
0xb8: {  	s31 =	sshll.u32 s1, $0xD;
	s1 =	sshrl.u32 s1, $0x2  }
0xb9: {  	s3 =	sand.u32 $0x4000, s31;
	s1 =	sadd.s32 s1, s30  }
0xba: {  	s0 =	sor.u32 s3, s0;
	s1 =	sshll.u32 s1, $0x11  }
0xbb: {  	s0 =	sor.u32 s1, s0  }
0xbc: {  	s0 =	sadd.s32 $0x8F2B, s0  }
0xbd: {  	[sflag:s0] =	ssyncadd.remote.s32 $0x1  }
0xbe: {  	_ =	sfence.sel $0xFFFF  }
0xbf: {  	[dreg:$0x0] =	wrdreg $0xFFFFFFFF;
	(pc) =	sbr.abs _section_cstart, $3  }
0xc0: {  	[dreg:$0x1] =	wrdreg $0xFFFFFFFF  }
0xc1: {  	_ =	task.clear_ibuf [dreg:s6], $0x2FFFF;
	_ =	strace $0x9FFFFFFF  }
0xc2: {  	(tm) =	ssettm $0x7FFFFFFF  }
0xc3: {  	_ =	shalt  }
tec
execute0_lowered:
.L_overlay_start_1:
0x0: {  	(tag) =	ssettag $0x1  }
0x1: {  	s0 =	rddreg [dreg:$0x0];
	s1 =	srdreg.scid  }
0x2: {  	s8 =	stileid.u32;
	s2 =	rddreg [dreg:$0x1];
	s4 =	simm.s32 $0x0  }
0x3: {  	s14 =	simm.s32 $0x16800;
	s15 =	simm.s32 $0x5;
	s17 =	simm.s32 $0x40  }
0x4: {  	s18 =	simm.s32 $0x1E800;
	s19 =	simm.s32 $0x1E840;
	s20 =	simm.s32 $0x18800  }
0x5: {  	s28 =	simm.s32 $0x1;
	s29 =	simm.s32 $0x80;
	s30 =	simm.s32 $0x1E900  }
0x6: {  	s31 =	simm.s32 $0x2;
	s16 =	simm.s32 $0x4;
	s5 =	smul.u32 $0x50000, s8  }
0x7: {  	s1 =	sand.u32 $0x1, s1;
	s3 =	sshll.u32 s8, $0x1;
	s23 =	smul.u32 $0x13800, s8  }
0x8: {  	[smem:$0x7FF] =	sst s4;
	s4 =	sadd.s32 $0xC600, s0;
	s11 =	smul.u32 $0x4E000, s8  }
0x9: {  	s3 =	sor.u32 s1, s3;
	s6 =	ssub.s32 $0x2, s1;
	s1 =	smul.u32 $0x138800, s1  }
0xa: {  	p0 =	sne.s32 s8, $0x0;
	_ =	strace $0x8000004D;
	s3 =	smul.u32 $0x500, s3  }
0xb: {  	s7 =	sshrl.u32 s6, $0x1;
	s5 =	sshrl.u32 s5, $0x2;
	s25 =	sshrl.u32 s11, $0x2  }
0xc: {  	s6 =	ssub.s32 s6, s7;
	s5 =	sadd.s32 s5, s2;
	s24 =	sadd.s32 s23, s1  }
0xd: {  	s1 =	sshrl.u32 s1, $0x3;
	s26 =	sadd.s32 s25, s2;
	s21 =	sadd.s32 $0x4000, s5  }
0xe: {  	s23 =	simm.s32 $0x1E8C0;
	s22 =	sadd.s32 $0x8000, s5;
	[dreg:$0x3] =	wrdreg s21  }
0xf: {  	s3 =	sadd.s32 s3, s0;
	s9 =	sadd.s32 $0xC000, s5;
	[dreg:$0x4] =	wrdreg s22  }
0x10: {  	s0 =	sadd.s32 $0x33800, s0;
	s13 =	smax.u32 s6, $0x1;
	[dreg:$0x5] =	wrdreg s9  }
0x11: {  	s9 =	sadd.s32 $0x10000, s5;
	s10 =	sadd.s32 $0x2600, s3;
	s3 =	sshrl.u32 s24, $0x3  }
0x12: {  	s1 =	sadd.s32 s0, s1;
	s21 =	simm.s32 $0x1E880;
	s22 =	simm.s32 $0x1A800  }
0x13: {  	s24 =	sshrl.u32 s26, $0x3;
	s26 =	simm.s32 $0x1C800;
	s11 =	sadd.s32 s0, s3  }
0x14: {  	s12 =	sadd.s32 $0x27000, s1;
	s1 =	sadd.s32 $0x138000, s2;
	s0 =	simm.s32 $0x1E980  }
0x15: {  	v0 =	vimm.f32 $0.0e+00;
	s3 =	simm.s32 $0x3;
	s25 =	sshrl.u32 @!p0 s1, $0x3;
	s1 =	simm.s32 $0x0  }
.LBB2_1:
0x16: {  	s6 =	simm.s32 $0x0;
	s7 =	simm.s32 $0x200  }
.LBB2_2:
0x17: {  	p1 =	sne.s32 s7, $0xFE00;
	[tilespmem:s6+$0x16870] =	vst v0  }
0x18: {  	[tilespmem:s6+$0x16800] =	vst v0  }
0x19: {  	[tilespmem:s6+$0x16810] =	vst v0  }
.Ltmp0:
0x1a: {  	[tilespmem:s6+$0x16820] =	vst v0;
	(pc) =	sbr.rel @p1 .LBB2_2-.Ltmp0, $4  }
0x1b: {  	[tilespmem:s6+$0x16830] =	vst v0  }
0x1c: {  	[tilespmem:s6+$0x16840] =	vst v0  }
0x1d: {  	[tilespmem:s6+$0x16850] =	vst v0  }
0x1e: {  	[tilespmem:s6+$0x16860] =	vst v0;
	s6 =	sshra.s32 s7, $0x2;
	s7 =	sadd.s32 $0x200, s7  }
0x1f: {  	[tilespmem:s6+$0x16870] =	vst v0  }
0x20: {  	[tilespmem:s6+$0x16800] =	vst v0  }
0x21: {  	[tilespmem:s6+$0x16810] =	vst v0  }
0x22: {  	[tilespmem:s6+$0x16820] =	vst v0  }
0x23: {  	[tilespmem:s6+$0x16830] =	vst v0  }
0x24: {  	[tilespmem:s6+$0x16840] =	vst v0  }
0x25: {  	[tilespmem:s6+$0x16850] =	vst v0  }
0x26: {  	[tilespmem:s6+$0x16860] =	vst v0  }
0x27: {  	[spmem:s5] =	stream.linear.scatter [tilespmem:s14], [sflag:$0x5], $0x4000, $0x38;
	[tilespmem:$0x1EA00] =	vst v63  }
0x28: {  	_ =	swait.ge [sflag:s15], $0x4000  }
0x29: {  	[sflag:s15] =	ssyncset.done $0x0  }
0x2a: {  	s7 =	rddreg [dreg:$0x3];
	[sflag:s15] =	ssyncadd.s32 $0xFFFFC000  }
0x2b: {  	[spmem:s7] =	stream.linear.scatter [tilespmem:s14], [sflag:$0x5], $0x4000, $0x38;
	[tilespmem:$0x1EA00] =	vst v63  }
0x2c: {  	_ =	swait.ge [sflag:s15], $0x4000  }
0x2d: {  	[sflag:s15] =	ssyncset.done $0x0  }
0x2e: {  	s8 =	rddreg [dreg:$0x4];
	[sflag:s15] =	ssyncadd.s32 $0xFFFFC000  }
0x2f: {  	[spmem:s8] =	stream.linear.scatter [tilespmem:s14], [sflag:$0x5], $0x4000, $0x38;
	[tilespmem:$0x1EA00] =	vst v63  }
0x30: {  	_ =	swait.ge [sflag:s15], $0x4000  }
0x31: {  	[sflag:s15] =	ssyncset.done $0x0  }
0x32: {  	s7 =	rddreg [dreg:$0x5];
	[sflag:s15] =	ssyncadd.s32 $0xFFFFC000  }
0x33: {  	[spmem:s7] =	stream.linear.scatter [tilespmem:s14], [sflag:$0x5], $0x4000, $0x38;
	[tilespmem:$0x1EA00] =	vst v63  }
0x34: {  	_ =	swait.ge [sflag:s15], $0x4000  }
0x35: {  	[sflag:s15] =	ssyncset.done $0x0  }
0x36: {  	[sflag:s15] =	ssyncadd.s32 $0xFFFFC000  }
0x37: {  	[spmem:s9] =	stream.linear.scatter [tilespmem:s14], [sflag:$0x5], $0x4000, $0x38;
	[tilespmem:$0x1EA00] =	vst v63  }
0x38: {  	_ =	swait.ge [sflag:s15], $0x4000  }
0x39: {  	[sflag:s15] =	ssyncset.done $0x0  }
0x3a: {  	[sflag:s15] =	ssyncadd.s32 $0xFFFFC000  }
0x3b: {  	s8 =	simm.s32 $0x0;
	s7 =	simm.s32 $0x14000;
	[bflag:$0x0] =	sbarrier.arrive $0xFFFF  }
0x3c: {  	[tilespmem:s7], [sflag:$0x5] =	stream.linear.gather [hbm4b:s10+s8], $0x2800, $0x38;
	[tilespmem:$0x1EA00] =	vst v63  }
0x3d: {  	_ =	swait.ge [sflag:s15], $0x2800  }
0x3e: {  	[sflag:s15] =	ssyncset.done $0x0  }
0x3f: {  	[sflag:s15] =	ssyncadd.s32 $0xFFFFD800  }
0x40: {  	v1 =	vld [tilespmem:$0x14000];
	_ =	sdelay $0x1  }
0x41: {  	v2 =	vld [tilespmem:$0x14010];
	_ =	sdelay $0x1  }
0x42: {  	v3 =	vld [tilespmem:$0x14020]  }
0x43: {  	v4 =	vand.u32 $0xFFFF, v1  }
0x44: {  	v59 =	vld [tilespmem:$0x14030];
	v1 =	vshrl.u32 v1, $0x10;
	[tilespmem:$0x1E800] =	vst v4  }
0x45: {  	[tilespmem:$0x1E900] =	vst v1;
	v1 =	vand.u32 $0xFFFF, v2  }
0x46: {  	[tilespmem:$0x1E810] =	vst v1;
	v1 =	vshrl.u32 v2, $0x10;
	v2 =	vld [tilespmem:$0x14040]  }
0x47: {  	[tilespmem:$0x1E910] =	vst v1;
	v1 =	vand.u32 $0xFFFF, v3  }
0x48: {  	[tilespmem:$0x1E820] =	vst v1;
	v1 =	vshrl.u32 v3, $0x10;
	v3 =	vld [tilespmem:$0x14050]  }
0x49: {  	[tilespmem:$0x1E920] =	vst v1;
	v1 =	vand.u32 $0xFFFF, v59  }
0x4a: {  	v60 =	vld [tilespmem:$0x14060];
	[tilespmem:$0x1E830] =	vst v1;
	v1 =	vshrl.u32 v59, $0x10  }
0x4b: {  	[tilespmem:$0x1E930] =	vst v1;
	v1 =	vand.u32 $0xFFFF, v2  }
0x4c: {  	[tilespmem:$0x1E840] =	vst v1;
	v1 =	vshrl.u32 v2, $0x10;
	v2 =	vld [tilespmem:$0x14070]  }
0x4d: {  	[tilespmem:$0x1E940] =	vst v1;
	v1 =	vand.u32 $0xFFFF, v3  }
0x4e: {  	[tilespmem:$0x1E850] =	vst v1;
	v1 =	vshrl.u32 v3, $0x10  }
0x4f: {  	[tilespmem:$0x1E950] =	vst v1;
	v1 =	vand.u32 $0xFFFF, v60  }
0x50: {  	[tilespmem:$0x1E860] =	vst v1;
	v1 =	vshrl.u32 v60, $0x10  }
0x51: {  	[tilespmem:$0x1E960] =	vst v1;
	v1 =	vand.u32 $0xFFFF, v2  }
0x52: {  	[tilespmem:$0x1E870] =	vst v1;
	v1 =	vshrl.u32 v2, $0x10  }
0x53: {  	[tilespmem:$0x1E970] =	vst v1  }
0x54: {  	[tilespmem:s14], [sflag:$0x1] =	stream.indirect.gather [hbm4b:s4+s17], $0x80, s18, s17, $0xb8;
	[tilespmem:$0x1EA00] =	vst v63  }
0x55: {  	_ = 	snop  }
0x56: {  	[tilespmem:s20], [sflag:$0x1] =	stream.indirect.gather [hbm4b:s4+s17], $0x80, s19, s17, $0xb8;
	[tilespmem:$0x1EA00] =	vst v63  }
0x57: {  	v1 =	vld [tilespmem:$0x14080];
	_ =	sdelay $0x1  }
0x58: {  	v2 =	vld [tilespmem:$0x14090];
	_ =	sdelay $0x1  }
0x59: {  	v3 =	vld [tilespmem:$0x140A0]  }
0x5a: {  	v61 =	vand.u32 $0xFFFF, v1  }
0x5b: {  	v62 =	vld [tilespmem:$0x140B0];
	v1 =	vshrl.u32 v1, $0x10;
	[tilespmem:$0x1E880] =	vst v61  }
0x5c: {  	[tilespmem:$0x1E980] =	vst v1;
	v1 =	vand.u32 $0xFFFF, v2  }
0x5d: {  	[tilespmem:$0x1E890] =	vst v1;
	v1 =	vshrl.u32 v2, $0x10;
	v2 =	vld [tilespmem:$0x140C0]  }
0x5e: {  	[tilespmem:$0x1E990] =	vst v1;
	v1 =	vand.u32 $0xFFFF, v3  }
0x5f: {  	[tilespmem:$0x1E8A0] =	vst v1;
	v1 =	vshrl.u32 v3, $0x10;
	v3 =	vld [tilespmem:$0x140D0]  }
0x60: {  	[tilespmem:$0x1E9A0] =	vst v1;
	v1 =	vand.u32 $0xFFFF, v62  }
0x61: {  	v63 =	vld [tilespmem:$0x140E0];
	[tilespmem:$0x1E8B0] =	vst v1;
	v1 =	vshrl.u32 v62, $0x10  }
0x62: {  	[tilespmem:$0x1E9B0] =	vst v1;
	v1 =	vand.u32 $0xFFFF, v2  }
0x63: {  	[tilespmem:$0x1E8C0] =	vst v1;
	v1 =	vshrl.u32 v2, $0x10;
	v2 =	vld [tilespmem:$0x140F0]  }
0x64: {  	[tilespmem:$0x1E9C0] =	vst v1;
	v1 =	vand.u32 $0xFFFF, v3  }
0x65: {  	[tilespmem:$0x1E8D0] =	vst v1;
	v1 =	vshrl.u32 v3, $0x10  }
0x66: {  	[tilespmem:$0x1E9D0] =	vst v1;
	v1 =	vand.u32 $0xFFFF, v63  }
0x67: {  	[tilespmem:$0x1E8E0] =	vst v1;
	v1 =	vshrl.u32 v63, $0x10  }
0x68: {  	[tilespmem:$0x1E9E0] =	vst v1;
	v1 =	vand.u32 $0xFFFF, v2  }
0x69: {  	[tilespmem:$0x1E8F0] =	vst v1;
	v1 =	vshrl.u32 v2, $0x10  }
0x6a: {  	[tilespmem:$0x1E9F0] =	vst v1  }
0x6b: {  	[tilespmem:s22], [sflag:$0x2] =	stream.indirect.gather [hbm4b:s4+s17], $0x80, s21, s17, $0xb8;
	[tilespmem:$0x1EA00] =	vst v63  }
0x6c: {  	_ = 	snop  }
0x6d: {  	[tilespmem:s26], [sflag:$0x2] =	stream.indirect.gather [hbm4b:s4+s17], $0x80, s23, s17, $0xb8;
	[tilespmem:$0x1EA00] =	vst v63  }
0x6e: {  	_ =	swait.ge [sflag:s28], $0x2000  }
0x6f: {  	[sflag:s28] =	ssyncset.done $0x0  }
0x70: {  	[sflag:s28] =	ssyncadd.s32 $0xFFFFE000  }
0x71: {  	_ =	swait.ge [sflag:s28], $0x2000  }
0x72: {  	[sflag:s28] =	ssyncset.done $0x0  }
0x73: {  	[sflag:s28] =	ssyncadd.s32 $0xFFFFE000  }
0x74: {  	[spmem:s2] =	stream.indirect.scatter.add.f32 [tilespmem:s14], [sflag:$0x3], $0x80, s30, s29, $0xb8;
	[tilespmem:$0x1EA00] =	vst v63  }
0x75: {  	_ =	swait.ge [sflag:s31], $0x2000  }
0x76: {  	[sflag:s31] =	ssyncset.done $0x0  }
0x77: {  	[sflag:s31] =	ssyncadd.s32 $0xFFFFE000  }
0x78: {  	_ =	swait.ge [sflag:s31], $0x2000  }
0x79: {  	[sflag:s31] =	ssyncset.done $0x0  }
0x7a: {  	[sflag:s31] =	ssyncadd.s32 $0xFFFFE000  }
0x7b: {  	[spmem:s2] =	stream.indirect.scatter.add.f32 [tilespmem:s22], [sflag:$0x4], $0x80, s0, s29, $0xb8;
	[tilespmem:$0x1EA00] =	vst v63  }
0x7c: {  	_ =	swait.ge [sflag:s3], $0x4000  }
0x7d: {  	[sflag:s3] =	ssyncset.done $0x0  }
0x7e: {  	s6 =	simm.s32 $0x1F0;
	[sflag:s3] =	ssyncadd.s32 $0xFFFFC000  }
0x7f: {  	v1 =	vld [tilespmem:s6+$0x13F10];
	_ =	sdelay $0x4  }
0x80: {  	v2 =	vand.u32 $0xFFFF, v1  }
0x81: {  	v1 =	vshrl.u32 v1, $0x10;
	[tilespmem:$0x1E800] =	vst v2  }
0x82: {  	[tilespmem:$0x1E900] =	vst v1  }
0x83: {  	v1 =	vld [tilespmem:s6+$0x13F20];
	_ =	sdelay $0x4  }
0x84: {  	v2 =	vand.u32 $0xFFFF, v1  }
0x85: {  	v1 =	vshrl.u32 v1, $0x10;
	[tilespmem:$0x1E810] =	vst v2  }
0x86: {  	[tilespmem:$0x1E910] =	vst v1  }
0x87: {  	v1 =	vld [tilespmem:s6+$0x13F30];
	_ =	sdelay $0x4  }
0x88: {  	v2 =	vand.u32 $0xFFFF, v1  }
0x89: {  	v1 =	vshrl.u32 v1, $0x10;
	[tilespmem:$0x1E820] =	vst v2  }
0x8a: {  	[tilespmem:$0x1E920] =	vst v1  }
0x8b: {  	v1 =	vld [tilespmem:s6+$0x13F40];
	_ =	sdelay $0x4  }
0x8c: {  	v2 =	vand.u32 $0xFFFF, v1  }
0x8d: {  	v1 =	vshrl.u32 v1, $0x10;
	[tilespmem:$0x1E830] =	vst v2  }
0x8e: {  	[tilespmem:$0x1E930] =	vst v1  }
0x8f: {  	v1 =	vld [tilespmem:s6+$0x13F50];
	_ =	sdelay $0x4  }
0x90: {  	v2 =	vand.u32 $0xFFFF, v1  }
0x91: {  	v1 =	vshrl.u32 v1, $0x10;
	[tilespmem:$0x1E840] =	vst v2  }
0x92: {  	[tilespmem:$0x1E940] =	vst v1  }
0x93: {  	v1 =	vld [tilespmem:s6+$0x13F60];
	_ =	sdelay $0x4  }
0x94: {  	v2 =	vand.u32 $0xFFFF, v1  }
0x95: {  	v1 =	vshrl.u32 v1, $0x10;
	[tilespmem:$0x1E850] =	vst v2  }
0x96: {  	[tilespmem:$0x1E950] =	vst v1  }
0x97: {  	v1 =	vld [tilespmem:s6+$0x13F70];
	_ =	sdelay $0x4  }
0x98: {  	v2 =	vand.u32 $0xFFFF, v1  }
0x99: {  	v1 =	vshrl.u32 v1, $0x10;
	[tilespmem:$0x1E860] =	vst v2  }
0x9a: {  	[tilespmem:$0x1E960] =	vst v1  }
0x9b: {  	v1 =	vld [tilespmem:s6+$0x13F80];
	_ =	sdelay $0x4  }
0x9c: {  	v2 =	vand.u32 $0xFFFF, v1  }
0x9d: {  	v1 =	vshrl.u32 v1, $0x10;
	[tilespmem:$0x1E870] =	vst v2  }
0x9e: {  	[tilespmem:$0x1E970] =	vst v1  }
0x9f: {  	[tilespmem:s14], [sflag:$0x1] =	stream.indirect.gather [hbm4b:s4+s17], $0x80, s18, s17, $0xb8;
	[tilespmem:$0x1EA00] =	vst v63  }
0xa0: {  	_ = 	snop  }
0xa1: {  	[tilespmem:s20], [sflag:$0x1] =	stream.indirect.gather [hbm4b:s4+s17], $0x80, s19, s17, $0xb8;
	[tilespmem:$0x1EA00] =	vst v63  }
0xa2: {  	_ =	swait.ge [sflag:s28], $0x2000  }
0xa3: {  	[sflag:s28] =	ssyncset.done $0x0  }
0xa4: {  	[sflag:s28] =	ssyncadd.s32 $0xFFFFE000  }
0xa5: {  	_ =	swait.ge [sflag:s28], $0x2000  }
0xa6: {  	[sflag:s28] =	ssyncset.done $0x0  }
0xa7: {  	[sflag:s28] =	ssyncadd.s32 $0xFFFFE000  }
0xa8: {  	[spmem:s2] =	stream.indirect.scatter.add.f32 [tilespmem:s14], [sflag:$0x3], $0x80, s30, s29, $0xb8;
	[tilespmem:$0x1EA00] =	vst v63  }
0xa9: {  	_ =	swait.ge [sflag:s16], $0x4000  }
0xaa: {  	[sflag:s16] =	ssyncset.done $0x0  }
0xab: {  	[sflag:s16] =	ssyncadd.s32 $0xFFFFC000  }
0xac: {  	v1 =	vld [tilespmem:s6+$0x13F90];
	_ =	sdelay $0x4  }
0xad: {  	v2 =	vand.u32 $0xFFFF, v1  }
0xae: {  	v1 =	vshrl.u32 v1, $0x10;
	[tilespmem:$0x1E880] =	vst v2  }
0xaf: {  	[tilespmem:$0x1E980] =	vst v1  }
0xb0: {  	v1 =	vld [tilespmem:s6+$0x13FA0];
	_ =	sdelay $0x4  }
0xb1: {  	v2 =	vand.u32 $0xFFFF, v1  }
0xb2: {  	v1 =	vshrl.u32 v1, $0x10;
	[tilespmem:$0x1E890] =	vst v2  }
0xb3: {  	[tilespmem:$0x1E990] =	vst v1  }
0xb4: {  	v1 =	vld [tilespmem:s6+$0x13FB0];
	_ =	sdelay $0x4  }
0xb5: {  	v2 =	vand.u32 $0xFFFF, v1  }
0xb6: {  	v1 =	vshrl.u32 v1, $0x10;
	[tilespmem:$0x1E8A0] =	vst v2  }
0xb7: {  	[tilespmem:$0x1E9A0] =	vst v1  }
0xb8: {  	v1 =	vld [tilespmem:s6+$0x13FC0];
	_ =	sdelay $0x4  }
0xb9: {  	v2 =	vand.u32 $0xFFFF, v1  }
0xba: {  	v1 =	vshrl.u32 v1, $0x10;
	[tilespmem:$0x1E8B0] =	vst v2  }
0xbb: {  	[tilespmem:$0x1E9B0] =	vst v1  }
0xbc: {  	v1 =	vld [tilespmem:s6+$0x13FD0];
	_ =	sdelay $0x4  }
0xbd: {  	v2 =	vand.u32 $0xFFFF, v1  }
0xbe: {  	v1 =	vshrl.u32 v1, $0x10;
	[tilespmem:$0x1E8C0] =	vst v2  }
0xbf: {  	[tilespmem:$0x1E9C0] =	vst v1  }
0xc0: {  	v1 =	vld [tilespmem:s6+$0x13FE0];
	_ =	sdelay $0x4  }
0xc1: {  	v2 =	vand.u32 $0xFFFF, v1  }
0xc2: {  	v1 =	vshrl.u32 v1, $0x10;
	[tilespmem:$0x1E8D0] =	vst v2  }
0xc3: {  	[tilespmem:$0x1E9D0] =	vst v1  }
0xc4: {  	s7 =	simm.s32 $0xBC0;
	v1 =	vld [tilespmem:s6+$0x13FF0]  }
.LBB2_4:
0xc5: {  	_ = 	snop  }
0xc6: {  	p1 =	sne.s32 s7, $0x9FC0;
	s8 =	smov.u32 s7;
	s7 =	sadd.s32 $0x400, s7  }
0xc7: {  	_ =	sdelay $0x1  }
0xc8: {  	v2 =	vand.u32 $0xFFFF, v1;
	v1 =	vshrl.u32 v1, $0x10  }
0xc9: {  	[tilespmem:$0x1E8E0] =	vst v2  }
0xca: {  	[tilespmem:$0x1E9E0] =	vst v1  }
0xcb: {  	v1 =	vld [tilespmem:s6+$0x14000];
	_ =	sdelay $0x4  }
0xcc: {  	v2 =	vand.u32 $0xFFFF, v1;
	v1 =	vshrl.u32 v1, $0x10  }
0xcd: {  	[tilespmem:$0x1E8F0] =	vst v2  }
0xce: {  	[tilespmem:$0x1E9F0] =	vst v1  }
0xcf: {  	[tilespmem:s22], [sflag:$0x2] =	stream.indirect.gather [hbm4b:s4+s17], $0x80, s21, s17, $0xb8;
	[tilespmem:$0x1EA00] =	vst v63  }
0xd0: {  	_ = 	snop  }
0xd1: {  	[tilespmem:s26], [sflag:$0x2] =	stream.indirect.gather [hbm4b:s4+s17], $0x80, s23, s17, $0xb8;
	[tilespmem:$0x1EA00] =	vst v63  }
0xd2: {  	_ =	swait.ge [sflag:s31], $0x2000  }
0xd3: {  	[sflag:s31] =	ssyncset.done $0x0  }
0xd4: {  	[sflag:s31] =	ssyncadd.s32 $0xFFFFE000  }
0xd5: {  	_ =	swait.ge [sflag:s31], $0x2000  }
0xd6: {  	[sflag:s31] =	ssyncset.done $0x0  }
0xd7: {  	[sflag:s31] =	ssyncadd.s32 $0xFFFFE000  }
0xd8: {  	[spmem:s2] =	stream.indirect.scatter.add.f32 [tilespmem:s22], [sflag:$0x4], $0x80, s0, s29, $0xb8;
	[tilespmem:$0x1EA00] =	vst v63  }
0xd9: {  	_ =	swait.ge [sflag:s3], $0x4000  }
0xda: {  	[sflag:s3] =	ssyncset.done $0x0  }
0xdb: {  	s6 =	sshra.s32 s8, $0x2;
	[sflag:s3] =	ssyncadd.s32 $0xFFFFC000  }
0xdc: {  	v1 =	vld [tilespmem:s6+$0x13F10];
	_ =	sdelay $0x4  }
0xdd: {  	v2 =	vand.u32 $0xFFFF, v1;
	v1 =	vshrl.u32 v1, $0x10  }
0xde: {  	[tilespmem:$0x1E800] =	vst v2  }
0xdf: {  	[tilespmem:$0x1E900] =	vst v1  }
0xe0: {  	v1 =	vld [tilespmem:s6+$0x13F20];
	_ =	sdelay $0x4  }
0xe1: {  	v2 =	vand.u32 $0xFFFF, v1;
	v1 =	vshrl.u32 v1, $0x10  }
0xe2: {  	[tilespmem:$0x1E810] =	vst v2  }
0xe3: {  	[tilespmem:$0x1E910] =	vst v1  }
0xe4: {  	v1 =	vld [tilespmem:s6+$0x13F30];
	_ =	sdelay $0x4  }
0xe5: {  	v2 =	vand.u32 $0xFFFF, v1;
	v1 =	vshrl.u32 v1, $0x10  }
0xe6: {  	[tilespmem:$0x1E820] =	vst v2  }
0xe7: {  	[tilespmem:$0x1E920] =	vst v1  }
0xe8: {  	v1 =	vld [tilespmem:s6+$0x13F40];
	_ =	sdelay $0x4  }
0xe9: {  	v2 =	vand.u32 $0xFFFF, v1;
	v1 =	vshrl.u32 v1, $0x10  }
0xea: {  	[tilespmem:$0x1E830] =	vst v2  }
0xeb: {  	[tilespmem:$0x1E930] =	vst v1  }
0xec: {  	v1 =	vld [tilespmem:s6+$0x13F50];
	_ =	sdelay $0x4  }
0xed: {  	v2 =	vand.u32 $0xFFFF, v1;
	v1 =	vshrl.u32 v1, $0x10  }
0xee: {  	[tilespmem:$0x1E840] =	vst v2  }
0xef: {  	[tilespmem:$0x1E940] =	vst v1  }
0xf0: {  	v1 =	vld [tilespmem:s6+$0x13F60];
	_ =	sdelay $0x4  }
0xf1: {  	v2 =	vand.u32 $0xFFFF, v1;
	v1 =	vshrl.u32 v1, $0x10  }
0xf2: {  	[tilespmem:$0x1E850] =	vst v2  }
0xf3: {  	[tilespmem:$0x1E950] =	vst v1  }
0xf4: {  	v1 =	vld [tilespmem:s6+$0x13F70];
	_ =	sdelay $0x4  }
0xf5: {  	v2 =	vand.u32 $0xFFFF, v1;
	v1 =	vshrl.u32 v1, $0x10  }
0xf6: {  	[tilespmem:$0x1E860] =	vst v2  }
0xf7: {  	[tilespmem:$0x1E960] =	vst v1  }
0xf8: {  	v1 =	vld [tilespmem:s6+$0x13F80];
	_ =	sdelay $0x4  }
0xf9: {  	v2 =	vand.u32 $0xFFFF, v1;
	v1 =	vshrl.u32 v1, $0x10  }
0xfa: {  	[tilespmem:$0x1E870] =	vst v2  }
0xfb: {  	[tilespmem:$0x1E970] =	vst v1  }
0xfc: {  	[tilespmem:s14], [sflag:$0x1] =	stream.indirect.gather [hbm4b:s4+s17], $0x80, s18, s17, $0xb8;
	[tilespmem:$0x1EA00] =	vst v63  }
0xfd: {  	_ = 	snop  }
0xfe: {  	[tilespmem:s20], [sflag:$0x1] =	stream.indirect.gather [hbm4b:s4+s17], $0x80, s19, s17, $0xb8;
	[tilespmem:$0x1EA00] =	vst v63  }
0xff: {  	_ =	swait.ge [sflag:s28], $0x2000  }
0x100: {  	[sflag:s28] =	ssyncset.done $0x0  }
0x101: {  	[sflag:s28] =	ssyncadd.s32 $0xFFFFE000  }
0x102: {  	_ =	swait.ge [sflag:s28], $0x2000  }
0x103: {  	[sflag:s28] =	ssyncset.done $0x0  }
0x104: {  	[sflag:s28] =	ssyncadd.s32 $0xFFFFE000  }
0x105: {  	[spmem:s2] =	stream.indirect.scatter.add.f32 [tilespmem:s14], [sflag:$0x3], $0x80, s30, s29, $0xb8;
	[tilespmem:$0x1EA00] =	vst v63  }
0x106: {  	_ =	swait.ge [sflag:s16], $0x4000  }
0x107: {  	[sflag:s16] =	ssyncset.done $0x0  }
0x108: {  	[sflag:s16] =	ssyncadd.s32 $0xFFFFC000  }
0x109: {  	v1 =	vld [tilespmem:s6+$0x13F90];
	_ =	sdelay $0x4  }
0x10a: {  	v2 =	vand.u32 $0xFFFF, v1;
	v1 =	vshrl.u32 v1, $0x10  }
0x10b: {  	[tilespmem:$0x1E880] =	vst v2  }
0x10c: {  	[tilespmem:$0x1E980] =	vst v1  }
0x10d: {  	v1 =	vld [tilespmem:s6+$0x13FA0];
	_ =	sdelay $0x4  }
0x10e: {  	v2 =	vand.u32 $0xFFFF, v1;
	v1 =	vshrl.u32 v1, $0x10  }
0x10f: {  	[tilespmem:$0x1E890] =	vst v2  }
0x110: {  	[tilespmem:$0x1E990] =	vst v1  }
0x111: {  	v1 =	vld [tilespmem:s6+$0x13FB0];
	_ =	sdelay $0x4  }
0x112: {  	v2 =	vand.u32 $0xFFFF, v1;
	v1 =	vshrl.u32 v1, $0x10  }
0x113: {  	[tilespmem:$0x1E8A0] =	vst v2  }
0x114: {  	[tilespmem:$0x1E9A0] =	vst v1  }
0x115: {  	v1 =	vld [tilespmem:s6+$0x13FC0];
	_ =	sdelay $0x4  }
0x116: {  	v2 =	vand.u32 $0xFFFF, v1;
	v1 =	vshrl.u32 v1, $0x10  }
0x117: {  	[tilespmem:$0x1E8B0] =	vst v2  }
0x118: {  	[tilespmem:$0x1E9B0] =	vst v1  }
0x119: {  	v1 =	vld [tilespmem:s6+$0x13FD0];
	_ =	sdelay $0x4  }
0x11a: {  	v2 =	vand.u32 $0xFFFF, v1;
	v1 =	vshrl.u32 v1, $0x10  }
0x11b: {  	[tilespmem:$0x1E8C0] =	vst v2  }
0x11c: {  	[tilespmem:$0x1E9C0] =	vst v1  }
0x11d: {  	v1 =	vld [tilespmem:s6+$0x13FE0];
	_ =	sdelay $0x3  }
.Ltmp1:
0x11e: {  	(pc) =	sbr.rel @p1 .LBB2_4-.Ltmp1, $4  }
0x11f: {  	v2 =	vand.u32 $0xFFFF, v1;
	v1 =	vshrl.u32 v1, $0x10  }
0x120: {  	[tilespmem:$0x1E8D0] =	vst v2  }
0x121: {  	[tilespmem:$0x1E9D0] =	vst v1  }
0x122: {  	v1 =	vld [tilespmem:s6+$0x13FF0]  }
0x123: {  	_ =	sdelay $0x3  }
0x124: {  	v2 =	vand.u32 $0xFFFF, v1  }
0x125: {  	v1 =	vshrl.u32 v1, $0x10;
	[tilespmem:$0x1E8E0] =	vst v2  }
0x126: {  	[tilespmem:$0x1E9E0] =	vst v1  }
0x127: {  	v1 =	vld [tilespmem:s6+$0x14000];
	_ =	sdelay $0x4  }
0x128: {  	v2 =	vand.u32 $0xFFFF, v1  }
0x129: {  	v1 =	vshrl.u32 v1, $0x10;
	[tilespmem:$0x1E8F0] =	vst v2  }
0x12a: {  	[tilespmem:$0x1E9F0] =	vst v1  }
0x12b: {  	[tilespmem:s22], [sflag:$0x2] =	stream.indirect.gather [hbm4b:s4+s17], $0x80, s21, s17, $0xb8;
	[tilespmem:$0x1EA00] =	vst v63  }
0x12c: {  	_ = 	snop  }
0x12d: {  	[tilespmem:s26], [sflag:$0x2] =	stream.indirect.gather [hbm4b:s4+s17], $0x80, s23, s17, $0xb8;
	[tilespmem:$0x1EA00] =	vst v63  }
0x12e: {  	_ =	swait.ge [sflag:s31], $0x2000  }
0x12f: {  	[sflag:s31] =	ssyncset.done $0x0  }
0x130: {  	[sflag:s31] =	ssyncadd.s32 $0xFFFFE000  }
0x131: {  	_ =	swait.ge [sflag:s31], $0x2000  }
0x132: {  	[sflag:s31] =	ssyncset.done $0x0  }
0x133: {  	[sflag:s31] =	ssyncadd.s32 $0xFFFFE000  }
0x134: {  	[spmem:s2] =	stream.indirect.scatter.add.f32 [tilespmem:s22], [sflag:$0x4], $0x80, s0, s29, $0xb8;
	[tilespmem:$0x1EA00] =	vst v63  }
0x135: {  	_ =	swait.ge [sflag:s3], $0x4000  }
0x136: {  	[sflag:s3] =	ssyncset.done $0x0  }
0x137: {  	[sflag:s3] =	ssyncadd.s32 $0xFFFFC000  }
0x138: {  	_ =	swait.ge [sflag:s16], $0x4000  }
0x139: {  	s8 =	stileid.u32;
	[sflag:s16] =	ssyncset.done $0x0  }
0x13a: {  	s6 =	sshll.u32 s8, $0x6;
	[sflag:s16] =	ssyncadd.s32 $0xFFFFC000  }
0x13b: {  	s6 =	sor.u32 $0x1C05, s6;
	[bflag:$0x0] =	sbarrier.arrive $0xFFFF  }
0x13c: {  	[hbm:s11], [sflag:s6] =	dma.local [spmem:s24], $0x2700  }
0x13d: {  	_ =	swait.ge [sflag:s15], $0x2700  }
0x13e: {  	s1 =	sadd.s32 $0x1, s1;
	[sflag:s15] =	ssyncset.done $0x0  }
0x13f: {  	p1 =	sne.s32 s1, s13;
	[sflag:s15] =	ssyncadd.s32 $0xFFFFD900  }
0x140: {  	[hbm:s12], [sflag:s6] =	dma.local @!p0 [spmem:s25], $0x100  }
.Ltmp2:
0x141: {  	_ = 	snop;
	(pc) =	sbr.rel @p1 .LBB2_1-.Ltmp2, $4  }
0x142: {  	s6 =	simm.s32 @!p0 $0x5  }
0x143: {  	_ =	swait.ge @!p0 [sflag:s6], $0x100  }
0x144: {  	[sflag:s6] =	ssyncset.done @!p0 $0x0  }
0x145: {  	[sflag:s6] =	ssyncadd.s32 @!p0 $0xFFFFFF00  }
0x146: {  	_ =	sfence.sel $0x180000  }
0x147: {  	[bflag:$0x0] =	sbarrier.arrive $0xFFFF  }
0x148: {  	_ =	strace $0x9000004D  }
0x149: {  	[bflag:$0x2] =	sbarrier.arrive $0xFFFF  }
0x14a: {  	s0 =	rddreg [dreg:$0x2]  }
0x14b: {  	s0 =	sadd.s32 @!p0 $0x100000, s0  }
0x14c: {  	[sflag:s0] =	ssyncadd.tile.s32 @!p0 $0x1;
	_ =	shalt  }
.Lfunc_end2:
_tile_overlayer_lowered:
.L_overlay_start_2:
0x14d: {  	(tag) =	ssettag $0x2  }
0x14e: {  	s0 =	rddreg [dreg:$0x0];
	s2 =	stileid.u32  }
0x14f: {  	s1 =	rddreg [dreg:$0x1];
	p0 =	sne.s32 s2, $0x0  }
0x150: {  	s3 =	rddreg [dreg:$0x2];
	[bflag:$0x3] =	sbarrier.arrive $0xFFFF;
	s2 =	simm.s32 @!p0 $0x1C05  }
0x151: {  	[timem:s3], [sflag:s2] =	dma.local @!p0 [hbm:s0], s1  }
0x152: {  	s0 =	simm.s32 @!p0 $0x5  }
0x153: {  	_ =	swait.ge @!p0 [sflag:s0], s1  }
0x154: {  	s1 =	ssub.s32 @!p0 $0x0, s1;
	[sflag:s0] =	ssyncset.done @!p0 $0x0  }
0x155: {  	[sflag:s0] =	ssyncadd.s32 @!p0 s1  }
0x156: {  	[bflag:$0x3] =	sbarrier.arrive $0xFFFF  }
0x157: {  	_ =	shalt  }

// kernel: kernel.9.cloned.1.call-start
scs
__scs_entry_jumppad:
0x0: {  	(pc) =	sbr.rel $0x88, $3  }
0x1: {  	(tag) =	ssettag $0x0;
	lr =	simm.s32 $0x1  }
0x2: {  	[smem:$0x3F97] =	sst lr;
	_ =	strace $0xD0000000  }
0x3: {  	_ = 	snop  }
0x4: {  	_ = 	snop  }
0x5: {  	_ = 	snop  }
0x6: {  	_ = 	snop  }
0x7: {  	_ = 	snop  }
__scs_overlays_trampoline_lowered:
0x8: {  	[smem:$0x3FA6] =	sst s0  }
0x9: {  	[smem:$0x3FA7] =	sst s1  }
0xa: {  	[smem:$0x3FA8] =	sst s2  }
0xb: {  	[smem:$0x3FA9] =	sst s3  }
0xc: {  	[smem:$0x3FAA] =	sst s4  }
0xd: {  	[smem:$0x3FAB] =	sst s5  }
0xe: {  	[smem:$0x3FAC] =	sst s6  }
0xf: {  	[smem:$0x3FAD] =	sst s7  }
0x10: {  	[smem:$0x3FAE] =	sst s8  }
0x11: {  	[smem:$0x3FAF] =	sst s9;
	s0 =	simm.s32 @!p0 $0x0  }
0x12: {  	s1 =	sld [smem:$0x3F95];
	s0 =	simm.s32 @p0 $0x1  }
0x13: {  	[smem:$0x3FB0] =	sst s0;
	s0 =	simm.s32 @!p1 $0x0  }
0x14: {  	s2 =	sld [smem:$0x3F94];
	s0 =	simm.s32 @p1 $0x1  }
0x15: {  	[smem:$0x3FB1] =	sst s0;
	s0 =	simm.s32 @!p2 $0x0  }
0x16: {  	s3 =	sld [smem:$0x3FDB];
	s0 =	simm.s32 @p2 $0x1  }
0x17: {  	s4 =	simm.s32 $0x1BF5;
	[smem:$0x3FB3] =	sst s0  }
0x18: {  	s0 =	sld [smem:$0x3F96];
	_ =	swait.ge [sflag:s4], $0x0  }
0x19: {  	s7 =	sld [smem:$0x3F97]  }
0x1a: {  	s8 =	sadd.s32 $0xFFFFE003, lr  }
0x1b: {  	s9 =	sadd.s32 $0xFFFFFEF7, lr;
	s5 =	simm.s32 $0xFFFFFFFF;
	p2 =	slt.u32 s8, $0xFFFFF086  }
0x1c: {  	p1 =	slt.u32 s9, $0xF7A;
	s5 =	simm.s32 @!p2 $0x0  }
0x1d: {  	s5 =	simm.s32 @p1 $0x1;
	p0 =	seq.s32 s7, s2  }
0x1e: {  	s7 =	smul.u32 @!p0 $0xF7A, s2;
	p2 =	seq.s32 @!p0 s5, $0x0  }
0x1f: {  	s9 =	smul.u32 $0xF7A, s1;
	s8 =	simm.s32 @!p0 $0x1BF5;
	p2 =	por !p2, p0  }
0x20: {  	[sflag:s8] =	ssyncset.s32 @!p0 $0xFFFFF086;
	s6 =	sadd.s32 @!p0 s3, s7;
	s7 =	simm.s32 @!p0 $0x108  }
0x21: {  	s3 =	sadd.s32 s3, s9;
	s6 =	sadd.s32 @!p0 $0x88, s6;
	s7 =	simm.s32 @p2 $0x1082  }
0x22: {  	[simem:s7], [sflag:s8] =	dma.local @!p0 [hbm:s6], $0xF7A  }
0x23: {  	s9 =	sor.u32 $0xD0000000, s2;
	s6 =	simm.s32 $0x108;
	_ =	swait.ge @!p0 [sflag:s8], $0x0  }
0x24: {  	s3 =	sadd.s32 $0x88, s3;
	s6 =	simm.s32 @!p1 $0x1082;
	[sflag:s4] =	ssyncset.s32 $0xFFFFF086  }
0x25: {  	[simem:s6], [sflag:s4] =	dma.local [hbm:s3], $0xF7A  }
0x26: {  	[smem:$0x3F97] =	sst s1;
	(tag) =	ssettag s2;
	_ =	strace s9  }
0x27: {  	s1 =	sld [smem:$0x3FA7]  }
0x28: {  	s2 =	sld [smem:$0x3FA8]  }
0x29: {  	s4 =	sld [smem:$0x3FAA]  }
0x2a: {  	p0 =	seq.s32 s5, $0x0;
	s5 =	sld [smem:$0x3FAB]  }
0x2b: {  	s6 =	sld [smem:$0x3FAC]  }
0x2c: {  	s7 =	sld [smem:$0x3FAD]  }
0x2d: {  	s3 =	simm.s32 $0x108;
	s8 =	sld [smem:$0x3FAE]  }
0x2e: {  	s3 =	simm.s32 @!p0 $0x1082;
	s9 =	sld [smem:$0x3FAF]  }
0x2f: {  	lr =	sadd.s32 s0, s3;
	s0 =	sld [smem:$0x3FA6]  }
0x30: {  	s3 =	sld [smem:$0x3FA9]  }
0x31: {  	[smem:$0x3FB2] =	sst s10  }
0x32: {  	s10 =	sld [smem:$0x3FB0];
	_ =	sdelay $0x3  }
0x33: {  	p0 =	seq.s32 s10, $0x1;
	s10 =	sld [smem:$0x3FB2];
	_ =	sdelay $0x3  }
0x34: {  	[smem:$0x3FB2] =	sst s10  }
0x35: {  	s10 =	sld [smem:$0x3FB1];
	_ =	sdelay $0x3  }
0x36: {  	p1 =	seq.s32 s10, $0x1;
	s10 =	sld [smem:$0x3FB2];
	_ =	sdelay $0x3  }
0x37: {  	[smem:$0x3FB2] =	sst s10  }
0x38: {  	s10 =	sld [smem:$0x3FB3]  }
0x39: {  	_ = 	snop;
	(pc) =	sbr.ind lr, $3  }
0x3a: {  	_ = 	snop  }
0x3b: {  	_ = 	snop  }
0x3c: {  	p2 =	seq.s32 s10, $0x1;
	s10 =	sld [smem:$0x3FB2]  }
0x3d: {  	_ =	shalt  }
0x3e: {  	_ =	shalt  }
0x3f: {  	_ =	shalt  }
0x40: {  	_ =	shalt  }
0x41: {  	_ =	shalt  }
0x42: {  	_ =	shalt  }
0x43: {  	_ =	shalt  }
0x44: {  	_ =	shalt  }
0x45: {  	_ =	shalt  }
0x46: {  	_ =	shalt  }
0x47: {  	_ =	shalt  }
0x48: {  	_ =	shalt  }
0x49: {  	_ =	shalt  }
0x4a: {  	_ =	shalt  }
0x4b: {  	_ =	shalt  }
0x4c: {  	_ =	shalt  }
0x4d: {  	_ =	shalt  }
0x4e: {  	_ =	shalt  }
0x4f: {  	_ =	shalt  }
0x50: {  	_ =	shalt  }
0x51: {  	_ =	shalt  }
0x52: {  	_ =	shalt  }
0x53: {  	_ =	shalt  }
0x54: {  	_ =	shalt  }
0x55: {  	_ =	shalt  }
0x56: {  	_ =	shalt  }
0x57: {  	_ =	shalt  }
0x58: {  	_ =	shalt  }
0x59: {  	_ =	shalt  }
0x5a: {  	_ =	shalt  }
0x5b: {  	_ =	shalt  }
0x5c: {  	_ =	shalt  }
0x5d: {  	_ =	shalt  }
0x5e: {  	_ =	shalt  }
0x5f: {  	_ =	shalt  }
0x60: {  	_ =	shalt  }
0x61: {  	_ =	shalt  }
0x62: {  	_ =	shalt  }
0x63: {  	_ =	shalt  }
0x64: {  	_ =	shalt  }
0x65: {  	_ =	shalt  }
0x66: {  	_ =	shalt  }
0x67: {  	_ =	shalt  }
0x68: {  	_ =	shalt  }
0x69: {  	_ =	shalt  }
0x6a: {  	_ =	shalt  }
0x6b: {  	_ =	shalt  }
0x6c: {  	_ =	shalt  }
0x6d: {  	_ =	shalt  }
0x6e: {  	_ =	shalt  }
0x6f: {  	_ =	shalt  }
0x70: {  	_ =	shalt  }
0x71: {  	_ =	shalt  }
0x72: {  	_ =	shalt  }
0x73: {  	_ =	shalt  }
0x74: {  	_ =	shalt  }
0x75: {  	_ =	shalt  }
0x76: {  	_ =	shalt  }
0x77: {  	_ =	shalt  }
0x78: {  	_ =	shalt  }
0x79: {  	_ =	shalt  }
0x7a: {  	_ =	shalt  }
0x7b: {  	_ =	shalt  }
0x7c: {  	_ =	shalt  }
0x7d: {  	_ =	shalt  }
0x7e: {  	_ =	shalt  }
0x7f: {  	_ =	shalt  }
0x80: {  	_ =	shalt  }
0x81: {  	_ =	shalt  }
0x82: {  	_ =	shalt  }
0x83: {  	_ =	shalt  }
0x84: {  	_ =	shalt  }
0x85: {  	_ =	shalt  }
0x86: {  	_ =	shalt  }
0x87: {  	_ =	shalt  }
.Lfunc_end0:
.L_simem_size_0:
called_computation_lowered:
.L_overlay_start_0:
0x88: {  	s2 =	sld [smem:$0x3FD9]  }
0x89: {  	s3 =	sld [smem:$0x3FFE];
	_ =	sdelay $0x1  }
0x8a: {  	s1 =	srdreg.scid  }
0x8b: {  	s0 =	sand.u32 $0x1, s1  }
0x8c: {  	s16 =	sshll.u32 s0, $0xA;
	s2 =	sadd.s32 s3, s2  }
0x8d: {  	s2 =	sadd.s32 s2, s16  }
0x8e: {  	[smem:$0x3FBE] =	sst s2  }
0x8f: {  	_ = 	snop  }
0x90: {  	(tm) =	ssettm $0x1  }
0x91: {  	s17 =	sld [smem:$0x3FFB];
	_ =	sdelay $0x3  }
0x92: {  	_ =	strace s17  }
0x93: {  	s2 =	sld [smem:$0x3FFC];
	_ =	sdelay $0x3  }
0x94: {  	_ =	strace s2  }
0x95: {  	s2 =	sld [smem:$0x3FFD];
	_ =	sdelay $0x3  }
0x96: {  	_ =	strace s2  }
0x97: {  	_ =	strace $0x8FFFFFFF  }
0x98: {  	s18 =	sld [smem:$0x3FDB];
	_ =	sdelay $0x1  }
0x99: {  	s19 =	simm.s32 $_scs_section_size  }
0x9a: {  	s4 =	simm.s32 $_size__tile_overlayer_lowered;
	s5 =	simm.s32 $_tile_overlayer_lowered  }
0x9b: {  	s22 =	simm.s32 $0x1BFF;
	s21 =	sshll.u32 s5, $0x1;
	s2 =	sadd.s32 s19, s18  }
0x9c: {  	s6 =	simm.s32 $0x0;
	s20 =	sshll.u32 s4, $0x1;
	s4 =	sadd.s32 s21, s2  }
0x9d: {  	[timem:s6], [sflag:s22] =	dma.local [hbm:s4], s20  }
0x9e: {  	_ =	swait.ge [sflag:s22], s20  }
0x9f: {  	s3 =	ssub.s32 $0x0, s20;
	[sflag:s22] =	ssyncset.done $0x0  }
0xa0: {  	[sflag:s22] =	ssyncadd.s32 s3;
	_ =	sdelay $0x1  }
0xa1: {  	s23 =	simm.s32 $0x1B8B  }
0xa2: {  	_ =	swait.ge [sflag:s23], $0x1  }
0xa3: {  	[sflag:s23] =	ssyncset.done $0x0  }
0xa4: {  	s25 =	simm.s32 $0x1B8E;
	s24 =	sld [smem:$0x3FFE];
	[sflag:s23] =	ssyncadd.s32 $0xFFFFFFFF  }
0xa5: {  	s26 =	simm.s32 $execute0_lowered;
	[smem:$0x3FD2] =	sst s25  }
0xa6: {  	s4 =	sshll.u32 s26, $0x1;
	_ =	strace $0x80000046;
	[dreg:$0x1] =	wrdreg $0xFFFFFFFF  }
0xa7: {  	s28 =	simm.s32 $_size_execute0_lowered;
	s2 =	sadd.s32 s2, s4;
	[dreg:$0x0] =	wrdreg $0x0  }
0xa8: {  	s4 =	sshll.u32 s28, $0x1;
	[dreg:$0x2] =	wrdreg s2  }
0xa9: {  	[dreg:$0x3] =	wrdreg s4  }
0xaa: {  	[dreg:$0x4] =	wrdreg $0xC0  }
0xab: {  	_ =	task [dreg:s6], $0x5FFFF  }
0xac: {  	[dreg:$0x1] =	wrdreg $0xFFFFFFFF  }
0xad: {  	[dreg:$0x0] =	wrdreg $0x60  }
0xae: {  	[dreg:$0x2] =	wrdreg s24  }
0xaf: {  	[dreg:$0x3] =	wrdreg $0x0  }
0xb0: {  	[dreg:$0x4] =	wrdreg $0x9  }
0xb1: {  	_ =	task.clear_ibuf [dreg:s6], $0x5FFFF;
	_ =	strace $0x90000046  }
0xb2: {  	s29 =	simm.s32 $0x9;
	_ =	strace $0x80000048  }
0xb3: {  	_ =	swait.ge [sflag:s29], $0x1  }
0xb4: {  	[sflag:s29] =	ssyncadd.s32 $0xFFFFFFFF  }
0xb5: {  	_ =	strace $0x90000048  }
0xb6: {  	_ =	sfence  }
0xb7: {  	s30 =	sld [smem:$0x0];
	_ =	sdelay $0x2  }
0xb8: {  	s31 =	sshll.u32 s1, $0xD;
	s1 =	sshrl.u32 s1, $0x2  }
0xb9: {  	s3 =	sand.u32 $0x4000, s31;
	s1 =	sadd.s32 s1, s30  }
0xba: {  	s0 =	sor.u32 s3, s0;
	s1 =	sshll.u32 s1, $0x11  }
0xbb: {  	s0 =	sor.u32 s1, s0  }
0xbc: {  	s0 =	sadd.s32 $0x8F2B, s0  }
0xbd: {  	[sflag:s0] =	ssyncadd.remote.s32 $0x1  }
0xbe: {  	_ =	sfence.sel $0xFFFF  }
0xbf: {  	[dreg:$0x0] =	wrdreg $0xFFFFFFFF;
	(pc) =	sbr.abs _section_cstart, $3  }
0xc0: {  	[dreg:$0x1] =	wrdreg $0xFFFFFFFF  }
0xc1: {  	_ =	task.clear_ibuf [dreg:s6], $0x2FFFF;
	_ =	strace $0x9FFFFFFF  }
0xc2: {  	(tm) =	ssettm $0x7FFFFFFF  }
0xc3: {  	_ =	shalt  }
tec
execute0_lowered:
.L_overlay_start_1:
0x0: {  	(tag) =	ssettag $0x1  }
0x1: {  	s0 =	rddreg [dreg:$0x0];
	s1 =	srdreg.scid  }
0x2: {  	s8 =	stileid.u32;
	s2 =	rddreg [dreg:$0x1];
	s4 =	simm.s32 $0x0  }
0x3: {  	s14 =	simm.s32 $0x16800;
	s15 =	simm.s32 $0x5;
	s17 =	simm.s32 $0x40  }
0x4: {  	s18 =	simm.s32 $0x1E800;
	s19 =	simm.s32 $0x1E840;
	s20 =	simm.s32 $0x18800  }
0x5: {  	s28 =	simm.s32 $0x1;
	s29 =	simm.s32 $0x80;
	s30 =	simm.s32 $0x1E900  }
0x6: {  	s31 =	simm.s32 $0x2;
	s16 =	simm.s32 $0x4;
	s5 =	smul.u32 $0x50000, s8  }
0x7: {  	s1 =	sand.u32 $0x1, s1;
	s3 =	sshll.u32 s8, $0x1;
	s23 =	smul.u32 $0x13800, s8  }
0x8: {  	[smem:$0x7FF] =	sst s4;
	s4 =	sadd.s32 $0xC600, s0;
	s11 =	smul.u32 $0x4E000, s8  }
0x9: {  	s3 =	sor.u32 s1, s3;
	s6 =	ssub.s32 $0x2, s1;
	s1 =	smul.u32 $0x138800, s1  }
0xa: {  	p0 =	sne.s32 s8, $0x0;
	_ =	strace $0x80000047;
	s3 =	smul.u32 $0x500, s3  }
0xb: {  	s7 =	sshrl.u32 s6, $0x1;
	s5 =	sshrl.u32 s5, $0x2;
	s25 =	sshrl.u32 s11, $0x2  }
0xc: {  	s6 =	ssub.s32 s6, s7;
	s5 =	sadd.s32 s5, s2;
	s24 =	sadd.s32 s23, s1  }
0xd: {  	s1 =	sshrl.u32 s1, $0x3;
	s26 =	sadd.s32 s25, s2;
	s21 =	sadd.s32 $0x4000, s5  }
0xe: {  	s23 =	simm.s32 $0x1E8C0;
	s22 =	sadd.s32 $0x8000, s5;
	[dreg:$0x3] =	wrdreg s21  }
0xf: {  	s3 =	sadd.s32 s3, s0;
	s9 =	sadd.s32 $0xC000, s5;
	[dreg:$0x4] =	wrdreg s22  }
0x10: {  	s0 =	sadd.s32 $0x33800, s0;
	s13 =	smax.u32 s6, $0x1;
	[dreg:$0x5] =	wrdreg s9  }
0x11: {  	s9 =	sadd.s32 $0x10000, s5;
	s10 =	sadd.s32 $0x2600, s3;
	s3 =	sshrl.u32 s24, $0x3  }
0x12: {  	s1 =	sadd.s32 s0, s1;
	s21 =	simm.s32 $0x1E880;
	s22 =	simm.s32 $0x1A800  }
0x13: {  	s24 =	sshrl.u32 s26, $0x3;
	s26 =	simm.s32 $0x1C800;
	s11 =	sadd.s32 s0, s3  }
0x14: {  	s12 =	sadd.s32 $0x27000, s1;
	s1 =	sadd.s32 $0x138000, s2;
	s0 =	simm.s32 $0x1E980  }
0x15: {  	v0 =	vimm.f32 $0.0e+00;
	s3 =	simm.s32 $0x3;
	s25 =	sshrl.u32 @!p0 s1, $0x3;
	s1 =	simm.s32 $0x0  }
.LBB2_1:
0x16: {  	s6 =	simm.s32 $0x0;
	s7 =	simm.s32 $0x200  }
.LBB2_2:
0x17: {  	p1 =	sne.s32 s7, $0xFE00;
	[tilespmem:s6+$0x16870] =	vst v0  }
0x18: {  	[tilespmem:s6+$0x16800] =	vst v0  }
0x19: {  	[tilespmem:s6+$0x16810] =	vst v0  }
.Ltmp0:
0x1a: {  	[tilespmem:s6+$0x16820] =	vst v0;
	(pc) =	sbr.rel @p1 .LBB2_2-.Ltmp0, $4  }
0x1b: {  	[tilespmem:s6+$0x16830] =	vst v0  }
0x1c: {  	[tilespmem:s6+$0x16840] =	vst v0  }
0x1d: {  	[tilespmem:s6+$0x16850] =	vst v0  }
0x1e: {  	[tilespmem:s6+$0x16860] =	vst v0;
	s6 =	sshra.s32 s7, $0x2;
	s7 =	sadd.s32 $0x200, s7  }
0x1f: {  	[tilespmem:s6+$0x16870] =	vst v0  }
0x20: {  	[tilespmem:s6+$0x16800] =	vst v0  }
0x21: {  	[tilespmem:s6+$0x16810] =	vst v0  }
0x22: {  	[tilespmem:s6+$0x16820] =	vst v0  }
0x23: {  	[tilespmem:s6+$0x16830] =	vst v0  }
0x24: {  	[tilespmem:s6+$0x16840] =	vst v0  }
0x25: {  	[tilespmem:s6+$0x16850] =	vst v0  }
0x26: {  	[tilespmem:s6+$0x16860] =	vst v0  }
0x27: {  	[spmem:s5] =	stream.linear.scatter [tilespmem:s14], [sflag:$0x5], $0x4000, $0x38;
	[tilespmem:$0x1EA00] =	vst v63  }
0x28: {  	_ =	swait.ge [sflag:s15], $0x4000  }
0x29: {  	[sflag:s15] =	ssyncset.done $0x0  }
0x2a: {  	s7 =	rddreg [dreg:$0x3];
	[sflag:s15] =	ssyncadd.s32 $0xFFFFC000  }
0x2b: {  	[spmem:s7] =	stream.linear.scatter [tilespmem:s14], [sflag:$0x5], $0x4000, $0x38;
	[tilespmem:$0x1EA00] =	vst v63  }
0x2c: {  	_ =	swait.ge [sflag:s15], $0x4000  }
0x2d: {  	[sflag:s15] =	ssyncset.done $0x0  }
0x2e: {  	s8 =	rddreg [dreg:$0x4];
	[sflag:s15] =	ssyncadd.s32 $0xFFFFC000  }
0x2f: {  	[spmem:s8] =	stream.linear.scatter [tilespmem:s14], [sflag:$0x5], $0x4000, $0x38;
	[tilespmem:$0x1EA00] =	vst v63  }
0x30: {  	_ =	swait.ge [sflag:s15], $0x4000  }
0x31: {  	[sflag:s15] =	ssyncset.done $0x0  }
0x32: {  	s7 =	rddreg [dreg:$0x5];
	[sflag:s15] =	ssyncadd.s32 $0xFFFFC000  }
0x33: {  	[spmem:s7] =	stream.linear.scatter [tilespmem:s14], [sflag:$0x5], $0x4000, $0x38;
	[tilespmem:$0x1EA00] =	vst v63  }
0x34: {  	_ =	swait.ge [sflag:s15], $0x4000  }
0x35: {  	[sflag:s15] =	ssyncset.done $0x0  }
0x36: {  	[sflag:s15] =	ssyncadd.s32 $0xFFFFC000  }
0x37: {  	[spmem:s9] =	stream.linear.scatter [tilespmem:s14], [sflag:$0x5], $0x4000, $0x38;
	[tilespmem:$0x1EA00] =	vst v63  }
0x38: {  	_ =	swait.ge [sflag:s15], $0x4000  }
0x39: {  	[sflag:s15] =	ssyncset.done $0x0  }
0x3a: {  	[sflag:s15] =	ssyncadd.s32 $0xFFFFC000  }
0x3b: {  	s8 =	simm.s32 $0x0;
	s7 =	simm.s32 $0x14000;
	[bflag:$0x0] =	sbarrier.arrive $0xFFFF  }
0x3c: {  	[tilespmem:s7], [sflag:$0x5] =	stream.linear.gather [hbm4b:s10+s8], $0x2800, $0x38;
	[tilespmem:$0x1EA00] =	vst v63  }
0x3d: {  	_ =	swait.ge [sflag:s15], $0x2800  }
0x3e: {  	[sflag:s15] =	ssyncset.done $0x0  }
0x3f: {  	[sflag:s15] =	ssyncadd.s32 $0xFFFFD800  }
0x40: {  	v1 =	vld [tilespmem:$0x14000];
	_ =	sdelay $0x1  }
0x41: {  	v2 =	vld [tilespmem:$0x14010];
	_ =	sdelay $0x1  }
0x42: {  	v3 =	vld [tilespmem:$0x14020]  }
0x43: {  	v4 =	vand.u32 $0xFFFF, v1  }
0x44: {  	v59 =	vld [tilespmem:$0x14030];
	v1 =	vshrl.u32 v1, $0x10;
	[tilespmem:$0x1E800] =	vst v4  }
0x45: {  	[tilespmem:$0x1E900] =	vst v1;
	v1 =	vand.u32 $0xFFFF, v2  }
0x46: {  	[tilespmem:$0x1E810] =	vst v1;
	v1 =	vshrl.u32 v2, $0x10;
	v2 =	vld [tilespmem:$0x14040]  }
0x47: {  	[tilespmem:$0x1E910] =	vst v1;
	v1 =	vand.u32 $0xFFFF, v3  }
0x48: {  	[tilespmem:$0x1E820] =	vst v1;
	v1 =	vshrl.u32 v3, $0x10;
	v3 =	vld [tilespmem:$0x14050]  }
0x49: {  	[tilespmem:$0x1E920] =	vst v1;
	v1 =	vand.u32 $0xFFFF, v59  }
0x4a: {  	v60 =	vld [tilespmem:$0x14060];
	[tilespmem:$0x1E830] =	vst v1;
	v1 =	vshrl.u32 v59, $0x10  }
0x4b: {  	[tilespmem:$0x1E930] =	vst v1;
	v1 =	vand.u32 $0xFFFF, v2  }
0x4c: {  	[tilespmem:$0x1E840] =	vst v1;
	v1 =	vshrl.u32 v2, $0x10;
	v2 =	vld [tilespmem:$0x14070]  }
0x4d: {  	[tilespmem:$0x1E940] =	vst v1;
	v1 =	vand.u32 $0xFFFF, v3  }
0x4e: {  	[tilespmem:$0x1E850] =	vst v1;
	v1 =	vshrl.u32 v3, $0x10  }
0x4f: {  	[tilespmem:$0x1E950] =	vst v1;
	v1 =	vand.u32 $0xFFFF, v60  }
0x50: {  	[tilespmem:$0x1E860] =	vst v1;
	v1 =	vshrl.u32 v60, $0x10  }
0x51: {  	[tilespmem:$0x1E960] =	vst v1;
	v1 =	vand.u32 $0xFFFF, v2  }
0x52: {  	[tilespmem:$0x1E870] =	vst v1;
	v1 =	vshrl.u32 v2, $0x10  }
0x53: {  	[tilespmem:$0x1E970] =	vst v1  }
0x54: {  	[tilespmem:s14], [sflag:$0x1] =	stream.indirect.gather [hbm4b:s4+s17], $0x80, s18, s17, $0xb8;
	[tilespmem:$0x1EA00] =	vst v63  }
0x55: {  	_ = 	snop  }
0x56: {  	[tilespmem:s20], [sflag:$0x1] =	stream.indirect.gather [hbm4b:s4+s17], $0x80, s19, s17, $0xb8;
	[tilespmem:$0x1EA00] =	vst v63  }
0x57: {  	v1 =	vld [tilespmem:$0x14080];
	_ =	sdelay $0x1  }
0x58: {  	v2 =	vld [tilespmem:$0x14090];
	_ =	sdelay $0x1  }
0x59: {  	v3 =	vld [tilespmem:$0x140A0]  }
0x5a: {  	v61 =	vand.u32 $0xFFFF, v1  }
0x5b: {  	v62 =	vld [tilespmem:$0x140B0];
	v1 =	vshrl.u32 v1, $0x10;
	[tilespmem:$0x1E880] =	vst v61  }
0x5c: {  	[tilespmem:$0x1E980] =	vst v1;
	v1 =	vand.u32 $0xFFFF, v2  }
0x5d: {  	[tilespmem:$0x1E890] =	vst v1;
	v1 =	vshrl.u32 v2, $0x10;
	v2 =	vld [tilespmem:$0x140C0]  }
0x5e: {  	[tilespmem:$0x1E990] =	vst v1;
	v1 =	vand.u32 $0xFFFF, v3  }
0x5f: {  	[tilespmem:$0x1E8A0] =	vst v1;
	v1 =	vshrl.u32 v3, $0x10;
	v3 =	vld [tilespmem:$0x140D0]  }
0x60: {  	[tilespmem:$0x1E9A0] =	vst v1;
	v1 =	vand.u32 $0xFFFF, v62  }
0x61: {  	v63 =	vld [tilespmem:$0x140E0];
	[tilespmem:$0x1E8B0] =	vst v1;
	v1 =	vshrl.u32 v62, $0x10  }
0x62: {  	[tilespmem:$0x1E9B0] =	vst v1;
	v1 =	vand.u32 $0xFFFF, v2  }
0x63: {  	[tilespmem:$0x1E8C0] =	vst v1;
	v1 =	vshrl.u32 v2, $0x10;
	v2 =	vld [tilespmem:$0x140F0]  }
0x64: {  	[tilespmem:$0x1E9C0] =	vst v1;
	v1 =	vand.u32 $0xFFFF, v3  }
0x65: {  	[tilespmem:$0x1E8D0] =	vst v1;
	v1 =	vshrl.u32 v3, $0x10  }
0x66: {  	[tilespmem:$0x1E9D0] =	vst v1;
	v1 =	vand.u32 $0xFFFF, v63  }
0x67: {  	[tilespmem:$0x1E8E0] =	vst v1;
	v1 =	vshrl.u32 v63, $0x10  }
0x68: {  	[tilespmem:$0x1E9E0] =	vst v1;
	v1 =	vand.u32 $0xFFFF, v2  }
0x69: {  	[tilespmem:$0x1E8F0] =	vst v1;
	v1 =	vshrl.u32 v2, $0x10  }
0x6a: {  	[tilespmem:$0x1E9F0] =	vst v1  }
0x6b: {  	[tilespmem:s22], [sflag:$0x2] =	stream.indirect.gather [hbm4b:s4+s17], $0x80, s21, s17, $0xb8;
	[tilespmem:$0x1EA00] =	vst v63  }
0x6c: {  	_ = 	snop  }
0x6d: {  	[tilespmem:s26], [sflag:$0x2] =	stream.indirect.gather [hbm4b:s4+s17], $0x80, s23, s17, $0xb8;
	[tilespmem:$0x1EA00] =	vst v63  }
0x6e: {  	_ =	swait.ge [sflag:s28], $0x2000  }
0x6f: {  	[sflag:s28] =	ssyncset.done $0x0  }
0x70: {  	[sflag:s28] =	ssyncadd.s32 $0xFFFFE000  }
0x71: {  	_ =	swait.ge [sflag:s28], $0x2000  }
0x72: {  	[sflag:s28] =	ssyncset.done $0x0  }
0x73: {  	[sflag:s28] =	ssyncadd.s32 $0xFFFFE000  }
0x74: {  	[spmem:s2] =	stream.indirect.scatter.add.f32 [tilespmem:s14], [sflag:$0x3], $0x80, s30, s29, $0xb8;
	[tilespmem:$0x1EA00] =	vst v63  }
0x75: {  	_ =	swait.ge [sflag:s31], $0x2000  }
0x76: {  	[sflag:s31] =	ssyncset.done $0x0  }
0x77: {  	[sflag:s31] =	ssyncadd.s32 $0xFFFFE000  }
0x78: {  	_ =	swait.ge [sflag:s31], $0x2000  }
0x79: {  	[sflag:s31] =	ssyncset.done $0x0  }
0x7a: {  	[sflag:s31] =	ssyncadd.s32 $0xFFFFE000  }
0x7b: {  	[spmem:s2] =	stream.indirect.scatter.add.f32 [tilespmem:s22], [sflag:$0x4], $0x80, s0, s29, $0xb8;
	[tilespmem:$0x1EA00] =	vst v63  }
0x7c: {  	_ =	swait.ge [sflag:s3], $0x4000  }
0x7d: {  	[sflag:s3] =	ssyncset.done $0x0  }
0x7e: {  	s6 =	simm.s32 $0x1F0;
	[sflag:s3] =	ssyncadd.s32 $0xFFFFC000  }
0x7f: {  	v1 =	vld [tilespmem:s6+$0x13F10];
	_ =	sdelay $0x4  }
0x80: {  	v2 =	vand.u32 $0xFFFF, v1  }
0x81: {  	v1 =	vshrl.u32 v1, $0x10;
	[tilespmem:$0x1E800] =	vst v2  }
0x82: {  	[tilespmem:$0x1E900] =	vst v1  }
0x83: {  	v1 =	vld [tilespmem:s6+$0x13F20];
	_ =	sdelay $0x4  }
0x84: {  	v2 =	vand.u32 $0xFFFF, v1  }
0x85: {  	v1 =	vshrl.u32 v1, $0x10;
	[tilespmem:$0x1E810] =	vst v2  }
0x86: {  	[tilespmem:$0x1E910] =	vst v1  }
0x87: {  	v1 =	vld [tilespmem:s6+$0x13F30];
	_ =	sdelay $0x4  }
0x88: {  	v2 =	vand.u32 $0xFFFF, v1  }
0x89: {  	v1 =	vshrl.u32 v1, $0x10;
	[tilespmem:$0x1E820] =	vst v2  }
0x8a: {  	[tilespmem:$0x1E920] =	vst v1  }
0x8b: {  	v1 =	vld [tilespmem:s6+$0x13F40];
	_ =	sdelay $0x4  }
0x8c: {  	v2 =	vand.u32 $0xFFFF, v1  }
0x8d: {  	v1 =	vshrl.u32 v1, $0x10;
	[tilespmem:$0x1E830] =	vst v2  }
0x8e: {  	[tilespmem:$0x1E930] =	vst v1  }
0x8f: {  	v1 =	vld [tilespmem:s6+$0x13F50];
	_ =	sdelay $0x4  }
0x90: {  	v2 =	vand.u32 $0xFFFF, v1  }
0x91: {  	v1 =	vshrl.u32 v1, $0x10;
	[tilespmem:$0x1E840] =	vst v2  }
0x92: {  	[tilespmem:$0x1E940] =	vst v1  }
0x93: {  	v1 =	vld [tilespmem:s6+$0x13F60];
	_ =	sdelay $0x4  }
0x94: {  	v2 =	vand.u32 $0xFFFF, v1  }
0x95: {  	v1 =	vshrl.u32 v1, $0x10;
	[tilespmem:$0x1E850] =	vst v2  }
0x96: {  	[tilespmem:$0x1E950] =	vst v1  }
0x97: {  	v1 =	vld [tilespmem:s6+$0x13F70];
	_ =	sdelay $0x4  }
0x98: {  	v2 =	vand.u32 $0xFFFF, v1  }
0x99: {  	v1 =	vshrl.u32 v1, $0x10;
	[tilespmem:$0x1E860] =	vst v2  }
0x9a: {  	[tilespmem:$0x1E960] =	vst v1  }
0x9b: {  	v1 =	vld [tilespmem:s6+$0x13F80];
	_ =	sdelay $0x4  }
0x9c: {  	v2 =	vand.u32 $0xFFFF, v1  }
0x9d: {  	v1 =	vshrl.u32 v1, $0x10;
	[tilespmem:$0x1E870] =	vst v2  }
0x9e: {  	[tilespmem:$0x1E970] =	vst v1  }
0x9f: {  	[tilespmem:s14], [sflag:$0x1] =	stream.indirect.gather [hbm4b:s4+s17], $0x80, s18, s17, $0xb8;
	[tilespmem:$0x1EA00] =	vst v63  }
0xa0: {  	_ = 	snop  }
0xa1: {  	[tilespmem:s20], [sflag:$0x1] =	stream.indirect.gather [hbm4b:s4+s17], $0x80, s19, s17, $0xb8;
	[tilespmem:$0x1EA00] =	vst v63  }
0xa2: {  	_ =	swait.ge [sflag:s28], $0x2000  }
0xa3: {  	[sflag:s28] =	ssyncset.done $0x0  }
0xa4: {  	[sflag:s28] =	ssyncadd.s32 $0xFFFFE000  }
0xa5: {  	_ =	swait.ge [sflag:s28], $0x2000  }
0xa6: {  	[sflag:s28] =	ssyncset.done $0x0  }
0xa7: {  	[sflag:s28] =	ssyncadd.s32 $0xFFFFE000  }
0xa8: {  	[spmem:s2] =	stream.indirect.scatter.add.f32 [tilespmem:s14], [sflag:$0x3], $0x80, s30, s29, $0xb8;
	[tilespmem:$0x1EA00] =	vst v63  }
0xa9: {  	_ =	swait.ge [sflag:s16], $0x4000  }
0xaa: {  	[sflag:s16] =	ssyncset.done $0x0  }
0xab: {  	[sflag:s16] =	ssyncadd.s32 $0xFFFFC000  }
0xac: {  	v1 =	vld [tilespmem:s6+$0x13F90];
	_ =	sdelay $0x4  }
0xad: {  	v2 =	vand.u32 $0xFFFF, v1  }
0xae: {  	v1 =	vshrl.u32 v1, $0x10;
	[tilespmem:$0x1E880] =	vst v2  }
0xaf: {  	[tilespmem:$0x1E980] =	vst v1  }
0xb0: {  	v1 =	vld [tilespmem:s6+$0x13FA0];
	_ =	sdelay $0x4  }
0xb1: {  	v2 =	vand.u32 $0xFFFF, v1  }
0xb2: {  	v1 =	vshrl.u32 v1, $0x10;
	[tilespmem:$0x1E890] =	vst v2  }
0xb3: {  	[tilespmem:$0x1E990] =	vst v1  }
0xb4: {  	v1 =	vld [tilespmem:s6+$0x13FB0];
	_ =	sdelay $0x4  }
0xb5: {  	v2 =	vand.u32 $0xFFFF, v1  }
0xb6: {  	v1 =	vshrl.u32 v1, $0x10;
	[tilespmem:$0x1E8A0] =	vst v2  }
0xb7: {  	[tilespmem:$0x1E9A0] =	vst v1  }
0xb8: {  	v1 =	vld [tilespmem:s6+$0x13FC0];
	_ =	sdelay $0x4  }
0xb9: {  	v2 =	vand.u32 $0xFFFF, v1  }
0xba: {  	v1 =	vshrl.u32 v1, $0x10;
	[tilespmem:$0x1E8B0] =	vst v2  }
0xbb: {  	[tilespmem:$0x1E9B0] =	vst v1  }
0xbc: {  	v1 =	vld [tilespmem:s6+$0x13FD0];
	_ =	sdelay $0x4  }
0xbd: {  	v2 =	vand.u32 $0xFFFF, v1  }
0xbe: {  	v1 =	vshrl.u32 v1, $0x10;
	[tilespmem:$0x1E8C0] =	vst v2  }
0xbf: {  	[tilespmem:$0x1E9C0] =	vst v1  }
0xc0: {  	v1 =	vld [tilespmem:s6+$0x13FE0];
	_ =	sdelay $0x4  }
0xc1: {  	v2 =	vand.u32 $0xFFFF, v1  }
0xc2: {  	v1 =	vshrl.u32 v1, $0x10;
	[tilespmem:$0x1E8D0] =	vst v2  }
0xc3: {  	[tilespmem:$0x1E9D0] =	vst v1  }
0xc4: {  	s7 =	simm.s32 $0xBC0;
	v1 =	vld [tilespmem:s6+$0x13FF0]  }
.LBB2_4:
0xc5: {  	_ = 	snop  }
0xc6: {  	p1 =	sne.s32 s7, $0x9FC0;
	s8 =	smov.u32 s7;
	s7 =	sadd.s32 $0x400, s7  }
0xc7: {  	_ =	sdelay $0x1  }
0xc8: {  	v2 =	vand.u32 $0xFFFF, v1;
	v1 =	vshrl.u32 v1, $0x10  }
0xc9: {  	[tilespmem:$0x1E8E0] =	vst v2  }
0xca: {  	[tilespmem:$0x1E9E0] =	vst v1  }
0xcb: {  	v1 =	vld [tilespmem:s6+$0x14000];
	_ =	sdelay $0x4  }
0xcc: {  	v2 =	vand.u32 $0xFFFF, v1;
	v1 =	vshrl.u32 v1, $0x10  }
0xcd: {  	[tilespmem:$0x1E8F0] =	vst v2  }
0xce: {  	[tilespmem:$0x1E9F0] =	vst v1  }
0xcf: {  	[tilespmem:s22], [sflag:$0x2] =	stream.indirect.gather [hbm4b:s4+s17], $0x80, s21, s17, $0xb8;
	[tilespmem:$0x1EA00] =	vst v63  }
0xd0: {  	_ = 	snop  }
0xd1: {  	[tilespmem:s26], [sflag:$0x2] =	stream.indirect.gather [hbm4b:s4+s17], $0x80, s23, s17, $0xb8;
	[tilespmem:$0x1EA00] =	vst v63  }
0xd2: {  	_ =	swait.ge [sflag:s31], $0x2000  }
0xd3: {  	[sflag:s31] =	ssyncset.done $0x0  }
0xd4: {  	[sflag:s31] =	ssyncadd.s32 $0xFFFFE000  }
0xd5: {  	_ =	swait.ge [sflag:s31], $0x2000  }
0xd6: {  	[sflag:s31] =	ssyncset.done $0x0  }
0xd7: {  	[sflag:s31] =	ssyncadd.s32 $0xFFFFE000  }
0xd8: {  	[spmem:s2] =	stream.indirect.scatter.add.f32 [tilespmem:s22], [sflag:$0x4], $0x80, s0, s29, $0xb8;
	[tilespmem:$0x1EA00] =	vst v63  }
0xd9: {  	_ =	swait.ge [sflag:s3], $0x4000  }
0xda: {  	[sflag:s3] =	ssyncset.done $0x0  }
0xdb: {  	s6 =	sshra.s32 s8, $0x2;
	[sflag:s3] =	ssyncadd.s32 $0xFFFFC000  }
0xdc: {  	v1 =	vld [tilespmem:s6+$0x13F10];
	_ =	sdelay $0x4  }
0xdd: {  	v2 =	vand.u32 $0xFFFF, v1;
	v1 =	vshrl.u32 v1, $0x10  }
0xde: {  	[tilespmem:$0x1E800] =	vst v2  }
0xdf: {  	[tilespmem:$0x1E900] =	vst v1  }
0xe0: {  	v1 =	vld [tilespmem:s6+$0x13F20];
	_ =	sdelay $0x4  }
0xe1: {  	v2 =	vand.u32 $0xFFFF, v1;
	v1 =	vshrl.u32 v1, $0x10  }
0xe2: {  	[tilespmem:$0x1E810] =	vst v2  }
0xe3: {  	[tilespmem:$0x1E910] =	vst v1  }
0xe4: {  	v1 =	vld [tilespmem:s6+$0x13F30];
	_ =	sdelay $0x4  }
0xe5: {  	v2 =	vand.u32 $0xFFFF, v1;
	v1 =	vshrl.u32 v1, $0x10  }
0xe6: {  	[tilespmem:$0x1E820] =	vst v2  }
0xe7: {  	[tilespmem:$0x1E920] =	vst v1  }
0xe8: {  	v1 =	vld [tilespmem:s6+$0x13F40];
	_ =	sdelay $0x4  }
0xe9: {  	v2 =	vand.u32 $0xFFFF, v1;
	v1 =	vshrl.u32 v1, $0x10  }
0xea: {  	[tilespmem:$0x1E830] =	vst v2  }
0xeb: {  	[tilespmem:$0x1E930] =	vst v1  }
0xec: {  	v1 =	vld [tilespmem:s6+$0x13F50];
	_ =	sdelay $0x4  }
0xed: {  	v2 =	vand.u32 $0xFFFF, v1;
	v1 =	vshrl.u32 v1, $0x10  }
0xee: {  	[tilespmem:$0x1E840] =	vst v2  }
0xef: {  	[tilespmem:$0x1E940] =	vst v1  }
0xf0: {  	v1 =	vld [tilespmem:s6+$0x13F60];
	_ =	sdelay $0x4  }
0xf1: {  	v2 =	vand.u32 $0xFFFF, v1;
	v1 =	vshrl.u32 v1, $0x10  }
0xf2: {  	[tilespmem:$0x1E850] =	vst v2  }
0xf3: {  	[tilespmem:$0x1E950] =	vst v1  }
0xf4: {  	v1 =	vld [tilespmem:s6+$0x13F70];
	_ =	sdelay $0x4  }
0xf5: {  	v2 =	vand.u32 $0xFFFF, v1;
	v1 =	vshrl.u32 v1, $0x10  }
0xf6: {  	[tilespmem:$0x1E860] =	vst v2  }
0xf7: {  	[tilespmem:$0x1E960] =	vst v1  }
0xf8: {  	v1 =	vld [tilespmem:s6+$0x13F80];
	_ =	sdelay $0x4  }
0xf9: {  	v2 =	vand.u32 $0xFFFF, v1;
	v1 =	vshrl.u32 v1, $0x10  }
0xfa: {  	[tilespmem:$0x1E870] =	vst v2  }
0xfb: {  	[tilespmem:$0x1E970] =	vst v1  }
0xfc: {  	[tilespmem:s14], [sflag:$0x1] =	stream.indirect.gather [hbm4b:s4+s17], $0x80, s18, s17, $0xb8;
	[tilespmem:$0x1EA00] =	vst v63  }
0xfd: {  	_ = 	snop  }
0xfe: {  	[tilespmem:s20], [sflag:$0x1] =	stream.indirect.gather [hbm4b:s4+s17], $0x80, s19, s17, $0xb8;
	[tilespmem:$0x1EA00] =	vst v63  }
0xff: {  	_ =	swait.ge [sflag:s28], $0x2000  }
0x100: {  	[sflag:s28] =	ssyncset.done $0x0  }
0x101: {  	[sflag:s28] =	ssyncadd.s32 $0xFFFFE000  }
0x102: {  	_ =	swait.ge [sflag:s28], $0x2000  }
0x103: {  	[sflag:s28] =	ssyncset.done $0x0  }
0x104: {  	[sflag:s28] =	ssyncadd.s32 $0xFFFFE000  }
0x105: {  	[spmem:s2] =	stream.indirect.scatter.add.f32 [tilespmem:s14], [sflag:$0x3], $0x80, s30, s29, $0xb8;
	[tilespmem:$0x1EA00] =	vst v63  }
0x106: {  	_ =	swait.ge [sflag:s16], $0x4000  }
0x107: {  	[sflag:s16] =	ssyncset.done $0x0  }
0x108: {  	[sflag:s16] =	ssyncadd.s32 $0xFFFFC000  }
0x109: {  	v1 =	vld [tilespmem:s6+$0x13F90];
	_ =	sdelay $0x4  }
0x10a: {  	v2 =	vand.u32 $0xFFFF, v1;
	v1 =	vshrl.u32 v1, $0x10  }
0x10b: {  	[tilespmem:$0x1E880] =	vst v2  }
0x10c: {  	[tilespmem:$0x1E980] =	vst v1  }
0x10d: {  	v1 =	vld [tilespmem:s6+$0x13FA0];
	_ =	sdelay $0x4  }
0x10e: {  	v2 =	vand.u32 $0xFFFF, v1;
	v1 =	vshrl.u32 v1, $0x10  }
0x10f: {  	[tilespmem:$0x1E890] =	vst v2  }
0x110: {  	[tilespmem:$0x1E990] =	vst v1  }
0x111: {  	v1 =	vld [tilespmem:s6+$0x13FB0];
	_ =	sdelay $0x4  }
0x112: {  	v2 =	vand.u32 $0xFFFF, v1;
	v1 =	vshrl.u32 v1, $0x10  }
0x113: {  	[tilespmem:$0x1E8A0] =	vst v2  }
0x114: {  	[tilespmem:$0x1E9A0] =	vst v1  }
0x115: {  	v1 =	vld [tilespmem:s6+$0x13FC0];
	_ =	sdelay $0x4  }
0x116: {  	v2 =	vand.u32 $0xFFFF, v1;
	v1 =	vshrl.u32 v1, $0x10  }
0x117: {  	[tilespmem:$0x1E8B0] =	vst v2  }
0x118: {  	[tilespmem:$0x1E9B0] =	vst v1  }
0x119: {  	v1 =	vld [tilespmem:s6+$0x13FD0];
	_ =	sdelay $0x4  }
0x11a: {  	v2 =	vand.u32 $0xFFFF, v1;
	v1 =	vshrl.u32 v1, $0x10  }
0x11b: {  	[tilespmem:$0x1E8C0] =	vst v2  }
0x11c: {  	[tilespmem:$0x1E9C0] =	vst v1  }
0x11d: {  	v1 =	vld [tilespmem:s6+$0x13FE0];
	_ =	sdelay $0x3  }
.Ltmp1:
0x11e: {  	(pc) =	sbr.rel @p1 .LBB2_4-.Ltmp1, $4  }
0x11f: {  	v2 =	vand.u32 $0xFFFF, v1;
	v1 =	vshrl.u32 v1, $0x10  }
0x120: {  	[tilespmem:$0x1E8D0] =	vst v2  }
0x121: {  	[tilespmem:$0x1E9D0] =	vst v1  }
0x122: {  	v1 =	vld [tilespmem:s6+$0x13FF0]  }
0x123: {  	_ =	sdelay $0x3  }
0x124: {  	v2 =	vand.u32 $0xFFFF, v1  }
0x125: {  	v1 =	vshrl.u32 v1, $0x10;
	[tilespmem:$0x1E8E0] =	vst v2  }
0x126: {  	[tilespmem:$0x1E9E0] =	vst v1  }
0x127: {  	v1 =	vld [tilespmem:s6+$0x14000];
	_ =	sdelay $0x4  }
0x128: {  	v2 =	vand.u32 $0xFFFF, v1  }
0x129: {  	v1 =	vshrl.u32 v1, $0x10;
	[tilespmem:$0x1E8F0] =	vst v2  }
0x12a: {  	[tilespmem:$0x1E9F0] =	vst v1  }
0x12b: {  	[tilespmem:s22], [sflag:$0x2] =	stream.indirect.gather [hbm4b:s4+s17], $0x80, s21, s17, $0xb8;
	[tilespmem:$0x1EA00] =	vst v63  }
0x12c: {  	_ = 	snop  }
0x12d: {  	[tilespmem:s26], [sflag:$0x2] =	stream.indirect.gather [hbm4b:s4+s17], $0x80, s23, s17, $0xb8;
	[tilespmem:$0x1EA00] =	vst v63  }
0x12e: {  	_ =	swait.ge [sflag:s31], $0x2000  }
0x12f: {  	[sflag:s31] =	ssyncset.done $0x0  }
0x130: {  	[sflag:s31] =	ssyncadd.s32 $0xFFFFE000  }
0x131: {  	_ =	swait.ge [sflag:s31], $0x2000  }
0x132: {  	[sflag:s31] =	ssyncset.done $0x0  }
0x133: {  	[sflag:s31] =	ssyncadd.s32 $0xFFFFE000  }
0x134: {  	[spmem:s2] =	stream.indirect.scatter.add.f32 [tilespmem:s22], [sflag:$0x4], $0x80, s0, s29, $0xb8;
	[tilespmem:$0x1EA00] =	vst v63  }
0x135: {  	_ =	swait.ge [sflag:s3], $0x4000  }
0x136: {  	[sflag:s3] =	ssyncset.done $0x0  }
0x137: {  	[sflag:s3] =	ssyncadd.s32 $0xFFFFC000  }
0x138: {  	_ =	swait.ge [sflag:s16], $0x4000  }
0x139: {  	s8 =	stileid.u32;
	[sflag:s16] =	ssyncset.done $0x0  }
0x13a: {  	s6 =	sshll.u32 s8, $0x6;
	[sflag:s16] =	ssyncadd.s32 $0xFFFFC000  }
0x13b: {  	s6 =	sor.u32 $0x1C05, s6;
	[bflag:$0x0] =	sbarrier.arrive $0xFFFF  }
0x13c: {  	[hbm:s11], [sflag:s6] =	dma.local [spmem:s24], $0x2700  }
0x13d: {  	_ =	swait.ge [sflag:s15], $0x2700  }
0x13e: {  	s1 =	sadd.s32 $0x1, s1;
	[sflag:s15] =	ssyncset.done $0x0  }
0x13f: {  	p1 =	sne.s32 s1, s13;
	[sflag:s15] =	ssyncadd.s32 $0xFFFFD900  }
0x140: {  	[hbm:s12], [sflag:s6] =	dma.local @!p0 [spmem:s25], $0x100  }
.Ltmp2:
0x141: {  	_ = 	snop;
	(pc) =	sbr.rel @p1 .LBB2_1-.Ltmp2, $4  }
0x142: {  	s6 =	simm.s32 @!p0 $0x5  }
0x143: {  	_ =	swait.ge @!p0 [sflag:s6], $0x100  }
0x144: {  	[sflag:s6] =	ssyncset.done @!p0 $0x0  }
0x145: {  	[sflag:s6] =	ssyncadd.s32 @!p0 $0xFFFFFF00  }
0x146: {  	_ =	sfence.sel $0x180000  }
0x147: {  	[bflag:$0x0] =	sbarrier.arrive $0xFFFF  }
0x148: {  	_ =	strace $0x90000047  }
0x149: {  	[bflag:$0x2] =	sbarrier.arrive $0xFFFF  }
0x14a: {  	s0 =	rddreg [dreg:$0x2]  }
0x14b: {  	s0 =	sadd.s32 @!p0 $0x100000, s0  }
0x14c: {  	[sflag:s0] =	ssyncadd.tile.s32 @!p0 $0x1;
	_ =	shalt  }
.Lfunc_end2:
_tile_overlayer_lowered:
.L_overlay_start_2:
0x14d: {  	(tag) =	ssettag $0x2  }
0x14e: {  	s0 =	rddreg [dreg:$0x0];
	s2 =	stileid.u32  }
0x14f: {  	s1 =	rddreg [dreg:$0x1];
	p0 =	sne.s32 s2, $0x0  }
0x150: {  	s3 =	rddreg [dreg:$0x2];
	[bflag:$0x3] =	sbarrier.arrive $0xFFFF;
	s2 =	simm.s32 @!p0 $0x1C05  }
0x151: {  	[timem:s3], [sflag:s2] =	dma.local @!p0 [hbm:s0], s1  }
0x152: {  	s0 =	simm.s32 @!p0 $0x5  }
0x153: {  	_ =	swait.ge @!p0 [sflag:s0], s1  }
0x154: {  	s1 =	ssub.s32 @!p0 $0x0, s1;
	[sflag:s0] =	ssyncset.done @!p0 $0x0  }
0x155: {  	[sflag:s0] =	ssyncadd.s32 @!p0 s1  }
0x156: {  	[bflag:$0x3] =	sbarrier.arrive $0xFFFF  }
0x157: {  	_ =	shalt  }

</sc_bundles>
